<compile_context>
chip_gen: v7x
topology: tpu7x:2x2x1
jax: 0.10.2.dev20260603
libtpu: 0.0.44.dev20260713+nightly
codegen_flags: <defaults>
</compile_context>

<pallas_src>
import functools

import jax
import jax.numpy as jnp
from jax import lax
from jax.experimental import pallas as pl
from jax.experimental.pallas import tpu as pltpu
from jax.experimental.pallas import tpu_sc as plsc

N_CORES = 2
N_SUB = 16
NW = N_CORES * N_SUB

CHUNK = 80
ZCH = 80


def _sc_mesh():
    return plsc.VectorSubcoreMesh(core_axis_name="c", subcore_axis_name="s")


def _make_scatter(E, NP, D):
    e_per_w = E // NW
    n_groups = e_per_w // CHUNK
    n_pairs = n_groups // 2
    rows_per_sub = NP // N_SUB
    n_zch = rows_per_sub // ZCH

    @functools.partial(
        pl.kernel,
        out_type=jax.ShapeDtypeStruct((N_CORES, NP, D), jnp.float32),
        mesh=_sc_mesh(),
        scratch_types=[
            pltpu.VMEM_SHARED((NP, D), jnp.float32),
            pltpu.VMEM((n_groups, CHUNK), jnp.int32),
            pltpu.VMEM((CHUNK, D), jnp.float32),
            pltpu.VMEM((CHUNK, D), jnp.float32),
            pltpu.SemaphoreType.DMA,
            pltpu.SemaphoreType.DMA,
            pltpu.SemaphoreType.DMA,
            pltpu.SemaphoreType.DMA,
        ],
    )
    def scatter(msg_hbm, dst_hbm, zeros_hbm, inc_hbm, acc_sh, idx_v,
                buf0, buf1, lsem0, lsem1, ssem0, ssem1):
        cid = lax.axis_index("c")
        sid = lax.axis_index("s")
        wid = sid * N_CORES + cid
        slab = sid * rows_per_sub
        pltpu.sync_copy(zeros_hbm, buf0)
        for i in range(n_zch):
            pltpu.make_async_copy(
                buf0, acc_sh.at[pl.ds(slab + i * ZCH, ZCH)], lsem0).start()
        for i in range(n_zch):
            pltpu.make_async_copy(
                buf0, acc_sh.at[pl.ds(slab + i * ZCH, ZCH)], lsem0).wait()
        plsc.subcore_barrier()
        pltpu.sync_copy(dst_hbm.at[wid], idx_v)
        base = wid * e_per_w

        def start_load(g, buf, sem):
            pltpu.make_async_copy(
                msg_hbm.at[pl.ds(base + g * CHUNK, CHUNK)], buf, sem).start()

        def wait_load(buf, sem):
            pltpu.make_async_copy(
                msg_hbm.at[pl.ds(base, CHUNK)], buf, sem).wait()

        def start_scat(g, buf, sem):
            pltpu.make_async_copy(
                buf, acc_sh.at[idx_v.at[g]], sem).start(add=True)

        def wait_scat(g, buf, sem):
            pltpu.make_async_copy(
                buf, acc_sh.at[idx_v.at[g]], sem).wait()

        start_load(0, buf0, lsem0)

        def pair(p, carry):
            g0 = 2 * p

            @pl.when(p > 0)
            def _():
                wait_scat(g0 - 1, buf1, ssem1)

            start_load(g0 + 1, buf1, lsem1)
            wait_load(buf0, lsem0)
            start_scat(g0, buf0, ssem0)
            wait_scat(g0, buf0, ssem0)
            start_load(g0 + 2, buf0, lsem0)
            wait_load(buf1, lsem1)
            start_scat(g0 + 1, buf1, ssem1)
            return carry

        lax.fori_loop(0, n_pairs, pair, 0)
        wait_scat(n_groups - 2, buf1, ssem1)
        wait_load(buf0, lsem0)
        start_scat(n_groups - 1, buf0, ssem0)
        wait_scat(n_groups - 1, buf0, ssem0)
        plsc.subcore_barrier()
        for i in range(n_zch):
            bb = buf0 if i % 2 == 0 else buf1
            sem = lsem0 if i % 2 == 0 else lsem1
            if i >= 2:
                pltpu.make_async_copy(
                    bb, inc_hbm.at[cid, pl.ds(slab + (i - 2) * ZCH, ZCH)],
                    sem).wait()
            pltpu.sync_copy(acc_sh.at[pl.ds(slab + i * ZCH, ZCH)], bb)
            pltpu.make_async_copy(
                bb, inc_hbm.at[cid, pl.ds(slab + i * ZCH, ZCH)], sem).start()
        for i in range(n_zch - 2, n_zch):
            bb = buf0 if i % 2 == 0 else buf1
            sem = lsem0 if i % 2 == 0 else lsem1
            pltpu.make_async_copy(
                bb, inc_hbm.at[cid, pl.ds(slab + i * ZCH, ZCH)], sem).wait()

    return scatter


def _make_gather(E, NP, D):
    e_per_w = E // NW
    n_groups = e_per_w // CHUNK
    n_pairs = n_groups // 2
    rows_per_sub = NP // N_SUB
    n_zch = rows_per_sub // ZCH

    @functools.partial(
        pl.kernel,
        out_type=jax.ShapeDtypeStruct((E, D), jnp.float32),
        mesh=_sc_mesh(),
        scratch_types=[
            pltpu.VMEM_SHARED((NP, D), jnp.float32),
            pltpu.VMEM((n_groups, CHUNK), jnp.int32),
            pltpu.VMEM((CHUNK, D), jnp.float32),
            pltpu.VMEM((CHUNK, D), jnp.float32),
            pltpu.SemaphoreType.DMA,
            pltpu.SemaphoreType.DMA,
            pltpu.SemaphoreType.DMA,
            pltpu.SemaphoreType.DMA,
        ],
    )
    def gather(nt_hbm, src_hbm, out_hbm, tab_sh, idx_v, buf0, buf1,
               gsem0, gsem1, wsem0, wsem1):
        cid = lax.axis_index("c")
        sid = lax.axis_index("s")
        wid = sid * N_CORES + cid
        slab = sid * rows_per_sub
        for i in range(2):
            bb = buf0 if i % 2 == 0 else buf1
            sem = gsem0 if i % 2 == 0 else gsem1
            pltpu.make_async_copy(
                nt_hbm.at[pl.ds(slab + i * ZCH, ZCH)], bb, sem).start()
        for i in range(n_zch):
            bb = buf0 if i % 2 == 0 else buf1
            sem = gsem0 if i % 2 == 0 else gsem1
            r0 = slab + i * ZCH
            pltpu.make_async_copy(nt_hbm.at[pl.ds(r0, ZCH)], bb, sem).wait()
            pltpu.sync_copy(bb, tab_sh.at[pl.ds(r0, ZCH)])
            if i + 2 < n_zch:
                pltpu.make_async_copy(
                    nt_hbm.at[pl.ds(slab + (i + 2) * ZCH, ZCH)], bb,
                    sem).start()
        plsc.subcore_barrier()
        pltpu.sync_copy(src_hbm.at[wid], idx_v)
        base = wid * e_per_w

        def start_gat(g, buf, sem):
            pltpu.make_async_copy(
                tab_sh.at[idx_v.at[g]], buf, sem).start()

        def wait_gat(g, buf, sem):
            pltpu.make_async_copy(
                tab_sh.at[idx_v.at[g]], buf, sem).wait()

        def start_store(g, buf, sem):
            pltpu.make_async_copy(
                buf, out_hbm.at[pl.ds(base + g * CHUNK, CHUNK)], sem).start()

        def wait_store(g, buf, sem):
            pltpu.make_async_copy(
                buf, out_hbm.at[pl.ds(base + g * CHUNK, CHUNK)], sem).wait()

        start_gat(0, buf0, gsem0)

        def pair(p, carry):
            g0 = 2 * p

            @pl.when(p > 0)
            def _():
                wait_store(g0 - 1, buf1, wsem1)

            start_gat(g0 + 1, buf1, gsem1)
            wait_gat(g0, buf0, gsem0)
            start_store(g0, buf0, wsem0)
            wait_store(g0, buf0, wsem0)

            @pl.when(g0 + 2 < n_groups)
            def _():
                start_gat(g0 + 2, buf0, gsem0)

            wait_gat(g0 + 1, buf1, gsem1)
            start_store(g0 + 1, buf1, wsem1)
            return carry

        lax.fori_loop(0, n_pairs, pair, 0)
        if n_groups % 2:
            wait_store(n_groups - 2, buf1, wsem1)
            wait_gat(n_groups - 1, buf0, gsem0)
            start_store(n_groups - 1, buf0, wsem0)
            wait_store(n_groups - 1, buf0, wsem0)
        else:
            wait_store(n_groups - 1, buf1, wsem1)

    return gather


def _node_term_body(atom_ref, inc_ref, wa_ref, wc_ref, b_ref, o_ref):
    inc = inc_ref[0] + inc_ref[1]
    acc = jnp.dot(atom_ref[...], wa_ref[...],
                  preferred_element_type=jnp.float32)
    acc += jnp.dot(inc, wc_ref[...], preferred_element_type=jnp.float32)
    o_ref[...] = acc + b_ref[...]


def _edge_body(msg_ref, g_ref, bond_ref, wb_ref, gam_ref, bet_ref, o_ref):
    bw = lax.dot_general(bond_ref[...], wb_ref[...], (((0,), (0,)), ((), ())),
                         preferred_element_type=jnp.float32)
    t = g_ref[...] + bw
    x = msg_ref[...] + jnp.maximum(t, 0.0)
    mu = jnp.mean(x, axis=1, keepdims=True)
    xc = x - mu
    var = jnp.mean(xc * xc, axis=1, keepdims=True)
    inv = lax.rsqrt(var + 1e-5)
    o_ref[...] = xc * inv * gam_ref[...] + bet_ref[...]


def _edge_body_aliased(prev_ref, msg_ref, g_ref, bond_ref, wb_ref, gam_ref,
                       bet_ref, o_ref):
    del prev_ref
    _edge_body(msg_ref, g_ref, bond_ref, wb_ref, gam_ref, bet_ref, o_ref)


def kernel(msg, atom, bond, src, dst, W, b, gamma, beta):
    E, D = msg.shape
    N = atom.shape[0]
    BD = bond.shape[1]
    NP = -(-N // (N_SUB * ZCH)) * (N_SUB * ZCH)

    wa_t = W[:, :D].T
    wb_t = W[:, D:D + BD].T
    wc_t = W[:, D + BD:].T
    dst_r = dst.astype(jnp.int32).reshape(NW, (E // NW) // CHUNK, CHUNK)
    src_r = src.astype(jnp.int32).reshape(NW, (E // NW) // CHUNK, CHUNK)
    zeros = jnp.zeros((ZCH, D), jnp.float32)
    atom_p = jnp.pad(atom, ((0, NP - N), (0, 0)))

    inc_part = _make_scatter(E, NP, D)(msg, dst_r, zeros)

    nblk = 1024
    node_term = pl.pallas_call(
        _node_term_body,
        grid=(NP // nblk,),
        in_specs=[
            pl.BlockSpec((nblk, D), lambda i: (i, 0)),
            pl.BlockSpec((N_CORES, nblk, D), lambda i: (0, i, 0)),
            pl.BlockSpec((D, D), lambda i: (0, 0)),
            pl.BlockSpec((D, D), lambda i: (0, 0)),
            pl.BlockSpec((1, D), lambda i: (0, 0)),
        ],
        out_specs=pl.BlockSpec((nblk, D), lambda i: (i, 0)),
        out_shape=jax.ShapeDtypeStruct((NP, D), jnp.float32),
    )(atom_p, inc_part, wa_t, wc_t, b.reshape(1, D))

    eblk = 2560
    ecs = [E // 5] * 5
    offs = [sum(ecs[:k]) for k in range(len(ecs))]
    K = len(ecs)
    gam = gamma.reshape(1, D)
    bet = beta.reshape(1, D)
    src32 = src.astype(jnp.int32)

    bond_t = bond.T
    gathered = [
        _make_gather(ecs[k], NP, D)(
            node_term,
            lax.dynamic_slice_in_dim(src32, offs[k], ecs[k]).reshape(
                NW, (ecs[k] // NW) // CHUNK, CHUNK))
        for k in range(K)
    ]

    out = None
    for k in range(K):
        spc = ecs[k] // eblk
        off = offs[k] // eblk
        chunk_specs = [
            pl.BlockSpec((eblk, D), lambda i, o=off: (o + i, 0)),
            pl.BlockSpec((eblk, D), lambda i: (i, 0)),
            pl.BlockSpec((BD, eblk), lambda i, o=off: (0, o + i)),
            pl.BlockSpec((BD, D), lambda i: (0, 0)),
            pl.BlockSpec((1, D), lambda i: (0, 0)),
            pl.BlockSpec((1, D), lambda i: (0, 0)),
        ]
        out_spec = pl.BlockSpec((eblk, D), lambda i, o=off: (o + i, 0))
        if k == 0:
            out = pl.pallas_call(
                _edge_body,
                grid=(spc,),
                in_specs=chunk_specs,
                out_specs=out_spec,
                out_shape=jax.ShapeDtypeStruct((E, D), jnp.float32),
            )(msg, gathered[k], bond_t, wb_t, gam, bet)
        else:
            out = pl.pallas_call(
                _edge_body_aliased,
                grid=(spc,),
                in_specs=[pl.BlockSpec(memory_space=pl.ANY)] + chunk_specs,
                out_specs=out_spec,
                out_shape=jax.ShapeDtypeStruct((E, D), jnp.float32),
                input_output_aliases={0: 0},
            )(out, msg, gathered[k], bond_t, wb_t, gam, bet)

    return out

# --- scband reference (transcript-rebuilt; emitter-appended) ---
"""Pipeline reference for scband-residual-block-326417514978 (READ-ONLY COPY).

The authoritative reference and input builder live on the scoring server;
editing this copy changes nothing except your own understanding.
"""

import jax, jax.numpy as jnp
import numpy as np

N_NODES = 10000
N_EDGES = 320000
MSG_DIM = 128
ATOM_DIM = 128
BOND_DIM = 16


def setup_inputs(seed: int = 0) -> dict:
    key = jax.random.key(seed)
    ks = jax.random.split(key, 8)
    msg = jax.random.normal(ks[0], (N_EDGES, MSG_DIM), dtype=jnp.float32)
    atom = jax.random.normal(ks[1], (N_NODES, ATOM_DIM), dtype=jnp.float32)
    bond = jax.random.normal(ks[2], (N_EDGES, BOND_DIM), dtype=jnp.float32)
    src = jax.random.randint(ks[3], (N_EDGES,), 0, N_NODES)
    dst = jax.random.randint(ks[4], (N_EDGES,), 0, N_NODES)
    in_dim = ATOM_DIM + BOND_DIM + MSG_DIM
    W = jax.random.normal(ks[5], (MSG_DIM, in_dim), dtype=jnp.float32) * (1.0 / np.sqrt(in_dim))
    b = jnp.zeros((MSG_DIM,), dtype=jnp.float32)
    gamma = jnp.ones((MSG_DIM,), dtype=jnp.float32)
    beta = jnp.zeros((MSG_DIM,), dtype=jnp.float32)
    return {"msg": msg, "atom": atom, "bond": bond, "src": src, "dst": dst,
            "W": W, "b": b, "gamma": gamma, "beta": beta}


def reference(msg, atom, bond, src, dst, W, b, gamma, beta):
    # inc = scatter_add(msg, dst, dim=0, dim_size=atom.size(0))
    inc = jnp.zeros((atom.shape[0], msg.shape[1]), dtype=msg.dtype).at[dst].add(msg)
    # upd = relu(Linear(cat([atom[src], bond, inc[src]], 1)))
    feat = jnp.concatenate([atom[src], bond, inc[src]], axis=1)
    upd = jax.nn.relu(feat @ W.T + b)
    # dropout rate 0.0 -> identity
    x = msg + upd
    # LayerNorm over last dim, eps=1e-5, elementwise affine
    mu = jnp.mean(x, axis=-1, keepdims=True)
    var = jnp.mean((x - mu) ** 2, axis=-1, keepdims=True)
    out = (x - mu) / jnp.sqrt(var + 1e-5) * gamma + beta
    return out

if __name__ == "__main__":
    import jax
    _d = setup_inputs()
    print(jax.jit(kernel)(*tuple(_d.values())))

</pallas_src>

<mosaic_0001>
#map = affine_map<(d0, d1) -> (0, 0)>
#map1 = affine_map<(d0, d1) -> (0, 0, 0)>
module attributes {stable_mosaic.version = 14 : i64} {
  func.func @gather(%arg0: i32, %arg1: i32, %arg2: memref<10240x128xf32, #tpu.memory_space<hbm>>, %arg3: memref<32x25x80xi32, #tpu.memory_space<hbm>>, %arg4: memref<64000x128xf32, #tpu.memory_space<hbm>>, %arg5: memref<10240x128xf32, #tpu.memory_space<vmem_shared>>, %arg6: memref<25x80xi32, #tpu.memory_space<vmem>>, %arg7: memref<80x128xf32, #tpu.memory_space<vmem>>, %arg8: memref<80x128xf32, #tpu.memory_space<vmem>>, %arg9: memref<!tpu.dma_semaphore, #tpu.memory_space<semaphore_mem>>, %arg10: memref<!tpu.dma_semaphore, #tpu.memory_space<semaphore_mem>>, %arg11: memref<!tpu.dma_semaphore, #tpu.memory_space<semaphore_mem>>, %arg12: memref<!tpu.dma_semaphore, #tpu.memory_space<semaphore_mem>>) attributes {dimension_semantics = [#tpu.dimension_semantics<core_parallel>, #tpu.dimension_semantics<subcore_parallel>], iteration_bounds = array<i64: 2, 16>, scalar_prefetch = 0 : i64, scratch_operands = 8 : i64, tpu.core_type = #tpu.core_type<sc_vector_subcore>, window_params = [{transform_indices = #map}, {transform_indices = #map1}, {transform_indices = #map}]} {
    %mul3A = arith.constant 2 : i32
    %mul3A_0 = arith.muli %arg1, %mul3A : i32
    %add3A = arith.addi %mul3A_0, %arg0 : i32
    %mul3A_1 = arith.constant 640 : i32
    %mul3A_2 = arith.muli %arg1, %mul3A_1 : i32
    %add3A_3 = arith.constant 0 : i32
    %add3A_4 = arith.addi %mul3A_2, %add3A_3 : i32
    %dma_start3A = arith.constant 0 : i32
    %dma_start3A_5 = tpu.memref_slice %arg2[%add3A_4, %dma_start3A] : memref<10240x128xf32, #tpu.memory_space<hbm>> -> memref<80x128xf32, #tpu.memory_space<hbm>>
    %dma_start3A_6 = arith.constant 0 : i32
    %dma_start3A_7 = tpu.memref_slice %arg2[%add3A_4, %dma_start3A_6] : memref<10240x128xf32, #tpu.memory_space<hbm>> -> memref<80x128xf32, #tpu.memory_space<hbm>>
    tpu.enqueue_dma source(%dma_start3A_7 : memref<80x128xf32, #tpu.memory_space<hbm>>) target(%arg7 : memref<80x128xf32, #tpu.memory_space<vmem>>) target_semaphore(%arg9 : memref<!tpu.dma_semaphore, #tpu.memory_space<semaphore_mem>>)
    %add3A_8 = arith.constant 80 : i32
    %add3A_9 = arith.addi %mul3A_2, %add3A_8 : i32
    %dma_start3A_10 = arith.constant 0 : i32
    %dma_start3A_11 = tpu.memref_slice %arg2[%add3A_9, %dma_start3A_10] : memref<10240x128xf32, #tpu.memory_space<hbm>> -> memref<80x128xf32, #tpu.memory_space<hbm>>
    %dma_start3A_12 = arith.constant 0 : i32
    %dma_start3A_13 = tpu.memref_slice %arg2[%add3A_9, %dma_start3A_12] : memref<10240x128xf32, #tpu.memory_space<hbm>> -> memref<80x128xf32, #tpu.memory_space<hbm>>
    tpu.enqueue_dma source(%dma_start3A_13 : memref<80x128xf32, #tpu.memory_space<hbm>>) target(%arg8 : memref<80x128xf32, #tpu.memory_space<vmem>>) target_semaphore(%arg10 : memref<!tpu.dma_semaphore, #tpu.memory_space<semaphore_mem>>)
    %add3A_14 = arith.constant 0 : i32
    %add3A_15 = arith.addi %mul3A_2, %add3A_14 : i32
    %dma_wait3A = arith.constant 0 : i32
    %dma_wait3A_16 = tpu.memref_slice %arg2[%add3A_15, %dma_wait3A] : memref<10240x128xf32, #tpu.memory_space<hbm>> -> memref<80x128xf32, #tpu.memory_space<hbm>>
    %dma_wait3A_17 = arith.constant 0 : i32
    %dma_wait3A_18 = tpu.memref_slice %arg2[%add3A_15, %dma_wait3A_17] : memref<10240x128xf32, #tpu.memory_space<hbm>> -> memref<80x128xf32, #tpu.memory_space<hbm>>
    tpu.wait_dma2 semaphore(%arg9 : memref<!tpu.dma_semaphore, #tpu.memory_space<semaphore_mem>>) src(%dma_wait3A_18 : memref<80x128xf32, #tpu.memory_space<hbm>>) dst(%arg7 : memref<80x128xf32, #tpu.memory_space<vmem>>)
    "tpu.region"() ({
      %run_scoped3A = tpu.sem_alloc : memref<!tpu.dma_semaphore, #tpu.memory_space<semaphore_mem>>
      %dma_start3A_136 = arith.constant 0 : i32
      %dma_start3A_137 = tpu.memref_slice %arg5[%add3A_15, %dma_start3A_136] : memref<10240x128xf32, #tpu.memory_space<vmem_shared>> -> memref<80x128xf32, #tpu.memory_space<vmem_shared>>
      %dma_start3A_138 = arith.constant 0 : i32
      %dma_start3A_139 = tpu.memref_slice %arg5[%add3A_15, %dma_start3A_138] : memref<10240x128xf32, #tpu.memory_space<vmem_shared>> -> memref<80x128xf32, #tpu.memory_space<vmem_shared>>
      tpu.enqueue_dma source(%arg7 : memref<80x128xf32, #tpu.memory_space<vmem>>) target(%dma_start3A_139 : memref<80x128xf32, #tpu.memory_space<vmem_shared>>) target_semaphore(%run_scoped3A : memref<!tpu.dma_semaphore, #tpu.memory_space<semaphore_mem>>)
      %dma_wait3A_140 = arith.constant 0 : i32
      %dma_wait3A_141 = tpu.memref_slice %arg5[%add3A_15, %dma_wait3A_140] : memref<10240x128xf32, #tpu.memory_space<vmem_shared>> -> memref<80x128xf32, #tpu.memory_space<vmem_shared>>
      %dma_wait3A_142 = arith.constant 0 : i32
      %dma_wait3A_143 = tpu.memref_slice %arg5[%add3A_15, %dma_wait3A_142] : memref<10240x128xf32, #tpu.memory_space<vmem_shared>> -> memref<80x128xf32, #tpu.memory_space<vmem_shared>>
      tpu.wait_dma2 semaphore(%run_scoped3A : memref<!tpu.dma_semaphore, #tpu.memory_space<semaphore_mem>>) src(%arg7 : memref<80x128xf32, #tpu.memory_space<vmem>>) dst(%dma_wait3A_143 : memref<80x128xf32, #tpu.memory_space<vmem_shared>>)
      tpu.yield
    }) : () -> ()
    %add3A_19 = arith.constant 160 : i32
    %add3A_20 = arith.addi %mul3A_2, %add3A_19 : i32
    %dma_start3A_21 = arith.constant 0 : i32
    %dma_start3A_22 = tpu.memref_slice %arg2[%add3A_20, %dma_start3A_21] : memref<10240x128xf32, #tpu.memory_space<hbm>> -> memref<80x128xf32, #tpu.memory_space<hbm>>
    %dma_start3A_23 = arith.constant 0 : i32
    %dma_start3A_24 = tpu.memref_slice %arg2[%add3A_20, %dma_start3A_23] : memref<10240x128xf32, #tpu.memory_space<hbm>> -> memref<80x128xf32, #tpu.memory_space<hbm>>
    tpu.enqueue_dma source(%dma_start3A_24 : memref<80x128xf32, #tpu.memory_space<hbm>>) target(%arg7 : memref<80x128xf32, #tpu.memory_space<vmem>>) target_semaphore(%arg9 : memref<!tpu.dma_semaphore, #tpu.memory_space<semaphore_mem>>)
    %add3A_25 = arith.constant 80 : i32
    %add3A_26 = arith.addi %mul3A_2, %add3A_25 : i32
    %dma_wait3A_27 = arith.constant 0 : i32
    %dma_wait3A_28 = tpu.memref_slice %arg2[%add3A_26, %dma_wait3A_27] : memref<10240x128xf32, #tpu.memory_space<hbm>> -> memref<80x128xf32, #tpu.memory_space<hbm>>
    %dma_wait3A_29 = arith.constant 0 : i32
    %dma_wait3A_30 = tpu.memref_slice %arg2[%add3A_26, %dma_wait3A_29] : memref<10240x128xf32, #tpu.memory_space<hbm>> -> memref<80x128xf32, #tpu.memory_space<hbm>>
    tpu.wait_dma2 semaphore(%arg10 : memref<!tpu.dma_semaphore, #tpu.memory_space<semaphore_mem>>) src(%dma_wait3A_30 : memref<80x128xf32, #tpu.memory_space<hbm>>) dst(%arg8 : memref<80x128xf32, #tpu.memory_space<vmem>>)
    "tpu.region"() ({
      %run_scoped3A = tpu.sem_alloc : memref<!tpu.dma_semaphore, #tpu.memory_space<semaphore_mem>>
      %dma_start3A_136 = arith.constant 0 : i32
      %dma_start3A_137 = tpu.memref_slice %arg5[%add3A_26, %dma_start3A_136] : memref<10240x128xf32, #tpu.memory_space<vmem_shared>> -> memref<80x128xf32, #tpu.memory_space<vmem_shared>>
      %dma_start3A_138 = arith.constant 0 : i32
      %dma_start3A_139 = tpu.memref_slice %arg5[%add3A_26, %dma_start3A_138] : memref<10240x128xf32, #tpu.memory_space<vmem_shared>> -> memref<80x128xf32, #tpu.memory_space<vmem_shared>>
      tpu.enqueue_dma source(%arg8 : memref<80x128xf32, #tpu.memory_space<vmem>>) target(%dma_start3A_139 : memref<80x128xf32, #tpu.memory_space<vmem_shared>>) target_semaphore(%run_scoped3A : memref<!tpu.dma_semaphore, #tpu.memory_space<semaphore_mem>>)
      %dma_wait3A_140 = arith.constant 0 : i32
      %dma_wait3A_141 = tpu.memref_slice %arg5[%add3A_26, %dma_wait3A_140] : memref<10240x128xf32, #tpu.memory_space<vmem_shared>> -> memref<80x128xf32, #tpu.memory_space<vmem_shared>>
      %dma_wait3A_142 = arith.constant 0 : i32
      %dma_wait3A_143 = tpu.memref_slice %arg5[%add3A_26, %dma_wait3A_142] : memref<10240x128xf32, #tpu.memory_space<vmem_shared>> -> memref<80x128xf32, #tpu.memory_space<vmem_shared>>
      tpu.wait_dma2 semaphore(%run_scoped3A : memref<!tpu.dma_semaphore, #tpu.memory_space<semaphore_mem>>) src(%arg8 : memref<80x128xf32, #tpu.memory_space<vmem>>) dst(%dma_wait3A_143 : memref<80x128xf32, #tpu.memory_space<vmem_shared>>)
      tpu.yield
    }) : () -> ()
    %add3A_31 = arith.constant 240 : i32
    %add3A_32 = arith.addi %mul3A_2, %add3A_31 : i32
    %dma_start3A_33 = arith.constant 0 : i32
    %dma_start3A_34 = tpu.memref_slice %arg2[%add3A_32, %dma_start3A_33] : memref<10240x128xf32, #tpu.memory_space<hbm>> -> memref<80x128xf32, #tpu.memory_space<hbm>>
    %dma_start3A_35 = arith.constant 0 : i32
    %dma_start3A_36 = tpu.memref_slice %arg2[%add3A_32, %dma_start3A_35] : memref<10240x128xf32, #tpu.memory_space<hbm>> -> memref<80x128xf32, #tpu.memory_space<hbm>>
    tpu.enqueue_dma source(%dma_start3A_36 : memref<80x128xf32, #tpu.memory_space<hbm>>) target(%arg8 : memref<80x128xf32, #tpu.memory_space<vmem>>) target_semaphore(%arg10 : memref<!tpu.dma_semaphore, #tpu.memory_space<semaphore_mem>>)
    %add3A_37 = arith.constant 160 : i32
    %add3A_38 = arith.addi %mul3A_2, %add3A_37 : i32
    %dma_wait3A_39 = arith.constant 0 : i32
    %dma_wait3A_40 = tpu.memref_slice %arg2[%add3A_38, %dma_wait3A_39] : memref<10240x128xf32, #tpu.memory_space<hbm>> -> memref<80x128xf32, #tpu.memory_space<hbm>>
    %dma_wait3A_41 = arith.constant 0 : i32
    %dma_wait3A_42 = tpu.memref_slice %arg2[%add3A_38, %dma_wait3A_41] : memref<10240x128xf32, #tpu.memory_space<hbm>> -> memref<80x128xf32, #tpu.memory_space<hbm>>
    tpu.wait_dma2 semaphore(%arg9 : memref<!tpu.dma_semaphore, #tpu.memory_space<semaphore_mem>>) src(%dma_wait3A_42 : memref<80x128xf32, #tpu.memory_space<hbm>>) dst(%arg7 : memref<80x128xf32, #tpu.memory_space<vmem>>)
    "tpu.region"() ({
      %run_scoped3A = tpu.sem_alloc : memref<!tpu.dma_semaphore, #tpu.memory_space<semaphore_mem>>
      %dma_start3A_136 = arith.constant 0 : i32
      %dma_start3A_137 = tpu.memref_slice %arg5[%add3A_38, %dma_start3A_136] : memref<10240x128xf32, #tpu.memory_space<vmem_shared>> -> memref<80x128xf32, #tpu.memory_space<vmem_shared>>
      %dma_start3A_138 = arith.constant 0 : i32
      %dma_start3A_139 = tpu.memref_slice %arg5[%add3A_38, %dma_start3A_138] : memref<10240x128xf32, #tpu.memory_space<vmem_shared>> -> memref<80x128xf32, #tpu.memory_space<vmem_shared>>
      tpu.enqueue_dma source(%arg7 : memref<80x128xf32, #tpu.memory_space<vmem>>) target(%dma_start3A_139 : memref<80x128xf32, #tpu.memory_space<vmem_shared>>) target_semaphore(%run_scoped3A : memref<!tpu.dma_semaphore, #tpu.memory_space<semaphore_mem>>)
      %dma_wait3A_140 = arith.constant 0 : i32
      %dma_wait3A_141 = tpu.memref_slice %arg5[%add3A_38, %dma_wait3A_140] : memref<10240x128xf32, #tpu.memory_space<vmem_shared>> -> memref<80x128xf32, #tpu.memory_space<vmem_shared>>
      %dma_wait3A_142 = arith.constant 0 : i32
      %dma_wait3A_143 = tpu.memref_slice %arg5[%add3A_38, %dma_wait3A_142] : memref<10240x128xf32, #tpu.memory_space<vmem_shared>> -> memref<80x128xf32, #tpu.memory_space<vmem_shared>>
      tpu.wait_dma2 semaphore(%run_scoped3A : memref<!tpu.dma_semaphore, #tpu.memory_space<semaphore_mem>>) src(%arg7 : memref<80x128xf32, #tpu.memory_space<vmem>>) dst(%dma_wait3A_143 : memref<80x128xf32, #tpu.memory_space<vmem_shared>>)
      tpu.yield
    }) : () -> ()
    %add3A_43 = arith.constant 320 : i32
    %add3A_44 = arith.addi %mul3A_2, %add3A_43 : i32
    %dma_start3A_45 = arith.constant 0 : i32
    %dma_start3A_46 = tpu.memref_slice %arg2[%add3A_44, %dma_start3A_45] : memref<10240x128xf32, #tpu.memory_space<hbm>> -> memref<80x128xf32, #tpu.memory_space<hbm>>
    %dma_start3A_47 = arith.constant 0 : i32
    %dma_start3A_48 = tpu.memref_slice %arg2[%add3A_44, %dma_start3A_47] : memref<10240x128xf32, #tpu.memory_space<hbm>> -> memref<80x128xf32, #tpu.memory_space<hbm>>
    tpu.enqueue_dma source(%dma_start3A_48 : memref<80x128xf32, #tpu.memory_space<hbm>>) target(%arg7 : memref<80x128xf32, #tpu.memory_space<vmem>>) target_semaphore(%arg9 : memref<!tpu.dma_semaphore, #tpu.memory_space<semaphore_mem>>)
    %add3A_49 = arith.constant 240 : i32
    %add3A_50 = arith.addi %mul3A_2, %add3A_49 : i32
    %dma_wait3A_51 = arith.constant 0 : i32
    %dma_wait3A_52 = tpu.memref_slice %arg2[%add3A_50, %dma_wait3A_51] : memref<10240x128xf32, #tpu.memory_space<hbm>> -> memref<80x128xf32, #tpu.memory_space<hbm>>
    %dma_wait3A_53 = arith.constant 0 : i32
    %dma_wait3A_54 = tpu.memref_slice %arg2[%add3A_50, %dma_wait3A_53] : memref<10240x128xf32, #tpu.memory_space<hbm>> -> memref<80x128xf32, #tpu.memory_space<hbm>>
    tpu.wait_dma2 semaphore(%arg10 : memref<!tpu.dma_semaphore, #tpu.memory_space<semaphore_mem>>) src(%dma_wait3A_54 : memref<80x128xf32, #tpu.memory_space<hbm>>) dst(%arg8 : memref<80x128xf32, #tpu.memory_space<vmem>>)
    "tpu.region"() ({
      %run_scoped3A = tpu.sem_alloc : memref<!tpu.dma_semaphore, #tpu.memory_space<semaphore_mem>>
      %dma_start3A_136 = arith.constant 0 : i32
      %dma_start3A_137 = tpu.memref_slice %arg5[%add3A_50, %dma_start3A_136] : memref<10240x128xf32, #tpu.memory_space<vmem_shared>> -> memref<80x128xf32, #tpu.memory_space<vmem_shared>>
      %dma_start3A_138 = arith.constant 0 : i32
      %dma_start3A_139 = tpu.memref_slice %arg5[%add3A_50, %dma_start3A_138] : memref<10240x128xf32, #tpu.memory_space<vmem_shared>> -> memref<80x128xf32, #tpu.memory_space<vmem_shared>>
      tpu.enqueue_dma source(%arg8 : memref<80x128xf32, #tpu.memory_space<vmem>>) target(%dma_start3A_139 : memref<80x128xf32, #tpu.memory_space<vmem_shared>>) target_semaphore(%run_scoped3A : memref<!tpu.dma_semaphore, #tpu.memory_space<semaphore_mem>>)
      %dma_wait3A_140 = arith.constant 0 : i32
      %dma_wait3A_141 = tpu.memref_slice %arg5[%add3A_50, %dma_wait3A_140] : memref<10240x128xf32, #tpu.memory_space<vmem_shared>> -> memref<80x128xf32, #tpu.memory_space<vmem_shared>>
      %dma_wait3A_142 = arith.constant 0 : i32
      %dma_wait3A_143 = tpu.memref_slice %arg5[%add3A_50, %dma_wait3A_142] : memref<10240x128xf32, #tpu.memory_space<vmem_shared>> -> memref<80x128xf32, #tpu.memory_space<vmem_shared>>
      tpu.wait_dma2 semaphore(%run_scoped3A : memref<!tpu.dma_semaphore, #tpu.memory_space<semaphore_mem>>) src(%arg8 : memref<80x128xf32, #tpu.memory_space<vmem>>) dst(%dma_wait3A_143 : memref<80x128xf32, #tpu.memory_space<vmem_shared>>)
      tpu.yield
    }) : () -> ()
    %add3A_55 = arith.constant 400 : i32
    %add3A_56 = arith.addi %mul3A_2, %add3A_55 : i32
    %dma_start3A_57 = arith.constant 0 : i32
    %dma_start3A_58 = tpu.memref_slice %arg2[%add3A_56, %dma_start3A_57] : memref<10240x128xf32, #tpu.memory_space<hbm>> -> memref<80x128xf32, #tpu.memory_space<hbm>>
    %dma_start3A_59 = arith.constant 0 : i32
    %dma_start3A_60 = tpu.memref_slice %arg2[%add3A_56, %dma_start3A_59] : memref<10240x128xf32, #tpu.memory_space<hbm>> -> memref<80x128xf32, #tpu.memory_space<hbm>>
    tpu.enqueue_dma source(%dma_start3A_60 : memref<80x128xf32, #tpu.memory_space<hbm>>) target(%arg8 : memref<80x128xf32, #tpu.memory_space<vmem>>) target_semaphore(%arg10 : memref<!tpu.dma_semaphore, #tpu.memory_space<semaphore_mem>>)
    %add3A_61 = arith.constant 320 : i32
    %add3A_62 = arith.addi %mul3A_2, %add3A_61 : i32
    %dma_wait3A_63 = arith.constant 0 : i32
    %dma_wait3A_64 = tpu.memref_slice %arg2[%add3A_62, %dma_wait3A_63] : memref<10240x128xf32, #tpu.memory_space<hbm>> -> memref<80x128xf32, #tpu.memory_space<hbm>>
    %dma_wait3A_65 = arith.constant 0 : i32
    %dma_wait3A_66 = tpu.memref_slice %arg2[%add3A_62, %dma_wait3A_65] : memref<10240x128xf32, #tpu.memory_space<hbm>> -> memref<80x128xf32, #tpu.memory_space<hbm>>
    tpu.wait_dma2 semaphore(%arg9 : memref<!tpu.dma_semaphore, #tpu.memory_space<semaphore_mem>>) src(%dma_wait3A_66 : memref<80x128xf32, #tpu.memory_space<hbm>>) dst(%arg7 : memref<80x128xf32, #tpu.memory_space<vmem>>)
    "tpu.region"() ({
      %run_scoped3A = tpu.sem_alloc : memref<!tpu.dma_semaphore, #tpu.memory_space<semaphore_mem>>
      %dma_start3A_136 = arith.constant 0 : i32
      %dma_start3A_137 = tpu.memref_slice %arg5[%add3A_62, %dma_start3A_136] : memref<10240x128xf32, #tpu.memory_space<vmem_shared>> -> memref<80x128xf32, #tpu.memory_space<vmem_shared>>
      %dma_start3A_138 = arith.constant 0 : i32
      %dma_start3A_139 = tpu.memref_slice %arg5[%add3A_62, %dma_start3A_138] : memref<10240x128xf32, #tpu.memory_space<vmem_shared>> -> memref<80x128xf32, #tpu.memory_space<vmem_shared>>
      tpu.enqueue_dma source(%arg7 : memref<80x128xf32, #tpu.memory_space<vmem>>) target(%dma_start3A_139 : memref<80x128xf32, #tpu.memory_space<vmem_shared>>) target_semaphore(%run_scoped3A : memref<!tpu.dma_semaphore, #tpu.memory_space<semaphore_mem>>)
      %dma_wait3A_140 = arith.constant 0 : i32
      %dma_wait3A_141 = tpu.memref_slice %arg5[%add3A_62, %dma_wait3A_140] : memref<10240x128xf32, #tpu.memory_space<vmem_shared>> -> memref<80x128xf32, #tpu.memory_space<vmem_shared>>
      %dma_wait3A_142 = arith.constant 0 : i32
      %dma_wait3A_143 = tpu.memref_slice %arg5[%add3A_62, %dma_wait3A_142] : memref<10240x128xf32, #tpu.memory_space<vmem_shared>> -> memref<80x128xf32, #tpu.memory_space<vmem_shared>>
      tpu.wait_dma2 semaphore(%run_scoped3A : memref<!tpu.dma_semaphore, #tpu.memory_space<semaphore_mem>>) src(%arg7 : memref<80x128xf32, #tpu.memory_space<vmem>>) dst(%dma_wait3A_143 : memref<80x128xf32, #tpu.memory_space<vmem_shared>>)
      tpu.yield
    }) : () -> ()
    %add3A_67 = arith.constant 480 : i32
    %add3A_68 = arith.addi %mul3A_2, %add3A_67 : i32
    %dma_start3A_69 = arith.constant 0 : i32
    %dma_start3A_70 = tpu.memref_slice %arg2[%add3A_68, %dma_start3A_69] : memref<10240x128xf32, #tpu.memory_space<hbm>> -> memref<80x128xf32, #tpu.memory_space<hbm>>
    %dma_start3A_71 = arith.constant 0 : i32
    %dma_start3A_72 = tpu.memref_slice %arg2[%add3A_68, %dma_start3A_71] : memref<10240x128xf32, #tpu.memory_space<hbm>> -> memref<80x128xf32, #tpu.memory_space<hbm>>
    tpu.enqueue_dma source(%dma_start3A_72 : memref<80x128xf32, #tpu.memory_space<hbm>>) target(%arg7 : memref<80x128xf32, #tpu.memory_space<vmem>>) target_semaphore(%arg9 : memref<!tpu.dma_semaphore, #tpu.memory_space<semaphore_mem>>)
    %add3A_73 = arith.constant 400 : i32
    %add3A_74 = arith.addi %mul3A_2, %add3A_73 : i32
    %dma_wait3A_75 = arith.constant 0 : i32
    %dma_wait3A_76 = tpu.memref_slice %arg2[%add3A_74, %dma_wait3A_75] : memref<10240x128xf32, #tpu.memory_space<hbm>> -> memref<80x128xf32, #tpu.memory_space<hbm>>
    %dma_wait3A_77 = arith.constant 0 : i32
    %dma_wait3A_78 = tpu.memref_slice %arg2[%add3A_74, %dma_wait3A_77] : memref<10240x128xf32, #tpu.memory_space<hbm>> -> memref<80x128xf32, #tpu.memory_space<hbm>>
    tpu.wait_dma2 semaphore(%arg10 : memref<!tpu.dma_semaphore, #tpu.memory_space<semaphore_mem>>) src(%dma_wait3A_78 : memref<80x128xf32, #tpu.memory_space<hbm>>) dst(%arg8 : memref<80x128xf32, #tpu.memory_space<vmem>>)
    "tpu.region"() ({
      %run_scoped3A = tpu.sem_alloc : memref<!tpu.dma_semaphore, #tpu.memory_space<semaphore_mem>>
      %dma_start3A_136 = arith.constant 0 : i32
      %dma_start3A_137 = tpu.memref_slice %arg5[%add3A_74, %dma_start3A_136] : memref<10240x128xf32, #tpu.memory_space<vmem_shared>> -> memref<80x128xf32, #tpu.memory_space<vmem_shared>>
      %dma_start3A_138 = arith.constant 0 : i32
      %dma_start3A_139 = tpu.memref_slice %arg5[%add3A_74, %dma_start3A_138] : memref<10240x128xf32, #tpu.memory_space<vmem_shared>> -> memref<80x128xf32, #tpu.memory_space<vmem_shared>>
      tpu.enqueue_dma source(%arg8 : memref<80x128xf32, #tpu.memory_space<vmem>>) target(%dma_start3A_139 : memref<80x128xf32, #tpu.memory_space<vmem_shared>>) target_semaphore(%run_scoped3A : memref<!tpu.dma_semaphore, #tpu.memory_space<semaphore_mem>>)
      %dma_wait3A_140 = arith.constant 0 : i32
      %dma_wait3A_141 = tpu.memref_slice %arg5[%add3A_74, %dma_wait3A_140] : memref<10240x128xf32, #tpu.memory_space<vmem_shared>> -> memref<80x128xf32, #tpu.memory_space<vmem_shared>>
      %dma_wait3A_142 = arith.constant 0 : i32
      %dma_wait3A_143 = tpu.memref_slice %arg5[%add3A_74, %dma_wait3A_142] : memref<10240x128xf32, #tpu.memory_space<vmem_shared>> -> memref<80x128xf32, #tpu.memory_space<vmem_shared>>
      tpu.wait_dma2 semaphore(%run_scoped3A : memref<!tpu.dma_semaphore, #tpu.memory_space<semaphore_mem>>) src(%arg8 : memref<80x128xf32, #tpu.memory_space<vmem>>) dst(%dma_wait3A_143 : memref<80x128xf32, #tpu.memory_space<vmem_shared>>)
      tpu.yield
    }) : () -> ()
    %add3A_79 = arith.constant 560 : i32
    %add3A_80 = arith.addi %mul3A_2, %add3A_79 : i32
    %dma_start3A_81 = arith.constant 0 : i32
    %dma_start3A_82 = tpu.memref_slice %arg2[%add3A_80, %dma_start3A_81] : memref<10240x128xf32, #tpu.memory_space<hbm>> -> memref<80x128xf32, #tpu.memory_space<hbm>>
    %dma_start3A_83 = arith.constant 0 : i32
    %dma_start3A_84 = tpu.memref_slice %arg2[%add3A_80, %dma_start3A_83] : memref<10240x128xf32, #tpu.memory_space<hbm>> -> memref<80x128xf32, #tpu.memory_space<hbm>>
    tpu.enqueue_dma source(%dma_start3A_84 : memref<80x128xf32, #tpu.memory_space<hbm>>) target(%arg8 : memref<80x128xf32, #tpu.memory_space<vmem>>) target_semaphore(%arg10 : memref<!tpu.dma_semaphore, #tpu.memory_space<semaphore_mem>>)
    %add3A_85 = arith.constant 480 : i32
    %add3A_86 = arith.addi %mul3A_2, %add3A_85 : i32
    %dma_wait3A_87 = arith.constant 0 : i32
    %dma_wait3A_88 = tpu.memref_slice %arg2[%add3A_86, %dma_wait3A_87] : memref<10240x128xf32, #tpu.memory_space<hbm>> -> memref<80x128xf32, #tpu.memory_space<hbm>>
    %dma_wait3A_89 = arith.constant 0 : i32
    %dma_wait3A_90 = tpu.memref_slice %arg2[%add3A_86, %dma_wait3A_89] : memref<10240x128xf32, #tpu.memory_space<hbm>> -> memref<80x128xf32, #tpu.memory_space<hbm>>
    tpu.wait_dma2 semaphore(%arg9 : memref<!tpu.dma_semaphore, #tpu.memory_space<semaphore_mem>>) src(%dma_wait3A_90 : memref<80x128xf32, #tpu.memory_space<hbm>>) dst(%arg7 : memref<80x128xf32, #tpu.memory_space<vmem>>)
    "tpu.region"() ({
      %run_scoped3A = tpu.sem_alloc : memref<!tpu.dma_semaphore, #tpu.memory_space<semaphore_mem>>
      %dma_start3A_136 = arith.constant 0 : i32
      %dma_start3A_137 = tpu.memref_slice %arg5[%add3A_86, %dma_start3A_136] : memref<10240x128xf32, #tpu.memory_space<vmem_shared>> -> memref<80x128xf32, #tpu.memory_space<vmem_shared>>
      %dma_start3A_138 = arith.constant 0 : i32
      %dma_start3A_139 = tpu.memref_slice %arg5[%add3A_86, %dma_start3A_138] : memref<10240x128xf32, #tpu.memory_space<vmem_shared>> -> memref<80x128xf32, #tpu.memory_space<vmem_shared>>
      tpu.enqueue_dma source(%arg7 : memref<80x128xf32, #tpu.memory_space<vmem>>) target(%dma_start3A_139 : memref<80x128xf32, #tpu.memory_space<vmem_shared>>) target_semaphore(%run_scoped3A : memref<!tpu.dma_semaphore, #tpu.memory_space<semaphore_mem>>)
      %dma_wait3A_140 = arith.constant 0 : i32
      %dma_wait3A_141 = tpu.memref_slice %arg5[%add3A_86, %dma_wait3A_140] : memref<10240x128xf32, #tpu.memory_space<vmem_shared>> -> memref<80x128xf32, #tpu.memory_space<vmem_shared>>
      %dma_wait3A_142 = arith.constant 0 : i32
      %dma_wait3A_143 = tpu.memref_slice %arg5[%add3A_86, %dma_wait3A_142] : memref<10240x128xf32, #tpu.memory_space<vmem_shared>> -> memref<80x128xf32, #tpu.memory_space<vmem_shared>>
      tpu.wait_dma2 semaphore(%run_scoped3A : memref<!tpu.dma_semaphore, #tpu.memory_space<semaphore_mem>>) src(%arg7 : memref<80x128xf32, #tpu.memory_space<vmem>>) dst(%dma_wait3A_143 : memref<80x128xf32, #tpu.memory_space<vmem_shared>>)
      tpu.yield
    }) : () -> ()
    %add3A_91 = arith.constant 560 : i32
    %add3A_92 = arith.addi %mul3A_2, %add3A_91 : i32
    %dma_wait3A_93 = arith.constant 0 : i32
    %dma_wait3A_94 = tpu.memref_slice %arg2[%add3A_92, %dma_wait3A_93] : memref<10240x128xf32, #tpu.memory_space<hbm>> -> memref<80x128xf32, #tpu.memory_space<hbm>>
    %dma_wait3A_95 = arith.constant 0 : i32
    %dma_wait3A_96 = tpu.memref_slice %arg2[%add3A_92, %dma_wait3A_95] : memref<10240x128xf32, #tpu.memory_space<hbm>> -> memref<80x128xf32, #tpu.memory_space<hbm>>
    tpu.wait_dma2 semaphore(%arg10 : memref<!tpu.dma_semaphore, #tpu.memory_space<semaphore_mem>>) src(%dma_wait3A_96 : memref<80x128xf32, #tpu.memory_space<hbm>>) dst(%arg8 : memref<80x128xf32, #tpu.memory_space<vmem>>)
    "tpu.region"() ({
      %run_scoped3A = tpu.sem_alloc : memref<!tpu.dma_semaphore, #tpu.memory_space<semaphore_mem>>
      %dma_start3A_136 = arith.constant 0 : i32
      %dma_start3A_137 = tpu.memref_slice %arg5[%add3A_92, %dma_start3A_136] : memref<10240x128xf32, #tpu.memory_space<vmem_shared>> -> memref<80x128xf32, #tpu.memory_space<vmem_shared>>
      %dma_start3A_138 = arith.constant 0 : i32
      %dma_start3A_139 = tpu.memref_slice %arg5[%add3A_92, %dma_start3A_138] : memref<10240x128xf32, #tpu.memory_space<vmem_shared>> -> memref<80x128xf32, #tpu.memory_space<vmem_shared>>
      tpu.enqueue_dma source(%arg8 : memref<80x128xf32, #tpu.memory_space<vmem>>) target(%dma_start3A_139 : memref<80x128xf32, #tpu.memory_space<vmem_shared>>) target_semaphore(%run_scoped3A : memref<!tpu.dma_semaphore, #tpu.memory_space<semaphore_mem>>)
      %dma_wait3A_140 = arith.constant 0 : i32
      %dma_wait3A_141 = tpu.memref_slice %arg5[%add3A_92, %dma_wait3A_140] : memref<10240x128xf32, #tpu.memory_space<vmem_shared>> -> memref<80x128xf32, #tpu.memory_space<vmem_shared>>
      %dma_wait3A_142 = arith.constant 0 : i32
      %dma_wait3A_143 = tpu.memref_slice %arg5[%add3A_92, %dma_wait3A_142] : memref<10240x128xf32, #tpu.memory_space<vmem_shared>> -> memref<80x128xf32, #tpu.memory_space<vmem_shared>>
      tpu.wait_dma2 semaphore(%run_scoped3A : memref<!tpu.dma_semaphore, #tpu.memory_space<semaphore_mem>>) src(%arg8 : memref<80x128xf32, #tpu.memory_space<vmem>>) dst(%dma_wait3A_143 : memref<80x128xf32, #tpu.memory_space<vmem_shared>>)
      tpu.yield
    }) : () -> ()
    %barrier3A = arith.constant 0 : index
    tpu.barrier barrier_id(%barrier3A)
    "tpu.region"() ({
      %run_scoped3A = tpu.sem_alloc : memref<!tpu.dma_semaphore, #tpu.memory_space<semaphore_mem>>
      %dma_start3A_136 = arith.constant 0 : i32
      %dma_start3A_137 = arith.constant 0 : i32
      %dma_start3A_138 = tpu.memref_slice %arg3[%add3A, %dma_start3A_136, %dma_start3A_137] : memref<32x25x80xi32, #tpu.memory_space<hbm>> -> memref<1x25x80xi32, #tpu.memory_space<hbm>>
      %dma_start3A_139 = tpu.memref_squeeze %dma_start3A_138 : memref<1x25x80xi32, #tpu.memory_space<hbm>> -> memref<25x80xi32, #tpu.memory_space<hbm>>
      %dma_start3A_140 = arith.constant 0 : i32
      %dma_start3A_141 = arith.constant 0 : i32
      %dma_start3A_142 = tpu.memref_slice %arg3[%add3A, %dma_start3A_140, %dma_start3A_141] : memref<32x25x80xi32, #tpu.memory_space<hbm>> -> memref<1x25x80xi32, #tpu.memory_space<hbm>>
      %dma_start3A_143 = tpu.memref_squeeze %dma_start3A_142 : memref<1x25x80xi32, #tpu.memory_space<hbm>> -> memref<25x80xi32, #tpu.memory_space<hbm>>
      tpu.enqueue_dma source(%dma_start3A_143 : memref<25x80xi32, #tpu.memory_space<hbm>>) target(%arg6 : memref<25x80xi32, #tpu.memory_space<vmem>>) target_semaphore(%run_scoped3A : memref<!tpu.dma_semaphore, #tpu.memory_space<semaphore_mem>>)
      %dma_wait3A_144 = arith.constant 0 : i32
      %dma_wait3A_145 = arith.constant 0 : i32
      %dma_wait3A_146 = tpu.memref_slice %arg3[%add3A, %dma_wait3A_144, %dma_wait3A_145] : memref<32x25x80xi32, #tpu.memory_space<hbm>> -> memref<1x25x80xi32, #tpu.memory_space<hbm>>
      %dma_wait3A_147 = tpu.memref_squeeze %dma_wait3A_146 : memref<1x25x80xi32, #tpu.memory_space<hbm>> -> memref<25x80xi32, #tpu.memory_space<hbm>>
      %dma_wait3A_148 = arith.constant 0 : i32
      %dma_wait3A_149 = arith.constant 0 : i32
      %dma_wait3A_150 = tpu.memref_slice %arg3[%add3A, %dma_wait3A_148, %dma_wait3A_149] : memref<32x25x80xi32, #tpu.memory_space<hbm>> -> memref<1x25x80xi32, #tpu.memory_space<hbm>>
      %dma_wait3A_151 = tpu.memref_squeeze %dma_wait3A_150 : memref<1x25x80xi32, #tpu.memory_space<hbm>> -> memref<25x80xi32, #tpu.memory_space<hbm>>
      tpu.wait_dma2 semaphore(%run_scoped3A : memref<!tpu.dma_semaphore, #tpu.memory_space<semaphore_mem>>) src(%dma_wait3A_151 : memref<25x80xi32, #tpu.memory_space<hbm>>) dst(%arg6 : memref<25x80xi32, #tpu.memory_space<vmem>>)
      tpu.yield
    }) : () -> ()
    %mul3A_97 = arith.constant 2000 : i32
    %mul3A_98 = arith.muli %add3A, %mul3A_97 : i32
    %dma_start3A_99 = arith.constant 0 : i32
    %dma_start3A_100 = arith.constant 0 : i32
    %dma_start3A_101 = tpu.memref_slice %arg6[%dma_start3A_99, %dma_start3A_100] : memref<25x80xi32, #tpu.memory_space<vmem>> -> memref<1x80xi32, #tpu.memory_space<vmem>>
    %dma_start3A_102 = tpu.memref_squeeze %dma_start3A_101 : memref<1x80xi32, #tpu.memory_space<vmem>> -> memref<80xi32, #tpu.memory_space<vmem>>
    %dma_start3A_103 = arith.constant 0 : i32
    %dma_start3A_104 = arith.constant 0 : i32
    %dma_start3A_105 = tpu.memref_slice %arg5[%dma_start3A_103, %dma_start3A_104] : memref<10240x128xf32, #tpu.memory_space<vmem_shared>> -> memref<10240x128xf32, #tpu.memory_space<vmem_shared>>
    tpu.enqueue_indirect_dma source(%dma_start3A_105 : memref<10240x128xf32, #tpu.memory_space<vmem_shared>>) target(%arg7 : memref<80x128xf32, #tpu.memory_space<vmem>>) offsets(%dma_start3A_102 : memref<80xi32, #tpu.memory_space<vmem>>) semaphore(%arg9 : memref<!tpu.dma_semaphore, #tpu.memory_space<semaphore_mem>>)
    %scan3A = arith.constant 0 : i32
    %scan3A_106 = arith.constant 0 : i32
    %scan3A_107 = arith.constant 12 : i32
    %scan3A_108 = arith.addi %scan3A_106, %scan3A_107 : i32
    %scan3A_109 = arith.constant 1 : i32
    scf.for %scan3A_136 = %scan3A_106 to %scan3A_108 step %scan3A_109  : i32 {
      %mul3A_137 = arith.constant 2 : i32
      %mul3A_138 = arith.muli %mul3A_137, %scan3A_136 : i32
      %gt3A = arith.constant 0 : i32
      %gt3A_139 = arith.cmpi sgt, %scan3A_136, %gt3A : i32
      %convert_element_type3A = arith.extui %gt3A_139 : i1 to i32
      %cond3A = arith.constant 0 : i32
      %cond3A_140 = arith.cmpi ne, %convert_element_type3A, %cond3A : i32
      scf.if %cond3A_140 {
        %sub3A = arith.constant 1 : i32
        %sub3A_192 = arith.subi %mul3A_138, %sub3A : i32
        %mul3A_193 = arith.constant 80 : i32
        %mul3A_194 = arith.muli %sub3A_192, %mul3A_193 : i32
        %add3A_195 = arith.addi %mul3A_98, %mul3A_194 : i32
        %dma_wait3A_196 = arith.constant 0 : i32
        %dma_wait3A_197 = tpu.memref_slice %arg4[%add3A_195, %dma_wait3A_196] : memref<64000x128xf32, #tpu.memory_space<hbm>> -> memref<80x128xf32, #tpu.memory_space<hbm>>
        %dma_wait3A_198 = arith.constant 0 : i32
        %dma_wait3A_199 = tpu.memref_slice %arg4[%add3A_195, %dma_wait3A_198] : memref<64000x128xf32, #tpu.memory_space<hbm>> -> memref<80x128xf32, #tpu.memory_space<hbm>>
        tpu.wait_dma2 semaphore(%arg12 : memref<!tpu.dma_semaphore, #tpu.memory_space<semaphore_mem>>) src(%arg8 : memref<80x128xf32, #tpu.memory_space<vmem>>) dst(%dma_wait3A_199 : memref<80x128xf32, #tpu.memory_space<hbm>>)
      } else {
      }
      %add3A_141 = arith.constant 1 : i32
      %add3A_142 = arith.addi %mul3A_138, %add3A_141 : i32
      %dma_start3A_143 = arith.constant 0 : i32
      %dma_start3A_144 = tpu.memref_slice %arg6[%add3A_142, %dma_start3A_143] : memref<25x80xi32, #tpu.memory_space<vmem>> -> memref<1x80xi32, #tpu.memory_space<vmem>>
      %dma_start3A_145 = tpu.memref_squeeze %dma_start3A_144 : memref<1x80xi32, #tpu.memory_space<vmem>> -> memref<80xi32, #tpu.memory_space<vmem>>
      %dma_start3A_146 = arith.constant 0 : i32
      %dma_start3A_147 = arith.constant 0 : i32
      %dma_start3A_148 = tpu.memref_slice %arg5[%dma_start3A_146, %dma_start3A_147] : memref<10240x128xf32, #tpu.memory_space<vmem_shared>> -> memref<10240x128xf32, #tpu.memory_space<vmem_shared>>
      tpu.enqueue_indirect_dma source(%dma_start3A_148 : memref<10240x128xf32, #tpu.memory_space<vmem_shared>>) target(%arg8 : memref<80x128xf32, #tpu.memory_space<vmem>>) offsets(%dma_start3A_145 : memref<80xi32, #tpu.memory_space<vmem>>) semaphore(%arg10 : memref<!tpu.dma_semaphore, #tpu.memory_space<semaphore_mem>>)
      %dma_wait3A_149 = arith.constant 0 : i32
      %dma_wait3A_150 = tpu.memref_slice %arg6[%mul3A_138, %dma_wait3A_149] : memref<25x80xi32, #tpu.memory_space<vmem>> -> memref<1x80xi32, #tpu.memory_space<vmem>>
      %dma_wait3A_151 = tpu.memref_squeeze %dma_wait3A_150 : memref<1x80xi32, #tpu.memory_space<vmem>> -> memref<80xi32, #tpu.memory_space<vmem>>
      %dma_wait3A_152 = arith.constant 0 : i32
      %dma_wait3A_153 = arith.constant 0 : i32
      %dma_wait3A_154 = tpu.memref_slice %arg5[%dma_wait3A_152, %dma_wait3A_153] : memref<10240x128xf32, #tpu.memory_space<vmem_shared>> -> memref<10240x128xf32, #tpu.memory_space<vmem_shared>>
      tpu.wait_indirect_dma semaphore(%arg9 : memref<!tpu.dma_semaphore, #tpu.memory_space<semaphore_mem>>) src(%dma_wait3A_154 : memref<10240x128xf32, #tpu.memory_space<vmem_shared>>) dst(%arg7 : memref<80x128xf32, #tpu.memory_space<vmem>>)
      %mul3A_155 = arith.constant 80 : i32
      %mul3A_156 = arith.muli %mul3A_138, %mul3A_155 : i32
      %add3A_157 = arith.addi %mul3A_98, %mul3A_156 : i32
      %dma_start3A_158 = arith.constant 0 : i32
      %dma_start3A_159 = tpu.memref_slice %arg4[%add3A_157, %dma_start3A_158] : memref<64000x128xf32, #tpu.memory_space<hbm>> -> memref<80x128xf32, #tpu.memory_space<hbm>>
      %dma_start3A_160 = arith.constant 0 : i32
      %dma_start3A_161 = tpu.memref_slice %arg4[%add3A_157, %dma_start3A_160] : memref<64000x128xf32, #tpu.memory_space<hbm>> -> memref<80x128xf32, #tpu.memory_space<hbm>>
      tpu.enqueue_dma source(%arg7 : memref<80x128xf32, #tpu.memory_space<vmem>>) target(%dma_start3A_161 : memref<80x128xf32, #tpu.memory_space<hbm>>) target_semaphore(%arg11 : memref<!tpu.dma_semaphore, #tpu.memory_space<semaphore_mem>>)
      %mul3A_162 = arith.constant 80 : i32
      %mul3A_163 = arith.muli %mul3A_138, %mul3A_162 : i32
      %add3A_164 = arith.addi %mul3A_98, %mul3A_163 : i32
      %dma_wait3A_165 = arith.constant 0 : i32
      %dma_wait3A_166 = tpu.memref_slice %arg4[%add3A_164, %dma_wait3A_165] : memref<64000x128xf32, #tpu.memory_space<hbm>> -> memref<80x128xf32, #tpu.memory_space<hbm>>
      %dma_wait3A_167 = arith.constant 0 : i32
      %dma_wait3A_168 = tpu.memref_slice %arg4[%add3A_164, %dma_wait3A_167] : memref<64000x128xf32, #tpu.memory_space<hbm>> -> memref<80x128xf32, #tpu.memory_space<hbm>>
      tpu.wait_dma2 semaphore(%arg11 : memref<!tpu.dma_semaphore, #tpu.memory_space<semaphore_mem>>) src(%arg7 : memref<80x128xf32, #tpu.memory_space<vmem>>) dst(%dma_wait3A_168 : memref<80x128xf32, #tpu.memory_space<hbm>>)
      %add3A_169 = arith.constant 2 : i32
      %add3A_170 = arith.addi %mul3A_138, %add3A_169 : i32
      %lt3A = arith.constant 25 : i32
      %lt3A_171 = arith.cmpi slt, %add3A_170, %lt3A : i32
      %convert_element_type3A_172 = arith.extui %lt3A_171 : i1 to i32
      %cond3A_173 = arith.constant 0 : i32
      %cond3A_174 = arith.cmpi ne, %convert_element_type3A_172, %cond3A_173 : i32
      scf.if %cond3A_174 {
        %add3A_192 = arith.constant 2 : i32
        %add3A_193 = arith.addi %mul3A_138, %add3A_192 : i32
        %dma_start3A_194 = arith.constant 0 : i32
        %dma_start3A_195 = tpu.memref_slice %arg6[%add3A_193, %dma_start3A_194] : memref<25x80xi32, #tpu.memory_space<vmem>> -> memref<1x80xi32, #tpu.memory_space<vmem>>
        %dma_start3A_196 = tpu.memref_squeeze %dma_start3A_195 : memref<1x80xi32, #tpu.memory_space<vmem>> -> memref<80xi32, #tpu.memory_space<vmem>>
        %dma_start3A_197 = arith.constant 0 : i32
        %dma_start3A_198 = arith.constant 0 : i32
        %dma_start3A_199 = tpu.memref_slice %arg5[%dma_start3A_197, %dma_start3A_198] : memref<10240x128xf32, #tpu.memory_space<vmem_shared>> -> memref<10240x128xf32, #tpu.memory_space<vmem_shared>>
        tpu.enqueue_indirect_dma source(%dma_start3A_199 : memref<10240x128xf32, #tpu.memory_space<vmem_shared>>) target(%arg7 : memref<80x128xf32, #tpu.memory_space<vmem>>) offsets(%dma_start3A_196 : memref<80xi32, #tpu.memory_space<vmem>>) semaphore(%arg9 : memref<!tpu.dma_semaphore, #tpu.memory_space<semaphore_mem>>)
      } else {
      }
      %add3A_175 = arith.constant 1 : i32
      %add3A_176 = arith.addi %mul3A_138, %add3A_175 : i32
      %dma_wait3A_177 = arith.constant 0 : i32
      %dma_wait3A_178 = tpu.memref_slice %arg6[%add3A_176, %dma_wait3A_177] : memref<25x80xi32, #tpu.memory_space<vmem>> -> memref<1x80xi32, #tpu.memory_space<vmem>>
      %dma_wait3A_179 = tpu.memref_squeeze %dma_wait3A_178 : memref<1x80xi32, #tpu.memory_space<vmem>> -> memref<80xi32, #tpu.memory_space<vmem>>
      %dma_wait3A_180 = arith.constant 0 : i32
      %dma_wait3A_181 = arith.constant 0 : i32
      %dma_wait3A_182 = tpu.memref_slice %arg5[%dma_wait3A_180, %dma_wait3A_181] : memref<10240x128xf32, #tpu.memory_space<vmem_shared>> -> memref<10240x128xf32, #tpu.memory_space<vmem_shared>>
      tpu.wait_indirect_dma semaphore(%arg10 : memref<!tpu.dma_semaphore, #tpu.memory_space<semaphore_mem>>) src(%dma_wait3A_182 : memref<10240x128xf32, #tpu.memory_space<vmem_shared>>) dst(%arg8 : memref<80x128xf32, #tpu.memory_space<vmem>>)
      %add3A_183 = arith.constant 1 : i32
      %add3A_184 = arith.addi %mul3A_138, %add3A_183 : i32
      %mul3A_185 = arith.constant 80 : i32
      %mul3A_186 = arith.muli %add3A_184, %mul3A_185 : i32
      %add3A_187 = arith.addi %mul3A_98, %mul3A_186 : i32
      %dma_start3A_188 = arith.constant 0 : i32
      %dma_start3A_189 = tpu.memref_slice %arg4[%add3A_187, %dma_start3A_188] : memref<64000x128xf32, #tpu.memory_space<hbm>> -> memref<80x128xf32, #tpu.memory_space<hbm>>
      %dma_start3A_190 = arith.constant 0 : i32
      %dma_start3A_191 = tpu.memref_slice %arg4[%add3A_187, %dma_start3A_190] : memref<64000x128xf32, #tpu.memory_space<hbm>> -> memref<80x128xf32, #tpu.memory_space<hbm>>
      tpu.enqueue_dma source(%arg8 : memref<80x128xf32, #tpu.memory_space<vmem>>) target(%dma_start3A_191 : memref<80x128xf32, #tpu.memory_space<hbm>>) target_semaphore(%arg12 : memref<!tpu.dma_semaphore, #tpu.memory_space<semaphore_mem>>)
    }
    %scan3A_110 = arith.constant 12 : i32
    %add3A_111 = arith.constant 1840 : i32
    %add3A_112 = arith.addi %mul3A_98, %add3A_111 : i32
    %dma_wait3A_113 = arith.constant 0 : i32
    %dma_wait3A_114 = tpu.memref_slice %arg4[%add3A_112, %dma_wait3A_113] : memref<64000x128xf32, #tpu.memory_space<hbm>> -> memref<80x128xf32, #tpu.memory_space<hbm>>
    %dma_wait3A_115 = arith.constant 0 : i32
    %dma_wait3A_116 = tpu.memref_slice %arg4[%add3A_112, %dma_wait3A_115] : memref<64000x128xf32, #tpu.memory_space<hbm>> -> memref<80x128xf32, #tpu.memory_space<hbm>>
    tpu.wait_dma2 semaphore(%arg12 : memref<!tpu.dma_semaphore, #tpu.memory_space<semaphore_mem>>) src(%arg8 : memref<80x128xf32, #tpu.memory_space<vmem>>) dst(%dma_wait3A_116 : memref<80x128xf32, #tpu.memory_space<hbm>>)
    %dma_wait3A_117 = arith.constant 24 : i32
    %dma_wait3A_118 = arith.constant 0 : i32
    %dma_wait3A_119 = tpu.memref_slice %arg6[%dma_wait3A_117, %dma_wait3A_118] : memref<25x80xi32, #tpu.memory_space<vmem>> -> memref<1x80xi32, #tpu.memory_space<vmem>>
    %dma_wait3A_120 = tpu.memref_squeeze %dma_wait3A_119 : memref<1x80xi32, #tpu.memory_space<vmem>> -> memref<80xi32, #tpu.memory_space<vmem>>
    %dma_wait3A_121 = arith.constant 0 : i32
    %dma_wait3A_122 = arith.constant 0 : i32
    %dma_wait3A_123 = tpu.memref_slice %arg5[%dma_wait3A_121, %dma_wait3A_122] : memref<10240x128xf32, #tpu.memory_space<vmem_shared>> -> memref<10240x128xf32, #tpu.memory_space<vmem_shared>>
    tpu.wait_indirect_dma semaphore(%arg9 : memref<!tpu.dma_semaphore, #tpu.memory_space<semaphore_mem>>) src(%dma_wait3A_123 : memref<10240x128xf32, #tpu.memory_space<vmem_shared>>) dst(%arg7 : memref<80x128xf32, #tpu.memory_space<vmem>>)
    %add3A_124 = arith.constant 1920 : i32
    %add3A_125 = arith.addi %mul3A_98, %add3A_124 : i32
    %dma_start3A_126 = arith.constant 0 : i32
    %dma_start3A_127 = tpu.memref_slice %arg4[%add3A_125, %dma_start3A_126] : memref<64000x128xf32, #tpu.memory_space<hbm>> -> memref<80x128xf32, #tpu.memory_space<hbm>>
    %dma_start3A_128 = arith.constant 0 : i32
    %dma_start3A_129 = tpu.memref_slice %arg4[%add3A_125, %dma_start3A_128] : memref<64000x128xf32, #tpu.memory_space<hbm>> -> memref<80x128xf32, #tpu.memory_space<hbm>>
    tpu.enqueue_dma source(%arg7 : memref<80x128xf32, #tpu.memory_space<vmem>>) target(%dma_start3A_129 : memref<80x128xf32, #tpu.memory_space<hbm>>) target_semaphore(%arg11 : memref<!tpu.dma_semaphore, #tpu.memory_space<semaphore_mem>>)
    %add3A_130 = arith.constant 1920 : i32
    %add3A_131 = arith.addi %mul3A_98, %add3A_130 : i32
    %dma_wait3A_132 = arith.constant 0 : i32
    %dma_wait3A_133 = tpu.memref_slice %arg4[%add3A_131, %dma_wait3A_132] : memref<64000x128xf32, #tpu.memory_space<hbm>> -> memref<80x128xf32, #tpu.memory_space<hbm>>
    %dma_wait3A_134 = arith.constant 0 : i32
    %dma_wait3A_135 = tpu.memref_slice %arg4[%add3A_131, %dma_wait3A_134] : memref<64000x128xf32, #tpu.memory_space<hbm>> -> memref<80x128xf32, #tpu.memory_space<hbm>>
    tpu.wait_dma2 semaphore(%arg11 : memref<!tpu.dma_semaphore, #tpu.memory_space<semaphore_mem>>) src(%arg7 : memref<80x128xf32, #tpu.memory_space<vmem>>) dst(%dma_wait3A_135 : memref<80x128xf32, #tpu.memory_space<hbm>>)
    return
  }
}

#map = affine_map<(d0, d1) -> (0, 0)>
#map1 = affine_map<(d0, d1) -> (0, 0, 0)>
module attributes {stable_mosaic.version = 14 : i64} {
  func.func @gather(%arg0: i32, %arg1: i32, %arg2: memref<10240x128xf32, #tpu.memory_space<hbm>>, %arg3: memref<32x25x80xi32, #tpu.memory_space<hbm>>, %arg4: memref<64000x128xf32, #tpu.memory_space<hbm>>, %arg5: memref<10240x128xf32, #tpu.memory_space<vmem_shared>>, %arg6: memref<25x80xi32, #tpu.memory_space<vmem>>, %arg7: memref<80x128xf32, #tpu.memory_space<vmem>>, %arg8: memref<80x128xf32, #tpu.memory_space<vmem>>, %arg9: memref<!tpu.dma_semaphore, #tpu.memory_space<semaphore_mem>>, %arg10: memref<!tpu.dma_semaphore, #tpu.memory_space<semaphore_mem>>, %arg11: memref<!tpu.dma_semaphore, #tpu.memory_space<semaphore_mem>>, %arg12: memref<!tpu.dma_semaphore, #tpu.memory_space<semaphore_mem>>) attributes {dimension_semantics = [#tpu.dimension_semantics<core_parallel>, #tpu.dimension_semantics<subcore_parallel>], iteration_bounds = array<i64: 2, 16>, scalar_prefetch = 0 : i64, scratch_operands = 8 : i64, tpu.core_type = #tpu.core_type<sc_vector_subcore>, window_params = [{transform_indices = #map}, {transform_indices = #map1}, {transform_indices = #map}]} {
    %mul3A = arith.constant 2 : i32
    %mul3A_0 = arith.muli %arg1, %mul3A : i32
    %add3A = arith.addi %mul3A_0, %arg0 : i32
    %mul3A_1 = arith.constant 640 : i32
    %mul3A_2 = arith.muli %arg1, %mul3A_1 : i32
    %add3A_3 = arith.constant 0 : i32
    %add3A_4 = arith.addi %mul3A_2, %add3A_3 : i32
    %dma_start3A = arith.constant 0 : i32
    %dma_start3A_5 = tpu.memref_slice %arg2[%add3A_4, %dma_start3A] : memref<10240x128xf32, #tpu.memory_space<hbm>> -> memref<80x128xf32, #tpu.memory_space<hbm>>
    %dma_start3A_6 = arith.constant 0 : i32
    %dma_start3A_7 = tpu.memref_slice %arg2[%add3A_4, %dma_start3A_6] : memref<10240x128xf32, #tpu.memory_space<hbm>> -> memref<80x128xf32, #tpu.memory_space<hbm>>
    tpu.enqueue_dma source(%dma_start3A_7 : memref<80x128xf32, #tpu.memory_space<hbm>>) target(%arg7 : memref<80x128xf32, #tpu.memory_space<vmem>>) target_semaphore(%arg9 : memref<!tpu.dma_semaphore, #tpu.memory_space<semaphore_mem>>)
    %add3A_8 = arith.constant 80 : i32
    %add3A_9 = arith.addi %mul3A_2, %add3A_8 : i32
    %dma_start3A_10 = arith.constant 0 : i32
    %dma_start3A_11 = tpu.memref_slice %arg2[%add3A_9, %dma_start3A_10] : memref<10240x128xf32, #tpu.memory_space<hbm>> -> memref<80x128xf32, #tpu.memory_space<hbm>>
    %dma_start3A_12 = arith.constant 0 : i32
    %dma_start3A_13 = tpu.memref_slice %arg2[%add3A_9, %dma_start3A_12] : memref<10240x128xf32, #tpu.memory_space<hbm>> -> memref<80x128xf32, #tpu.memory_space<hbm>>
    tpu.enqueue_dma source(%dma_start3A_13 : memref<80x128xf32, #tpu.memory_space<hbm>>) target(%arg8 : memref<80x128xf32, #tpu.memory_space<vmem>>) target_semaphore(%arg10 : memref<!tpu.dma_semaphore, #tpu.memory_space<semaphore_mem>>)
    %add3A_14 = arith.constant 0 : i32
    %add3A_15 = arith.addi %mul3A_2, %add3A_14 : i32
    %dma_wait3A = arith.constant 0 : i32
    %dma_wait3A_16 = tpu.memref_slice %arg2[%add3A_15, %dma_wait3A] : memref<10240x128xf32, #tpu.memory_space<hbm>> -> memref<80x128xf32, #tpu.memory_space<hbm>>
    %dma_wait3A_17 = arith.constant 0 : i32
    %dma_wait3A_18 = tpu.memref_slice %arg2[%add3A_15, %dma_wait3A_17] : memref<10240x128xf32, #tpu.memory_space<hbm>> -> memref<80x128xf32, #tpu.memory_space<hbm>>
    tpu.wait_dma2 semaphore(%arg9 : memref<!tpu.dma_semaphore, #tpu.memory_space<semaphore_mem>>) src(%dma_wait3A_18 : memref<80x128xf32, #tpu.memory_space<hbm>>) dst(%arg7 : memref<80x128xf32, #tpu.memory_space<vmem>>)
    "tpu.region"() ({
      %run_scoped3A = tpu.sem_alloc : memref<!tpu.dma_semaphore, #tpu.memory_space<semaphore_mem>>
      %dma_start3A_136 = arith.constant 0 : i32
      %dma_start3A_137 = tpu.memref_slice %arg5[%add3A_15, %dma_start3A_136] : memref<10240x128xf32, #tpu.memory_space<vmem_shared>> -> memref<80x128xf32, #tpu.memory_space<vmem_shared>>
      %dma_start3A_138 = arith.constant 0 : i32
      %dma_start3A_139 = tpu.memref_slice %arg5[%add3A_15, %dma_start3A_138] : memref<10240x128xf32, #tpu.memory_space<vmem_shared>> -> memref<80x128xf32, #tpu.memory_space<vmem_shared>>
      tpu.enqueue_dma source(%arg7 : memref<80x128xf32, #tpu.memory_space<vmem>>) target(%dma_start3A_139 : memref<80x128xf32, #tpu.memory_space<vmem_shared>>) target_semaphore(%run_scoped3A : memref<!tpu.dma_semaphore, #tpu.memory_space<semaphore_mem>>)
      %dma_wait3A_140 = arith.constant 0 : i32
      %dma_wait3A_141 = tpu.memref_slice %arg5[%add3A_15, %dma_wait3A_140] : memref<10240x128xf32, #tpu.memory_space<vmem_shared>> -> memref<80x128xf32, #tpu.memory_space<vmem_shared>>
      %dma_wait3A_142 = arith.constant 0 : i32
      %dma_wait3A_143 = tpu.memref_slice %arg5[%add3A_15, %dma_wait3A_142] : memref<10240x128xf32, #tpu.memory_space<vmem_shared>> -> memref<80x128xf32, #tpu.memory_space<vmem_shared>>
      tpu.wait_dma2 semaphore(%run_scoped3A : memref<!tpu.dma_semaphore, #tpu.memory_space<semaphore_mem>>) src(%arg7 : memref<80x128xf32, #tpu.memory_space<vmem>>) dst(%dma_wait3A_143 : memref<80x128xf32, #tpu.memory_space<vmem_shared>>)
      tpu.yield
    }) : () -> ()
    %add3A_19 = arith.constant 160 : i32
    %add3A_20 = arith.addi %mul3A_2, %add3A_19 : i32
    %dma_start3A_21 = arith.constant 0 : i32
    %dma_start3A_22 = tpu.memref_slice %arg2[%add3A_20, %dma_start3A_21] : memref<10240x128xf32, #tpu.memory_space<hbm>> -> memref<80x128xf32, #tpu.memory_space<hbm>>
    %dma_start3A_23 = arith.constant 0 : i32
    %dma_start3A_24 = tpu.memref_slice %arg2[%add3A_20, %dma_start3A_23] : memref<10240x128xf32, #tpu.memory_space<hbm>> -> memref<80x128xf32, #tpu.memory_space<hbm>>
    tpu.enqueue_dma source(%dma_start3A_24 : memref<80x128xf32, #tpu.memory_space<hbm>>) target(%arg7 : memref<80x128xf32, #tpu.memory_space<vmem>>) target_semaphore(%arg9 : memref<!tpu.dma_semaphore, #tpu.memory_space<semaphore_mem>>)
    %add3A_25 = arith.constant 80 : i32
    %add3A_26 = arith.addi %mul3A_2, %add3A_25 : i32
    %dma_wait3A_27 = arith.constant 0 : i32
    %dma_wait3A_28 = tpu.memref_slice %arg2[%add3A_26, %dma_wait3A_27] : memref<10240x128xf32, #tpu.memory_space<hbm>> -> memref<80x128xf32, #tpu.memory_space<hbm>>
    %dma_wait3A_29 = arith.constant 0 : i32
    %dma_wait3A_30 = tpu.memref_slice %arg2[%add3A_26, %dma_wait3A_29] : memref<10240x128xf32, #tpu.memory_space<hbm>> -> memref<80x128xf32, #tpu.memory_space<hbm>>
    tpu.wait_dma2 semaphore(%arg10 : memref<!tpu.dma_semaphore, #tpu.memory_space<semaphore_mem>>) src(%dma_wait3A_30 : memref<80x128xf32, #tpu.memory_space<hbm>>) dst(%arg8 : memref<80x128xf32, #tpu.memory_space<vmem>>)
    "tpu.region"() ({
      %run_scoped3A = tpu.sem_alloc : memref<!tpu.dma_semaphore, #tpu.memory_space<semaphore_mem>>
      %dma_start3A_136 = arith.constant 0 : i32
      %dma_start3A_137 = tpu.memref_slice %arg5[%add3A_26, %dma_start3A_136] : memref<10240x128xf32, #tpu.memory_space<vmem_shared>> -> memref<80x128xf32, #tpu.memory_space<vmem_shared>>
      %dma_start3A_138 = arith.constant 0 : i32
      %dma_start3A_139 = tpu.memref_slice %arg5[%add3A_26, %dma_start3A_138] : memref<10240x128xf32, #tpu.memory_space<vmem_shared>> -> memref<80x128xf32, #tpu.memory_space<vmem_shared>>
      tpu.enqueue_dma source(%arg8 : memref<80x128xf32, #tpu.memory_space<vmem>>) target(%dma_start3A_139 : memref<80x128xf32, #tpu.memory_space<vmem_shared>>) target_semaphore(%run_scoped3A : memref<!tpu.dma_semaphore, #tpu.memory_space<semaphore_mem>>)
      %dma_wait3A_140 = arith.constant 0 : i32
      %dma_wait3A_141 = tpu.memref_slice %arg5[%add3A_26, %dma_wait3A_140] : memref<10240x128xf32, #tpu.memory_space<vmem_shared>> -> memref<80x128xf32, #tpu.memory_space<vmem_shared>>
      %dma_wait3A_142 = arith.constant 0 : i32
      %dma_wait3A_143 = tpu.memref_slice %arg5[%add3A_26, %dma_wait3A_142] : memref<10240x128xf32, #tpu.memory_space<vmem_shared>> -> memref<80x128xf32, #tpu.memory_space<vmem_shared>>
      tpu.wait_dma2 semaphore(%run_scoped3A : memref<!tpu.dma_semaphore, #tpu.memory_space<semaphore_mem>>) src(%arg8 : memref<80x128xf32, #tpu.memory_space<vmem>>) dst(%dma_wait3A_143 : memref<80x128xf32, #tpu.memory_space<vmem_shared>>)
      tpu.yield
    }) : () -> ()
    %add3A_31 = arith.constant 240 : i32
    %add3A_32 = arith.addi %mul3A_2, %add3A_31 : i32
    %dma_start3A_33 = arith.constant 0 : i32
    %dma_start3A_34 = tpu.memref_slice %arg2[%add3A_32, %dma_start3A_33] : memref<10240x128xf32, #tpu.memory_space<hbm>> -> memref<80x128xf32, #tpu.memory_space<hbm>>
    %dma_start3A_35 = arith.constant 0 : i32
    %dma_start3A_36 = tpu.memref_slice %arg2[%add3A_32, %dma_start3A_35] : memref<10240x128xf32, #tpu.memory_space<hbm>> -> memref<80x128xf32, #tpu.memory_space<hbm>>
    tpu.enqueue_dma source(%dma_start3A_36 : memref<80x128xf32, #tpu.memory_space<hbm>>) target(%arg8 : memref<80x128xf32, #tpu.memory_space<vmem>>) target_semaphore(%arg10 : memref<!tpu.dma_semaphore, #tpu.memory_space<semaphore_mem>>)
    %add3A_37 = arith.constant 160 : i32
    %add3A_38 = arith.addi %mul3A_2, %add3A_37 : i32
    %dma_wait3A_39 = arith.constant 0 : i32
    %dma_wait3A_40 = tpu.memref_slice %arg2[%add3A_38, %dma_wait3A_39] : memref<10240x128xf32, #tpu.memory_space<hbm>> -> memref<80x128xf32, #tpu.memory_space<hbm>>
    %dma_wait3A_41 = arith.constant 0 : i32
    %dma_wait3A_42 = tpu.memref_slice %arg2[%add3A_38, %dma_wait3A_41] : memref<10240x128xf32, #tpu.memory_space<hbm>> -> memref<80x128xf32, #tpu.memory_space<hbm>>
    tpu.wait_dma2 semaphore(%arg9 : memref<!tpu.dma_semaphore, #tpu.memory_space<semaphore_mem>>) src(%dma_wait3A_42 : memref<80x128xf32, #tpu.memory_space<hbm>>) dst(%arg7 : memref<80x128xf32, #tpu.memory_space<vmem>>)
    "tpu.region"() ({
      %run_scoped3A = tpu.sem_alloc : memref<!tpu.dma_semaphore, #tpu.memory_space<semaphore_mem>>
      %dma_start3A_136 = arith.constant 0 : i32
      %dma_start3A_137 = tpu.memref_slice %arg5[%add3A_38, %dma_start3A_136] : memref<10240x128xf32, #tpu.memory_space<vmem_shared>> -> memref<80x128xf32, #tpu.memory_space<vmem_shared>>
      %dma_start3A_138 = arith.constant 0 : i32
      %dma_start3A_139 = tpu.memref_slice %arg5[%add3A_38, %dma_start3A_138] : memref<10240x128xf32, #tpu.memory_space<vmem_shared>> -> memref<80x128xf32, #tpu.memory_space<vmem_shared>>
      tpu.enqueue_dma source(%arg7 : memref<80x128xf32, #tpu.memory_space<vmem>>) target(%dma_start3A_139 : memref<80x128xf32, #tpu.memory_space<vmem_shared>>) target_semaphore(%run_scoped3A : memref<!tpu.dma_semaphore, #tpu.memory_space<semaphore_mem>>)
      %dma_wait3A_140 = arith.constant 0 : i32
      %dma_wait3A_141 = tpu.memref_slice %arg5[%add3A_38, %dma_wait3A_140] : memref<10240x128xf32, #tpu.memory_space<vmem_shared>> -> memref<80x128xf32, #tpu.memory_space<vmem_shared>>
      %dma_wait3A_142 = arith.constant 0 : i32
      %dma_wait3A_143 = tpu.memref_slice %arg5[%add3A_38, %dma_wait3A_142] : memref<10240x128xf32, #tpu.memory_space<vmem_shared>> -> memref<80x128xf32, #tpu.memory_space<vmem_shared>>
      tpu.wait_dma2 semaphore(%run_scoped3A : memref<!tpu.dma_semaphore, #tpu.memory_space<semaphore_mem>>) src(%arg7 : memref<80x128xf32, #tpu.memory_space<vmem>>) dst(%dma_wait3A_143 : memref<80x128xf32, #tpu.memory_space<vmem_shared>>)
      tpu.yield
    }) : () -> ()
    %add3A_43 = arith.constant 320 : i32
    %add3A_44 = arith.addi %mul3A_2, %add3A_43 : i32
    %dma_start3A_45 = arith.constant 0 : i32
    %dma_start3A_46 = tpu.memref_slice %arg2[%add3A_44, %dma_start3A_45] : memref<10240x128xf32, #tpu.memory_space<hbm>> -> memref<80x128xf32, #tpu.memory_space<hbm>>
    %dma_start3A_47 = arith.constant 0 : i32
    %dma_start3A_48 = tpu.memref_slice %arg2[%add3A_44, %dma_start3A_47] : memref<10240x128xf32, #tpu.memory_space<hbm>> -> memref<80x128xf32, #tpu.memory_space<hbm>>
    tpu.enqueue_dma source(%dma_start3A_48 : memref<80x128xf32, #tpu.memory_space<hbm>>) target(%arg7 : memref<80x128xf32, #tpu.memory_space<vmem>>) target_semaphore(%arg9 : memref<!tpu.dma_semaphore, #tpu.memory_space<semaphore_mem>>)
    %add3A_49 = arith.constant 240 : i32
    %add3A_50 = arith.addi %mul3A_2, %add3A_49 : i32
    %dma_wait3A_51 = arith.constant 0 : i32
    %dma_wait3A_52 = tpu.memref_slice %arg2[%add3A_50, %dma_wait3A_51] : memref<10240x128xf32, #tpu.memory_space<hbm>> -> memref<80x128xf32, #tpu.memory_space<hbm>>
    %dma_wait3A_53 = arith.constant 0 : i32
    %dma_wait3A_54 = tpu.memref_slice %arg2[%add3A_50, %dma_wait3A_53] : memref<10240x128xf32, #tpu.memory_space<hbm>> -> memref<80x128xf32, #tpu.memory_space<hbm>>
    tpu.wait_dma2 semaphore(%arg10 : memref<!tpu.dma_semaphore, #tpu.memory_space<semaphore_mem>>) src(%dma_wait3A_54 : memref<80x128xf32, #tpu.memory_space<hbm>>) dst(%arg8 : memref<80x128xf32, #tpu.memory_space<vmem>>)
    "tpu.region"() ({
      %run_scoped3A = tpu.sem_alloc : memref<!tpu.dma_semaphore, #tpu.memory_space<semaphore_mem>>
      %dma_start3A_136 = arith.constant 0 : i32
      %dma_start3A_137 = tpu.memref_slice %arg5[%add3A_50, %dma_start3A_136] : memref<10240x128xf32, #tpu.memory_space<vmem_shared>> -> memref<80x128xf32, #tpu.memory_space<vmem_shared>>
      %dma_start3A_138 = arith.constant 0 : i32
      %dma_start3A_139 = tpu.memref_slice %arg5[%add3A_50, %dma_start3A_138] : memref<10240x128xf32, #tpu.memory_space<vmem_shared>> -> memref<80x128xf32, #tpu.memory_space<vmem_shared>>
      tpu.enqueue_dma source(%arg8 : memref<80x128xf32, #tpu.memory_space<vmem>>) target(%dma_start3A_139 : memref<80x128xf32, #tpu.memory_space<vmem_shared>>) target_semaphore(%run_scoped3A : memref<!tpu.dma_semaphore, #tpu.memory_space<semaphore_mem>>)
      %dma_wait3A_140 = arith.constant 0 : i32
      %dma_wait3A_141 = tpu.memref_slice %arg5[%add3A_50, %dma_wait3A_140] : memref<10240x128xf32, #tpu.memory_space<vmem_shared>> -> memref<80x128xf32, #tpu.memory_space<vmem_shared>>
      %dma_wait3A_142 = arith.constant 0 : i32
      %dma_wait3A_143 = tpu.memref_slice %arg5[%add3A_50, %dma_wait3A_142] : memref<10240x128xf32, #tpu.memory_space<vmem_shared>> -> memref<80x128xf32, #tpu.memory_space<vmem_shared>>
      tpu.wait_dma2 semaphore(%run_scoped3A : memref<!tpu.dma_semaphore, #tpu.memory_space<semaphore_mem>>) src(%arg8 : memref<80x128xf32, #tpu.memory_space<vmem>>) dst(%dma_wait3A_143 : memref<80x128xf32, #tpu.memory_space<vmem_shared>>)
      tpu.yield
    }) : () -> ()
    %add3A_55 = arith.constant 400 : i32
    %add3A_56 = arith.addi %mul3A_2, %add3A_55 : i32
    %dma_start3A_57 = arith.constant 0 : i32
    %dma_start3A_58 = tpu.memref_slice %arg2[%add3A_56, %dma_start3A_57] : memref<10240x128xf32, #tpu.memory_space<hbm>> -> memref<80x128xf32, #tpu.memory_space<hbm>>
    %dma_start3A_59 = arith.constant 0 : i32
    %dma_start3A_60 = tpu.memref_slice %arg2[%add3A_56, %dma_start3A_59] : memref<10240x128xf32, #tpu.memory_space<hbm>> -> memref<80x128xf32, #tpu.memory_space<hbm>>
    tpu.enqueue_dma source(%dma_start3A_60 : memref<80x128xf32, #tpu.memory_space<hbm>>) target(%arg8 : memref<80x128xf32, #tpu.memory_space<vmem>>) target_semaphore(%arg10 : memref<!tpu.dma_semaphore, #tpu.memory_space<semaphore_mem>>)
    %add3A_61 = arith.constant 320 : i32
    %add3A_62 = arith.addi %mul3A_2, %add3A_61 : i32
    %dma_wait3A_63 = arith.constant 0 : i32
    %dma_wait3A_64 = tpu.memref_slice %arg2[%add3A_62, %dma_wait3A_63] : memref<10240x128xf32, #tpu.memory_space<hbm>> -> memref<80x128xf32, #tpu.memory_space<hbm>>
    %dma_wait3A_65 = arith.constant 0 : i32
    %dma_wait3A_66 = tpu.memref_slice %arg2[%add3A_62, %dma_wait3A_65] : memref<10240x128xf32, #tpu.memory_space<hbm>> -> memref<80x128xf32, #tpu.memory_space<hbm>>
    tpu.wait_dma2 semaphore(%arg9 : memref<!tpu.dma_semaphore, #tpu.memory_space<semaphore_mem>>) src(%dma_wait3A_66 : memref<80x128xf32, #tpu.memory_space<hbm>>) dst(%arg7 : memref<80x128xf32, #tpu.memory_space<vmem>>)
    "tpu.region"() ({
      %run_scoped3A = tpu.sem_alloc : memref<!tpu.dma_semaphore, #tpu.memory_space<semaphore_mem>>
      %dma_start3A_136 = arith.constant 0 : i32
      %dma_start3A_137 = tpu.memref_slice %arg5[%add3A_62, %dma_start3A_136] : memref<10240x128xf32, #tpu.memory_space<vmem_shared>> -> memref<80x128xf32, #tpu.memory_space<vmem_shared>>
      %dma_start3A_138 = arith.constant 0 : i32
      %dma_start3A_139 = tpu.memref_slice %arg5[%add3A_62, %dma_start3A_138] : memref<10240x128xf32, #tpu.memory_space<vmem_shared>> -> memref<80x128xf32, #tpu.memory_space<vmem_shared>>
      tpu.enqueue_dma source(%arg7 : memref<80x128xf32, #tpu.memory_space<vmem>>) target(%dma_start3A_139 : memref<80x128xf32, #tpu.memory_space<vmem_shared>>) target_semaphore(%run_scoped3A : memref<!tpu.dma_semaphore, #tpu.memory_space<semaphore_mem>>)
      %dma_wait3A_140 = arith.constant 0 : i32
      %dma_wait3A_141 = tpu.memref_slice %arg5[%add3A_62, %dma_wait3A_140] : memref<10240x128xf32, #tpu.memory_space<vmem_shared>> -> memref<80x128xf32, #tpu.memory_space<vmem_shared>>
      %dma_wait3A_142 = arith.constant 0 : i32
      %dma_wait3A_143 = tpu.memref_slice %arg5[%add3A_62, %dma_wait3A_142] : memref<10240x128xf32, #tpu.memory_space<vmem_shared>> -> memref<80x128xf32, #tpu.memory_space<vmem_shared>>
      tpu.wait_dma2 semaphore(%run_scoped3A : memref<!tpu.dma_semaphore, #tpu.memory_space<semaphore_mem>>) src(%arg7 : memref<80x128xf32, #tpu.memory_space<vmem>>) dst(%dma_wait3A_143 : memref<80x128xf32, #tpu.memory_space<vmem_shared>>)
      tpu.yield
    }) : () -> ()
    %add3A_67 = arith.constant 480 : i32
    %add3A_68 = arith.addi %mul3A_2, %add3A_67 : i32
    %dma_start3A_69 = arith.constant 0 : i32
    %dma_start3A_70 = tpu.memref_slice %arg2[%add3A_68, %dma_start3A_69] : memref<10240x128xf32, #tpu.memory_space<hbm>> -> memref<80x128xf32, #tpu.memory_space<hbm>>
    %dma_start3A_71 = arith.constant 0 : i32
    %dma_start3A_72 = tpu.memref_slice %arg2[%add3A_68, %dma_start3A_71] : memref<10240x128xf32, #tpu.memory_space<hbm>> -> memref<80x128xf32, #tpu.memory_space<hbm>>
    tpu.enqueue_dma source(%dma_start3A_72 : memref<80x128xf32, #tpu.memory_space<hbm>>) target(%arg7 : memref<80x128xf32, #tpu.memory_space<vmem>>) target_semaphore(%arg9 : memref<!tpu.dma_semaphore, #tpu.memory_space<semaphore_mem>>)
    %add3A_73 = arith.constant 400 : i32
    %add3A_74 = arith.addi %mul3A_2, %add3A_73 : i32
    %dma_wait3A_75 = arith.constant 0 : i32
    %dma_wait3A_76 = tpu.memref_slice %arg2[%add3A_74, %dma_wait3A_75] : memref<10240x128xf32, #tpu.memory_space<hbm>> -> memref<80x128xf32, #tpu.memory_space<hbm>>
    %dma_wait3A_77 = arith.constant 0 : i32
    %dma_wait3A_78 = tpu.memref_slice %arg2[%add3A_74, %dma_wait3A_77] : memref<10240x128xf32, #tpu.memory_space<hbm>> -> memref<80x128xf32, #tpu.memory_space<hbm>>
    tpu.wait_dma2 semaphore(%arg10 : memref<!tpu.dma_semaphore, #tpu.memory_space<semaphore_mem>>) src(%dma_wait3A_78 : memref<80x128xf32, #tpu.memory_space<hbm>>) dst(%arg8 : memref<80x128xf32, #tpu.memory_space<vmem>>)
    "tpu.region"() ({
      %run_scoped3A = tpu.sem_alloc : memref<!tpu.dma_semaphore, #tpu.memory_space<semaphore_mem>>
      %dma_start3A_136 = arith.constant 0 : i32
      %dma_start3A_137 = tpu.memref_slice %arg5[%add3A_74, %dma_start3A_136] : memref<10240x128xf32, #tpu.memory_space<vmem_shared>> -> memref<80x128xf32, #tpu.memory_space<vmem_shared>>
      %dma_start3A_138 = arith.constant 0 : i32
      %dma_start3A_139 = tpu.memref_slice %arg5[%add3A_74, %dma_start3A_138] : memref<10240x128xf32, #tpu.memory_space<vmem_shared>> -> memref<80x128xf32, #tpu.memory_space<vmem_shared>>
      tpu.enqueue_dma source(%arg8 : memref<80x128xf32, #tpu.memory_space<vmem>>) target(%dma_start3A_139 : memref<80x128xf32, #tpu.memory_space<vmem_shared>>) target_semaphore(%run_scoped3A : memref<!tpu.dma_semaphore, #tpu.memory_space<semaphore_mem>>)
      %dma_wait3A_140 = arith.constant 0 : i32
      %dma_wait3A_141 = tpu.memref_slice %arg5[%add3A_74, %dma_wait3A_140] : memref<10240x128xf32, #tpu.memory_space<vmem_shared>> -> memref<80x128xf32, #tpu.memory_space<vmem_shared>>
      %dma_wait3A_142 = arith.constant 0 : i32
      %dma_wait3A_143 = tpu.memref_slice %arg5[%add3A_74, %dma_wait3A_142] : memref<10240x128xf32, #tpu.memory_space<vmem_shared>> -> memref<80x128xf32, #tpu.memory_space<vmem_shared>>
      tpu.wait_dma2 semaphore(%run_scoped3A : memref<!tpu.dma_semaphore, #tpu.memory_space<semaphore_mem>>) src(%arg8 : memref<80x128xf32, #tpu.memory_space<vmem>>) dst(%dma_wait3A_143 : memref<80x128xf32, #tpu.memory_space<vmem_shared>>)
      tpu.yield
    }) : () -> ()
    %add3A_79 = arith.constant 560 : i32
    %add3A_80 = arith.addi %mul3A_2, %add3A_79 : i32
    %dma_start3A_81 = arith.constant 0 : i32
    %dma_start3A_82 = tpu.memref_slice %arg2[%add3A_80, %dma_start3A_81] : memref<10240x128xf32, #tpu.memory_space<hbm>> -> memref<80x128xf32, #tpu.memory_space<hbm>>
    %dma_start3A_83 = arith.constant 0 : i32
    %dma_start3A_84 = tpu.memref_slice %arg2[%add3A_80, %dma_start3A_83] : memref<10240x128xf32, #tpu.memory_space<hbm>> -> memref<80x128xf32, #tpu.memory_space<hbm>>
    tpu.enqueue_dma source(%dma_start3A_84 : memref<80x128xf32, #tpu.memory_space<hbm>>) target(%arg8 : memref<80x128xf32, #tpu.memory_space<vmem>>) target_semaphore(%arg10 : memref<!tpu.dma_semaphore, #tpu.memory_space<semaphore_mem>>)
    %add3A_85 = arith.constant 480 : i32
    %add3A_86 = arith.addi %mul3A_2, %add3A_85 : i32
    %dma_wait3A_87 = arith.constant 0 : i32
    %dma_wait3A_88 = tpu.memref_slice %arg2[%add3A_86, %dma_wait3A_87] : memref<10240x128xf32, #tpu.memory_space<hbm>> -> memref<80x128xf32, #tpu.memory_space<hbm>>
    %dma_wait3A_89 = arith.constant 0 : i32
    %dma_wait3A_90 = tpu.memref_slice %arg2[%add3A_86, %dma_wait3A_89] : memref<10240x128xf32, #tpu.memory_space<hbm>> -> memref<80x128xf32, #tpu.memory_space<hbm>>
    tpu.wait_dma2 semaphore(%arg9 : memref<!tpu.dma_semaphore, #tpu.memory_space<semaphore_mem>>) src(%dma_wait3A_90 : memref<80x128xf32, #tpu.memory_space<hbm>>) dst(%arg7 : memref<80x128xf32, #tpu.memory_space<vmem>>)
    "tpu.region"() ({
      %run_scoped3A = tpu.sem_alloc : memref<!tpu.dma_semaphore, #tpu.memory_space<semaphore_mem>>
      %dma_start3A_136 = arith.constant 0 : i32
      %dma_start3A_137 = tpu.memref_slice %arg5[%add3A_86, %dma_start3A_136] : memref<10240x128xf32, #tpu.memory_space<vmem_shared>> -> memref<80x128xf32, #tpu.memory_space<vmem_shared>>
      %dma_start3A_138 = arith.constant 0 : i32
      %dma_start3A_139 = tpu.memref_slice %arg5[%add3A_86, %dma_start3A_138] : memref<10240x128xf32, #tpu.memory_space<vmem_shared>> -> memref<80x128xf32, #tpu.memory_space<vmem_shared>>
      tpu.enqueue_dma source(%arg7 : memref<80x128xf32, #tpu.memory_space<vmem>>) target(%dma_start3A_139 : memref<80x128xf32, #tpu.memory_space<vmem_shared>>) target_semaphore(%run_scoped3A : memref<!tpu.dma_semaphore, #tpu.memory_space<semaphore_mem>>)
      %dma_wait3A_140 = arith.constant 0 : i32
      %dma_wait3A_141 = tpu.memref_slice %arg5[%add3A_86, %dma_wait3A_140] : memref<10240x128xf32, #tpu.memory_space<vmem_shared>> -> memref<80x128xf32, #tpu.memory_space<vmem_shared>>
      %dma_wait3A_142 = arith.constant 0 : i32
      %dma_wait3A_143 = tpu.memref_slice %arg5[%add3A_86, %dma_wait3A_142] : memref<10240x128xf32, #tpu.memory_space<vmem_shared>> -> memref<80x128xf32, #tpu.memory_space<vmem_shared>>
      tpu.wait_dma2 semaphore(%run_scoped3A : memref<!tpu.dma_semaphore, #tpu.memory_space<semaphore_mem>>) src(%arg7 : memref<80x128xf32, #tpu.memory_space<vmem>>) dst(%dma_wait3A_143 : memref<80x128xf32, #tpu.memory_space<vmem_shared>>)
      tpu.yield
    }) : () -> ()
    %add3A_91 = arith.constant 560 : i32
    %add3A_92 = arith.addi %mul3A_2, %add3A_91 : i32
    %dma_wait3A_93 = arith.constant 0 : i32
    %dma_wait3A_94 = tpu.memref_slice %arg2[%add3A_92, %dma_wait3A_93] : memref<10240x128xf32, #tpu.memory_space<hbm>> -> memref<80x128xf32, #tpu.memory_space<hbm>>
    %dma_wait3A_95 = arith.constant 0 : i32
    %dma_wait3A_96 = tpu.memref_slice %arg2[%add3A_92, %dma_wait3A_95] : memref<10240x128xf32, #tpu.memory_space<hbm>> -> memref<80x128xf32, #tpu.memory_space<hbm>>
    tpu.wait_dma2 semaphore(%arg10 : memref<!tpu.dma_semaphore, #tpu.memory_space<semaphore_mem>>) src(%dma_wait3A_96 : memref<80x128xf32, #tpu.memory_space<hbm>>) dst(%arg8 : memref<80x128xf32, #tpu.memory_space<vmem>>)
    "tpu.region"() ({
      %run_scoped3A = tpu.sem_alloc : memref<!tpu.dma_semaphore, #tpu.memory_space<semaphore_mem>>
      %dma_start3A_136 = arith.constant 0 : i32
      %dma_start3A_137 = tpu.memref_slice %arg5[%add3A_92, %dma_start3A_136] : memref<10240x128xf32, #tpu.memory_space<vmem_shared>> -> memref<80x128xf32, #tpu.memory_space<vmem_shared>>
      %dma_start3A_138 = arith.constant 0 : i32
      %dma_start3A_139 = tpu.memref_slice %arg5[%add3A_92, %dma_start3A_138] : memref<10240x128xf32, #tpu.memory_space<vmem_shared>> -> memref<80x128xf32, #tpu.memory_space<vmem_shared>>
      tpu.enqueue_dma source(%arg8 : memref<80x128xf32, #tpu.memory_space<vmem>>) target(%dma_start3A_139 : memref<80x128xf32, #tpu.memory_space<vmem_shared>>) target_semaphore(%run_scoped3A : memref<!tpu.dma_semaphore, #tpu.memory_space<semaphore_mem>>)
      %dma_wait3A_140 = arith.constant 0 : i32
      %dma_wait3A_141 = tpu.memref_slice %arg5[%add3A_92, %dma_wait3A_140] : memref<10240x128xf32, #tpu.memory_space<vmem_shared>> -> memref<80x128xf32, #tpu.memory_space<vmem_shared>>
      %dma_wait3A_142 = arith.constant 0 : i32
      %dma_wait3A_143 = tpu.memref_slice %arg5[%add3A_92, %dma_wait3A_142] : memref<10240x128xf32, #tpu.memory_space<vmem_shared>> -> memref<80x128xf32, #tpu.memory_space<vmem_shared>>
      tpu.wait_dma2 semaphore(%run_scoped3A : memref<!tpu.dma_semaphore, #tpu.memory_space<semaphore_mem>>) src(%arg8 : memref<80x128xf32, #tpu.memory_space<vmem>>) dst(%dma_wait3A_143 : memref<80x128xf32, #tpu.memory_space<vmem_shared>>)
      tpu.yield
    }) : () -> ()
    %barrier3A = arith.constant 0 : index
    tpu.barrier barrier_id(%barrier3A)
    "tpu.region"() ({
      %run_scoped3A = tpu.sem_alloc : memref<!tpu.dma_semaphore, #tpu.memory_space<semaphore_mem>>
      %dma_start3A_136 = arith.constant 0 : i32
      %dma_start3A_137 = arith.constant 0 : i32
      %dma_start3A_138 = tpu.memref_slice %arg3[%add3A, %dma_start3A_136, %dma_start3A_137] : memref<32x25x80xi32, #tpu.memory_space<hbm>> -> memref<1x25x80xi32, #tpu.memory_space<hbm>>
      %dma_start3A_139 = tpu.memref_squeeze %dma_start3A_138 : memref<1x25x80xi32, #tpu.memory_space<hbm>> -> memref<25x80xi32, #tpu.memory_space<hbm>>
      %dma_start3A_140 = arith.constant 0 : i32
      %dma_start3A_141 = arith.constant 0 : i32
      %dma_start3A_142 = tpu.memref_slice %arg3[%add3A, %dma_start3A_140, %dma_start3A_141] : memref<32x25x80xi32, #tpu.memory_space<hbm>> -> memref<1x25x80xi32, #tpu.memory_space<hbm>>
      %dma_start3A_143 = tpu.memref_squeeze %dma_start3A_142 : memref<1x25x80xi32, #tpu.memory_space<hbm>> -> memref<25x80xi32, #tpu.memory_space<hbm>>
      tpu.enqueue_dma source(%dma_start3A_143 : memref<25x80xi32, #tpu.memory_space<hbm>>) target(%arg6 : memref<25x80xi32, #tpu.memory_space<vmem>>) target_semaphore(%run_scoped3A : memref<!tpu.dma_semaphore, #tpu.memory_space<semaphore_mem>>)
      %dma_wait3A_144 = arith.constant 0 : i32
      %dma_wait3A_145 = arith.constant 0 : i32
      %dma_wait3A_146 = tpu.memref_slice %arg3[%add3A, %dma_wait3A_144, %dma_wait3A_145] : memref<32x25x80xi32, #tpu.memory_space<hbm>> -> memref<1x25x80xi32, #tpu.memory_space<hbm>>
      %dma_wait3A_147 = tpu.memref_squeeze %dma_wait3A_146 : memref<1x25x80xi32, #tpu.memory_space<hbm>> -> memref<25x80xi32, #tpu.memory_space<hbm>>
      %dma_wait3A_148 = arith.constant 0 : i32
      %dma_wait3A_149 = arith.constant 0 : i32
      %dma_wait3A_150 = tpu.memref_slice %arg3[%add3A, %dma_wait3A_148, %dma_wait3A_149] : memref<32x25x80xi32, #tpu.memory_space<hbm>> -> memref<1x25x80xi32, #tpu.memory_space<hbm>>
      %dma_wait3A_151 = tpu.memref_squeeze %dma_wait3A_150 : memref<1x25x80xi32, #tpu.memory_space<hbm>> -> memref<25x80xi32, #tpu.memory_space<hbm>>
      tpu.wait_dma2 semaphore(%run_scoped3A : memref<!tpu.dma_semaphore, #tpu.memory_space<semaphore_mem>>) src(%dma_wait3A_151 : memref<25x80xi32, #tpu.memory_space<hbm>>) dst(%arg6 : memref<25x80xi32, #tpu.memory_space<vmem>>)
      tpu.yield
    }) : () -> ()
    %mul3A_97 = arith.constant 2000 : i32
    %mul3A_98 = arith.muli %add3A, %mul3A_97 : i32
    %dma_start3A_99 = arith.constant 0 : i32
    %dma_start3A_100 = arith.constant 0 : i32
    %dma_start3A_101 = tpu.memref_slice %arg6[%dma_start3A_99, %dma_start3A_100] : memref<25x80xi32, #tpu.memory_space<vmem>> -> memref<1x80xi32, #tpu.memory_space<vmem>>
    %dma_start3A_102 = tpu.memref_squeeze %dma_start3A_101 : memref<1x80xi32, #tpu.memory_space<vmem>> -> memref<80xi32, #tpu.memory_space<vmem>>
    %dma_start3A_103 = arith.constant 0 : i32
    %dma_start3A_104 = arith.constant 0 : i32
    %dma_start3A_105 = tpu.memref_slice %arg5[%dma_start3A_103, %dma_start3A_104] : memref<10240x128xf32, #tpu.memory_space<vmem_shared>> -> memref<10240x128xf32, #tpu.memory_space<vmem_shared>>
    tpu.enqueue_indirect_dma source(%dma_start3A_105 : memref<10240x128xf32, #tpu.memory_space<vmem_shared>>) target(%arg7 : memref<80x128xf32, #tpu.memory_space<vmem>>) offsets(%dma_start3A_102 : memref<80xi32, #tpu.memory_space<vmem>>) semaphore(%arg9 : memref<!tpu.dma_semaphore, #tpu.memory_space<semaphore_mem>>)
    %scan3A = arith.constant 0 : i32
    %scan3A_106 = arith.constant 0 : i32
    %scan3A_107 = arith.constant 12 : i32
    %scan3A_108 = arith.addi %scan3A_106, %scan3A_107 : i32
    %scan3A_109 = arith.constant 1 : i32
    scf.for %scan3A_136 = %scan3A_106 to %scan3A_108 step %scan3A_109  : i32 {
      %mul3A_137 = arith.constant 2 : i32
      %mul3A_138 = arith.muli %mul3A_137, %scan3A_136 : i32
      %gt3A = arith.constant 0 : i32
      %gt3A_139 = arith.cmpi sgt, %scan3A_136, %gt3A : i32
      %convert_element_type3A = arith.extui %gt3A_139 : i1 to i32
      %cond3A = arith.constant 0 : i32
      %cond3A_140 = arith.cmpi ne, %convert_element_type3A, %cond3A : i32
      scf.if %cond3A_140 {
        %sub3A = arith.constant 1 : i32
        %sub3A_192 = arith.subi %mul3A_138, %sub3A : i32
        %mul3A_193 = arith.constant 80 : i32
        %mul3A_194 = arith.muli %sub3A_192, %mul3A_193 : i32
        %add3A_195 = arith.addi %mul3A_98, %mul3A_194 : i32
        %dma_wait3A_196 = arith.constant 0 : i32
        %dma_wait3A_197 = tpu.memref_slice %arg4[%add3A_195, %dma_wait3A_196] : memref<64000x128xf32, #tpu.memory_space<hbm>> -> memref<80x128xf32, #tpu.memory_space<hbm>>
        %dma_wait3A_198 = arith.constant 0 : i32
        %dma_wait3A_199 = tpu.memref_slice %arg4[%add3A_195, %dma_wait3A_198] : memref<64000x128xf32, #tpu.memory_space<hbm>> -> memref<80x128xf32, #tpu.memory_space<hbm>>
        tpu.wait_dma2 semaphore(%arg12 : memref<!tpu.dma_semaphore, #tpu.memory_space<semaphore_mem>>) src(%arg8 : memref<80x128xf32, #tpu.memory_space<vmem>>) dst(%dma_wait3A_199 : memref<80x128xf32, #tpu.memory_space<hbm>>)
      } else {
      }
      %add3A_141 = arith.constant 1 : i32
      %add3A_142 = arith.addi %mul3A_138, %add3A_141 : i32
      %dma_start3A_143 = arith.constant 0 : i32
      %dma_start3A_144 = tpu.memref_slice %arg6[%add3A_142, %dma_start3A_143] : memref<25x80xi32, #tpu.memory_space<vmem>> -> memref<1x80xi32, #tpu.memory_space<vmem>>
      %dma_start3A_145 = tpu.memref_squeeze %dma_start3A_144 : memref<1x80xi32, #tpu.memory_space<vmem>> -> memref<80xi32, #tpu.memory_space<vmem>>
      %dma_start3A_146 = arith.constant 0 : i32
      %dma_start3A_147 = arith.constant 0 : i32
      %dma_start3A_148 = tpu.memref_slice %arg5[%dma_start3A_146, %dma_start3A_147] : memref<10240x128xf32, #tpu.memory_space<vmem_shared>> -> memref<10240x128xf32, #tpu.memory_space<vmem_shared>>
      tpu.enqueue_indirect_dma source(%dma_start3A_148 : memref<10240x128xf32, #tpu.memory_space<vmem_shared>>) target(%arg8 : memref<80x128xf32, #tpu.memory_space<vmem>>) offsets(%dma_start3A_145 : memref<80xi32, #tpu.memory_space<vmem>>) semaphore(%arg10 : memref<!tpu.dma_semaphore, #tpu.memory_space<semaphore_mem>>)
      %dma_wait3A_149 = arith.constant 0 : i32
      %dma_wait3A_150 = tpu.memref_slice %arg6[%mul3A_138, %dma_wait3A_149] : memref<25x80xi32, #tpu.memory_space<vmem>> -> memref<1x80xi32, #tpu.memory_space<vmem>>
      %dma_wait3A_151 = tpu.memref_squeeze %dma_wait3A_150 : memref<1x80xi32, #tpu.memory_space<vmem>> -> memref<80xi32, #tpu.memory_space<vmem>>
      %dma_wait3A_152 = arith.constant 0 : i32
      %dma_wait3A_153 = arith.constant 0 : i32
      %dma_wait3A_154 = tpu.memref_slice %arg5[%dma_wait3A_152, %dma_wait3A_153] : memref<10240x128xf32, #tpu.memory_space<vmem_shared>> -> memref<10240x128xf32, #tpu.memory_space<vmem_shared>>
      tpu.wait_indirect_dma semaphore(%arg9 : memref<!tpu.dma_semaphore, #tpu.memory_space<semaphore_mem>>) src(%dma_wait3A_154 : memref<10240x128xf32, #tpu.memory_space<vmem_shared>>) dst(%arg7 : memref<80x128xf32, #tpu.memory_space<vmem>>)
      %mul3A_155 = arith.constant 80 : i32
      %mul3A_156 = arith.muli %mul3A_138, %mul3A_155 : i32
      %add3A_157 = arith.addi %mul3A_98, %mul3A_156 : i32
      %dma_start3A_158 = arith.constant 0 : i32
      %dma_start3A_159 = tpu.memref_slice %arg4[%add3A_157, %dma_start3A_158] : memref<64000x128xf32, #tpu.memory_space<hbm>> -> memref<80x128xf32, #tpu.memory_space<hbm>>
      %dma_start3A_160 = arith.constant 0 : i32
      %dma_start3A_161 = tpu.memref_slice %arg4[%add3A_157, %dma_start3A_160] : memref<64000x128xf32, #tpu.memory_space<hbm>> -> memref<80x128xf32, #tpu.memory_space<hbm>>
      tpu.enqueue_dma source(%arg7 : memref<80x128xf32, #tpu.memory_space<vmem>>) target(%dma_start3A_161 : memref<80x128xf32, #tpu.memory_space<hbm>>) target_semaphore(%arg11 : memref<!tpu.dma_semaphore, #tpu.memory_space<semaphore_mem>>)
      %mul3A_162 = arith.constant 80 : i32
      %mul3A_163 = arith.muli %mul3A_138, %mul3A_162 : i32
      %add3A_164 = arith.addi %mul3A_98, %mul3A_163 : i32
      %dma_wait3A_165 = arith.constant 0 : i32
      %dma_wait3A_166 = tpu.memref_slice %arg4[%add3A_164, %dma_wait3A_165] : memref<64000x128xf32, #tpu.memory_space<hbm>> -> memref<80x128xf32, #tpu.memory_space<hbm>>
      %dma_wait3A_167 = arith.constant 0 : i32
      %dma_wait3A_168 = tpu.memref_slice %arg4[%add3A_164, %dma_wait3A_167] : memref<64000x128xf32, #tpu.memory_space<hbm>> -> memref<80x128xf32, #tpu.memory_space<hbm>>
      tpu.wait_dma2 semaphore(%arg11 : memref<!tpu.dma_semaphore, #tpu.memory_space<semaphore_mem>>) src(%arg7 : memref<80x128xf32, #tpu.memory_space<vmem>>) dst(%dma_wait3A_168 : memref<80x128xf32, #tpu.memory_space<hbm>>)
      %add3A_169 = arith.constant 2 : i32
      %add3A_170 = arith.addi %mul3A_138, %add3A_169 : i32
      %lt3A = arith.constant 25 : i32
      %lt3A_171 = arith.cmpi slt, %add3A_170, %lt3A : i32
      %convert_element_type3A_172 = arith.extui %lt3A_171 : i1 to i32
      %cond3A_173 = arith.constant 0 : i32
      %cond3A_174 = arith.cmpi ne, %convert_element_type3A_172, %cond3A_173 : i32
      scf.if %cond3A_174 {
        %add3A_192 = arith.constant 2 : i32
        %add3A_193 = arith.addi %mul3A_138, %add3A_192 : i32
        %dma_start3A_194 = arith.constant 0 : i32
        %dma_start3A_195 = tpu.memref_slice %arg6[%add3A_193, %dma_start3A_194] : memref<25x80xi32, #tpu.memory_space<vmem>> -> memref<1x80xi32, #tpu.memory_space<vmem>>
        %dma_start3A_196 = tpu.memref_squeeze %dma_start3A_195 : memref<1x80xi32, #tpu.memory_space<vmem>> -> memref<80xi32, #tpu.memory_space<vmem>>
        %dma_start3A_197 = arith.constant 0 : i32
        %dma_start3A_198 = arith.constant 0 : i32
        %dma_start3A_199 = tpu.memref_slice %arg5[%dma_start3A_197, %dma_start3A_198] : memref<10240x128xf32, #tpu.memory_space<vmem_shared>> -> memref<10240x128xf32, #tpu.memory_space<vmem_shared>>
        tpu.enqueue_indirect_dma source(%dma_start3A_199 : memref<10240x128xf32, #tpu.memory_space<vmem_shared>>) target(%arg7 : memref<80x128xf32, #tpu.memory_space<vmem>>) offsets(%dma_start3A_196 : memref<80xi32, #tpu.memory_space<vmem>>) semaphore(%arg9 : memref<!tpu.dma_semaphore, #tpu.memory_space<semaphore_mem>>)
      } else {
      }
      %add3A_175 = arith.constant 1 : i32
      %add3A_176 = arith.addi %mul3A_138, %add3A_175 : i32
      %dma_wait3A_177 = arith.constant 0 : i32
      %dma_wait3A_178 = tpu.memref_slice %arg6[%add3A_176, %dma_wait3A_177] : memref<25x80xi32, #tpu.memory_space<vmem>> -> memref<1x80xi32, #tpu.memory_space<vmem>>
      %dma_wait3A_179 = tpu.memref_squeeze %dma_wait3A_178 : memref<1x80xi32, #tpu.memory_space<vmem>> -> memref<80xi32, #tpu.memory_space<vmem>>
      %dma_wait3A_180 = arith.constant 0 : i32
      %dma_wait3A_181 = arith.constant 0 : i32
      %dma_wait3A_182 = tpu.memref_slice %arg5[%dma_wait3A_180, %dma_wait3A_181] : memref<10240x128xf32, #tpu.memory_space<vmem_shared>> -> memref<10240x128xf32, #tpu.memory_space<vmem_shared>>
      tpu.wait_indirect_dma semaphore(%arg10 : memref<!tpu.dma_semaphore, #tpu.memory_space<semaphore_mem>>) src(%dma_wait3A_182 : memref<10240x128xf32, #tpu.memory_space<vmem_shared>>) dst(%arg8 : memref<80x128xf32, #tpu.memory_space<vmem>>)
      %add3A_183 = arith.constant 1 : i32
      %add3A_184 = arith.addi %mul3A_138, %add3A_183 : i32
      %mul3A_185 = arith.constant 80 : i32
      %mul3A_186 = arith.muli %add3A_184, %mul3A_185 : i32
      %add3A_187 = arith.addi %mul3A_98, %mul3A_186 : i32
      %dma_start3A_188 = arith.constant 0 : i32
      %dma_start3A_189 = tpu.memref_slice %arg4[%add3A_187, %dma_start3A_188] : memref<64000x128xf32, #tpu.memory_space<hbm>> -> memref<80x128xf32, #tpu.memory_space<hbm>>
      %dma_start3A_190 = arith.constant 0 : i32
      %dma_start3A_191 = tpu.memref_slice %arg4[%add3A_187, %dma_start3A_190] : memref<64000x128xf32, #tpu.memory_space<hbm>> -> memref<80x128xf32, #tpu.memory_space<hbm>>
      tpu.enqueue_dma source(%arg8 : memref<80x128xf32, #tpu.memory_space<vmem>>) target(%dma_start3A_191 : memref<80x128xf32, #tpu.memory_space<hbm>>) target_semaphore(%arg12 : memref<!tpu.dma_semaphore, #tpu.memory_space<semaphore_mem>>)
    }
    %scan3A_110 = arith.constant 12 : i32
    %add3A_111 = arith.constant 1840 : i32
    %add3A_112 = arith.addi %mul3A_98, %add3A_111 : i32
    %dma_wait3A_113 = arith.constant 0 : i32
    %dma_wait3A_114 = tpu.memref_slice %arg4[%add3A_112, %dma_wait3A_113] : memref<64000x128xf32, #tpu.memory_space<hbm>> -> memref<80x128xf32, #tpu.memory_space<hbm>>
    %dma_wait3A_115 = arith.constant 0 : i32
    %dma_wait3A_116 = tpu.memref_slice %arg4[%add3A_112, %dma_wait3A_115] : memref<64000x128xf32, #tpu.memory_space<hbm>> -> memref<80x128xf32, #tpu.memory_space<hbm>>
    tpu.wait_dma2 semaphore(%arg12 : memref<!tpu.dma_semaphore, #tpu.memory_space<semaphore_mem>>) src(%arg8 : memref<80x128xf32, #tpu.memory_space<vmem>>) dst(%dma_wait3A_116 : memref<80x128xf32, #tpu.memory_space<hbm>>)
    %dma_wait3A_117 = arith.constant 24 : i32
    %dma_wait3A_118 = arith.constant 0 : i32
    %dma_wait3A_119 = tpu.memref_slice %arg6[%dma_wait3A_117, %dma_wait3A_118] : memref<25x80xi32, #tpu.memory_space<vmem>> -> memref<1x80xi32, #tpu.memory_space<vmem>>
    %dma_wait3A_120 = tpu.memref_squeeze %dma_wait3A_119 : memref<1x80xi32, #tpu.memory_space<vmem>> -> memref<80xi32, #tpu.memory_space<vmem>>
    %dma_wait3A_121 = arith.constant 0 : i32
    %dma_wait3A_122 = arith.constant 0 : i32
    %dma_wait3A_123 = tpu.memref_slice %arg5[%dma_wait3A_121, %dma_wait3A_122] : memref<10240x128xf32, #tpu.memory_space<vmem_shared>> -> memref<10240x128xf32, #tpu.memory_space<vmem_shared>>
    tpu.wait_indirect_dma semaphore(%arg9 : memref<!tpu.dma_semaphore, #tpu.memory_space<semaphore_mem>>) src(%dma_wait3A_123 : memref<10240x128xf32, #tpu.memory_space<vmem_shared>>) dst(%arg7 : memref<80x128xf32, #tpu.memory_space<vmem>>)
    %add3A_124 = arith.constant 1920 : i32
    %add3A_125 = arith.addi %mul3A_98, %add3A_124 : i32
    %dma_start3A_126 = arith.constant 0 : i32
    %dma_start3A_127 = tpu.memref_slice %arg4[%add3A_125, %dma_start3A_126] : memref<64000x128xf32, #tpu.memory_space<hbm>> -> memref<80x128xf32, #tpu.memory_space<hbm>>
    %dma_start3A_128 = arith.constant 0 : i32
    %dma_start3A_129 = tpu.memref_slice %arg4[%add3A_125, %dma_start3A_128] : memref<64000x128xf32, #tpu.memory_space<hbm>> -> memref<80x128xf32, #tpu.memory_space<hbm>>
    tpu.enqueue_dma source(%arg7 : memref<80x128xf32, #tpu.memory_space<vmem>>) target(%dma_start3A_129 : memref<80x128xf32, #tpu.memory_space<hbm>>) target_semaphore(%arg11 : memref<!tpu.dma_semaphore, #tpu.memory_space<semaphore_mem>>)
    %add3A_130 = arith.constant 1920 : i32
    %add3A_131 = arith.addi %mul3A_98, %add3A_130 : i32
    %dma_wait3A_132 = arith.constant 0 : i32
    %dma_wait3A_133 = tpu.memref_slice %arg4[%add3A_131, %dma_wait3A_132] : memref<64000x128xf32, #tpu.memory_space<hbm>> -> memref<80x128xf32, #tpu.memory_space<hbm>>
    %dma_wait3A_134 = arith.constant 0 : i32
    %dma_wait3A_135 = tpu.memref_slice %arg4[%add3A_131, %dma_wait3A_134] : memref<64000x128xf32, #tpu.memory_space<hbm>> -> memref<80x128xf32, #tpu.memory_space<hbm>>
    tpu.wait_dma2 semaphore(%arg11 : memref<!tpu.dma_semaphore, #tpu.memory_space<semaphore_mem>>) src(%arg7 : memref<80x128xf32, #tpu.memory_space<vmem>>) dst(%dma_wait3A_135 : memref<80x128xf32, #tpu.memory_space<hbm>>)
    return
  }
}

#map = affine_map<(d0, d1) -> (0, 0)>
#map1 = affine_map<(d0, d1) -> (0, 0, 0)>
module attributes {stable_mosaic.version = 14 : i64} {
  func.func @gather(%arg0: i32, %arg1: i32, %arg2: memref<10240x128xf32, #tpu.memory_space<hbm>>, %arg3: memref<32x25x80xi32, #tpu.memory_space<hbm>>, %arg4: memref<64000x128xf32, #tpu.memory_space<hbm>>, %arg5: memref<10240x128xf32, #tpu.memory_space<vmem_shared>>, %arg6: memref<25x80xi32, #tpu.memory_space<vmem>>, %arg7: memref<80x128xf32, #tpu.memory_space<vmem>>, %arg8: memref<80x128xf32, #tpu.memory_space<vmem>>, %arg9: memref<!tpu.dma_semaphore, #tpu.memory_space<semaphore_mem>>, %arg10: memref<!tpu.dma_semaphore, #tpu.memory_space<semaphore_mem>>, %arg11: memref<!tpu.dma_semaphore, #tpu.memory_space<semaphore_mem>>, %arg12: memref<!tpu.dma_semaphore, #tpu.memory_space<semaphore_mem>>) attributes {dimension_semantics = [#tpu.dimension_semantics<core_parallel>, #tpu.dimension_semantics<subcore_parallel>], iteration_bounds = array<i64: 2, 16>, scalar_prefetch = 0 : i64, scratch_operands = 8 : i64, tpu.core_type = #tpu.core_type<sc_vector_subcore>, window_params = [{transform_indices = #map}, {transform_indices = #map1}, {transform_indices = #map}]} {
    %mul3A = arith.constant 2 : i32
    %mul3A_0 = arith.muli %arg1, %mul3A : i32
    %add3A = arith.addi %mul3A_0, %arg0 : i32
    %mul3A_1 = arith.constant 640 : i32
    %mul3A_2 = arith.muli %arg1, %mul3A_1 : i32
    %add3A_3 = arith.constant 0 : i32
    %add3A_4 = arith.addi %mul3A_2, %add3A_3 : i32
    %dma_start3A = arith.constant 0 : i32
    %dma_start3A_5 = tpu.memref_slice %arg2[%add3A_4, %dma_start3A] : memref<10240x128xf32, #tpu.memory_space<hbm>> -> memref<80x128xf32, #tpu.memory_space<hbm>>
    %dma_start3A_6 = arith.constant 0 : i32
    %dma_start3A_7 = tpu.memref_slice %arg2[%add3A_4, %dma_start3A_6] : memref<10240x128xf32, #tpu.memory_space<hbm>> -> memref<80x128xf32, #tpu.memory_space<hbm>>
    tpu.enqueue_dma source(%dma_start3A_7 : memref<80x128xf32, #tpu.memory_space<hbm>>) target(%arg7 : memref<80x128xf32, #tpu.memory_space<vmem>>) target_semaphore(%arg9 : memref<!tpu.dma_semaphore, #tpu.memory_space<semaphore_mem>>)
    %add3A_8 = arith.constant 80 : i32
    %add3A_9 = arith.addi %mul3A_2, %add3A_8 : i32
    %dma_start3A_10 = arith.constant 0 : i32
    %dma_start3A_11 = tpu.memref_slice %arg2[%add3A_9, %dma_start3A_10] : memref<10240x128xf32, #tpu.memory_space<hbm>> -> memref<80x128xf32, #tpu.memory_space<hbm>>
    %dma_start3A_12 = arith.constant 0 : i32
    %dma_start3A_13 = tpu.memref_slice %arg2[%add3A_9, %dma_start3A_12] : memref<10240x128xf32, #tpu.memory_space<hbm>> -> memref<80x128xf32, #tpu.memory_space<hbm>>
    tpu.enqueue_dma source(%dma_start3A_13 : memref<80x128xf32, #tpu.memory_space<hbm>>) target(%arg8 : memref<80x128xf32, #tpu.memory_space<vmem>>) target_semaphore(%arg10 : memref<!tpu.dma_semaphore, #tpu.memory_space<semaphore_mem>>)
    %add3A_14 = arith.constant 0 : i32
    %add3A_15 = arith.addi %mul3A_2, %add3A_14 : i32
    %dma_wait3A = arith.constant 0 : i32
    %dma_wait3A_16 = tpu.memref_slice %arg2[%add3A_15, %dma_wait3A] : memref<10240x128xf32, #tpu.memory_space<hbm>> -> memref<80x128xf32, #tpu.memory_space<hbm>>
    %dma_wait3A_17 = arith.constant 0 : i32
    %dma_wait3A_18 = tpu.memref_slice %arg2[%add3A_15, %dma_wait3A_17] : memref<10240x128xf32, #tpu.memory_space<hbm>> -> memref<80x128xf32, #tpu.memory_space<hbm>>
    tpu.wait_dma2 semaphore(%arg9 : memref<!tpu.dma_semaphore, #tpu.memory_space<semaphore_mem>>) src(%dma_wait3A_18 : memref<80x128xf32, #tpu.memory_space<hbm>>) dst(%arg7 : memref<80x128xf32, #tpu.memory_space<vmem>>)
    "tpu.region"() ({
      %run_scoped3A = tpu.sem_alloc : memref<!tpu.dma_semaphore, #tpu.memory_space<semaphore_mem>>
      %dma_start3A_136 = arith.constant 0 : i32
      %dma_start3A_137 = tpu.memref_slice %arg5[%add3A_15, %dma_start3A_136] : memref<10240x128xf32, #tpu.memory_space<vmem_shared>> -> memref<80x128xf32, #tpu.memory_space<vmem_shared>>
      %dma_start3A_138 = arith.constant 0 : i32
      %dma_start3A_139 = tpu.memref_slice %arg5[%add3A_15, %dma_start3A_138] : memref<10240x128xf32, #tpu.memory_space<vmem_shared>> -> memref<80x128xf32, #tpu.memory_space<vmem_shared>>
      tpu.enqueue_dma source(%arg7 : memref<80x128xf32, #tpu.memory_space<vmem>>) target(%dma_start3A_139 : memref<80x128xf32, #tpu.memory_space<vmem_shared>>) target_semaphore(%run_scoped3A : memref<!tpu.dma_semaphore, #tpu.memory_space<semaphore_mem>>)
      %dma_wait3A_140 = arith.constant 0 : i32
      %dma_wait3A_141 = tpu.memref_slice %arg5[%add3A_15, %dma_wait3A_140] : memref<10240x128xf32, #tpu.memory_space<vmem_shared>> -> memref<80x128xf32, #tpu.memory_space<vmem_shared>>
      %dma_wait3A_142 = arith.constant 0 : i32
      %dma_wait3A_143 = tpu.memref_slice %arg5[%add3A_15, %dma_wait3A_142] : memref<10240x128xf32, #tpu.memory_space<vmem_shared>> -> memref<80x128xf32, #tpu.memory_space<vmem_shared>>
      tpu.wait_dma2 semaphore(%run_scoped3A : memref<!tpu.dma_semaphore, #tpu.memory_space<semaphore_mem>>) src(%arg7 : memref<80x128xf32, #tpu.memory_space<vmem>>) dst(%dma_wait3A_143 : memref<80x128xf32, #tpu.memory_space<vmem_shared>>)
      tpu.yield
    }) : () -> ()
    %add3A_19 = arith.constant 160 : i32
    %add3A_20 = arith.addi %mul3A_2, %add3A_19 : i32
    %dma_start3A_21 = arith.constant 0 : i32
    %dma_start3A_22 = tpu.memref_slice %arg2[%add3A_20, %dma_start3A_21] : memref<10240x128xf32, #tpu.memory_space<hbm>> -> memref<80x128xf32, #tpu.memory_space<hbm>>
    %dma_start3A_23 = arith.constant 0 : i32
    %dma_start3A_24 = tpu.memref_slice %arg2[%add3A_20, %dma_start3A_23] : memref<10240x128xf32, #tpu.memory_space<hbm>> -> memref<80x128xf32, #tpu.memory_space<hbm>>
    tpu.enqueue_dma source(%dma_start3A_24 : memref<80x128xf32, #tpu.memory_space<hbm>>) target(%arg7 : memref<80x128xf32, #tpu.memory_space<vmem>>) target_semaphore(%arg9 : memref<!tpu.dma_semaphore, #tpu.memory_space<semaphore_mem>>)
    %add3A_25 = arith.constant 80 : i32
    %add3A_26 = arith.addi %mul3A_2, %add3A_25 : i32
    %dma_wait3A_27 = arith.constant 0 : i32
    %dma_wait3A_28 = tpu.memref_slice %arg2[%add3A_26, %dma_wait3A_27] : memref<10240x128xf32, #tpu.memory_space<hbm>> -> memref<80x128xf32, #tpu.memory_space<hbm>>
    %dma_wait3A_29 = arith.constant 0 : i32
    %dma_wait3A_30 = tpu.memref_slice %arg2[%add3A_26, %dma_wait3A_29] : memref<10240x128xf32, #tpu.memory_space<hbm>> -> memref<80x128xf32, #tpu.memory_space<hbm>>
    tpu.wait_dma2 semaphore(%arg10 : memref<!tpu.dma_semaphore, #tpu.memory_space<semaphore_mem>>) src(%dma_wait3A_30 : memref<80x128xf32, #tpu.memory_space<hbm>>) dst(%arg8 : memref<80x128xf32, #tpu.memory_space<vmem>>)
    "tpu.region"() ({
      %run_scoped3A = tpu.sem_alloc : memref<!tpu.dma_semaphore, #tpu.memory_space<semaphore_mem>>
      %dma_start3A_136 = arith.constant 0 : i32
      %dma_start3A_137 = tpu.memref_slice %arg5[%add3A_26, %dma_start3A_136] : memref<10240x128xf32, #tpu.memory_space<vmem_shared>> -> memref<80x128xf32, #tpu.memory_space<vmem_shared>>
      %dma_start3A_138 = arith.constant 0 : i32
      %dma_start3A_139 = tpu.memref_slice %arg5[%add3A_26, %dma_start3A_138] : memref<10240x128xf32, #tpu.memory_space<vmem_shared>> -> memref<80x128xf32, #tpu.memory_space<vmem_shared>>
      tpu.enqueue_dma source(%arg8 : memref<80x128xf32, #tpu.memory_space<vmem>>) target(%dma_start3A_139 : memref<80x128xf32, #tpu.memory_space<vmem_shared>>) target_semaphore(%run_scoped3A : memref<!tpu.dma_semaphore, #tpu.memory_space<semaphore_mem>>)
      %dma_wait3A_140 = arith.constant 0 : i32
      %dma_wait3A_141 = tpu.memref_slice %arg5[%add3A_26, %dma_wait3A_140] : memref<10240x128xf32, #tpu.memory_space<vmem_shared>> -> memref<80x128xf32, #tpu.memory_space<vmem_shared>>
      %dma_wait3A_142 = arith.constant 0 : i32
      %dma_wait3A_143 = tpu.memref_slice %arg5[%add3A_26, %dma_wait3A_142] : memref<10240x128xf32, #tpu.memory_space<vmem_shared>> -> memref<80x128xf32, #tpu.memory_space<vmem_shared>>
      tpu.wait_dma2 semaphore(%run_scoped3A : memref<!tpu.dma_semaphore, #tpu.memory_space<semaphore_mem>>) src(%arg8 : memref<80x128xf32, #tpu.memory_space<vmem>>) dst(%dma_wait3A_143 : memref<80x128xf32, #tpu.memory_space<vmem_shared>>)
      tpu.yield
    }) : () -> ()
    %add3A_31 = arith.constant 240 : i32
    %add3A_32 = arith.addi %mul3A_2, %add3A_31 : i32
    %dma_start3A_33 = arith.constant 0 : i32
    %dma_start3A_34 = tpu.memref_slice %arg2[%add3A_32, %dma_start3A_33] : memref<10240x128xf32, #tpu.memory_space<hbm>> -> memref<80x128xf32, #tpu.memory_space<hbm>>
    %dma_start3A_35 = arith.constant 0 : i32
    %dma_start3A_36 = tpu.memref_slice %arg2[%add3A_32, %dma_start3A_35] : memref<10240x128xf32, #tpu.memory_space<hbm>> -> memref<80x128xf32, #tpu.memory_space<hbm>>
    tpu.enqueue_dma source(%dma_start3A_36 : memref<80x128xf32, #tpu.memory_space<hbm>>) target(%arg8 : memref<80x128xf32, #tpu.memory_space<vmem>>) target_semaphore(%arg10 : memref<!tpu.dma_semaphore, #tpu.memory_space<semaphore_mem>>)
    %add3A_37 = arith.constant 160 : i32
    %add3A_38 = arith.addi %mul3A_2, %add3A_37 : i32
    %dma_wait3A_39 = arith.constant 0 : i32
    %dma_wait3A_40 = tpu.memref_slice %arg2[%add3A_38, %dma_wait3A_39] : memref<10240x128xf32, #tpu.memory_space<hbm>> -> memref<80x128xf32, #tpu.memory_space<hbm>>
    %dma_wait3A_41 = arith.constant 0 : i32
    %dma_wait3A_42 = tpu.memref_slice %arg2[%add3A_38, %dma_wait3A_41] : memref<10240x128xf32, #tpu.memory_space<hbm>> -> memref<80x128xf32, #tpu.memory_space<hbm>>
    tpu.wait_dma2 semaphore(%arg9 : memref<!tpu.dma_semaphore, #tpu.memory_space<semaphore_mem>>) src(%dma_wait3A_42 : memref<80x128xf32, #tpu.memory_space<hbm>>) dst(%arg7 : memref<80x128xf32, #tpu.memory_space<vmem>>)
    "tpu.region"() ({
      %run_scoped3A = tpu.sem_alloc : memref<!tpu.dma_semaphore, #tpu.memory_space<semaphore_mem>>
      %dma_start3A_136 = arith.constant 0 : i32
      %dma_start3A_137 = tpu.memref_slice %arg5[%add3A_38, %dma_start3A_136] : memref<10240x128xf32, #tpu.memory_space<vmem_shared>> -> memref<80x128xf32, #tpu.memory_space<vmem_shared>>
      %dma_start3A_138 = arith.constant 0 : i32
      %dma_start3A_139 = tpu.memref_slice %arg5[%add3A_38, %dma_start3A_138] : memref<10240x128xf32, #tpu.memory_space<vmem_shared>> -> memref<80x128xf32, #tpu.memory_space<vmem_shared>>
      tpu.enqueue_dma source(%arg7 : memref<80x128xf32, #tpu.memory_space<vmem>>) target(%dma_start3A_139 : memref<80x128xf32, #tpu.memory_space<vmem_shared>>) target_semaphore(%run_scoped3A : memref<!tpu.dma_semaphore, #tpu.memory_space<semaphore_mem>>)
      %dma_wait3A_140 = arith.constant 0 : i32
      %dma_wait3A_141 = tpu.memref_slice %arg5[%add3A_38, %dma_wait3A_140] : memref<10240x128xf32, #tpu.memory_space<vmem_shared>> -> memref<80x128xf32, #tpu.memory_space<vmem_shared>>
      %dma_wait3A_142 = arith.constant 0 : i32
      %dma_wait3A_143 = tpu.memref_slice %arg5[%add3A_38, %dma_wait3A_142] : memref<10240x128xf32, #tpu.memory_space<vmem_shared>> -> memref<80x128xf32, #tpu.memory_space<vmem_shared>>
      tpu.wait_dma2 semaphore(%run_scoped3A : memref<!tpu.dma_semaphore, #tpu.memory_space<semaphore_mem>>) src(%arg7 : memref<80x128xf32, #tpu.memory_space<vmem>>) dst(%dma_wait3A_143 : memref<80x128xf32, #tpu.memory_space<vmem_shared>>)
      tpu.yield
    }) : () -> ()
    %add3A_43 = arith.constant 320 : i32
    %add3A_44 = arith.addi %mul3A_2, %add3A_43 : i32
    %dma_start3A_45 = arith.constant 0 : i32
    %dma_start3A_46 = tpu.memref_slice %arg2[%add3A_44, %dma_start3A_45] : memref<10240x128xf32, #tpu.memory_space<hbm>> -> memref<80x128xf32, #tpu.memory_space<hbm>>
    %dma_start3A_47 = arith.constant 0 : i32
    %dma_start3A_48 = tpu.memref_slice %arg2[%add3A_44, %dma_start3A_47] : memref<10240x128xf32, #tpu.memory_space<hbm>> -> memref<80x128xf32, #tpu.memory_space<hbm>>
    tpu.enqueue_dma source(%dma_start3A_48 : memref<80x128xf32, #tpu.memory_space<hbm>>) target(%arg7 : memref<80x128xf32, #tpu.memory_space<vmem>>) target_semaphore(%arg9 : memref<!tpu.dma_semaphore, #tpu.memory_space<semaphore_mem>>)
    %add3A_49 = arith.constant 240 : i32
    %add3A_50 = arith.addi %mul3A_2, %add3A_49 : i32
    %dma_wait3A_51 = arith.constant 0 : i32
    %dma_wait3A_52 = tpu.memref_slice %arg2[%add3A_50, %dma_wait3A_51] : memref<10240x128xf32, #tpu.memory_space<hbm>> -> memref<80x128xf32, #tpu.memory_space<hbm>>
    %dma_wait3A_53 = arith.constant 0 : i32
    %dma_wait3A_54 = tpu.memref_slice %arg2[%add3A_50, %dma_wait3A_53] : memref<10240x128xf32, #tpu.memory_space<hbm>> -> memref<80x128xf32, #tpu.memory_space<hbm>>
    tpu.wait_dma2 semaphore(%arg10 : memref<!tpu.dma_semaphore, #tpu.memory_space<semaphore_mem>>) src(%dma_wait3A_54 : memref<80x128xf32, #tpu.memory_space<hbm>>) dst(%arg8 : memref<80x128xf32, #tpu.memory_space<vmem>>)
    "tpu.region"() ({
      %run_scoped3A = tpu.sem_alloc : memref<!tpu.dma_semaphore, #tpu.memory_space<semaphore_mem>>
      %dma_start3A_136 = arith.constant 0 : i32
      %dma_start3A_137 = tpu.memref_slice %arg5[%add3A_50, %dma_start3A_136] : memref<10240x128xf32, #tpu.memory_space<vmem_shared>> -> memref<80x128xf32, #tpu.memory_space<vmem_shared>>
      %dma_start3A_138 = arith.constant 0 : i32
      %dma_start3A_139 = tpu.memref_slice %arg5[%add3A_50, %dma_start3A_138] : memref<10240x128xf32, #tpu.memory_space<vmem_shared>> -> memref<80x128xf32, #tpu.memory_space<vmem_shared>>
      tpu.enqueue_dma source(%arg8 : memref<80x128xf32, #tpu.memory_space<vmem>>) target(%dma_start3A_139 : memref<80x128xf32, #tpu.memory_space<vmem_shared>>) target_semaphore(%run_scoped3A : memref<!tpu.dma_semaphore, #tpu.memory_space<semaphore_mem>>)
      %dma_wait3A_140 = arith.constant 0 : i32
      %dma_wait3A_141 = tpu.memref_slice %arg5[%add3A_50, %dma_wait3A_140] : memref<10240x128xf32, #tpu.memory_space<vmem_shared>> -> memref<80x128xf32, #tpu.memory_space<vmem_shared>>
      %dma_wait3A_142 = arith.constant 0 : i32
      %dma_wait3A_143 = tpu.memref_slice %arg5[%add3A_50, %dma_wait3A_142] : memref<10240x128xf32, #tpu.memory_space<vmem_shared>> -> memref<80x128xf32, #tpu.memory_space<vmem_shared>>
      tpu.wait_dma2 semaphore(%run_scoped3A : memref<!tpu.dma_semaphore, #tpu.memory_space<semaphore_mem>>) src(%arg8 : memref<80x128xf32, #tpu.memory_space<vmem>>) dst(%dma_wait3A_143 : memref<80x128xf32, #tpu.memory_space<vmem_shared>>)
      tpu.yield
    }) : () -> ()
    %add3A_55 = arith.constant 400 : i32
    %add3A_56 = arith.addi %mul3A_2, %add3A_55 : i32
    %dma_start3A_57 = arith.constant 0 : i32
    %dma_start3A_58 = tpu.memref_slice %arg2[%add3A_56, %dma_start3A_57] : memref<10240x128xf32, #tpu.memory_space<hbm>> -> memref<80x128xf32, #tpu.memory_space<hbm>>
    %dma_start3A_59 = arith.constant 0 : i32
    %dma_start3A_60 = tpu.memref_slice %arg2[%add3A_56, %dma_start3A_59] : memref<10240x128xf32, #tpu.memory_space<hbm>> -> memref<80x128xf32, #tpu.memory_space<hbm>>
    tpu.enqueue_dma source(%dma_start3A_60 : memref<80x128xf32, #tpu.memory_space<hbm>>) target(%arg8 : memref<80x128xf32, #tpu.memory_space<vmem>>) target_semaphore(%arg10 : memref<!tpu.dma_semaphore, #tpu.memory_space<semaphore_mem>>)
    %add3A_61 = arith.constant 320 : i32
    %add3A_62 = arith.addi %mul3A_2, %add3A_61 : i32
    %dma_wait3A_63 = arith.constant 0 : i32
    %dma_wait3A_64 = tpu.memref_slice %arg2[%add3A_62, %dma_wait3A_63] : memref<10240x128xf32, #tpu.memory_space<hbm>> -> memref<80x128xf32, #tpu.memory_space<hbm>>
    %dma_wait3A_65 = arith.constant 0 : i32
    %dma_wait3A_66 = tpu.memref_slice %arg2[%add3A_62, %dma_wait3A_65] : memref<10240x128xf32, #tpu.memory_space<hbm>> -> memref<80x128xf32, #tpu.memory_space<hbm>>
    tpu.wait_dma2 semaphore(%arg9 : memref<!tpu.dma_semaphore, #tpu.memory_space<semaphore_mem>>) src(%dma_wait3A_66 : memref<80x128xf32, #tpu.memory_space<hbm>>) dst(%arg7 : memref<80x128xf32, #tpu.memory_space<vmem>>)
    "tpu.region"() ({
      %run_scoped3A = tpu.sem_alloc : memref<!tpu.dma_semaphore, #tpu.memory_space<semaphore_mem>>
      %dma_start3A_136 = arith.constant 0 : i32
      %dma_start3A_137 = tpu.memref_slice %arg5[%add3A_62, %dma_start3A_136] : memref<10240x128xf32, #tpu.memory_space<vmem_shared>> -> memref<80x128xf32, #tpu.memory_space<vmem_shared>>
      %dma_start3A_138 = arith.constant 0 : i32
      %dma_start3A_139 = tpu.memref_slice %arg5[%add3A_62, %dma_start3A_138] : memref<10240x128xf32, #tpu.memory_space<vmem_shared>> -> memref<80x128xf32, #tpu.memory_space<vmem_shared>>
      tpu.enqueue_dma source(%arg7 : memref<80x128xf32, #tpu.memory_space<vmem>>) target(%dma_start3A_139 : memref<80x128xf32, #tpu.memory_space<vmem_shared>>) target_semaphore(%run_scoped3A : memref<!tpu.dma_semaphore, #tpu.memory_space<semaphore_mem>>)
      %dma_wait3A_140 = arith.constant 0 : i32
      %dma_wait3A_141 = tpu.memref_slice %arg5[%add3A_62, %dma_wait3A_140] : memref<10240x128xf32, #tpu.memory_space<vmem_shared>> -> memref<80x128xf32, #tpu.memory_space<vmem_shared>>
      %dma_wait3A_142 = arith.constant 0 : i32
      %dma_wait3A_143 = tpu.memref_slice %arg5[%add3A_62, %dma_wait3A_142] : memref<10240x128xf32, #tpu.memory_space<vmem_shared>> -> memref<80x128xf32, #tpu.memory_space<vmem_shared>>
      tpu.wait_dma2 semaphore(%run_scoped3A : memref<!tpu.dma_semaphore, #tpu.memory_space<semaphore_mem>>) src(%arg7 : memref<80x128xf32, #tpu.memory_space<vmem>>) dst(%dma_wait3A_143 : memref<80x128xf32, #tpu.memory_space<vmem_shared>>)
      tpu.yield
    }) : () -> ()
    %add3A_67 = arith.constant 480 : i32
    %add3A_68 = arith.addi %mul3A_2, %add3A_67 : i32
    %dma_start3A_69 = arith.constant 0 : i32
    %dma_start3A_70 = tpu.memref_slice %arg2[%add3A_68, %dma_start3A_69] : memref<10240x128xf32, #tpu.memory_space<hbm>> -> memref<80x128xf32, #tpu.memory_space<hbm>>
    %dma_start3A_71 = arith.constant 0 : i32
    %dma_start3A_72 = tpu.memref_slice %arg2[%add3A_68, %dma_start3A_71] : memref<10240x128xf32, #tpu.memory_space<hbm>> -> memref<80x128xf32, #tpu.memory_space<hbm>>
    tpu.enqueue_dma source(%dma_start3A_72 : memref<80x128xf32, #tpu.memory_space<hbm>>) target(%arg7 : memref<80x128xf32, #tpu.memory_space<vmem>>) target_semaphore(%arg9 : memref<!tpu.dma_semaphore, #tpu.memory_space<semaphore_mem>>)
    %add3A_73 = arith.constant 400 : i32
    %add3A_74 = arith.addi %mul3A_2, %add3A_73 : i32
    %dma_wait3A_75 = arith.constant 0 : i32
    %dma_wait3A_76 = tpu.memref_slice %arg2[%add3A_74, %dma_wait3A_75] : memref<10240x128xf32, #tpu.memory_space<hbm>> -> memref<80x128xf32, #tpu.memory_space<hbm>>
    %dma_wait3A_77 = arith.constant 0 : i32
    %dma_wait3A_78 = tpu.memref_slice %arg2[%add3A_74, %dma_wait3A_77] : memref<10240x128xf32, #tpu.memory_space<hbm>> -> memref<80x128xf32, #tpu.memory_space<hbm>>
    tpu.wait_dma2 semaphore(%arg10 : memref<!tpu.dma_semaphore, #tpu.memory_space<semaphore_mem>>) src(%dma_wait3A_78 : memref<80x128xf32, #tpu.memory_space<hbm>>) dst(%arg8 : memref<80x128xf32, #tpu.memory_space<vmem>>)
    "tpu.region"() ({
      %run_scoped3A = tpu.sem_alloc : memref<!tpu.dma_semaphore, #tpu.memory_space<semaphore_mem>>
      %dma_start3A_136 = arith.constant 0 : i32
      %dma_start3A_137 = tpu.memref_slice %arg5[%add3A_74, %dma_start3A_136] : memref<10240x128xf32, #tpu.memory_space<vmem_shared>> -> memref<80x128xf32, #tpu.memory_space<vmem_shared>>
      %dma_start3A_138 = arith.constant 0 : i32
      %dma_start3A_139 = tpu.memref_slice %arg5[%add3A_74, %dma_start3A_138] : memref<10240x128xf32, #tpu.memory_space<vmem_shared>> -> memref<80x128xf32, #tpu.memory_space<vmem_shared>>
      tpu.enqueue_dma source(%arg8 : memref<80x128xf32, #tpu.memory_space<vmem>>) target(%dma_start3A_139 : memref<80x128xf32, #tpu.memory_space<vmem_shared>>) target_semaphore(%run_scoped3A : memref<!tpu.dma_semaphore, #tpu.memory_space<semaphore_mem>>)
      %dma_wait3A_140 = arith.constant 0 : i32
      %dma_wait3A_141 = tpu.memref_slice %arg5[%add3A_74, %dma_wait3A_140] : memref<10240x128xf32, #tpu.memory_space<vmem_shared>> -> memref<80x128xf32, #tpu.memory_space<vmem_shared>>
      %dma_wait3A_142 = arith.constant 0 : i32
      %dma_wait3A_143 = tpu.memref_slice %arg5[%add3A_74, %dma_wait3A_142] : memref<10240x128xf32, #tpu.memory_space<vmem_shared>> -> memref<80x128xf32, #tpu.memory_space<vmem_shared>>
      tpu.wait_dma2 semaphore(%run_scoped3A : memref<!tpu.dma_semaphore, #tpu.memory_space<semaphore_mem>>) src(%arg8 : memref<80x128xf32, #tpu.memory_space<vmem>>) dst(%dma_wait3A_143 : memref<80x128xf32, #tpu.memory_space<vmem_shared>>)
      tpu.yield
    }) : () -> ()
    %add3A_79 = arith.constant 560 : i32
    %add3A_80 = arith.addi %mul3A_2, %add3A_79 : i32
    %dma_start3A_81 = arith.constant 0 : i32
    %dma_start3A_82 = tpu.memref_slice %arg2[%add3A_80, %dma_start3A_81] : memref<10240x128xf32, #tpu.memory_space<hbm>> -> memref<80x128xf32, #tpu.memory_space<hbm>>
    %dma_start3A_83 = arith.constant 0 : i32
    %dma_start3A_84 = tpu.memref_slice %arg2[%add3A_80, %dma_start3A_83] : memref<10240x128xf32, #tpu.memory_space<hbm>> -> memref<80x128xf32, #tpu.memory_space<hbm>>
    tpu.enqueue_dma source(%dma_start3A_84 : memref<80x128xf32, #tpu.memory_space<hbm>>) target(%arg8 : memref<80x128xf32, #tpu.memory_space<vmem>>) target_semaphore(%arg10 : memref<!tpu.dma_semaphore, #tpu.memory_space<semaphore_mem>>)
    %add3A_85 = arith.constant 480 : i32
    %add3A_86 = arith.addi %mul3A_2, %add3A_85 : i32
    %dma_wait3A_87 = arith.constant 0 : i32
    %dma_wait3A_88 = tpu.memref_slice %arg2[%add3A_86, %dma_wait3A_87] : memref<10240x128xf32, #tpu.memory_space<hbm>> -> memref<80x128xf32, #tpu.memory_space<hbm>>
    %dma_wait3A_89 = arith.constant 0 : i32
    %dma_wait3A_90 = tpu.memref_slice %arg2[%add3A_86, %dma_wait3A_89] : memref<10240x128xf32, #tpu.memory_space<hbm>> -> memref<80x128xf32, #tpu.memory_space<hbm>>
    tpu.wait_dma2 semaphore(%arg9 : memref<!tpu.dma_semaphore, #tpu.memory_space<semaphore_mem>>) src(%dma_wait3A_90 : memref<80x128xf32, #tpu.memory_space<hbm>>) dst(%arg7 : memref<80x128xf32, #tpu.memory_space<vmem>>)
    "tpu.region"() ({
      %run_scoped3A = tpu.sem_alloc : memref<!tpu.dma_semaphore, #tpu.memory_space<semaphore_mem>>
      %dma_start3A_136 = arith.constant 0 : i32
      %dma_start3A_137 = tpu.memref_slice %arg5[%add3A_86, %dma_start3A_136] : memref<10240x128xf32, #tpu.memory_space<vmem_shared>> -> memref<80x128xf32, #tpu.memory_space<vmem_shared>>
      %dma_start3A_138 = arith.constant 0 : i32
      %dma_start3A_139 = tpu.memref_slice %arg5[%add3A_86, %dma_start3A_138] : memref<10240x128xf32, #tpu.memory_space<vmem_shared>> -> memref<80x128xf32, #tpu.memory_space<vmem_shared>>
      tpu.enqueue_dma source(%arg7 : memref<80x128xf32, #tpu.memory_space<vmem>>) target(%dma_start3A_139 : memref<80x128xf32, #tpu.memory_space<vmem_shared>>) target_semaphore(%run_scoped3A : memref<!tpu.dma_semaphore, #tpu.memory_space<semaphore_mem>>)
      %dma_wait3A_140 = arith.constant 0 : i32
      %dma_wait3A_141 = tpu.memref_slice %arg5[%add3A_86, %dma_wait3A_140] : memref<10240x128xf32, #tpu.memory_space<vmem_shared>> -> memref<80x128xf32, #tpu.memory_space<vmem_shared>>
      %dma_wait3A_142 = arith.constant 0 : i32
      %dma_wait3A_143 = tpu.memref_slice %arg5[%add3A_86, %dma_wait3A_142] : memref<10240x128xf32, #tpu.memory_space<vmem_shared>> -> memref<80x128xf32, #tpu.memory_space<vmem_shared>>
      tpu.wait_dma2 semaphore(%run_scoped3A : memref<!tpu.dma_semaphore, #tpu.memory_space<semaphore_mem>>) src(%arg7 : memref<80x128xf32, #tpu.memory_space<vmem>>) dst(%dma_wait3A_143 : memref<80x128xf32, #tpu.memory_space<vmem_shared>>)
      tpu.yield
    }) : () -> ()
    %add3A_91 = arith.constant 560 : i32
    %add3A_92 = arith.addi %mul3A_2, %add3A_91 : i32
    %dma_wait3A_93 = arith.constant 0 : i32
    %dma_wait3A_94 = tpu.memref_slice %arg2[%add3A_92, %dma_wait3A_93] : memref<10240x128xf32, #tpu.memory_space<hbm>> -> memref<80x128xf32, #tpu.memory_space<hbm>>
    %dma_wait3A_95 = arith.constant 0 : i32
    %dma_wait3A_96 = tpu.memref_slice %arg2[%add3A_92, %dma_wait3A_95] : memref<10240x128xf32, #tpu.memory_space<hbm>> -> memref<80x128xf32, #tpu.memory_space<hbm>>
    tpu.wait_dma2 semaphore(%arg10 : memref<!tpu.dma_semaphore, #tpu.memory_space<semaphore_mem>>) src(%dma_wait3A_96 : memref<80x128xf32, #tpu.memory_space<hbm>>) dst(%arg8 : memref<80x128xf32, #tpu.memory_space<vmem>>)
    "tpu.region"() ({
      %run_scoped3A = tpu.sem_alloc : memref<!tpu.dma_semaphore, #tpu.memory_space<semaphore_mem>>
      %dma_start3A_136 = arith.constant 0 : i32
      %dma_start3A_137 = tpu.memref_slice %arg5[%add3A_92, %dma_start3A_136] : memref<10240x128xf32, #tpu.memory_space<vmem_shared>> -> memref<80x128xf32, #tpu.memory_space<vmem_shared>>
      %dma_start3A_138 = arith.constant 0 : i32
      %dma_start3A_139 = tpu.memref_slice %arg5[%add3A_92, %dma_start3A_138] : memref<10240x128xf32, #tpu.memory_space<vmem_shared>> -> memref<80x128xf32, #tpu.memory_space<vmem_shared>>
      tpu.enqueue_dma source(%arg8 : memref<80x128xf32, #tpu.memory_space<vmem>>) target(%dma_start3A_139 : memref<80x128xf32, #tpu.memory_space<vmem_shared>>) target_semaphore(%run_scoped3A : memref<!tpu.dma_semaphore, #tpu.memory_space<semaphore_mem>>)
      %dma_wait3A_140 = arith.constant 0 : i32
      %dma_wait3A_141 = tpu.memref_slice %arg5[%add3A_92, %dma_wait3A_140] : memref<10240x128xf32, #tpu.memory_space<vmem_shared>> -> memref<80x128xf32, #tpu.memory_space<vmem_shared>>
      %dma_wait3A_142 = arith.constant 0 : i32
      %dma_wait3A_143 = tpu.memref_slice %arg5[%add3A_92, %dma_wait3A_142] : memref<10240x128xf32, #tpu.memory_space<vmem_shared>> -> memref<80x128xf32, #tpu.memory_space<vmem_shared>>
      tpu.wait_dma2 semaphore(%run_scoped3A : memref<!tpu.dma_semaphore, #tpu.memory_space<semaphore_mem>>) src(%arg8 : memref<80x128xf32, #tpu.memory_space<vmem>>) dst(%dma_wait3A_143 : memref<80x128xf32, #tpu.memory_space<vmem_shared>>)
      tpu.yield
    }) : () -> ()
    %barrier3A = arith.constant 0 : index
    tpu.barrier barrier_id(%barrier3A)
    "tpu.region"() ({
      %run_scoped3A = tpu.sem_alloc : memref<!tpu.dma_semaphore, #tpu.memory_space<semaphore_mem>>
      %dma_start3A_136 = arith.constant 0 : i32
      %dma_start3A_137 = arith.constant 0 : i32
      %dma_start3A_138 = tpu.memref_slice %arg3[%add3A, %dma_start3A_136, %dma_start3A_137] : memref<32x25x80xi32, #tpu.memory_space<hbm>> -> memref<1x25x80xi32, #tpu.memory_space<hbm>>
      %dma_start3A_139 = tpu.memref_squeeze %dma_start3A_138 : memref<1x25x80xi32, #tpu.memory_space<hbm>> -> memref<25x80xi32, #tpu.memory_space<hbm>>
      %dma_start3A_140 = arith.constant 0 : i32
      %dma_start3A_141 = arith.constant 0 : i32
      %dma_start3A_142 = tpu.memref_slice %arg3[%add3A, %dma_start3A_140, %dma_start3A_141] : memref<32x25x80xi32, #tpu.memory_space<hbm>> -> memref<1x25x80xi32, #tpu.memory_space<hbm>>
      %dma_start3A_143 = tpu.memref_squeeze %dma_start3A_142 : memref<1x25x80xi32, #tpu.memory_space<hbm>> -> memref<25x80xi32, #tpu.memory_space<hbm>>
      tpu.enqueue_dma source(%dma_start3A_143 : memref<25x80xi32, #tpu.memory_space<hbm>>) target(%arg6 : memref<25x80xi32, #tpu.memory_space<vmem>>) target_semaphore(%run_scoped3A : memref<!tpu.dma_semaphore, #tpu.memory_space<semaphore_mem>>)
      %dma_wait3A_144 = arith.constant 0 : i32
      %dma_wait3A_145 = arith.constant 0 : i32
      %dma_wait3A_146 = tpu.memref_slice %arg3[%add3A, %dma_wait3A_144, %dma_wait3A_145] : memref<32x25x80xi32, #tpu.memory_space<hbm>> -> memref<1x25x80xi32, #tpu.memory_space<hbm>>
      %dma_wait3A_147 = tpu.memref_squeeze %dma_wait3A_146 : memref<1x25x80xi32, #tpu.memory_space<hbm>> -> memref<25x80xi32, #tpu.memory_space<hbm>>
      %dma_wait3A_148 = arith.constant 0 : i32
      %dma_wait3A_149 = arith.constant 0 : i32
      %dma_wait3A_150 = tpu.memref_slice %arg3[%add3A, %dma_wait3A_148, %dma_wait3A_149] : memref<32x25x80xi32, #tpu.memory_space<hbm>> -> memref<1x25x80xi32, #tpu.memory_space<hbm>>
      %dma_wait3A_151 = tpu.memref_squeeze %dma_wait3A_150 : memref<1x25x80xi32, #tpu.memory_space<hbm>> -> memref<25x80xi32, #tpu.memory_space<hbm>>
      tpu.wait_dma2 semaphore(%run_scoped3A : memref<!tpu.dma_semaphore, #tpu.memory_space<semaphore_mem>>) src(%dma_wait3A_151 : memref<25x80xi32, #tpu.memory_space<hbm>>) dst(%arg6 : memref<25x80xi32, #tpu.memory_space<vmem>>)
      tpu.yield
    }) : () -> ()
    %mul3A_97 = arith.constant 2000 : i32
    %mul3A_98 = arith.muli %add3A, %mul3A_97 : i32
    %dma_start3A_99 = arith.constant 0 : i32
    %dma_start3A_100 = arith.constant 0 : i32
    %dma_start3A_101 = tpu.memref_slice %arg6[%dma_start3A_99, %dma_start3A_100] : memref<25x80xi32, #tpu.memory_space<vmem>> -> memref<1x80xi32, #tpu.memory_space<vmem>>
    %dma_start3A_102 = tpu.memref_squeeze %dma_start3A_101 : memref<1x80xi32, #tpu.memory_space<vmem>> -> memref<80xi32, #tpu.memory_space<vmem>>
    %dma_start3A_103 = arith.constant 0 : i32
    %dma_start3A_104 = arith.constant 0 : i32
    %dma_start3A_105 = tpu.memref_slice %arg5[%dma_start3A_103, %dma_start3A_104] : memref<10240x128xf32, #tpu.memory_space<vmem_shared>> -> memref<10240x128xf32, #tpu.memory_space<vmem_shared>>
    tpu.enqueue_indirect_dma source(%dma_start3A_105 : memref<10240x128xf32, #tpu.memory_space<vmem_shared>>) target(%arg7 : memref<80x128xf32, #tpu.memory_space<vmem>>) offsets(%dma_start3A_102 : memref<80xi32, #tpu.memory_space<vmem>>) semaphore(%arg9 : memref<!tpu.dma_semaphore, #tpu.memory_space<semaphore_mem>>)
    %scan3A = arith.constant 0 : i32
    %scan3A_106 = arith.constant 0 : i32
    %scan3A_107 = arith.constant 12 : i32
    %scan3A_108 = arith.addi %scan3A_106, %scan3A_107 : i32
    %scan3A_109 = arith.constant 1 : i32
    scf.for %scan3A_136 = %scan3A_106 to %scan3A_108 step %scan3A_109  : i32 {
      %mul3A_137 = arith.constant 2 : i32
      %mul3A_138 = arith.muli %mul3A_137, %scan3A_136 : i32
      %gt3A = arith.constant 0 : i32
      %gt3A_139 = arith.cmpi sgt, %scan3A_136, %gt3A : i32
      %convert_element_type3A = arith.extui %gt3A_139 : i1 to i32
      %cond3A = arith.constant 0 : i32
      %cond3A_140 = arith.cmpi ne, %convert_element_type3A, %cond3A : i32
      scf.if %cond3A_140 {
        %sub3A = arith.constant 1 : i32
        %sub3A_192 = arith.subi %mul3A_138, %sub3A : i32
        %mul3A_193 = arith.constant 80 : i32
        %mul3A_194 = arith.muli %sub3A_192, %mul3A_193 : i32
        %add3A_195 = arith.addi %mul3A_98, %mul3A_194 : i32
        %dma_wait3A_196 = arith.constant 0 : i32
        %dma_wait3A_197 = tpu.memref_slice %arg4[%add3A_195, %dma_wait3A_196] : memref<64000x128xf32, #tpu.memory_space<hbm>> -> memref<80x128xf32, #tpu.memory_space<hbm>>
        %dma_wait3A_198 = arith.constant 0 : i32
        %dma_wait3A_199 = tpu.memref_slice %arg4[%add3A_195, %dma_wait3A_198] : memref<64000x128xf32, #tpu.memory_space<hbm>> -> memref<80x128xf32, #tpu.memory_space<hbm>>
        tpu.wait_dma2 semaphore(%arg12 : memref<!tpu.dma_semaphore, #tpu.memory_space<semaphore_mem>>) src(%arg8 : memref<80x128xf32, #tpu.memory_space<vmem>>) dst(%dma_wait3A_199 : memref<80x128xf32, #tpu.memory_space<hbm>>)
      } else {
      }
      %add3A_141 = arith.constant 1 : i32
      %add3A_142 = arith.addi %mul3A_138, %add3A_141 : i32
      %dma_start3A_143 = arith.constant 0 : i32
      %dma_start3A_144 = tpu.memref_slice %arg6[%add3A_142, %dma_start3A_143] : memref<25x80xi32, #tpu.memory_space<vmem>> -> memref<1x80xi32, #tpu.memory_space<vmem>>
      %dma_start3A_145 = tpu.memref_squeeze %dma_start3A_144 : memref<1x80xi32, #tpu.memory_space<vmem>> -> memref<80xi32, #tpu.memory_space<vmem>>
      %dma_start3A_146 = arith.constant 0 : i32
      %dma_start3A_147 = arith.constant 0 : i32
      %dma_start3A_148 = tpu.memref_slice %arg5[%dma_start3A_146, %dma_start3A_147] : memref<10240x128xf32, #tpu.memory_space<vmem_shared>> -> memref<10240x128xf32, #tpu.memory_space<vmem_shared>>
      tpu.enqueue_indirect_dma source(%dma_start3A_148 : memref<10240x128xf32, #tpu.memory_space<vmem_shared>>) target(%arg8 : memref<80x128xf32, #tpu.memory_space<vmem>>) offsets(%dma_start3A_145 : memref<80xi32, #tpu.memory_space<vmem>>) semaphore(%arg10 : memref<!tpu.dma_semaphore, #tpu.memory_space<semaphore_mem>>)
      %dma_wait3A_149 = arith.constant 0 : i32
      %dma_wait3A_150 = tpu.memref_slice %arg6[%mul3A_138, %dma_wait3A_149] : memref<25x80xi32, #tpu.memory_space<vmem>> -> memref<1x80xi32, #tpu.memory_space<vmem>>
      %dma_wait3A_151 = tpu.memref_squeeze %dma_wait3A_150 : memref<1x80xi32, #tpu.memory_space<vmem>> -> memref<80xi32, #tpu.memory_space<vmem>>
      %dma_wait3A_152 = arith.constant 0 : i32
      %dma_wait3A_153 = arith.constant 0 : i32
      %dma_wait3A_154 = tpu.memref_slice %arg5[%dma_wait3A_152, %dma_wait3A_153] : memref<10240x128xf32, #tpu.memory_space<vmem_shared>> -> memref<10240x128xf32, #tpu.memory_space<vmem_shared>>
      tpu.wait_indirect_dma semaphore(%arg9 : memref<!tpu.dma_semaphore, #tpu.memory_space<semaphore_mem>>) src(%dma_wait3A_154 : memref<10240x128xf32, #tpu.memory_space<vmem_shared>>) dst(%arg7 : memref<80x128xf32, #tpu.memory_space<vmem>>)
      %mul3A_155 = arith.constant 80 : i32
      %mul3A_156 = arith.muli %mul3A_138, %mul3A_155 : i32
      %add3A_157 = arith.addi %mul3A_98, %mul3A_156 : i32
      %dma_start3A_158 = arith.constant 0 : i32
      %dma_start3A_159 = tpu.memref_slice %arg4[%add3A_157, %dma_start3A_158] : memref<64000x128xf32, #tpu.memory_space<hbm>> -> memref<80x128xf32, #tpu.memory_space<hbm>>
      %dma_start3A_160 = arith.constant 0 : i32
      %dma_start3A_161 = tpu.memref_slice %arg4[%add3A_157, %dma_start3A_160] : memref<64000x128xf32, #tpu.memory_space<hbm>> -> memref<80x128xf32, #tpu.memory_space<hbm>>
      tpu.enqueue_dma source(%arg7 : memref<80x128xf32, #tpu.memory_space<vmem>>) target(%dma_start3A_161 : memref<80x128xf32, #tpu.memory_space<hbm>>) target_semaphore(%arg11 : memref<!tpu.dma_semaphore, #tpu.memory_space<semaphore_mem>>)
      %mul3A_162 = arith.constant 80 : i32
      %mul3A_163 = arith.muli %mul3A_138, %mul3A_162 : i32
      %add3A_164 = arith.addi %mul3A_98, %mul3A_163 : i32
      %dma_wait3A_165 = arith.constant 0 : i32
      %dma_wait3A_166 = tpu.memref_slice %arg4[%add3A_164, %dma_wait3A_165] : memref<64000x128xf32, #tpu.memory_space<hbm>> -> memref<80x128xf32, #tpu.memory_space<hbm>>
      %dma_wait3A_167 = arith.constant 0 : i32
      %dma_wait3A_168 = tpu.memref_slice %arg4[%add3A_164, %dma_wait3A_167] : memref<64000x128xf32, #tpu.memory_space<hbm>> -> memref<80x128xf32, #tpu.memory_space<hbm>>
      tpu.wait_dma2 semaphore(%arg11 : memref<!tpu.dma_semaphore, #tpu.memory_space<semaphore_mem>>) src(%arg7 : memref<80x128xf32, #tpu.memory_space<vmem>>) dst(%dma_wait3A_168 : memref<80x128xf32, #tpu.memory_space<hbm>>)
      %add3A_169 = arith.constant 2 : i32
      %add3A_170 = arith.addi %mul3A_138, %add3A_169 : i32
      %lt3A = arith.constant 25 : i32
      %lt3A_171 = arith.cmpi slt, %add3A_170, %lt3A : i32
      %convert_element_type3A_172 = arith.extui %lt3A_171 : i1 to i32
      %cond3A_173 = arith.constant 0 : i32
      %cond3A_174 = arith.cmpi ne, %convert_element_type3A_172, %cond3A_173 : i32
      scf.if %cond3A_174 {
        %add3A_192 = arith.constant 2 : i32
        %add3A_193 = arith.addi %mul3A_138, %add3A_192 : i32
        %dma_start3A_194 = arith.constant 0 : i32
        %dma_start3A_195 = tpu.memref_slice %arg6[%add3A_193, %dma_start3A_194] : memref<25x80xi32, #tpu.memory_space<vmem>> -> memref<1x80xi32, #tpu.memory_space<vmem>>
        %dma_start3A_196 = tpu.memref_squeeze %dma_start3A_195 : memref<1x80xi32, #tpu.memory_space<vmem>> -> memref<80xi32, #tpu.memory_space<vmem>>
        %dma_start3A_197 = arith.constant 0 : i32
        %dma_start3A_198 = arith.constant 0 : i32
        %dma_start3A_199 = tpu.memref_slice %arg5[%dma_start3A_197, %dma_start3A_198] : memref<10240x128xf32, #tpu.memory_space<vmem_shared>> -> memref<10240x128xf32, #tpu.memory_space<vmem_shared>>
        tpu.enqueue_indirect_dma source(%dma_start3A_199 : memref<10240x128xf32, #tpu.memory_space<vmem_shared>>) target(%arg7 : memref<80x128xf32, #tpu.memory_space<vmem>>) offsets(%dma_start3A_196 : memref<80xi32, #tpu.memory_space<vmem>>) semaphore(%arg9 : memref<!tpu.dma_semaphore, #tpu.memory_space<semaphore_mem>>)
      } else {
      }
      %add3A_175 = arith.constant 1 : i32
      %add3A_176 = arith.addi %mul3A_138, %add3A_175 : i32
      %dma_wait3A_177 = arith.constant 0 : i32
      %dma_wait3A_178 = tpu.memref_slice %arg6[%add3A_176, %dma_wait3A_177] : memref<25x80xi32, #tpu.memory_space<vmem>> -> memref<1x80xi32, #tpu.memory_space<vmem>>
      %dma_wait3A_179 = tpu.memref_squeeze %dma_wait3A_178 : memref<1x80xi32, #tpu.memory_space<vmem>> -> memref<80xi32, #tpu.memory_space<vmem>>
      %dma_wait3A_180 = arith.constant 0 : i32
      %dma_wait3A_181 = arith.constant 0 : i32
      %dma_wait3A_182 = tpu.memref_slice %arg5[%dma_wait3A_180, %dma_wait3A_181] : memref<10240x128xf32, #tpu.memory_space<vmem_shared>> -> memref<10240x128xf32, #tpu.memory_space<vmem_shared>>
      tpu.wait_indirect_dma semaphore(%arg10 : memref<!tpu.dma_semaphore, #tpu.memory_space<semaphore_mem>>) src(%dma_wait3A_182 : memref<10240x128xf32, #tpu.memory_space<vmem_shared>>) dst(%arg8 : memref<80x128xf32, #tpu.memory_space<vmem>>)
      %add3A_183 = arith.constant 1 : i32
      %add3A_184 = arith.addi %mul3A_138, %add3A_183 : i32
      %mul3A_185 = arith.constant 80 : i32
      %mul3A_186 = arith.muli %add3A_184, %mul3A_185 : i32
      %add3A_187 = arith.addi %mul3A_98, %mul3A_186 : i32
      %dma_start3A_188 = arith.constant 0 : i32
      %dma_start3A_189 = tpu.memref_slice %arg4[%add3A_187, %dma_start3A_188] : memref<64000x128xf32, #tpu.memory_space<hbm>> -> memref<80x128xf32, #tpu.memory_space<hbm>>
      %dma_start3A_190 = arith.constant 0 : i32
      %dma_start3A_191 = tpu.memref_slice %arg4[%add3A_187, %dma_start3A_190] : memref<64000x128xf32, #tpu.memory_space<hbm>> -> memref<80x128xf32, #tpu.memory_space<hbm>>
      tpu.enqueue_dma source(%arg8 : memref<80x128xf32, #tpu.memory_space<vmem>>) target(%dma_start3A_191 : memref<80x128xf32, #tpu.memory_space<hbm>>) target_semaphore(%arg12 : memref<!tpu.dma_semaphore, #tpu.memory_space<semaphore_mem>>)
    }
    %scan3A_110 = arith.constant 12 : i32
    %add3A_111 = arith.constant 1840 : i32
    %add3A_112 = arith.addi %mul3A_98, %add3A_111 : i32
    %dma_wait3A_113 = arith.constant 0 : i32
    %dma_wait3A_114 = tpu.memref_slice %arg4[%add3A_112, %dma_wait3A_113] : memref<64000x128xf32, #tpu.memory_space<hbm>> -> memref<80x128xf32, #tpu.memory_space<hbm>>
    %dma_wait3A_115 = arith.constant 0 : i32
    %dma_wait3A_116 = tpu.memref_slice %arg4[%add3A_112, %dma_wait3A_115] : memref<64000x128xf32, #tpu.memory_space<hbm>> -> memref<80x128xf32, #tpu.memory_space<hbm>>
    tpu.wait_dma2 semaphore(%arg12 : memref<!tpu.dma_semaphore, #tpu.memory_space<semaphore_mem>>) src(%arg8 : memref<80x128xf32, #tpu.memory_space<vmem>>) dst(%dma_wait3A_116 : memref<80x128xf32, #tpu.memory_space<hbm>>)
    %dma_wait3A_117 = arith.constant 24 : i32
    %dma_wait3A_118 = arith.constant 0 : i32
    %dma_wait3A_119 = tpu.memref_slice %arg6[%dma_wait3A_117, %dma_wait3A_118] : memref<25x80xi32, #tpu.memory_space<vmem>> -> memref<1x80xi32, #tpu.memory_space<vmem>>
    %dma_wait3A_120 = tpu.memref_squeeze %dma_wait3A_119 : memref<1x80xi32, #tpu.memory_space<vmem>> -> memref<80xi32, #tpu.memory_space<vmem>>
    %dma_wait3A_121 = arith.constant 0 : i32
    %dma_wait3A_122 = arith.constant 0 : i32
    %dma_wait3A_123 = tpu.memref_slice %arg5[%dma_wait3A_121, %dma_wait3A_122] : memref<10240x128xf32, #tpu.memory_space<vmem_shared>> -> memref<10240x128xf32, #tpu.memory_space<vmem_shared>>
    tpu.wait_indirect_dma semaphore(%arg9 : memref<!tpu.dma_semaphore, #tpu.memory_space<semaphore_mem>>) src(%dma_wait3A_123 : memref<10240x128xf32, #tpu.memory_space<vmem_shared>>) dst(%arg7 : memref<80x128xf32, #tpu.memory_space<vmem>>)
    %add3A_124 = arith.constant 1920 : i32
    %add3A_125 = arith.addi %mul3A_98, %add3A_124 : i32
    %dma_start3A_126 = arith.constant 0 : i32
    %dma_start3A_127 = tpu.memref_slice %arg4[%add3A_125, %dma_start3A_126] : memref<64000x128xf32, #tpu.memory_space<hbm>> -> memref<80x128xf32, #tpu.memory_space<hbm>>
    %dma_start3A_128 = arith.constant 0 : i32
    %dma_start3A_129 = tpu.memref_slice %arg4[%add3A_125, %dma_start3A_128] : memref<64000x128xf32, #tpu.memory_space<hbm>> -> memref<80x128xf32, #tpu.memory_space<hbm>>
    tpu.enqueue_dma source(%arg7 : memref<80x128xf32, #tpu.memory_space<vmem>>) target(%dma_start3A_129 : memref<80x128xf32, #tpu.memory_space<hbm>>) target_semaphore(%arg11 : memref<!tpu.dma_semaphore, #tpu.memory_space<semaphore_mem>>)
    %add3A_130 = arith.constant 1920 : i32
    %add3A_131 = arith.addi %mul3A_98, %add3A_130 : i32
    %dma_wait3A_132 = arith.constant 0 : i32
    %dma_wait3A_133 = tpu.memref_slice %arg4[%add3A_131, %dma_wait3A_132] : memref<64000x128xf32, #tpu.memory_space<hbm>> -> memref<80x128xf32, #tpu.memory_space<hbm>>
    %dma_wait3A_134 = arith.constant 0 : i32
    %dma_wait3A_135 = tpu.memref_slice %arg4[%add3A_131, %dma_wait3A_134] : memref<64000x128xf32, #tpu.memory_space<hbm>> -> memref<80x128xf32, #tpu.memory_space<hbm>>
    tpu.wait_dma2 semaphore(%arg11 : memref<!tpu.dma_semaphore, #tpu.memory_space<semaphore_mem>>) src(%arg7 : memref<80x128xf32, #tpu.memory_space<vmem>>) dst(%dma_wait3A_135 : memref<80x128xf32, #tpu.memory_space<hbm>>)
    return
  }
}

#map = affine_map<(d0, d1) -> (0, 0)>
#map1 = affine_map<(d0, d1) -> (0, 0, 0)>
module attributes {stable_mosaic.version = 14 : i64} {
  func.func @scatter(%arg0: i32, %arg1: i32, %arg2: memref<320000x128xf32, #tpu.memory_space<hbm>>, %arg3: memref<32x125x80xi32, #tpu.memory_space<hbm>>, %arg4: memref<80x128xf32, #tpu.memory_space<hbm>>, %arg5: memref<2x10240x128xf32, #tpu.memory_space<hbm>>, %arg6: memref<10240x128xf32, #tpu.memory_space<vmem_shared>>, %arg7: memref<125x80xi32, #tpu.memory_space<vmem>>, %arg8: memref<80x128xf32, #tpu.memory_space<vmem>>, %arg9: memref<80x128xf32, #tpu.memory_space<vmem>>, %arg10: memref<!tpu.dma_semaphore, #tpu.memory_space<semaphore_mem>>, %arg11: memref<!tpu.dma_semaphore, #tpu.memory_space<semaphore_mem>>, %arg12: memref<!tpu.dma_semaphore, #tpu.memory_space<semaphore_mem>>, %arg13: memref<!tpu.dma_semaphore, #tpu.memory_space<semaphore_mem>>) attributes {dimension_semantics = [#tpu.dimension_semantics<core_parallel>, #tpu.dimension_semantics<subcore_parallel>], iteration_bounds = array<i64: 2, 16>, scalar_prefetch = 0 : i64, scratch_operands = 8 : i64, tpu.core_type = #tpu.core_type<sc_vector_subcore>, window_params = [{transform_indices = #map}, {transform_indices = #map1}, {transform_indices = #map}, {transform_indices = #map1}]} {
    %mul3A = arith.constant 2 : i32
    %mul3A_0 = arith.muli %arg1, %mul3A : i32
    %add3A = arith.addi %mul3A_0, %arg0 : i32
    %mul3A_1 = arith.constant 640 : i32
    %mul3A_2 = arith.muli %arg1, %mul3A_1 : i32
    "tpu.region"() ({
      %run_scoped3A = tpu.sem_alloc : memref<!tpu.dma_semaphore, #tpu.memory_space<semaphore_mem>>
      tpu.enqueue_dma source(%arg4 : memref<80x128xf32, #tpu.memory_space<hbm>>) target(%arg8 : memref<80x128xf32, #tpu.memory_space<vmem>>) target_semaphore(%run_scoped3A : memref<!tpu.dma_semaphore, #tpu.memory_space<semaphore_mem>>)
      tpu.wait_dma2 semaphore(%run_scoped3A : memref<!tpu.dma_semaphore, #tpu.memory_space<semaphore_mem>>) src(%arg4 : memref<80x128xf32, #tpu.memory_space<hbm>>) dst(%arg8 : memref<80x128xf32, #tpu.memory_space<vmem>>)
      tpu.yield
    }) : () -> ()
    %add3A_3 = arith.constant 0 : i32
    %add3A_4 = arith.addi %mul3A_2, %add3A_3 : i32
    %dma_start3A = arith.constant 0 : i32
    %dma_start3A_5 = tpu.memref_slice %arg6[%add3A_4, %dma_start3A] : memref<10240x128xf32, #tpu.memory_space<vmem_shared>> -> memref<80x128xf32, #tpu.memory_space<vmem_shared>>
    %dma_start3A_6 = arith.constant 0 : i32
    %dma_start3A_7 = tpu.memref_slice %arg6[%add3A_4, %dma_start3A_6] : memref<10240x128xf32, #tpu.memory_space<vmem_shared>> -> memref<80x128xf32, #tpu.memory_space<vmem_shared>>
    tpu.enqueue_dma source(%arg8 : memref<80x128xf32, #tpu.memory_space<vmem>>) target(%dma_start3A_7 : memref<80x128xf32, #tpu.memory_space<vmem_shared>>) target_semaphore(%arg10 : memref<!tpu.dma_semaphore, #tpu.memory_space<semaphore_mem>>)
    %add3A_8 = arith.constant 80 : i32
    %add3A_9 = arith.addi %mul3A_2, %add3A_8 : i32
    %dma_start3A_10 = arith.constant 0 : i32
    %dma_start3A_11 = tpu.memref_slice %arg6[%add3A_9, %dma_start3A_10] : memref<10240x128xf32, #tpu.memory_space<vmem_shared>> -> memref<80x128xf32, #tpu.memory_space<vmem_shared>>
    %dma_start3A_12 = arith.constant 0 : i32
    %dma_start3A_13 = tpu.memref_slice %arg6[%add3A_9, %dma_start3A_12] : memref<10240x128xf32, #tpu.memory_space<vmem_shared>> -> memref<80x128xf32, #tpu.memory_space<vmem_shared>>
    tpu.enqueue_dma source(%arg8 : memref<80x128xf32, #tpu.memory_space<vmem>>) target(%dma_start3A_13 : memref<80x128xf32, #tpu.memory_space<vmem_shared>>) target_semaphore(%arg10 : memref<!tpu.dma_semaphore, #tpu.memory_space<semaphore_mem>>)
    %add3A_14 = arith.constant 160 : i32
    %add3A_15 = arith.addi %mul3A_2, %add3A_14 : i32
    %dma_start3A_16 = arith.constant 0 : i32
    %dma_start3A_17 = tpu.memref_slice %arg6[%add3A_15, %dma_start3A_16] : memref<10240x128xf32, #tpu.memory_space<vmem_shared>> -> memref<80x128xf32, #tpu.memory_space<vmem_shared>>
    %dma_start3A_18 = arith.constant 0 : i32
    %dma_start3A_19 = tpu.memref_slice %arg6[%add3A_15, %dma_start3A_18] : memref<10240x128xf32, #tpu.memory_space<vmem_shared>> -> memref<80x128xf32, #tpu.memory_space<vmem_shared>>
    tpu.enqueue_dma source(%arg8 : memref<80x128xf32, #tpu.memory_space<vmem>>) target(%dma_start3A_19 : memref<80x128xf32, #tpu.memory_space<vmem_shared>>) target_semaphore(%arg10 : memref<!tpu.dma_semaphore, #tpu.memory_space<semaphore_mem>>)
    %add3A_20 = arith.constant 240 : i32
    %add3A_21 = arith.addi %mul3A_2, %add3A_20 : i32
    %dma_start3A_22 = arith.constant 0 : i32
    %dma_start3A_23 = tpu.memref_slice %arg6[%add3A_21, %dma_start3A_22] : memref<10240x128xf32, #tpu.memory_space<vmem_shared>> -> memref<80x128xf32, #tpu.memory_space<vmem_shared>>
    %dma_start3A_24 = arith.constant 0 : i32
    %dma_start3A_25 = tpu.memref_slice %arg6[%add3A_21, %dma_start3A_24] : memref<10240x128xf32, #tpu.memory_space<vmem_shared>> -> memref<80x128xf32, #tpu.memory_space<vmem_shared>>
    tpu.enqueue_dma source(%arg8 : memref<80x128xf32, #tpu.memory_space<vmem>>) target(%dma_start3A_25 : memref<80x128xf32, #tpu.memory_space<vmem_shared>>) target_semaphore(%arg10 : memref<!tpu.dma_semaphore, #tpu.memory_space<semaphore_mem>>)
    %add3A_26 = arith.constant 320 : i32
    %add3A_27 = arith.addi %mul3A_2, %add3A_26 : i32
    %dma_start3A_28 = arith.constant 0 : i32
    %dma_start3A_29 = tpu.memref_slice %arg6[%add3A_27, %dma_start3A_28] : memref<10240x128xf32, #tpu.memory_space<vmem_shared>> -> memref<80x128xf32, #tpu.memory_space<vmem_shared>>
    %dma_start3A_30 = arith.constant 0 : i32
    %dma_start3A_31 = tpu.memref_slice %arg6[%add3A_27, %dma_start3A_30] : memref<10240x128xf32, #tpu.memory_space<vmem_shared>> -> memref<80x128xf32, #tpu.memory_space<vmem_shared>>
    tpu.enqueue_dma source(%arg8 : memref<80x128xf32, #tpu.memory_space<vmem>>) target(%dma_start3A_31 : memref<80x128xf32, #tpu.memory_space<vmem_shared>>) target_semaphore(%arg10 : memref<!tpu.dma_semaphore, #tpu.memory_space<semaphore_mem>>)
    %add3A_32 = arith.constant 400 : i32
    %add3A_33 = arith.addi %mul3A_2, %add3A_32 : i32
    %dma_start3A_34 = arith.constant 0 : i32
    %dma_start3A_35 = tpu.memref_slice %arg6[%add3A_33, %dma_start3A_34] : memref<10240x128xf32, #tpu.memory_space<vmem_shared>> -> memref<80x128xf32, #tpu.memory_space<vmem_shared>>
    %dma_start3A_36 = arith.constant 0 : i32
    %dma_start3A_37 = tpu.memref_slice %arg6[%add3A_33, %dma_start3A_36] : memref<10240x128xf32, #tpu.memory_space<vmem_shared>> -> memref<80x128xf32, #tpu.memory_space<vmem_shared>>
    tpu.enqueue_dma source(%arg8 : memref<80x128xf32, #tpu.memory_space<vmem>>) target(%dma_start3A_37 : memref<80x128xf32, #tpu.memory_space<vmem_shared>>) target_semaphore(%arg10 : memref<!tpu.dma_semaphore, #tpu.memory_space<semaphore_mem>>)
    %add3A_38 = arith.constant 480 : i32
    %add3A_39 = arith.addi %mul3A_2, %add3A_38 : i32
    %dma_start3A_40 = arith.constant 0 : i32
    %dma_start3A_41 = tpu.memref_slice %arg6[%add3A_39, %dma_start3A_40] : memref<10240x128xf32, #tpu.memory_space<vmem_shared>> -> memref<80x128xf32, #tpu.memory_space<vmem_shared>>
    %dma_start3A_42 = arith.constant 0 : i32
    %dma_start3A_43 = tpu.memref_slice %arg6[%add3A_39, %dma_start3A_42] : memref<10240x128xf32, #tpu.memory_space<vmem_shared>> -> memref<80x128xf32, #tpu.memory_space<vmem_shared>>
    tpu.enqueue_dma source(%arg8 : memref<80x128xf32, #tpu.memory_space<vmem>>) target(%dma_start3A_43 : memref<80x128xf32, #tpu.memory_space<vmem_shared>>) target_semaphore(%arg10 : memref<!tpu.dma_semaphore, #tpu.memory_space<semaphore_mem>>)
    %add3A_44 = arith.constant 560 : i32
    %add3A_45 = arith.addi %mul3A_2, %add3A_44 : i32
    %dma_start3A_46 = arith.constant 0 : i32
    %dma_start3A_47 = tpu.memref_slice %arg6[%add3A_45, %dma_start3A_46] : memref<10240x128xf32, #tpu.memory_space<vmem_shared>> -> memref<80x128xf32, #tpu.memory_space<vmem_shared>>
    %dma_start3A_48 = arith.constant 0 : i32
    %dma_start3A_49 = tpu.memref_slice %arg6[%add3A_45, %dma_start3A_48] : memref<10240x128xf32, #tpu.memory_space<vmem_shared>> -> memref<80x128xf32, #tpu.memory_space<vmem_shared>>
    tpu.enqueue_dma source(%arg8 : memref<80x128xf32, #tpu.memory_space<vmem>>) target(%dma_start3A_49 : memref<80x128xf32, #tpu.memory_space<vmem_shared>>) target_semaphore(%arg10 : memref<!tpu.dma_semaphore, #tpu.memory_space<semaphore_mem>>)
    %add3A_50 = arith.constant 0 : i32
    %add3A_51 = arith.addi %mul3A_2, %add3A_50 : i32
    %dma_wait3A = arith.constant 0 : i32
    %dma_wait3A_52 = tpu.memref_slice %arg6[%add3A_51, %dma_wait3A] : memref<10240x128xf32, #tpu.memory_space<vmem_shared>> -> memref<80x128xf32, #tpu.memory_space<vmem_shared>>
    %dma_wait3A_53 = arith.constant 0 : i32
    %dma_wait3A_54 = tpu.memref_slice %arg6[%add3A_51, %dma_wait3A_53] : memref<10240x128xf32, #tpu.memory_space<vmem_shared>> -> memref<80x128xf32, #tpu.memory_space<vmem_shared>>
    tpu.wait_dma2 semaphore(%arg10 : memref<!tpu.dma_semaphore, #tpu.memory_space<semaphore_mem>>) src(%arg8 : memref<80x128xf32, #tpu.memory_space<vmem>>) dst(%dma_wait3A_54 : memref<80x128xf32, #tpu.memory_space<vmem_shared>>)
    %add3A_55 = arith.constant 80 : i32
    %add3A_56 = arith.addi %mul3A_2, %add3A_55 : i32
    %dma_wait3A_57 = arith.constant 0 : i32
    %dma_wait3A_58 = tpu.memref_slice %arg6[%add3A_56, %dma_wait3A_57] : memref<10240x128xf32, #tpu.memory_space<vmem_shared>> -> memref<80x128xf32, #tpu.memory_space<vmem_shared>>
    %dma_wait3A_59 = arith.constant 0 : i32
    %dma_wait3A_60 = tpu.memref_slice %arg6[%add3A_56, %dma_wait3A_59] : memref<10240x128xf32, #tpu.memory_space<vmem_shared>> -> memref<80x128xf32, #tpu.memory_space<vmem_shared>>
    tpu.wait_dma2 semaphore(%arg10 : memref<!tpu.dma_semaphore, #tpu.memory_space<semaphore_mem>>) src(%arg8 : memref<80x128xf32, #tpu.memory_space<vmem>>) dst(%dma_wait3A_60 : memref<80x128xf32, #tpu.memory_space<vmem_shared>>)
    %add3A_61 = arith.constant 160 : i32
    %add3A_62 = arith.addi %mul3A_2, %add3A_61 : i32
    %dma_wait3A_63 = arith.constant 0 : i32
    %dma_wait3A_64 = tpu.memref_slice %arg6[%add3A_62, %dma_wait3A_63] : memref<10240x128xf32, #tpu.memory_space<vmem_shared>> -> memref<80x128xf32, #tpu.memory_space<vmem_shared>>
    %dma_wait3A_65 = arith.constant 0 : i32
    %dma_wait3A_66 = tpu.memref_slice %arg6[%add3A_62, %dma_wait3A_65] : memref<10240x128xf32, #tpu.memory_space<vmem_shared>> -> memref<80x128xf32, #tpu.memory_space<vmem_shared>>
    tpu.wait_dma2 semaphore(%arg10 : memref<!tpu.dma_semaphore, #tpu.memory_space<semaphore_mem>>) src(%arg8 : memref<80x128xf32, #tpu.memory_space<vmem>>) dst(%dma_wait3A_66 : memref<80x128xf32, #tpu.memory_space<vmem_shared>>)
    %add3A_67 = arith.constant 240 : i32
    %add3A_68 = arith.addi %mul3A_2, %add3A_67 : i32
    %dma_wait3A_69 = arith.constant 0 : i32
    %dma_wait3A_70 = tpu.memref_slice %arg6[%add3A_68, %dma_wait3A_69] : memref<10240x128xf32, #tpu.memory_space<vmem_shared>> -> memref<80x128xf32, #tpu.memory_space<vmem_shared>>
    %dma_wait3A_71 = arith.constant 0 : i32
    %dma_wait3A_72 = tpu.memref_slice %arg6[%add3A_68, %dma_wait3A_71] : memref<10240x128xf32, #tpu.memory_space<vmem_shared>> -> memref<80x128xf32, #tpu.memory_space<vmem_shared>>
    tpu.wait_dma2 semaphore(%arg10 : memref<!tpu.dma_semaphore, #tpu.memory_space<semaphore_mem>>) src(%arg8 : memref<80x128xf32, #tpu.memory_space<vmem>>) dst(%dma_wait3A_72 : memref<80x128xf32, #tpu.memory_space<vmem_shared>>)
    %add3A_73 = arith.constant 320 : i32
    %add3A_74 = arith.addi %mul3A_2, %add3A_73 : i32
    %dma_wait3A_75 = arith.constant 0 : i32
    %dma_wait3A_76 = tpu.memref_slice %arg6[%add3A_74, %dma_wait3A_75] : memref<10240x128xf32, #tpu.memory_space<vmem_shared>> -> memref<80x128xf32, #tpu.memory_space<vmem_shared>>
    %dma_wait3A_77 = arith.constant 0 : i32
    %dma_wait3A_78 = tpu.memref_slice %arg6[%add3A_74, %dma_wait3A_77] : memref<10240x128xf32, #tpu.memory_space<vmem_shared>> -> memref<80x128xf32, #tpu.memory_space<vmem_shared>>
    tpu.wait_dma2 semaphore(%arg10 : memref<!tpu.dma_semaphore, #tpu.memory_space<semaphore_mem>>) src(%arg8 : memref<80x128xf32, #tpu.memory_space<vmem>>) dst(%dma_wait3A_78 : memref<80x128xf32, #tpu.memory_space<vmem_shared>>)
    %add3A_79 = arith.constant 400 : i32
    %add3A_80 = arith.addi %mul3A_2, %add3A_79 : i32
    %dma_wait3A_81 = arith.constant 0 : i32
    %dma_wait3A_82 = tpu.memref_slice %arg6[%add3A_80, %dma_wait3A_81] : memref<10240x128xf32, #tpu.memory_space<vmem_shared>> -> memref<80x128xf32, #tpu.memory_space<vmem_shared>>
    %dma_wait3A_83 = arith.constant 0 : i32
    %dma_wait3A_84 = tpu.memref_slice %arg6[%add3A_80, %dma_wait3A_83] : memref<10240x128xf32, #tpu.memory_space<vmem_shared>> -> memref<80x128xf32, #tpu.memory_space<vmem_shared>>
    tpu.wait_dma2 semaphore(%arg10 : memref<!tpu.dma_semaphore, #tpu.memory_space<semaphore_mem>>) src(%arg8 : memref<80x128xf32, #tpu.memory_space<vmem>>) dst(%dma_wait3A_84 : memref<80x128xf32, #tpu.memory_space<vmem_shared>>)
    %add3A_85 = arith.constant 480 : i32
    %add3A_86 = arith.addi %mul3A_2, %add3A_85 : i32
    %dma_wait3A_87 = arith.constant 0 : i32
    %dma_wait3A_88 = tpu.memref_slice %arg6[%add3A_86, %dma_wait3A_87] : memref<10240x128xf32, #tpu.memory_space<vmem_shared>> -> memref<80x128xf32, #tpu.memory_space<vmem_shared>>
    %dma_wait3A_89 = arith.constant 0 : i32
    %dma_wait3A_90 = tpu.memref_slice %arg6[%add3A_86, %dma_wait3A_89] : memref<10240x128xf32, #tpu.memory_space<vmem_shared>> -> memref<80x128xf32, #tpu.memory_space<vmem_shared>>
    tpu.wait_dma2 semaphore(%arg10 : memref<!tpu.dma_semaphore, #tpu.memory_space<semaphore_mem>>) src(%arg8 : memref<80x128xf32, #tpu.memory_space<vmem>>) dst(%dma_wait3A_90 : memref<80x128xf32, #tpu.memory_space<vmem_shared>>)
    %add3A_91 = arith.constant 560 : i32
    %add3A_92 = arith.addi %mul3A_2, %add3A_91 : i32
    %dma_wait3A_93 = arith.constant 0 : i32
    %dma_wait3A_94 = tpu.memref_slice %arg6[%add3A_92, %dma_wait3A_93] : memref<10240x128xf32, #tpu.memory_space<vmem_shared>> -> memref<80x128xf32, #tpu.memory_space<vmem_shared>>
    %dma_wait3A_95 = arith.constant 0 : i32
    %dma_wait3A_96 = tpu.memref_slice %arg6[%add3A_92, %dma_wait3A_95] : memref<10240x128xf32, #tpu.memory_space<vmem_shared>> -> memref<80x128xf32, #tpu.memory_space<vmem_shared>>
    tpu.wait_dma2 semaphore(%arg10 : memref<!tpu.dma_semaphore, #tpu.memory_space<semaphore_mem>>) src(%arg8 : memref<80x128xf32, #tpu.memory_space<vmem>>) dst(%dma_wait3A_96 : memref<80x128xf32, #tpu.memory_space<vmem_shared>>)
    %barrier3A = arith.constant 0 : index
    tpu.barrier barrier_id(%barrier3A)
    "tpu.region"() ({
      %run_scoped3A = tpu.sem_alloc : memref<!tpu.dma_semaphore, #tpu.memory_space<semaphore_mem>>
      %dma_start3A_280 = arith.constant 0 : i32
      %dma_start3A_281 = arith.constant 0 : i32
      %dma_start3A_282 = tpu.memref_slice %arg3[%add3A, %dma_start3A_280, %dma_start3A_281] : memref<32x125x80xi32, #tpu.memory_space<hbm>> -> memref<1x125x80xi32, #tpu.memory_space<hbm>>
      %dma_start3A_283 = tpu.memref_squeeze %dma_start3A_282 : memref<1x125x80xi32, #tpu.memory_space<hbm>> -> memref<125x80xi32, #tpu.memory_space<hbm>>
      %dma_start3A_284 = arith.constant 0 : i32
      %dma_start3A_285 = arith.constant 0 : i32
      %dma_start3A_286 = tpu.memref_slice %arg3[%add3A, %dma_start3A_284, %dma_start3A_285] : memref<32x125x80xi32, #tpu.memory_space<hbm>> -> memref<1x125x80xi32, #tpu.memory_space<hbm>>
      %dma_start3A_287 = tpu.memref_squeeze %dma_start3A_286 : memref<1x125x80xi32, #tpu.memory_space<hbm>> -> memref<125x80xi32, #tpu.memory_space<hbm>>
      tpu.enqueue_dma source(%dma_start3A_287 : memref<125x80xi32, #tpu.memory_space<hbm>>) target(%arg7 : memref<125x80xi32, #tpu.memory_space<vmem>>) target_semaphore(%run_scoped3A : memref<!tpu.dma_semaphore, #tpu.memory_space<semaphore_mem>>)
      %dma_wait3A_288 = arith.constant 0 : i32
      %dma_wait3A_289 = arith.constant 0 : i32
      %dma_wait3A_290 = tpu.memref_slice %arg3[%add3A, %dma_wait3A_288, %dma_wait3A_289] : memref<32x125x80xi32, #tpu.memory_space<hbm>> -> memref<1x125x80xi32, #tpu.memory_space<hbm>>
      %dma_wait3A_291 = tpu.memref_squeeze %dma_wait3A_290 : memref<1x125x80xi32, #tpu.memory_space<hbm>> -> memref<125x80xi32, #tpu.memory_space<hbm>>
      %dma_wait3A_292 = arith.constant 0 : i32
      %dma_wait3A_293 = arith.constant 0 : i32
      %dma_wait3A_294 = tpu.memref_slice %arg3[%add3A, %dma_wait3A_292, %dma_wait3A_293] : memref<32x125x80xi32, #tpu.memory_space<hbm>> -> memref<1x125x80xi32, #tpu.memory_space<hbm>>
      %dma_wait3A_295 = tpu.memref_squeeze %dma_wait3A_294 : memref<1x125x80xi32, #tpu.memory_space<hbm>> -> memref<125x80xi32, #tpu.memory_space<hbm>>
      tpu.wait_dma2 semaphore(%run_scoped3A : memref<!tpu.dma_semaphore, #tpu.memory_space<semaphore_mem>>) src(%dma_wait3A_295 : memref<125x80xi32, #tpu.memory_space<hbm>>) dst(%arg7 : memref<125x80xi32, #tpu.memory_space<vmem>>)
      tpu.yield
    }) : () -> ()
    %mul3A_97 = arith.constant 10000 : i32
    %mul3A_98 = arith.muli %add3A, %mul3A_97 : i32
    %add3A_99 = arith.constant 0 : i32
    %add3A_100 = arith.addi %mul3A_98, %add3A_99 : i32
    %dma_start3A_101 = arith.constant 0 : i32
    %dma_start3A_102 = tpu.memref_slice %arg2[%add3A_100, %dma_start3A_101] : memref<320000x128xf32, #tpu.memory_space<hbm>> -> memref<80x128xf32, #tpu.memory_space<hbm>>
    %dma_start3A_103 = arith.constant 0 : i32
    %dma_start3A_104 = tpu.memref_slice %arg2[%add3A_100, %dma_start3A_103] : memref<320000x128xf32, #tpu.memory_space<hbm>> -> memref<80x128xf32, #tpu.memory_space<hbm>>
    tpu.enqueue_dma source(%dma_start3A_104 : memref<80x128xf32, #tpu.memory_space<hbm>>) target(%arg8 : memref<80x128xf32, #tpu.memory_space<vmem>>) target_semaphore(%arg10 : memref<!tpu.dma_semaphore, #tpu.memory_space<semaphore_mem>>)
    %scan3A = arith.constant 0 : i32
    %scan3A_105 = arith.constant 0 : i32
    %scan3A_106 = arith.constant 62 : i32
    %scan3A_107 = arith.addi %scan3A_105, %scan3A_106 : i32
    %scan3A_108 = arith.constant 1 : i32
    scf.for %scan3A_280 = %scan3A_105 to %scan3A_107 step %scan3A_108  : i32 {
      %mul3A_281 = arith.constant 2 : i32
      %mul3A_282 = arith.muli %mul3A_281, %scan3A_280 : i32
      %gt3A = arith.constant 0 : i32
      %gt3A_283 = arith.cmpi sgt, %scan3A_280, %gt3A : i32
      %convert_element_type3A = arith.extui %gt3A_283 : i1 to i32
      %cond3A = arith.constant 0 : i32
      %cond3A_284 = arith.cmpi ne, %convert_element_type3A, %cond3A : i32
      scf.if %cond3A_284 {
        %sub3A = arith.constant 1 : i32
        %sub3A_331 = arith.subi %mul3A_282, %sub3A : i32
        %dma_wait3A_332 = arith.constant 0 : i32
        %dma_wait3A_333 = tpu.memref_slice %arg7[%sub3A_331, %dma_wait3A_332] : memref<125x80xi32, #tpu.memory_space<vmem>> -> memref<1x80xi32, #tpu.memory_space<vmem>>
        %dma_wait3A_334 = tpu.memref_squeeze %dma_wait3A_333 : memref<1x80xi32, #tpu.memory_space<vmem>> -> memref<80xi32, #tpu.memory_space<vmem>>
        %dma_wait3A_335 = arith.constant 0 : i32
        %dma_wait3A_336 = arith.constant 0 : i32
        %dma_wait3A_337 = tpu.memref_slice %arg6[%dma_wait3A_335, %dma_wait3A_336] : memref<10240x128xf32, #tpu.memory_space<vmem_shared>> -> memref<10240x128xf32, #tpu.memory_space<vmem_shared>>
        tpu.wait_indirect_dma semaphore(%arg13 : memref<!tpu.dma_semaphore, #tpu.memory_space<semaphore_mem>>) src(%arg9 : memref<80x128xf32, #tpu.memory_space<vmem>>) dst(%dma_wait3A_337 : memref<10240x128xf32, #tpu.memory_space<vmem_shared>>)
      } else {
      }
      %add3A_285 = arith.constant 1 : i32
      %add3A_286 = arith.addi %mul3A_282, %add3A_285 : i32
      %mul3A_287 = arith.constant 80 : i32
      %mul3A_288 = arith.muli %add3A_286, %mul3A_287 : i32
      %add3A_289 = arith.addi %mul3A_98, %mul3A_288 : i32
      %dma_start3A_290 = arith.constant 0 : i32
      %dma_start3A_291 = tpu.memref_slice %arg2[%add3A_289, %dma_start3A_290] : memref<320000x128xf32, #tpu.memory_space<hbm>> -> memref<80x128xf32, #tpu.memory_space<hbm>>
      %dma_start3A_292 = arith.constant 0 : i32
      %dma_start3A_293 = tpu.memref_slice %arg2[%add3A_289, %dma_start3A_292] : memref<320000x128xf32, #tpu.memory_space<hbm>> -> memref<80x128xf32, #tpu.memory_space<hbm>>
      tpu.enqueue_dma source(%dma_start3A_293 : memref<80x128xf32, #tpu.memory_space<hbm>>) target(%arg9 : memref<80x128xf32, #tpu.memory_space<vmem>>) target_semaphore(%arg11 : memref<!tpu.dma_semaphore, #tpu.memory_space<semaphore_mem>>)
      %dma_wait3A_294 = arith.constant 0 : i32
      %dma_wait3A_295 = tpu.memref_slice %arg2[%mul3A_98, %dma_wait3A_294] : memref<320000x128xf32, #tpu.memory_space<hbm>> -> memref<80x128xf32, #tpu.memory_space<hbm>>
      %dma_wait3A_296 = arith.constant 0 : i32
      %dma_wait3A_297 = tpu.memref_slice %arg2[%mul3A_98, %dma_wait3A_296] : memref<320000x128xf32, #tpu.memory_space<hbm>> -> memref<80x128xf32, #tpu.memory_space<hbm>>
      tpu.wait_dma2 semaphore(%arg10 : memref<!tpu.dma_semaphore, #tpu.memory_space<semaphore_mem>>) src(%dma_wait3A_297 : memref<80x128xf32, #tpu.memory_space<hbm>>) dst(%arg8 : memref<80x128xf32, #tpu.memory_space<vmem>>)
      %dma_start3A_298 = arith.constant 0 : i32
      %dma_start3A_299 = tpu.memref_slice %arg7[%mul3A_282, %dma_start3A_298] : memref<125x80xi32, #tpu.memory_space<vmem>> -> memref<1x80xi32, #tpu.memory_space<vmem>>
      %dma_start3A_300 = tpu.memref_squeeze %dma_start3A_299 : memref<1x80xi32, #tpu.memory_space<vmem>> -> memref<80xi32, #tpu.memory_space<vmem>>
      %dma_start3A_301 = arith.constant 0 : i32
      %dma_start3A_302 = arith.constant 0 : i32
      %dma_start3A_303 = tpu.memref_slice %arg6[%dma_start3A_301, %dma_start3A_302] : memref<10240x128xf32, #tpu.memory_space<vmem_shared>> -> memref<10240x128xf32, #tpu.memory_space<vmem_shared>>
      tpu.enqueue_indirect_dma source(%arg8 : memref<80x128xf32, #tpu.memory_space<vmem>>) target(%dma_start3A_303 : memref<10240x128xf32, #tpu.memory_space<vmem_shared>>) offsets(%dma_start3A_300 : memref<80xi32, #tpu.memory_space<vmem>>) semaphore(%arg12 : memref<!tpu.dma_semaphore, #tpu.memory_space<semaphore_mem>>) {add = true}
      %dma_wait3A_304 = arith.constant 0 : i32
      %dma_wait3A_305 = tpu.memref_slice %arg7[%mul3A_282, %dma_wait3A_304] : memref<125x80xi32, #tpu.memory_space<vmem>> -> memref<1x80xi32, #tpu.memory_space<vmem>>
      %dma_wait3A_306 = tpu.memref_squeeze %dma_wait3A_305 : memref<1x80xi32, #tpu.memory_space<vmem>> -> memref<80xi32, #tpu.memory_space<vmem>>
      %dma_wait3A_307 = arith.constant 0 : i32
      %dma_wait3A_308 = arith.constant 0 : i32
      %dma_wait3A_309 = tpu.memref_slice %arg6[%dma_wait3A_307, %dma_wait3A_308] : memref<10240x128xf32, #tpu.memory_space<vmem_shared>> -> memref<10240x128xf32, #tpu.memory_space<vmem_shared>>
      tpu.wait_indirect_dma semaphore(%arg12 : memref<!tpu.dma_semaphore, #tpu.memory_space<semaphore_mem>>) src(%arg8 : memref<80x128xf32, #tpu.memory_space<vmem>>) dst(%dma_wait3A_309 : memref<10240x128xf32, #tpu.memory_space<vmem_shared>>)
      %add3A_310 = arith.constant 2 : i32
      %add3A_311 = arith.addi %mul3A_282, %add3A_310 : i32
      %mul3A_312 = arith.constant 80 : i32
      %mul3A_313 = arith.muli %add3A_311, %mul3A_312 : i32
      %add3A_314 = arith.addi %mul3A_98, %mul3A_313 : i32
      %dma_start3A_315 = arith.constant 0 : i32
      %dma_start3A_316 = tpu.memref_slice %arg2[%add3A_314, %dma_start3A_315] : memref<320000x128xf32, #tpu.memory_space<hbm>> -> memref<80x128xf32, #tpu.memory_space<hbm>>
      %dma_start3A_317 = arith.constant 0 : i32
      %dma_start3A_318 = tpu.memref_slice %arg2[%add3A_314, %dma_start3A_317] : memref<320000x128xf32, #tpu.memory_space<hbm>> -> memref<80x128xf32, #tpu.memory_space<hbm>>
      tpu.enqueue_dma source(%dma_start3A_318 : memref<80x128xf32, #tpu.memory_space<hbm>>) target(%arg8 : memref<80x128xf32, #tpu.memory_space<vmem>>) target_semaphore(%arg10 : memref<!tpu.dma_semaphore, #tpu.memory_space<semaphore_mem>>)
      %dma_wait3A_319 = arith.constant 0 : i32
      %dma_wait3A_320 = tpu.memref_slice %arg2[%mul3A_98, %dma_wait3A_319] : memref<320000x128xf32, #tpu.memory_space<hbm>> -> memref<80x128xf32, #tpu.memory_space<hbm>>
      %dma_wait3A_321 = arith.constant 0 : i32
      %dma_wait3A_322 = tpu.memref_slice %arg2[%mul3A_98, %dma_wait3A_321] : memref<320000x128xf32, #tpu.memory_space<hbm>> -> memref<80x128xf32, #tpu.memory_space<hbm>>
      tpu.wait_dma2 semaphore(%arg11 : memref<!tpu.dma_semaphore, #tpu.memory_space<semaphore_mem>>) src(%dma_wait3A_322 : memref<80x128xf32, #tpu.memory_space<hbm>>) dst(%arg9 : memref<80x128xf32, #tpu.memory_space<vmem>>)
      %add3A_323 = arith.constant 1 : i32
      %add3A_324 = arith.addi %mul3A_282, %add3A_323 : i32
      %dma_start3A_325 = arith.constant 0 : i32
      %dma_start3A_326 = tpu.memref_slice %arg7[%add3A_324, %dma_start3A_325] : memref<125x80xi32, #tpu.memory_space<vmem>> -> memref<1x80xi32, #tpu.memory_space<vmem>>
      %dma_start3A_327 = tpu.memref_squeeze %dma_start3A_326 : memref<1x80xi32, #tpu.memory_space<vmem>> -> memref<80xi32, #tpu.memory_space<vmem>>
      %dma_start3A_328 = arith.constant 0 : i32
      %dma_start3A_329 = arith.constant 0 : i32
      %dma_start3A_330 = tpu.memref_slice %arg6[%dma_start3A_328, %dma_start3A_329] : memref<10240x128xf32, #tpu.memory_space<vmem_shared>> -> memref<10240x128xf32, #tpu.memory_space<vmem_shared>>
      tpu.enqueue_indirect_dma source(%arg9 : memref<80x128xf32, #tpu.memory_space<vmem>>) target(%dma_start3A_330 : memref<10240x128xf32, #tpu.memory_space<vmem_shared>>) offsets(%dma_start3A_327 : memref<80xi32, #tpu.memory_space<vmem>>) semaphore(%arg13 : memref<!tpu.dma_semaphore, #tpu.memory_space<semaphore_mem>>) {add = true}
    }
    %scan3A_109 = arith.constant 62 : i32
    %dma_wait3A_110 = arith.constant 123 : i32
    %dma_wait3A_111 = arith.constant 0 : i32
    %dma_wait3A_112 = tpu.memref_slice %arg7[%dma_wait3A_110, %dma_wait3A_111] : memref<125x80xi32, #tpu.memory_space<vmem>> -> memref<1x80xi32, #tpu.memory_space<vmem>>
    %dma_wait3A_113 = tpu.memref_squeeze %dma_wait3A_112 : memref<1x80xi32, #tpu.memory_space<vmem>> -> memref<80xi32, #tpu.memory_space<vmem>>
    %dma_wait3A_114 = arith.constant 0 : i32
    %dma_wait3A_115 = arith.constant 0 : i32
    %dma_wait3A_116 = tpu.memref_slice %arg6[%dma_wait3A_114, %dma_wait3A_115] : memref<10240x128xf32, #tpu.memory_space<vmem_shared>> -> memref<10240x128xf32, #tpu.memory_space<vmem_shared>>
    tpu.wait_indirect_dma semaphore(%arg13 : memref<!tpu.dma_semaphore, #tpu.memory_space<semaphore_mem>>) src(%arg9 : memref<80x128xf32, #tpu.memory_space<vmem>>) dst(%dma_wait3A_116 : memref<10240x128xf32, #tpu.memory_space<vmem_shared>>)
    %dma_wait3A_117 = arith.constant 0 : i32
    %dma_wait3A_118 = tpu.memref_slice %arg2[%mul3A_98, %dma_wait3A_117] : memref<320000x128xf32, #tpu.memory_space<hbm>> -> memref<80x128xf32, #tpu.memory_space<hbm>>
    %dma_wait3A_119 = arith.constant 0 : i32
    %dma_wait3A_120 = tpu.memref_slice %arg2[%mul3A_98, %dma_wait3A_119] : memref<320000x128xf32, #tpu.memory_space<hbm>> -> memref<80x128xf32, #tpu.memory_space<hbm>>
    tpu.wait_dma2 semaphore(%arg10 : memref<!tpu.dma_semaphore, #tpu.memory_space<semaphore_mem>>) src(%dma_wait3A_120 : memref<80x128xf32, #tpu.memory_space<hbm>>) dst(%arg8 : memref<80x128xf32, #tpu.memory_space<vmem>>)
    %dma_start3A_121 = arith.constant 124 : i32
    %dma_start3A_122 = arith.constant 0 : i32
    %dma_start3A_123 = tpu.memref_slice %arg7[%dma_start3A_121, %dma_start3A_122] : memref<125x80xi32, #tpu.memory_space<vmem>> -> memref<1x80xi32, #tpu.memory_space<vmem>>
    %dma_start3A_124 = tpu.memref_squeeze %dma_start3A_123 : memref<1x80xi32, #tpu.memory_space<vmem>> -> memref<80xi32, #tpu.memory_space<vmem>>
    %dma_start3A_125 = arith.constant 0 : i32
    %dma_start3A_126 = arith.constant 0 : i32
    %dma_start3A_127 = tpu.memref_slice %arg6[%dma_start3A_125, %dma_start3A_126] : memref<10240x128xf32, #tpu.memory_space<vmem_shared>> -> memref<10240x128xf32, #tpu.memory_space<vmem_shared>>
    tpu.enqueue_indirect_dma source(%arg8 : memref<80x128xf32, #tpu.memory_space<vmem>>) target(%dma_start3A_127 : memref<10240x128xf32, #tpu.memory_space<vmem_shared>>) offsets(%dma_start3A_124 : memref<80xi32, #tpu.memory_space<vmem>>) semaphore(%arg12 : memref<!tpu.dma_semaphore, #tpu.memory_space<semaphore_mem>>) {add = true}
    %dma_wait3A_128 = arith.constant 124 : i32
    %dma_wait3A_129 = arith.constant 0 : i32
    %dma_wait3A_130 = tpu.memref_slice %arg7[%dma_wait3A_128, %dma_wait3A_129] : memref<125x80xi32, #tpu.memory_space<vmem>> -> memref<1x80xi32, #tpu.memory_space<vmem>>
    %dma_wait3A_131 = tpu.memref_squeeze %dma_wait3A_130 : memref<1x80xi32, #tpu.memory_space<vmem>> -> memref<80xi32, #tpu.memory_space<vmem>>
    %dma_wait3A_132 = arith.constant 0 : i32
    %dma_wait3A_133 = arith.constant 0 : i32
    %dma_wait3A_134 = tpu.memref_slice %arg6[%dma_wait3A_132, %dma_wait3A_133] : memref<10240x128xf32, #tpu.memory_space<vmem_shared>> -> memref<10240x128xf32, #tpu.memory_space<vmem_shared>>
    tpu.wait_indirect_dma semaphore(%arg12 : memref<!tpu.dma_semaphore, #tpu.memory_space<semaphore_mem>>) src(%arg8 : memref<80x128xf32, #tpu.memory_space<vmem>>) dst(%dma_wait3A_134 : memref<10240x128xf32, #tpu.memory_space<vmem_shared>>)
    %barrier3A_135 = arith.constant 0 : index
    tpu.barrier barrier_id(%barrier3A_135)
    %add3A_136 = arith.constant 0 : i32
    %add3A_137 = arith.addi %mul3A_2, %add3A_136 : i32
    "tpu.region"() ({
      %run_scoped3A = tpu.sem_alloc : memref<!tpu.dma_semaphore, #tpu.memory_space<semaphore_mem>>
      %dma_start3A_280 = arith.constant 0 : i32
      %dma_start3A_281 = tpu.memref_slice %arg6[%add3A_137, %dma_start3A_280] : memref<10240x128xf32, #tpu.memory_space<vmem_shared>> -> memref<80x128xf32, #tpu.memory_space<vmem_shared>>
      %dma_start3A_282 = arith.constant 0 : i32
      %dma_start3A_283 = tpu.memref_slice %arg6[%add3A_137, %dma_start3A_282] : memref<10240x128xf32, #tpu.memory_space<vmem_shared>> -> memref<80x128xf32, #tpu.memory_space<vmem_shared>>
      tpu.enqueue_dma source(%dma_start3A_283 : memref<80x128xf32, #tpu.memory_space<vmem_shared>>) target(%arg8 : memref<80x128xf32, #tpu.memory_space<vmem>>) target_semaphore(%run_scoped3A : memref<!tpu.dma_semaphore, #tpu.memory_space<semaphore_mem>>)
      %dma_wait3A_284 = arith.constant 0 : i32
      %dma_wait3A_285 = tpu.memref_slice %arg6[%add3A_137, %dma_wait3A_284] : memref<10240x128xf32, #tpu.memory_space<vmem_shared>> -> memref<80x128xf32, #tpu.memory_space<vmem_shared>>
      %dma_wait3A_286 = arith.constant 0 : i32
      %dma_wait3A_287 = tpu.memref_slice %arg6[%add3A_137, %dma_wait3A_286] : memref<10240x128xf32, #tpu.memory_space<vmem_shared>> -> memref<80x128xf32, #tpu.memory_space<vmem_shared>>
      tpu.wait_dma2 semaphore(%run_scoped3A : memref<!tpu.dma_semaphore, #tpu.memory_space<semaphore_mem>>) src(%dma_wait3A_287 : memref<80x128xf32, #tpu.memory_space<vmem_shared>>) dst(%arg8 : memref<80x128xf32, #tpu.memory_space<vmem>>)
      tpu.yield
    }) : () -> ()
    %add3A_138 = arith.constant 0 : i32
    %add3A_139 = arith.addi %mul3A_2, %add3A_138 : i32
    %dma_start3A_140 = arith.constant 0 : i32
    %dma_start3A_141 = tpu.memref_slice %arg5[%arg0, %add3A_139, %dma_start3A_140] : memref<2x10240x128xf32, #tpu.memory_space<hbm>> -> memref<1x80x128xf32, #tpu.memory_space<hbm>>
    %dma_start3A_142 = tpu.memref_squeeze %dma_start3A_141 : memref<1x80x128xf32, #tpu.memory_space<hbm>> -> memref<80x128xf32, #tpu.memory_space<hbm>>
    %dma_start3A_143 = arith.constant 0 : i32
    %dma_start3A_144 = tpu.memref_slice %arg5[%arg0, %add3A_139, %dma_start3A_143] : memref<2x10240x128xf32, #tpu.memory_space<hbm>> -> memref<1x80x128xf32, #tpu.memory_space<hbm>>
    %dma_start3A_145 = tpu.memref_squeeze %dma_start3A_144 : memref<1x80x128xf32, #tpu.memory_space<hbm>> -> memref<80x128xf32, #tpu.memory_space<hbm>>
    tpu.enqueue_dma source(%arg8 : memref<80x128xf32, #tpu.memory_space<vmem>>) target(%dma_start3A_145 : memref<80x128xf32, #tpu.memory_space<hbm>>) target_semaphore(%arg10 : memref<!tpu.dma_semaphore, #tpu.memory_space<semaphore_mem>>)
    %add3A_146 = arith.constant 80 : i32
    %add3A_147 = arith.addi %mul3A_2, %add3A_146 : i32
    "tpu.region"() ({
      %run_scoped3A = tpu.sem_alloc : memref<!tpu.dma_semaphore, #tpu.memory_space<semaphore_mem>>
      %dma_start3A_280 = arith.constant 0 : i32
      %dma_start3A_281 = tpu.memref_slice %arg6[%add3A_147, %dma_start3A_280] : memref<10240x128xf32, #tpu.memory_space<vmem_shared>> -> memref<80x128xf32, #tpu.memory_space<vmem_shared>>
      %dma_start3A_282 = arith.constant 0 : i32
      %dma_start3A_283 = tpu.memref_slice %arg6[%add3A_147, %dma_start3A_282] : memref<10240x128xf32, #tpu.memory_space<vmem_shared>> -> memref<80x128xf32, #tpu.memory_space<vmem_shared>>
      tpu.enqueue_dma source(%dma_start3A_283 : memref<80x128xf32, #tpu.memory_space<vmem_shared>>) target(%arg9 : memref<80x128xf32, #tpu.memory_space<vmem>>) target_semaphore(%run_scoped3A : memref<!tpu.dma_semaphore, #tpu.memory_space<semaphore_mem>>)
      %dma_wait3A_284 = arith.constant 0 : i32
      %dma_wait3A_285 = tpu.memref_slice %arg6[%add3A_147, %dma_wait3A_284] : memref<10240x128xf32, #tpu.memory_space<vmem_shared>> -> memref<80x128xf32, #tpu.memory_space<vmem_shared>>
      %dma_wait3A_286 = arith.constant 0 : i32
      %dma_wait3A_287 = tpu.memref_slice %arg6[%add3A_147, %dma_wait3A_286] : memref<10240x128xf32, #tpu.memory_space<vmem_shared>> -> memref<80x128xf32, #tpu.memory_space<vmem_shared>>
      tpu.wait_dma2 semaphore(%run_scoped3A : memref<!tpu.dma_semaphore, #tpu.memory_space<semaphore_mem>>) src(%dma_wait3A_287 : memref<80x128xf32, #tpu.memory_space<vmem_shared>>) dst(%arg9 : memref<80x128xf32, #tpu.memory_space<vmem>>)
      tpu.yield
    }) : () -> ()
    %add3A_148 = arith.constant 80 : i32
    %add3A_149 = arith.addi %mul3A_2, %add3A_148 : i32
    %dma_start3A_150 = arith.constant 0 : i32
    %dma_start3A_151 = tpu.memref_slice %arg5[%arg0, %add3A_149, %dma_start3A_150] : memref<2x10240x128xf32, #tpu.memory_space<hbm>> -> memref<1x80x128xf32, #tpu.memory_space<hbm>>
    %dma_start3A_152 = tpu.memref_squeeze %dma_start3A_151 : memref<1x80x128xf32, #tpu.memory_space<hbm>> -> memref<80x128xf32, #tpu.memory_space<hbm>>
    %dma_start3A_153 = arith.constant 0 : i32
    %dma_start3A_154 = tpu.memref_slice %arg5[%arg0, %add3A_149, %dma_start3A_153] : memref<2x10240x128xf32, #tpu.memory_space<hbm>> -> memref<1x80x128xf32, #tpu.memory_space<hbm>>
    %dma_start3A_155 = tpu.memref_squeeze %dma_start3A_154 : memref<1x80x128xf32, #tpu.memory_space<hbm>> -> memref<80x128xf32, #tpu.memory_space<hbm>>
    tpu.enqueue_dma source(%arg9 : memref<80x128xf32, #tpu.memory_space<vmem>>) target(%dma_start3A_155 : memref<80x128xf32, #tpu.memory_space<hbm>>) target_semaphore(%arg11 : memref<!tpu.dma_semaphore, #tpu.memory_space<semaphore_mem>>)
    %add3A_156 = arith.constant 0 : i32
    %add3A_157 = arith.addi %mul3A_2, %add3A_156 : i32
    %dma_wait3A_158 = arith.constant 0 : i32
    %dma_wait3A_159 = tpu.memref_slice %arg5[%arg0, %add3A_157, %dma_wait3A_158] : memref<2x10240x128xf32, #tpu.memory_space<hbm>> -> memref<1x80x128xf32, #tpu.memory_space<hbm>>
    %dma_wait3A_160 = tpu.memref_squeeze %dma_wait3A_159 : memref<1x80x128xf32, #tpu.memory_space<hbm>> -> memref<80x128xf32, #tpu.memory_space<hbm>>
    %dma_wait3A_161 = arith.constant 0 : i32
    %dma_wait3A_162 = tpu.memref_slice %arg5[%arg0, %add3A_157, %dma_wait3A_161] : memref<2x10240x128xf32, #tpu.memory_space<hbm>> -> memref<1x80x128xf32, #tpu.memory_space<hbm>>
    %dma_wait3A_163 = tpu.memref_squeeze %dma_wait3A_162 : memref<1x80x128xf32, #tpu.memory_space<hbm>> -> memref<80x128xf32, #tpu.memory_space<hbm>>
    tpu.wait_dma2 semaphore(%arg10 : memref<!tpu.dma_semaphore, #tpu.memory_space<semaphore_mem>>) src(%arg8 : memref<80x128xf32, #tpu.memory_space<vmem>>) dst(%dma_wait3A_163 : memref<80x128xf32, #tpu.memory_space<hbm>>)
    %add3A_164 = arith.constant 160 : i32
    %add3A_165 = arith.addi %mul3A_2, %add3A_164 : i32
    "tpu.region"() ({
      %run_scoped3A = tpu.sem_alloc : memref<!tpu.dma_semaphore, #tpu.memory_space<semaphore_mem>>
      %dma_start3A_280 = arith.constant 0 : i32
      %dma_start3A_281 = tpu.memref_slice %arg6[%add3A_165, %dma_start3A_280] : memref<10240x128xf32, #tpu.memory_space<vmem_shared>> -> memref<80x128xf32, #tpu.memory_space<vmem_shared>>
      %dma_start3A_282 = arith.constant 0 : i32
      %dma_start3A_283 = tpu.memref_slice %arg6[%add3A_165, %dma_start3A_282] : memref<10240x128xf32, #tpu.memory_space<vmem_shared>> -> memref<80x128xf32, #tpu.memory_space<vmem_shared>>
      tpu.enqueue_dma source(%dma_start3A_283 : memref<80x128xf32, #tpu.memory_space<vmem_shared>>) target(%arg8 : memref<80x128xf32, #tpu.memory_space<vmem>>) target_semaphore(%run_scoped3A : memref<!tpu.dma_semaphore, #tpu.memory_space<semaphore_mem>>)
      %dma_wait3A_284 = arith.constant 0 : i32
      %dma_wait3A_285 = tpu.memref_slice %arg6[%add3A_165, %dma_wait3A_284] : memref<10240x128xf32, #tpu.memory_space<vmem_shared>> -> memref<80x128xf32, #tpu.memory_space<vmem_shared>>
      %dma_wait3A_286 = arith.constant 0 : i32
      %dma_wait3A_287 = tpu.memref_slice %arg6[%add3A_165, %dma_wait3A_286] : memref<10240x128xf32, #tpu.memory_space<vmem_shared>> -> memref<80x128xf32, #tpu.memory_space<vmem_shared>>
      tpu.wait_dma2 semaphore(%run_scoped3A : memref<!tpu.dma_semaphore, #tpu.memory_space<semaphore_mem>>) src(%dma_wait3A_287 : memref<80x128xf32, #tpu.memory_space<vmem_shared>>) dst(%arg8 : memref<80x128xf32, #tpu.memory_space<vmem>>)
      tpu.yield
    }) : () -> ()
    %add3A_166 = arith.constant 160 : i32
    %add3A_167 = arith.addi %mul3A_2, %add3A_166 : i32
    %dma_start3A_168 = arith.constant 0 : i32
    %dma_start3A_169 = tpu.memref_slice %arg5[%arg0, %add3A_167, %dma_start3A_168] : memref<2x10240x128xf32, #tpu.memory_space<hbm>> -> memref<1x80x128xf32, #tpu.memory_space<hbm>>
    %dma_start3A_170 = tpu.memref_squeeze %dma_start3A_169 : memref<1x80x128xf32, #tpu.memory_space<hbm>> -> memref<80x128xf32, #tpu.memory_space<hbm>>
    %dma_start3A_171 = arith.constant 0 : i32
    %dma_start3A_172 = tpu.memref_slice %arg5[%arg0, %add3A_167, %dma_start3A_171] : memref<2x10240x128xf32, #tpu.memory_space<hbm>> -> memref<1x80x128xf32, #tpu.memory_space<hbm>>
    %dma_start3A_173 = tpu.memref_squeeze %dma_start3A_172 : memref<1x80x128xf32, #tpu.memory_space<hbm>> -> memref<80x128xf32, #tpu.memory_space<hbm>>
    tpu.enqueue_dma source(%arg8 : memref<80x128xf32, #tpu.memory_space<vmem>>) target(%dma_start3A_173 : memref<80x128xf32, #tpu.memory_space<hbm>>) target_semaphore(%arg10 : memref<!tpu.dma_semaphore, #tpu.memory_space<semaphore_mem>>)
    %add3A_174 = arith.constant 80 : i32
    %add3A_175 = arith.addi %mul3A_2, %add3A_174 : i32
    %dma_wait3A_176 = arith.constant 0 : i32
    %dma_wait3A_177 = tpu.memref_slice %arg5[%arg0, %add3A_175, %dma_wait3A_176] : memref<2x10240x128xf32, #tpu.memory_space<hbm>> -> memref<1x80x128xf32, #tpu.memory_space<hbm>>
    %dma_wait3A_178 = tpu.memref_squeeze %dma_wait3A_177 : memref<1x80x128xf32, #tpu.memory_space<hbm>> -> memref<80x128xf32, #tpu.memory_space<hbm>>
    %dma_wait3A_179 = arith.constant 0 : i32
    %dma_wait3A_180 = tpu.memref_slice %arg5[%arg0, %add3A_175, %dma_wait3A_179] : memref<2x10240x128xf32, #tpu.memory_space<hbm>> -> memref<1x80x128xf32, #tpu.memory_space<hbm>>
    %dma_wait3A_181 = tpu.memref_squeeze %dma_wait3A_180 : memref<1x80x128xf32, #tpu.memory_space<hbm>> -> memref<80x128xf32, #tpu.memory_space<hbm>>
    tpu.wait_dma2 semaphore(%arg11 : memref<!tpu.dma_semaphore, #tpu.memory_space<semaphore_mem>>) src(%arg9 : memref<80x128xf32, #tpu.memory_space<vmem>>) dst(%dma_wait3A_181 : memref<80x128xf32, #tpu.memory_space<hbm>>)
    %add3A_182 = arith.constant 240 : i32
    %add3A_183 = arith.addi %mul3A_2, %add3A_182 : i32
    "tpu.region"() ({
      %run_scoped3A = tpu.sem_alloc : memref<!tpu.dma_semaphore, #tpu.memory_space<semaphore_mem>>
      %dma_start3A_280 = arith.constant 0 : i32
      %dma_start3A_281 = tpu.memref_slice %arg6[%add3A_183, %dma_start3A_280] : memref<10240x128xf32, #tpu.memory_space<vmem_shared>> -> memref<80x128xf32, #tpu.memory_space<vmem_shared>>
      %dma_start3A_282 = arith.constant 0 : i32
      %dma_start3A_283 = tpu.memref_slice %arg6[%add3A_183, %dma_start3A_282] : memref<10240x128xf32, #tpu.memory_space<vmem_shared>> -> memref<80x128xf32, #tpu.memory_space<vmem_shared>>
      tpu.enqueue_dma source(%dma_start3A_283 : memref<80x128xf32, #tpu.memory_space<vmem_shared>>) target(%arg9 : memref<80x128xf32, #tpu.memory_space<vmem>>) target_semaphore(%run_scoped3A : memref<!tpu.dma_semaphore, #tpu.memory_space<semaphore_mem>>)
      %dma_wait3A_284 = arith.constant 0 : i32
      %dma_wait3A_285 = tpu.memref_slice %arg6[%add3A_183, %dma_wait3A_284] : memref<10240x128xf32, #tpu.memory_space<vmem_shared>> -> memref<80x128xf32, #tpu.memory_space<vmem_shared>>
      %dma_wait3A_286 = arith.constant 0 : i32
      %dma_wait3A_287 = tpu.memref_slice %arg6[%add3A_183, %dma_wait3A_286] : memref<10240x128xf32, #tpu.memory_space<vmem_shared>> -> memref<80x128xf32, #tpu.memory_space<vmem_shared>>
      tpu.wait_dma2 semaphore(%run_scoped3A : memref<!tpu.dma_semaphore, #tpu.memory_space<semaphore_mem>>) src(%dma_wait3A_287 : memref<80x128xf32, #tpu.memory_space<vmem_shared>>) dst(%arg9 : memref<80x128xf32, #tpu.memory_space<vmem>>)
      tpu.yield
    }) : () -> ()
    %add3A_184 = arith.constant 240 : i32
    %add3A_185 = arith.addi %mul3A_2, %add3A_184 : i32
    %dma_start3A_186 = arith.constant 0 : i32
    %dma_start3A_187 = tpu.memref_slice %arg5[%arg0, %add3A_185, %dma_start3A_186] : memref<2x10240x128xf32, #tpu.memory_space<hbm>> -> memref<1x80x128xf32, #tpu.memory_space<hbm>>
    %dma_start3A_188 = tpu.memref_squeeze %dma_start3A_187 : memref<1x80x128xf32, #tpu.memory_space<hbm>> -> memref<80x128xf32, #tpu.memory_space<hbm>>
    %dma_start3A_189 = arith.constant 0 : i32
    %dma_start3A_190 = tpu.memref_slice %arg5[%arg0, %add3A_185, %dma_start3A_189] : memref<2x10240x128xf32, #tpu.memory_space<hbm>> -> memref<1x80x128xf32, #tpu.memory_space<hbm>>
    %dma_start3A_191 = tpu.memref_squeeze %dma_start3A_190 : memref<1x80x128xf32, #tpu.memory_space<hbm>> -> memref<80x128xf32, #tpu.memory_space<hbm>>
    tpu.enqueue_dma source(%arg9 : memref<80x128xf32, #tpu.memory_space<vmem>>) target(%dma_start3A_191 : memref<80x128xf32, #tpu.memory_space<hbm>>) target_semaphore(%arg11 : memref<!tpu.dma_semaphore, #tpu.memory_space<semaphore_mem>>)
    %add3A_192 = arith.constant 160 : i32
    %add3A_193 = arith.addi %mul3A_2, %add3A_192 : i32
    %dma_wait3A_194 = arith.constant 0 : i32
    %dma_wait3A_195 = tpu.memref_slice %arg5[%arg0, %add3A_193, %dma_wait3A_194] : memref<2x10240x128xf32, #tpu.memory_space<hbm>> -> memref<1x80x128xf32, #tpu.memory_space<hbm>>
    %dma_wait3A_196 = tpu.memref_squeeze %dma_wait3A_195 : memref<1x80x128xf32, #tpu.memory_space<hbm>> -> memref<80x128xf32, #tpu.memory_space<hbm>>
    %dma_wait3A_197 = arith.constant 0 : i32
    %dma_wait3A_198 = tpu.memref_slice %arg5[%arg0, %add3A_193, %dma_wait3A_197] : memref<2x10240x128xf32, #tpu.memory_space<hbm>> -> memref<1x80x128xf32, #tpu.memory_space<hbm>>
    %dma_wait3A_199 = tpu.memref_squeeze %dma_wait3A_198 : memref<1x80x128xf32, #tpu.memory_space<hbm>> -> memref<80x128xf32, #tpu.memory_space<hbm>>
    tpu.wait_dma2 semaphore(%arg10 : memref<!tpu.dma_semaphore, #tpu.memory_space<semaphore_mem>>) src(%arg8 : memref<80x128xf32, #tpu.memory_space<vmem>>) dst(%dma_wait3A_199 : memref<80x128xf32, #tpu.memory_space<hbm>>)
    %add3A_200 = arith.constant 320 : i32
    %add3A_201 = arith.addi %mul3A_2, %add3A_200 : i32
    "tpu.region"() ({
      %run_scoped3A = tpu.sem_alloc : memref<!tpu.dma_semaphore, #tpu.memory_space<semaphore_mem>>
      %dma_start3A_280 = arith.constant 0 : i32
      %dma_start3A_281 = tpu.memref_slice %arg6[%add3A_201, %dma_start3A_280] : memref<10240x128xf32, #tpu.memory_space<vmem_shared>> -> memref<80x128xf32, #tpu.memory_space<vmem_shared>>
      %dma_start3A_282 = arith.constant 0 : i32
      %dma_start3A_283 = tpu.memref_slice %arg6[%add3A_201, %dma_start3A_282] : memref<10240x128xf32, #tpu.memory_space<vmem_shared>> -> memref<80x128xf32, #tpu.memory_space<vmem_shared>>
      tpu.enqueue_dma source(%dma_start3A_283 : memref<80x128xf32, #tpu.memory_space<vmem_shared>>) target(%arg8 : memref<80x128xf32, #tpu.memory_space<vmem>>) target_semaphore(%run_scoped3A : memref<!tpu.dma_semaphore, #tpu.memory_space<semaphore_mem>>)
      %dma_wait3A_284 = arith.constant 0 : i32
      %dma_wait3A_285 = tpu.memref_slice %arg6[%add3A_201, %dma_wait3A_284] : memref<10240x128xf32, #tpu.memory_space<vmem_shared>> -> memref<80x128xf32, #tpu.memory_space<vmem_shared>>
      %dma_wait3A_286 = arith.constant 0 : i32
      %dma_wait3A_287 = tpu.memref_slice %arg6[%add3A_201, %dma_wait3A_286] : memref<10240x128xf32, #tpu.memory_space<vmem_shared>> -> memref<80x128xf32, #tpu.memory_space<vmem_shared>>
      tpu.wait_dma2 semaphore(%run_scoped3A : memref<!tpu.dma_semaphore, #tpu.memory_space<semaphore_mem>>) src(%dma_wait3A_287 : memref<80x128xf32, #tpu.memory_space<vmem_shared>>) dst(%arg8 : memref<80x128xf32, #tpu.memory_space<vmem>>)
      tpu.yield
    }) : () -> ()
    %add3A_202 = arith.constant 320 : i32
    %add3A_203 = arith.addi %mul3A_2, %add3A_202 : i32
    %dma_start3A_204 = arith.constant 0 : i32
    %dma_start3A_205 = tpu.memref_slice %arg5[%arg0, %add3A_203, %dma_start3A_204] : memref<2x10240x128xf32, #tpu.memory_space<hbm>> -> memref<1x80x128xf32, #tpu.memory_space<hbm>>
    %dma_start3A_206 = tpu.memref_squeeze %dma_start3A_205 : memref<1x80x128xf32, #tpu.memory_space<hbm>> -> memref<80x128xf32, #tpu.memory_space<hbm>>
    %dma_start3A_207 = arith.constant 0 : i32
    %dma_start3A_208 = tpu.memref_slice %arg5[%arg0, %add3A_203, %dma_start3A_207] : memref<2x10240x128xf32, #tpu.memory_space<hbm>> -> memref<1x80x128xf32, #tpu.memory_space<hbm>>
    %dma_start3A_209 = tpu.memref_squeeze %dma_start3A_208 : memref<1x80x128xf32, #tpu.memory_space<hbm>> -> memref<80x128xf32, #tpu.memory_space<hbm>>
    tpu.enqueue_dma source(%arg8 : memref<80x128xf32, #tpu.memory_space<vmem>>) target(%dma_start3A_209 : memref<80x128xf32, #tpu.memory_space<hbm>>) target_semaphore(%arg10 : memref<!tpu.dma_semaphore, #tpu.memory_space<semaphore_mem>>)
    %add3A_210 = arith.constant 240 : i32
    %add3A_211 = arith.addi %mul3A_2, %add3A_210 : i32
    %dma_wait3A_212 = arith.constant 0 : i32
    %dma_wait3A_213 = tpu.memref_slice %arg5[%arg0, %add3A_211, %dma_wait3A_212] : memref<2x10240x128xf32, #tpu.memory_space<hbm>> -> memref<1x80x128xf32, #tpu.memory_space<hbm>>
    %dma_wait3A_214 = tpu.memref_squeeze %dma_wait3A_213 : memref<1x80x128xf32, #tpu.memory_space<hbm>> -> memref<80x128xf32, #tpu.memory_space<hbm>>
    %dma_wait3A_215 = arith.constant 0 : i32
    %dma_wait3A_216 = tpu.memref_slice %arg5[%arg0, %add3A_211, %dma_wait3A_215] : memref<2x10240x128xf32, #tpu.memory_space<hbm>> -> memref<1x80x128xf32, #tpu.memory_space<hbm>>
    %dma_wait3A_217 = tpu.memref_squeeze %dma_wait3A_216 : memref<1x80x128xf32, #tpu.memory_space<hbm>> -> memref<80x128xf32, #tpu.memory_space<hbm>>
    tpu.wait_dma2 semaphore(%arg11 : memref<!tpu.dma_semaphore, #tpu.memory_space<semaphore_mem>>) src(%arg9 : memref<80x128xf32, #tpu.memory_space<vmem>>) dst(%dma_wait3A_217 : memref<80x128xf32, #tpu.memory_space<hbm>>)
    %add3A_218 = arith.constant 400 : i32
    %add3A_219 = arith.addi %mul3A_2, %add3A_218 : i32
    "tpu.region"() ({
      %run_scoped3A = tpu.sem_alloc : memref<!tpu.dma_semaphore, #tpu.memory_space<semaphore_mem>>
      %dma_start3A_280 = arith.constant 0 : i32
      %dma_start3A_281 = tpu.memref_slice %arg6[%add3A_219, %dma_start3A_280] : memref<10240x128xf32, #tpu.memory_space<vmem_shared>> -> memref<80x128xf32, #tpu.memory_space<vmem_shared>>
      %dma_start3A_282 = arith.constant 0 : i32
      %dma_start3A_283 = tpu.memref_slice %arg6[%add3A_219, %dma_start3A_282] : memref<10240x128xf32, #tpu.memory_space<vmem_shared>> -> memref<80x128xf32, #tpu.memory_space<vmem_shared>>
      tpu.enqueue_dma source(%dma_start3A_283 : memref<80x128xf32, #tpu.memory_space<vmem_shared>>) target(%arg9 : memref<80x128xf32, #tpu.memory_space<vmem>>) target_semaphore(%run_scoped3A : memref<!tpu.dma_semaphore, #tpu.memory_space<semaphore_mem>>)
      %dma_wait3A_284 = arith.constant 0 : i32
      %dma_wait3A_285 = tpu.memref_slice %arg6[%add3A_219, %dma_wait3A_284] : memref<10240x128xf32, #tpu.memory_space<vmem_shared>> -> memref<80x128xf32, #tpu.memory_space<vmem_shared>>
      %dma_wait3A_286 = arith.constant 0 : i32
      %dma_wait3A_287 = tpu.memref_slice %arg6[%add3A_219, %dma_wait3A_286] : memref<10240x128xf32, #tpu.memory_space<vmem_shared>> -> memref<80x128xf32, #tpu.memory_space<vmem_shared>>
      tpu.wait_dma2 semaphore(%run_scoped3A : memref<!tpu.dma_semaphore, #tpu.memory_space<semaphore_mem>>) src(%dma_wait3A_287 : memref<80x128xf32, #tpu.memory_space<vmem_shared>>) dst(%arg9 : memref<80x128xf32, #tpu.memory_space<vmem>>)
      tpu.yield
    }) : () -> ()
    %add3A_220 = arith.constant 400 : i32
    %add3A_221 = arith.addi %mul3A_2, %add3A_220 : i32
    %dma_start3A_222 = arith.constant 0 : i32
    %dma_start3A_223 = tpu.memref_slice %arg5[%arg0, %add3A_221, %dma_start3A_222] : memref<2x10240x128xf32, #tpu.memory_space<hbm>> -> memref<1x80x128xf32, #tpu.memory_space<hbm>>
    %dma_start3A_224 = tpu.memref_squeeze %dma_start3A_223 : memref<1x80x128xf32, #tpu.memory_space<hbm>> -> memref<80x128xf32, #tpu.memory_space<hbm>>
    %dma_start3A_225 = arith.constant 0 : i32
    %dma_start3A_226 = tpu.memref_slice %arg5[%arg0, %add3A_221, %dma_start3A_225] : memref<2x10240x128xf32, #tpu.memory_space<hbm>> -> memref<1x80x128xf32, #tpu.memory_space<hbm>>
    %dma_start3A_227 = tpu.memref_squeeze %dma_start3A_226 : memref<1x80x128xf32, #tpu.memory_space<hbm>> -> memref<80x128xf32, #tpu.memory_space<hbm>>
    tpu.enqueue_dma source(%arg9 : memref<80x128xf32, #tpu.memory_space<vmem>>) target(%dma_start3A_227 : memref<80x128xf32, #tpu.memory_space<hbm>>) target_semaphore(%arg11 : memref<!tpu.dma_semaphore, #tpu.memory_space<semaphore_mem>>)
    %add3A_228 = arith.constant 320 : i32
    %add3A_229 = arith.addi %mul3A_2, %add3A_228 : i32
    %dma_wait3A_230 = arith.constant 0 : i32
    %dma_wait3A_231 = tpu.memref_slice %arg5[%arg0, %add3A_229, %dma_wait3A_230] : memref<2x10240x128xf32, #tpu.memory_space<hbm>> -> memref<1x80x128xf32, #tpu.memory_space<hbm>>
    %dma_wait3A_232 = tpu.memref_squeeze %dma_wait3A_231 : memref<1x80x128xf32, #tpu.memory_space<hbm>> -> memref<80x128xf32, #tpu.memory_space<hbm>>
    %dma_wait3A_233 = arith.constant 0 : i32
    %dma_wait3A_234 = tpu.memref_slice %arg5[%arg0, %add3A_229, %dma_wait3A_233] : memref<2x10240x128xf32, #tpu.memory_space<hbm>> -> memref<1x80x128xf32, #tpu.memory_space<hbm>>
    %dma_wait3A_235 = tpu.memref_squeeze %dma_wait3A_234 : memref<1x80x128xf32, #tpu.memory_space<hbm>> -> memref<80x128xf32, #tpu.memory_space<hbm>>
    tpu.wait_dma2 semaphore(%arg10 : memref<!tpu.dma_semaphore, #tpu.memory_space<semaphore_mem>>) src(%arg8 : memref<80x128xf32, #tpu.memory_space<vmem>>) dst(%dma_wait3A_235 : memref<80x128xf32, #tpu.memory_space<hbm>>)
    %add3A_236 = arith.constant 480 : i32
    %add3A_237 = arith.addi %mul3A_2, %add3A_236 : i32
    "tpu.region"() ({
      %run_scoped3A = tpu.sem_alloc : memref<!tpu.dma_semaphore, #tpu.memory_space<semaphore_mem>>
      %dma_start3A_280 = arith.constant 0 : i32
      %dma_start3A_281 = tpu.memref_slice %arg6[%add3A_237, %dma_start3A_280] : memref<10240x128xf32, #tpu.memory_space<vmem_shared>> -> memref<80x128xf32, #tpu.memory_space<vmem_shared>>
      %dma_start3A_282 = arith.constant 0 : i32
      %dma_start3A_283 = tpu.memref_slice %arg6[%add3A_237, %dma_start3A_282] : memref<10240x128xf32, #tpu.memory_space<vmem_shared>> -> memref<80x128xf32, #tpu.memory_space<vmem_shared>>
      tpu.enqueue_dma source(%dma_start3A_283 : memref<80x128xf32, #tpu.memory_space<vmem_shared>>) target(%arg8 : memref<80x128xf32, #tpu.memory_space<vmem>>) target_semaphore(%run_scoped3A : memref<!tpu.dma_semaphore, #tpu.memory_space<semaphore_mem>>)
      %dma_wait3A_284 = arith.constant 0 : i32
      %dma_wait3A_285 = tpu.memref_slice %arg6[%add3A_237, %dma_wait3A_284] : memref<10240x128xf32, #tpu.memory_space<vmem_shared>> -> memref<80x128xf32, #tpu.memory_space<vmem_shared>>
      %dma_wait3A_286 = arith.constant 0 : i32
      %dma_wait3A_287 = tpu.memref_slice %arg6[%add3A_237, %dma_wait3A_286] : memref<10240x128xf32, #tpu.memory_space<vmem_shared>> -> memref<80x128xf32, #tpu.memory_space<vmem_shared>>
      tpu.wait_dma2 semaphore(%run_scoped3A : memref<!tpu.dma_semaphore, #tpu.memory_space<semaphore_mem>>) src(%dma_wait3A_287 : memref<80x128xf32, #tpu.memory_space<vmem_shared>>) dst(%arg8 : memref<80x128xf32, #tpu.memory_space<vmem>>)
      tpu.yield
    }) : () -> ()
    %add3A_238 = arith.constant 480 : i32
    %add3A_239 = arith.addi %mul3A_2, %add3A_238 : i32
    %dma_start3A_240 = arith.constant 0 : i32
    %dma_start3A_241 = tpu.memref_slice %arg5[%arg0, %add3A_239, %dma_start3A_240] : memref<2x10240x128xf32, #tpu.memory_space<hbm>> -> memref<1x80x128xf32, #tpu.memory_space<hbm>>
    %dma_start3A_242 = tpu.memref_squeeze %dma_start3A_241 : memref<1x80x128xf32, #tpu.memory_space<hbm>> -> memref<80x128xf32, #tpu.memory_space<hbm>>
    %dma_start3A_243 = arith.constant 0 : i32
    %dma_start3A_244 = tpu.memref_slice %arg5[%arg0, %add3A_239, %dma_start3A_243] : memref<2x10240x128xf32, #tpu.memory_space<hbm>> -> memref<1x80x128xf32, #tpu.memory_space<hbm>>
    %dma_start3A_245 = tpu.memref_squeeze %dma_start3A_244 : memref<1x80x128xf32, #tpu.memory_space<hbm>> -> memref<80x128xf32, #tpu.memory_space<hbm>>
    tpu.enqueue_dma source(%arg8 : memref<80x128xf32, #tpu.memory_space<vmem>>) target(%dma_start3A_245 : memref<80x128xf32, #tpu.memory_space<hbm>>) target_semaphore(%arg10 : memref<!tpu.dma_semaphore, #tpu.memory_space<semaphore_mem>>)
    %add3A_246 = arith.constant 400 : i32
    %add3A_247 = arith.addi %mul3A_2, %add3A_246 : i32
    %dma_wait3A_248 = arith.constant 0 : i32
    %dma_wait3A_249 = tpu.memref_slice %arg5[%arg0, %add3A_247, %dma_wait3A_248] : memref<2x10240x128xf32, #tpu.memory_space<hbm>> -> memref<1x80x128xf32, #tpu.memory_space<hbm>>
    %dma_wait3A_250 = tpu.memref_squeeze %dma_wait3A_249 : memref<1x80x128xf32, #tpu.memory_space<hbm>> -> memref<80x128xf32, #tpu.memory_space<hbm>>
    %dma_wait3A_251 = arith.constant 0 : i32
    %dma_wait3A_252 = tpu.memref_slice %arg5[%arg0, %add3A_247, %dma_wait3A_251] : memref<2x10240x128xf32, #tpu.memory_space<hbm>> -> memref<1x80x128xf32, #tpu.memory_space<hbm>>
    %dma_wait3A_253 = tpu.memref_squeeze %dma_wait3A_252 : memref<1x80x128xf32, #tpu.memory_space<hbm>> -> memref<80x128xf32, #tpu.memory_space<hbm>>
    tpu.wait_dma2 semaphore(%arg11 : memref<!tpu.dma_semaphore, #tpu.memory_space<semaphore_mem>>) src(%arg9 : memref<80x128xf32, #tpu.memory_space<vmem>>) dst(%dma_wait3A_253 : memref<80x128xf32, #tpu.memory_space<hbm>>)
    %add3A_254 = arith.constant 560 : i32
    %add3A_255 = arith.addi %mul3A_2, %add3A_254 : i32
    "tpu.region"() ({
      %run_scoped3A = tpu.sem_alloc : memref<!tpu.dma_semaphore, #tpu.memory_space<semaphore_mem>>
      %dma_start3A_280 = arith.constant 0 : i32
      %dma_start3A_281 = tpu.memref_slice %arg6[%add3A_255, %dma_start3A_280] : memref<10240x128xf32, #tpu.memory_space<vmem_shared>> -> memref<80x128xf32, #tpu.memory_space<vmem_shared>>
      %dma_start3A_282 = arith.constant 0 : i32
      %dma_start3A_283 = tpu.memref_slice %arg6[%add3A_255, %dma_start3A_282] : memref<10240x128xf32, #tpu.memory_space<vmem_shared>> -> memref<80x128xf32, #tpu.memory_space<vmem_shared>>
      tpu.enqueue_dma source(%dma_start3A_283 : memref<80x128xf32, #tpu.memory_space<vmem_shared>>) target(%arg9 : memref<80x128xf32, #tpu.memory_space<vmem>>) target_semaphore(%run_scoped3A : memref<!tpu.dma_semaphore, #tpu.memory_space<semaphore_mem>>)
      %dma_wait3A_284 = arith.constant 0 : i32
      %dma_wait3A_285 = tpu.memref_slice %arg6[%add3A_255, %dma_wait3A_284] : memref<10240x128xf32, #tpu.memory_space<vmem_shared>> -> memref<80x128xf32, #tpu.memory_space<vmem_shared>>
      %dma_wait3A_286 = arith.constant 0 : i32
      %dma_wait3A_287 = tpu.memref_slice %arg6[%add3A_255, %dma_wait3A_286] : memref<10240x128xf32, #tpu.memory_space<vmem_shared>> -> memref<80x128xf32, #tpu.memory_space<vmem_shared>>
      tpu.wait_dma2 semaphore(%run_scoped3A : memref<!tpu.dma_semaphore, #tpu.memory_space<semaphore_mem>>) src(%dma_wait3A_287 : memref<80x128xf32, #tpu.memory_space<vmem_shared>>) dst(%arg9 : memref<80x128xf32, #tpu.memory_space<vmem>>)
      tpu.yield
    }) : () -> ()
    %add3A_256 = arith.constant 560 : i32
    %add3A_257 = arith.addi %mul3A_2, %add3A_256 : i32
    %dma_start3A_258 = arith.constant 0 : i32
    %dma_start3A_259 = tpu.memref_slice %arg5[%arg0, %add3A_257, %dma_start3A_258] : memref<2x10240x128xf32, #tpu.memory_space<hbm>> -> memref<1x80x128xf32, #tpu.memory_space<hbm>>
    %dma_start3A_260 = tpu.memref_squeeze %dma_start3A_259 : memref<1x80x128xf32, #tpu.memory_space<hbm>> -> memref<80x128xf32, #tpu.memory_space<hbm>>
    %dma_start3A_261 = arith.constant 0 : i32
    %dma_start3A_262 = tpu.memref_slice %arg5[%arg0, %add3A_257, %dma_start3A_261] : memref<2x10240x128xf32, #tpu.memory_space<hbm>> -> memref<1x80x128xf32, #tpu.memory_space<hbm>>
    %dma_start3A_263 = tpu.memref_squeeze %dma_start3A_262 : memref<1x80x128xf32, #tpu.memory_space<hbm>> -> memref<80x128xf32, #tpu.memory_space<hbm>>
    tpu.enqueue_dma source(%arg9 : memref<80x128xf32, #tpu.memory_space<vmem>>) target(%dma_start3A_263 : memref<80x128xf32, #tpu.memory_space<hbm>>) target_semaphore(%arg11 : memref<!tpu.dma_semaphore, #tpu.memory_space<semaphore_mem>>)
    %add3A_264 = arith.constant 480 : i32
    %add3A_265 = arith.addi %mul3A_2, %add3A_264 : i32
    %dma_wait3A_266 = arith.constant 0 : i32
    %dma_wait3A_267 = tpu.memref_slice %arg5[%arg0, %add3A_265, %dma_wait3A_266] : memref<2x10240x128xf32, #tpu.memory_space<hbm>> -> memref<1x80x128xf32, #tpu.memory_space<hbm>>
    %dma_wait3A_268 = tpu.memref_squeeze %dma_wait3A_267 : memref<1x80x128xf32, #tpu.memory_space<hbm>> -> memref<80x128xf32, #tpu.memory_space<hbm>>
    %dma_wait3A_269 = arith.constant 0 : i32
    %dma_wait3A_270 = tpu.memref_slice %arg5[%arg0, %add3A_265, %dma_wait3A_269] : memref<2x10240x128xf32, #tpu.memory_space<hbm>> -> memref<1x80x128xf32, #tpu.memory_space<hbm>>
    %dma_wait3A_271 = tpu.memref_squeeze %dma_wait3A_270 : memref<1x80x128xf32, #tpu.memory_space<hbm>> -> memref<80x128xf32, #tpu.memory_space<hbm>>
    tpu.wait_dma2 semaphore(%arg10 : memref<!tpu.dma_semaphore, #tpu.memory_space<semaphore_mem>>) src(%arg8 : memref<80x128xf32, #tpu.memory_space<vmem>>) dst(%dma_wait3A_271 : memref<80x128xf32, #tpu.memory_space<hbm>>)
    %add3A_272 = arith.constant 560 : i32
    %add3A_273 = arith.addi %mul3A_2, %add3A_272 : i32
    %dma_wait3A_274 = arith.constant 0 : i32
    %dma_wait3A_275 = tpu.memref_slice %arg5[%arg0, %add3A_273, %dma_wait3A_274] : memref<2x10240x128xf32, #tpu.memory_space<hbm>> -> memref<1x80x128xf32, #tpu.memory_space<hbm>>
    %dma_wait3A_276 = tpu.memref_squeeze %dma_wait3A_275 : memref<1x80x128xf32, #tpu.memory_space<hbm>> -> memref<80x128xf32, #tpu.memory_space<hbm>>
    %dma_wait3A_277 = arith.constant 0 : i32
    %dma_wait3A_278 = tpu.memref_slice %arg5[%arg0, %add3A_273, %dma_wait3A_277] : memref<2x10240x128xf32, #tpu.memory_space<hbm>> -> memref<1x80x128xf32, #tpu.memory_space<hbm>>
    %dma_wait3A_279 = tpu.memref_squeeze %dma_wait3A_278 : memref<1x80x128xf32, #tpu.memory_space<hbm>> -> memref<80x128xf32, #tpu.memory_space<hbm>>
    tpu.wait_dma2 semaphore(%arg11 : memref<!tpu.dma_semaphore, #tpu.memory_space<semaphore_mem>>) src(%arg9 : memref<80x128xf32, #tpu.memory_space<vmem>>) dst(%dma_wait3A_279 : memref<80x128xf32, #tpu.memory_space<hbm>>)
    return
  }
}

#map = affine_map<(d0, d1) -> (0, 0)>
#map1 = affine_map<(d0, d1) -> (0, 0, 0)>
module attributes {stable_mosaic.version = 14 : i64} {
  func.func @gather(%arg0: i32, %arg1: i32, %arg2: memref<10240x128xf32, #tpu.memory_space<hbm>>, %arg3: memref<32x25x80xi32, #tpu.memory_space<hbm>>, %arg4: memref<64000x128xf32, #tpu.memory_space<hbm>>, %arg5: memref<10240x128xf32, #tpu.memory_space<vmem_shared>>, %arg6: memref<25x80xi32, #tpu.memory_space<vmem>>, %arg7: memref<80x128xf32, #tpu.memory_space<vmem>>, %arg8: memref<80x128xf32, #tpu.memory_space<vmem>>, %arg9: memref<!tpu.dma_semaphore, #tpu.memory_space<semaphore_mem>>, %arg10: memref<!tpu.dma_semaphore, #tpu.memory_space<semaphore_mem>>, %arg11: memref<!tpu.dma_semaphore, #tpu.memory_space<semaphore_mem>>, %arg12: memref<!tpu.dma_semaphore, #tpu.memory_space<semaphore_mem>>) attributes {dimension_semantics = [#tpu.dimension_semantics<core_parallel>, #tpu.dimension_semantics<subcore_parallel>], iteration_bounds = array<i64: 2, 16>, scalar_prefetch = 0 : i64, scratch_operands = 8 : i64, tpu.core_type = #tpu.core_type<sc_vector_subcore>, window_params = [{transform_indices = #map}, {transform_indices = #map1}, {transform_indices = #map}]} {
    %mul3A = arith.constant 2 : i32
    %mul3A_0 = arith.muli %arg1, %mul3A : i32
    %add3A = arith.addi %mul3A_0, %arg0 : i32
    %mul3A_1 = arith.constant 640 : i32
    %mul3A_2 = arith.muli %arg1, %mul3A_1 : i32
    %add3A_3 = arith.constant 0 : i32
    %add3A_4 = arith.addi %mul3A_2, %add3A_3 : i32
    %dma_start3A = arith.constant 0 : i32
    %dma_start3A_5 = tpu.memref_slice %arg2[%add3A_4, %dma_start3A] : memref<10240x128xf32, #tpu.memory_space<hbm>> -> memref<80x128xf32, #tpu.memory_space<hbm>>
    %dma_start3A_6 = arith.constant 0 : i32
    %dma_start3A_7 = tpu.memref_slice %arg2[%add3A_4, %dma_start3A_6] : memref<10240x128xf32, #tpu.memory_space<hbm>> -> memref<80x128xf32, #tpu.memory_space<hbm>>
    tpu.enqueue_dma source(%dma_start3A_7 : memref<80x128xf32, #tpu.memory_space<hbm>>) target(%arg7 : memref<80x128xf32, #tpu.memory_space<vmem>>) target_semaphore(%arg9 : memref<!tpu.dma_semaphore, #tpu.memory_space<semaphore_mem>>)
    %add3A_8 = arith.constant 80 : i32
    %add3A_9 = arith.addi %mul3A_2, %add3A_8 : i32
    %dma_start3A_10 = arith.constant 0 : i32
    %dma_start3A_11 = tpu.memref_slice %arg2[%add3A_9, %dma_start3A_10] : memref<10240x128xf32, #tpu.memory_space<hbm>> -> memref<80x128xf32, #tpu.memory_space<hbm>>
    %dma_start3A_12 = arith.constant 0 : i32
    %dma_start3A_13 = tpu.memref_slice %arg2[%add3A_9, %dma_start3A_12] : memref<10240x128xf32, #tpu.memory_space<hbm>> -> memref<80x128xf32, #tpu.memory_space<hbm>>
    tpu.enqueue_dma source(%dma_start3A_13 : memref<80x128xf32, #tpu.memory_space<hbm>>) target(%arg8 : memref<80x128xf32, #tpu.memory_space<vmem>>) target_semaphore(%arg10 : memref<!tpu.dma_semaphore, #tpu.memory_space<semaphore_mem>>)
    %add3A_14 = arith.constant 0 : i32
    %add3A_15 = arith.addi %mul3A_2, %add3A_14 : i32
    %dma_wait3A = arith.constant 0 : i32
    %dma_wait3A_16 = tpu.memref_slice %arg2[%add3A_15, %dma_wait3A] : memref<10240x128xf32, #tpu.memory_space<hbm>> -> memref<80x128xf32, #tpu.memory_space<hbm>>
    %dma_wait3A_17 = arith.constant 0 : i32
    %dma_wait3A_18 = tpu.memref_slice %arg2[%add3A_15, %dma_wait3A_17] : memref<10240x128xf32, #tpu.memory_space<hbm>> -> memref<80x128xf32, #tpu.memory_space<hbm>>
    tpu.wait_dma2 semaphore(%arg9 : memref<!tpu.dma_semaphore, #tpu.memory_space<semaphore_mem>>) src(%dma_wait3A_18 : memref<80x128xf32, #tpu.memory_space<hbm>>) dst(%arg7 : memref<80x128xf32, #tpu.memory_space<vmem>>)
    "tpu.region"() ({
      %run_scoped3A = tpu.sem_alloc : memref<!tpu.dma_semaphore, #tpu.memory_space<semaphore_mem>>
      %dma_start3A_136 = arith.constant 0 : i32
      %dma_start3A_137 = tpu.memref_slice %arg5[%add3A_15, %dma_start3A_136] : memref<10240x128xf32, #tpu.memory_space<vmem_shared>> -> memref<80x128xf32, #tpu.memory_space<vmem_shared>>
      %dma_start3A_138 = arith.constant 0 : i32
      %dma_start3A_139 = tpu.memref_slice %arg5[%add3A_15, %dma_start3A_138] : memref<10240x128xf32, #tpu.memory_space<vmem_shared>> -> memref<80x128xf32, #tpu.memory_space<vmem_shared>>
      tpu.enqueue_dma source(%arg7 : memref<80x128xf32, #tpu.memory_space<vmem>>) target(%dma_start3A_139 : memref<80x128xf32, #tpu.memory_space<vmem_shared>>) target_semaphore(%run_scoped3A : memref<!tpu.dma_semaphore, #tpu.memory_space<semaphore_mem>>)
      %dma_wait3A_140 = arith.constant 0 : i32
      %dma_wait3A_141 = tpu.memref_slice %arg5[%add3A_15, %dma_wait3A_140] : memref<10240x128xf32, #tpu.memory_space<vmem_shared>> -> memref<80x128xf32, #tpu.memory_space<vmem_shared>>
      %dma_wait3A_142 = arith.constant 0 : i32
      %dma_wait3A_143 = tpu.memref_slice %arg5[%add3A_15, %dma_wait3A_142] : memref<10240x128xf32, #tpu.memory_space<vmem_shared>> -> memref<80x128xf32, #tpu.memory_space<vmem_shared>>
      tpu.wait_dma2 semaphore(%run_scoped3A : memref<!tpu.dma_semaphore, #tpu.memory_space<semaphore_mem>>) src(%arg7 : memref<80x128xf32, #tpu.memory_space<vmem>>) dst(%dma_wait3A_143 : memref<80x128xf32, #tpu.memory_space<vmem_shared>>)
      tpu.yield
    }) : () -> ()
    %add3A_19 = arith.constant 160 : i32
    %add3A_20 = arith.addi %mul3A_2, %add3A_19 : i32
    %dma_start3A_21 = arith.constant 0 : i32
    %dma_start3A_22 = tpu.memref_slice %arg2[%add3A_20, %dma_start3A_21] : memref<10240x128xf32, #tpu.memory_space<hbm>> -> memref<80x128xf32, #tpu.memory_space<hbm>>
    %dma_start3A_23 = arith.constant 0 : i32
    %dma_start3A_24 = tpu.memref_slice %arg2[%add3A_20, %dma_start3A_23] : memref<10240x128xf32, #tpu.memory_space<hbm>> -> memref<80x128xf32, #tpu.memory_space<hbm>>
    tpu.enqueue_dma source(%dma_start3A_24 : memref<80x128xf32, #tpu.memory_space<hbm>>) target(%arg7 : memref<80x128xf32, #tpu.memory_space<vmem>>) target_semaphore(%arg9 : memref<!tpu.dma_semaphore, #tpu.memory_space<semaphore_mem>>)
    %add3A_25 = arith.constant 80 : i32
    %add3A_26 = arith.addi %mul3A_2, %add3A_25 : i32
    %dma_wait3A_27 = arith.constant 0 : i32
    %dma_wait3A_28 = tpu.memref_slice %arg2[%add3A_26, %dma_wait3A_27] : memref<10240x128xf32, #tpu.memory_space<hbm>> -> memref<80x128xf32, #tpu.memory_space<hbm>>
    %dma_wait3A_29 = arith.constant 0 : i32
    %dma_wait3A_30 = tpu.memref_slice %arg2[%add3A_26, %dma_wait3A_29] : memref<10240x128xf32, #tpu.memory_space<hbm>> -> memref<80x128xf32, #tpu.memory_space<hbm>>
    tpu.wait_dma2 semaphore(%arg10 : memref<!tpu.dma_semaphore, #tpu.memory_space<semaphore_mem>>) src(%dma_wait3A_30 : memref<80x128xf32, #tpu.memory_space<hbm>>) dst(%arg8 : memref<80x128xf32, #tpu.memory_space<vmem>>)
    "tpu.region"() ({
      %run_scoped3A = tpu.sem_alloc : memref<!tpu.dma_semaphore, #tpu.memory_space<semaphore_mem>>
      %dma_start3A_136 = arith.constant 0 : i32
      %dma_start3A_137 = tpu.memref_slice %arg5[%add3A_26, %dma_start3A_136] : memref<10240x128xf32, #tpu.memory_space<vmem_shared>> -> memref<80x128xf32, #tpu.memory_space<vmem_shared>>
      %dma_start3A_138 = arith.constant 0 : i32
      %dma_start3A_139 = tpu.memref_slice %arg5[%add3A_26, %dma_start3A_138] : memref<10240x128xf32, #tpu.memory_space<vmem_shared>> -> memref<80x128xf32, #tpu.memory_space<vmem_shared>>
      tpu.enqueue_dma source(%arg8 : memref<80x128xf32, #tpu.memory_space<vmem>>) target(%dma_start3A_139 : memref<80x128xf32, #tpu.memory_space<vmem_shared>>) target_semaphore(%run_scoped3A : memref<!tpu.dma_semaphore, #tpu.memory_space<semaphore_mem>>)
      %dma_wait3A_140 = arith.constant 0 : i32
      %dma_wait3A_141 = tpu.memref_slice %arg5[%add3A_26, %dma_wait3A_140] : memref<10240x128xf32, #tpu.memory_space<vmem_shared>> -> memref<80x128xf32, #tpu.memory_space<vmem_shared>>
      %dma_wait3A_142 = arith.constant 0 : i32
      %dma_wait3A_143 = tpu.memref_slice %arg5[%add3A_26, %dma_wait3A_142] : memref<10240x128xf32, #tpu.memory_space<vmem_shared>> -> memref<80x128xf32, #tpu.memory_space<vmem_shared>>
      tpu.wait_dma2 semaphore(%run_scoped3A : memref<!tpu.dma_semaphore, #tpu.memory_space<semaphore_mem>>) src(%arg8 : memref<80x128xf32, #tpu.memory_space<vmem>>) dst(%dma_wait3A_143 : memref<80x128xf32, #tpu.memory_space<vmem_shared>>)
      tpu.yield
    }) : () -> ()
    %add3A_31 = arith.constant 240 : i32
    %add3A_32 = arith.addi %mul3A_2, %add3A_31 : i32
    %dma_start3A_33 = arith.constant 0 : i32
    %dma_start3A_34 = tpu.memref_slice %arg2[%add3A_32, %dma_start3A_33] : memref<10240x128xf32, #tpu.memory_space<hbm>> -> memref<80x128xf32, #tpu.memory_space<hbm>>
    %dma_start3A_35 = arith.constant 0 : i32
    %dma_start3A_36 = tpu.memref_slice %arg2[%add3A_32, %dma_start3A_35] : memref<10240x128xf32, #tpu.memory_space<hbm>> -> memref<80x128xf32, #tpu.memory_space<hbm>>
    tpu.enqueue_dma source(%dma_start3A_36 : memref<80x128xf32, #tpu.memory_space<hbm>>) target(%arg8 : memref<80x128xf32, #tpu.memory_space<vmem>>) target_semaphore(%arg10 : memref<!tpu.dma_semaphore, #tpu.memory_space<semaphore_mem>>)
    %add3A_37 = arith.constant 160 : i32
    %add3A_38 = arith.addi %mul3A_2, %add3A_37 : i32
    %dma_wait3A_39 = arith.constant 0 : i32
    %dma_wait3A_40 = tpu.memref_slice %arg2[%add3A_38, %dma_wait3A_39] : memref<10240x128xf32, #tpu.memory_space<hbm>> -> memref<80x128xf32, #tpu.memory_space<hbm>>
    %dma_wait3A_41 = arith.constant 0 : i32
    %dma_wait3A_42 = tpu.memref_slice %arg2[%add3A_38, %dma_wait3A_41] : memref<10240x128xf32, #tpu.memory_space<hbm>> -> memref<80x128xf32, #tpu.memory_space<hbm>>
    tpu.wait_dma2 semaphore(%arg9 : memref<!tpu.dma_semaphore, #tpu.memory_space<semaphore_mem>>) src(%dma_wait3A_42 : memref<80x128xf32, #tpu.memory_space<hbm>>) dst(%arg7 : memref<80x128xf32, #tpu.memory_space<vmem>>)
    "tpu.region"() ({
      %run_scoped3A = tpu.sem_alloc : memref<!tpu.dma_semaphore, #tpu.memory_space<semaphore_mem>>
      %dma_start3A_136 = arith.constant 0 : i32
      %dma_start3A_137 = tpu.memref_slice %arg5[%add3A_38, %dma_start3A_136] : memref<10240x128xf32, #tpu.memory_space<vmem_shared>> -> memref<80x128xf32, #tpu.memory_space<vmem_shared>>
      %dma_start3A_138 = arith.constant 0 : i32
      %dma_start3A_139 = tpu.memref_slice %arg5[%add3A_38, %dma_start3A_138] : memref<10240x128xf32, #tpu.memory_space<vmem_shared>> -> memref<80x128xf32, #tpu.memory_space<vmem_shared>>
      tpu.enqueue_dma source(%arg7 : memref<80x128xf32, #tpu.memory_space<vmem>>) target(%dma_start3A_139 : memref<80x128xf32, #tpu.memory_space<vmem_shared>>) target_semaphore(%run_scoped3A : memref<!tpu.dma_semaphore, #tpu.memory_space<semaphore_mem>>)
      %dma_wait3A_140 = arith.constant 0 : i32
      %dma_wait3A_141 = tpu.memref_slice %arg5[%add3A_38, %dma_wait3A_140] : memref<10240x128xf32, #tpu.memory_space<vmem_shared>> -> memref<80x128xf32, #tpu.memory_space<vmem_shared>>
      %dma_wait3A_142 = arith.constant 0 : i32
      %dma_wait3A_143 = tpu.memref_slice %arg5[%add3A_38, %dma_wait3A_142] : memref<10240x128xf32, #tpu.memory_space<vmem_shared>> -> memref<80x128xf32, #tpu.memory_space<vmem_shared>>
      tpu.wait_dma2 semaphore(%run_scoped3A : memref<!tpu.dma_semaphore, #tpu.memory_space<semaphore_mem>>) src(%arg7 : memref<80x128xf32, #tpu.memory_space<vmem>>) dst(%dma_wait3A_143 : memref<80x128xf32, #tpu.memory_space<vmem_shared>>)
      tpu.yield
    }) : () -> ()
    %add3A_43 = arith.constant 320 : i32
    %add3A_44 = arith.addi %mul3A_2, %add3A_43 : i32
    %dma_start3A_45 = arith.constant 0 : i32
    %dma_start3A_46 = tpu.memref_slice %arg2[%add3A_44, %dma_start3A_45] : memref<10240x128xf32, #tpu.memory_space<hbm>> -> memref<80x128xf32, #tpu.memory_space<hbm>>
    %dma_start3A_47 = arith.constant 0 : i32
    %dma_start3A_48 = tpu.memref_slice %arg2[%add3A_44, %dma_start3A_47] : memref<10240x128xf32, #tpu.memory_space<hbm>> -> memref<80x128xf32, #tpu.memory_space<hbm>>
    tpu.enqueue_dma source(%dma_start3A_48 : memref<80x128xf32, #tpu.memory_space<hbm>>) target(%arg7 : memref<80x128xf32, #tpu.memory_space<vmem>>) target_semaphore(%arg9 : memref<!tpu.dma_semaphore, #tpu.memory_space<semaphore_mem>>)
    %add3A_49 = arith.constant 240 : i32
    %add3A_50 = arith.addi %mul3A_2, %add3A_49 : i32
    %dma_wait3A_51 = arith.constant 0 : i32
    %dma_wait3A_52 = tpu.memref_slice %arg2[%add3A_50, %dma_wait3A_51] : memref<10240x128xf32, #tpu.memory_space<hbm>> -> memref<80x128xf32, #tpu.memory_space<hbm>>
    %dma_wait3A_53 = arith.constant 0 : i32
    %dma_wait3A_54 = tpu.memref_slice %arg2[%add3A_50, %dma_wait3A_53] : memref<10240x128xf32, #tpu.memory_space<hbm>> -> memref<80x128xf32, #tpu.memory_space<hbm>>
    tpu.wait_dma2 semaphore(%arg10 : memref<!tpu.dma_semaphore, #tpu.memory_space<semaphore_mem>>) src(%dma_wait3A_54 : memref<80x128xf32, #tpu.memory_space<hbm>>) dst(%arg8 : memref<80x128xf32, #tpu.memory_space<vmem>>)
    "tpu.region"() ({
      %run_scoped3A = tpu.sem_alloc : memref<!tpu.dma_semaphore, #tpu.memory_space<semaphore_mem>>
      %dma_start3A_136 = arith.constant 0 : i32
      %dma_start3A_137 = tpu.memref_slice %arg5[%add3A_50, %dma_start3A_136] : memref<10240x128xf32, #tpu.memory_space<vmem_shared>> -> memref<80x128xf32, #tpu.memory_space<vmem_shared>>
      %dma_start3A_138 = arith.constant 0 : i32
      %dma_start3A_139 = tpu.memref_slice %arg5[%add3A_50, %dma_start3A_138] : memref<10240x128xf32, #tpu.memory_space<vmem_shared>> -> memref<80x128xf32, #tpu.memory_space<vmem_shared>>
      tpu.enqueue_dma source(%arg8 : memref<80x128xf32, #tpu.memory_space<vmem>>) target(%dma_start3A_139 : memref<80x128xf32, #tpu.memory_space<vmem_shared>>) target_semaphore(%run_scoped3A : memref<!tpu.dma_semaphore, #tpu.memory_space<semaphore_mem>>)
      %dma_wait3A_140 = arith.constant 0 : i32
      %dma_wait3A_141 = tpu.memref_slice %arg5[%add3A_50, %dma_wait3A_140] : memref<10240x128xf32, #tpu.memory_space<vmem_shared>> -> memref<80x128xf32, #tpu.memory_space<vmem_shared>>
      %dma_wait3A_142 = arith.constant 0 : i32
      %dma_wait3A_143 = tpu.memref_slice %arg5[%add3A_50, %dma_wait3A_142] : memref<10240x128xf32, #tpu.memory_space<vmem_shared>> -> memref<80x128xf32, #tpu.memory_space<vmem_shared>>
      tpu.wait_dma2 semaphore(%run_scoped3A : memref<!tpu.dma_semaphore, #tpu.memory_space<semaphore_mem>>) src(%arg8 : memref<80x128xf32, #tpu.memory_space<vmem>>) dst(%dma_wait3A_143 : memref<80x128xf32, #tpu.memory_space<vmem_shared>>)
      tpu.yield
    }) : () -> ()
    %add3A_55 = arith.constant 400 : i32
    %add3A_56 = arith.addi %mul3A_2, %add3A_55 : i32
    %dma_start3A_57 = arith.constant 0 : i32
    %dma_start3A_58 = tpu.memref_slice %arg2[%add3A_56, %dma_start3A_57] : memref<10240x128xf32, #tpu.memory_space<hbm>> -> memref<80x128xf32, #tpu.memory_space<hbm>>
    %dma_start3A_59 = arith.constant 0 : i32
    %dma_start3A_60 = tpu.memref_slice %arg2[%add3A_56, %dma_start3A_59] : memref<10240x128xf32, #tpu.memory_space<hbm>> -> memref<80x128xf32, #tpu.memory_space<hbm>>
    tpu.enqueue_dma source(%dma_start3A_60 : memref<80x128xf32, #tpu.memory_space<hbm>>) target(%arg8 : memref<80x128xf32, #tpu.memory_space<vmem>>) target_semaphore(%arg10 : memref<!tpu.dma_semaphore, #tpu.memory_space<semaphore_mem>>)
    %add3A_61 = arith.constant 320 : i32
    %add3A_62 = arith.addi %mul3A_2, %add3A_61 : i32
    %dma_wait3A_63 = arith.constant 0 : i32
    %dma_wait3A_64 = tpu.memref_slice %arg2[%add3A_62, %dma_wait3A_63] : memref<10240x128xf32, #tpu.memory_space<hbm>> -> memref<80x128xf32, #tpu.memory_space<hbm>>
    %dma_wait3A_65 = arith.constant 0 : i32
    %dma_wait3A_66 = tpu.memref_slice %arg2[%add3A_62, %dma_wait3A_65] : memref<10240x128xf32, #tpu.memory_space<hbm>> -> memref<80x128xf32, #tpu.memory_space<hbm>>
    tpu.wait_dma2 semaphore(%arg9 : memref<!tpu.dma_semaphore, #tpu.memory_space<semaphore_mem>>) src(%dma_wait3A_66 : memref<80x128xf32, #tpu.memory_space<hbm>>) dst(%arg7 : memref<80x128xf32, #tpu.memory_space<vmem>>)
    "tpu.region"() ({
      %run_scoped3A = tpu.sem_alloc : memref<!tpu.dma_semaphore, #tpu.memory_space<semaphore_mem>>
      %dma_start3A_136 = arith.constant 0 : i32
      %dma_start3A_137 = tpu.memref_slice %arg5[%add3A_62, %dma_start3A_136] : memref<10240x128xf32, #tpu.memory_space<vmem_shared>> -> memref<80x128xf32, #tpu.memory_space<vmem_shared>>
      %dma_start3A_138 = arith.constant 0 : i32
      %dma_start3A_139 = tpu.memref_slice %arg5[%add3A_62, %dma_start3A_138] : memref<10240x128xf32, #tpu.memory_space<vmem_shared>> -> memref<80x128xf32, #tpu.memory_space<vmem_shared>>
      tpu.enqueue_dma source(%arg7 : memref<80x128xf32, #tpu.memory_space<vmem>>) target(%dma_start3A_139 : memref<80x128xf32, #tpu.memory_space<vmem_shared>>) target_semaphore(%run_scoped3A : memref<!tpu.dma_semaphore, #tpu.memory_space<semaphore_mem>>)
      %dma_wait3A_140 = arith.constant 0 : i32
      %dma_wait3A_141 = tpu.memref_slice %arg5[%add3A_62, %dma_wait3A_140] : memref<10240x128xf32, #tpu.memory_space<vmem_shared>> -> memref<80x128xf32, #tpu.memory_space<vmem_shared>>
      %dma_wait3A_142 = arith.constant 0 : i32
      %dma_wait3A_143 = tpu.memref_slice %arg5[%add3A_62, %dma_wait3A_142] : memref<10240x128xf32, #tpu.memory_space<vmem_shared>> -> memref<80x128xf32, #tpu.memory_space<vmem_shared>>
      tpu.wait_dma2 semaphore(%run_scoped3A : memref<!tpu.dma_semaphore, #tpu.memory_space<semaphore_mem>>) src(%arg7 : memref<80x128xf32, #tpu.memory_space<vmem>>) dst(%dma_wait3A_143 : memref<80x128xf32, #tpu.memory_space<vmem_shared>>)
      tpu.yield
    }) : () -> ()
    %add3A_67 = arith.constant 480 : i32
    %add3A_68 = arith.addi %mul3A_2, %add3A_67 : i32
    %dma_start3A_69 = arith.constant 0 : i32
    %dma_start3A_70 = tpu.memref_slice %arg2[%add3A_68, %dma_start3A_69] : memref<10240x128xf32, #tpu.memory_space<hbm>> -> memref<80x128xf32, #tpu.memory_space<hbm>>
    %dma_start3A_71 = arith.constant 0 : i32
    %dma_start3A_72 = tpu.memref_slice %arg2[%add3A_68, %dma_start3A_71] : memref<10240x128xf32, #tpu.memory_space<hbm>> -> memref<80x128xf32, #tpu.memory_space<hbm>>
    tpu.enqueue_dma source(%dma_start3A_72 : memref<80x128xf32, #tpu.memory_space<hbm>>) target(%arg7 : memref<80x128xf32, #tpu.memory_space<vmem>>) target_semaphore(%arg9 : memref<!tpu.dma_semaphore, #tpu.memory_space<semaphore_mem>>)
    %add3A_73 = arith.constant 400 : i32
    %add3A_74 = arith.addi %mul3A_2, %add3A_73 : i32
    %dma_wait3A_75 = arith.constant 0 : i32
    %dma_wait3A_76 = tpu.memref_slice %arg2[%add3A_74, %dma_wait3A_75] : memref<10240x128xf32, #tpu.memory_space<hbm>> -> memref<80x128xf32, #tpu.memory_space<hbm>>
    %dma_wait3A_77 = arith.constant 0 : i32
    %dma_wait3A_78 = tpu.memref_slice %arg2[%add3A_74, %dma_wait3A_77] : memref<10240x128xf32, #tpu.memory_space<hbm>> -> memref<80x128xf32, #tpu.memory_space<hbm>>
    tpu.wait_dma2 semaphore(%arg10 : memref<!tpu.dma_semaphore, #tpu.memory_space<semaphore_mem>>) src(%dma_wait3A_78 : memref<80x128xf32, #tpu.memory_space<hbm>>) dst(%arg8 : memref<80x128xf32, #tpu.memory_space<vmem>>)
    "tpu.region"() ({
      %run_scoped3A = tpu.sem_alloc : memref<!tpu.dma_semaphore, #tpu.memory_space<semaphore_mem>>
      %dma_start3A_136 = arith.constant 0 : i32
      %dma_start3A_137 = tpu.memref_slice %arg5[%add3A_74, %dma_start3A_136] : memref<10240x128xf32, #tpu.memory_space<vmem_shared>> -> memref<80x128xf32, #tpu.memory_space<vmem_shared>>
      %dma_start3A_138 = arith.constant 0 : i32
      %dma_start3A_139 = tpu.memref_slice %arg5[%add3A_74, %dma_start3A_138] : memref<10240x128xf32, #tpu.memory_space<vmem_shared>> -> memref<80x128xf32, #tpu.memory_space<vmem_shared>>
      tpu.enqueue_dma source(%arg8 : memref<80x128xf32, #tpu.memory_space<vmem>>) target(%dma_start3A_139 : memref<80x128xf32, #tpu.memory_space<vmem_shared>>) target_semaphore(%run_scoped3A : memref<!tpu.dma_semaphore, #tpu.memory_space<semaphore_mem>>)
      %dma_wait3A_140 = arith.constant 0 : i32
      %dma_wait3A_141 = tpu.memref_slice %arg5[%add3A_74, %dma_wait3A_140] : memref<10240x128xf32, #tpu.memory_space<vmem_shared>> -> memref<80x128xf32, #tpu.memory_space<vmem_shared>>
      %dma_wait3A_142 = arith.constant 0 : i32
      %dma_wait3A_143 = tpu.memref_slice %arg5[%add3A_74, %dma_wait3A_142] : memref<10240x128xf32, #tpu.memory_space<vmem_shared>> -> memref<80x128xf32, #tpu.memory_space<vmem_shared>>
      tpu.wait_dma2 semaphore(%run_scoped3A : memref<!tpu.dma_semaphore, #tpu.memory_space<semaphore_mem>>) src(%arg8 : memref<80x128xf32, #tpu.memory_space<vmem>>) dst(%dma_wait3A_143 : memref<80x128xf32, #tpu.memory_space<vmem_shared>>)
      tpu.yield
    }) : () -> ()
    %add3A_79 = arith.constant 560 : i32
    %add3A_80 = arith.addi %mul3A_2, %add3A_79 : i32
    %dma_start3A_81 = arith.constant 0 : i32
    %dma_start3A_82 = tpu.memref_slice %arg2[%add3A_80, %dma_start3A_81] : memref<10240x128xf32, #tpu.memory_space<hbm>> -> memref<80x128xf32, #tpu.memory_space<hbm>>
    %dma_start3A_83 = arith.constant 0 : i32
    %dma_start3A_84 = tpu.memref_slice %arg2[%add3A_80, %dma_start3A_83] : memref<10240x128xf32, #tpu.memory_space<hbm>> -> memref<80x128xf32, #tpu.memory_space<hbm>>
    tpu.enqueue_dma source(%dma_start3A_84 : memref<80x128xf32, #tpu.memory_space<hbm>>) target(%arg8 : memref<80x128xf32, #tpu.memory_space<vmem>>) target_semaphore(%arg10 : memref<!tpu.dma_semaphore, #tpu.memory_space<semaphore_mem>>)
    %add3A_85 = arith.constant 480 : i32
    %add3A_86 = arith.addi %mul3A_2, %add3A_85 : i32
    %dma_wait3A_87 = arith.constant 0 : i32
    %dma_wait3A_88 = tpu.memref_slice %arg2[%add3A_86, %dma_wait3A_87] : memref<10240x128xf32, #tpu.memory_space<hbm>> -> memref<80x128xf32, #tpu.memory_space<hbm>>
    %dma_wait3A_89 = arith.constant 0 : i32
    %dma_wait3A_90 = tpu.memref_slice %arg2[%add3A_86, %dma_wait3A_89] : memref<10240x128xf32, #tpu.memory_space<hbm>> -> memref<80x128xf32, #tpu.memory_space<hbm>>
    tpu.wait_dma2 semaphore(%arg9 : memref<!tpu.dma_semaphore, #tpu.memory_space<semaphore_mem>>) src(%dma_wait3A_90 : memref<80x128xf32, #tpu.memory_space<hbm>>) dst(%arg7 : memref<80x128xf32, #tpu.memory_space<vmem>>)
    "tpu.region"() ({
      %run_scoped3A = tpu.sem_alloc : memref<!tpu.dma_semaphore, #tpu.memory_space<semaphore_mem>>
      %dma_start3A_136 = arith.constant 0 : i32
      %dma_start3A_137 = tpu.memref_slice %arg5[%add3A_86, %dma_start3A_136] : memref<10240x128xf32, #tpu.memory_space<vmem_shared>> -> memref<80x128xf32, #tpu.memory_space<vmem_shared>>
      %dma_start3A_138 = arith.constant 0 : i32
      %dma_start3A_139 = tpu.memref_slice %arg5[%add3A_86, %dma_start3A_138] : memref<10240x128xf32, #tpu.memory_space<vmem_shared>> -> memref<80x128xf32, #tpu.memory_space<vmem_shared>>
      tpu.enqueue_dma source(%arg7 : memref<80x128xf32, #tpu.memory_space<vmem>>) target(%dma_start3A_139 : memref<80x128xf32, #tpu.memory_space<vmem_shared>>) target_semaphore(%run_scoped3A : memref<!tpu.dma_semaphore, #tpu.memory_space<semaphore_mem>>)
      %dma_wait3A_140 = arith.constant 0 : i32
      %dma_wait3A_141 = tpu.memref_slice %arg5[%add3A_86, %dma_wait3A_140] : memref<10240x128xf32, #tpu.memory_space<vmem_shared>> -> memref<80x128xf32, #tpu.memory_space<vmem_shared>>
      %dma_wait3A_142 = arith.constant 0 : i32
      %dma_wait3A_143 = tpu.memref_slice %arg5[%add3A_86, %dma_wait3A_142] : memref<10240x128xf32, #tpu.memory_space<vmem_shared>> -> memref<80x128xf32, #tpu.memory_space<vmem_shared>>
      tpu.wait_dma2 semaphore(%run_scoped3A : memref<!tpu.dma_semaphore, #tpu.memory_space<semaphore_mem>>) src(%arg7 : memref<80x128xf32, #tpu.memory_space<vmem>>) dst(%dma_wait3A_143 : memref<80x128xf32, #tpu.memory_space<vmem_shared>>)
      tpu.yield
    }) : () -> ()
    %add3A_91 = arith.constant 560 : i32
    %add3A_92 = arith.addi %mul3A_2, %add3A_91 : i32
    %dma_wait3A_93 = arith.constant 0 : i32
    %dma_wait3A_94 = tpu.memref_slice %arg2[%add3A_92, %dma_wait3A_93] : memref<10240x128xf32, #tpu.memory_space<hbm>> -> memref<80x128xf32, #tpu.memory_space<hbm>>
    %dma_wait3A_95 = arith.constant 0 : i32
    %dma_wait3A_96 = tpu.memref_slice %arg2[%add3A_92, %dma_wait3A_95] : memref<10240x128xf32, #tpu.memory_space<hbm>> -> memref<80x128xf32, #tpu.memory_space<hbm>>
    tpu.wait_dma2 semaphore(%arg10 : memref<!tpu.dma_semaphore, #tpu.memory_space<semaphore_mem>>) src(%dma_wait3A_96 : memref<80x128xf32, #tpu.memory_space<hbm>>) dst(%arg8 : memref<80x128xf32, #tpu.memory_space<vmem>>)
    "tpu.region"() ({
      %run_scoped3A = tpu.sem_alloc : memref<!tpu.dma_semaphore, #tpu.memory_space<semaphore_mem>>
      %dma_start3A_136 = arith.constant 0 : i32
      %dma_start3A_137 = tpu.memref_slice %arg5[%add3A_92, %dma_start3A_136] : memref<10240x128xf32, #tpu.memory_space<vmem_shared>> -> memref<80x128xf32, #tpu.memory_space<vmem_shared>>
      %dma_start3A_138 = arith.constant 0 : i32
      %dma_start3A_139 = tpu.memref_slice %arg5[%add3A_92, %dma_start3A_138] : memref<10240x128xf32, #tpu.memory_space<vmem_shared>> -> memref<80x128xf32, #tpu.memory_space<vmem_shared>>
      tpu.enqueue_dma source(%arg8 : memref<80x128xf32, #tpu.memory_space<vmem>>) target(%dma_start3A_139 : memref<80x128xf32, #tpu.memory_space<vmem_shared>>) target_semaphore(%run_scoped3A : memref<!tpu.dma_semaphore, #tpu.memory_space<semaphore_mem>>)
      %dma_wait3A_140 = arith.constant 0 : i32
      %dma_wait3A_141 = tpu.memref_slice %arg5[%add3A_92, %dma_wait3A_140] : memref<10240x128xf32, #tpu.memory_space<vmem_shared>> -> memref<80x128xf32, #tpu.memory_space<vmem_shared>>
      %dma_wait3A_142 = arith.constant 0 : i32
      %dma_wait3A_143 = tpu.memref_slice %arg5[%add3A_92, %dma_wait3A_142] : memref<10240x128xf32, #tpu.memory_space<vmem_shared>> -> memref<80x128xf32, #tpu.memory_space<vmem_shared>>
      tpu.wait_dma2 semaphore(%run_scoped3A : memref<!tpu.dma_semaphore, #tpu.memory_space<semaphore_mem>>) src(%arg8 : memref<80x128xf32, #tpu.memory_space<vmem>>) dst(%dma_wait3A_143 : memref<80x128xf32, #tpu.memory_space<vmem_shared>>)
      tpu.yield
    }) : () -> ()
    %barrier3A = arith.constant 0 : index
    tpu.barrier barrier_id(%barrier3A)
    "tpu.region"() ({
      %run_scoped3A = tpu.sem_alloc : memref<!tpu.dma_semaphore, #tpu.memory_space<semaphore_mem>>
      %dma_start3A_136 = arith.constant 0 : i32
      %dma_start3A_137 = arith.constant 0 : i32
      %dma_start3A_138 = tpu.memref_slice %arg3[%add3A, %dma_start3A_136, %dma_start3A_137] : memref<32x25x80xi32, #tpu.memory_space<hbm>> -> memref<1x25x80xi32, #tpu.memory_space<hbm>>
      %dma_start3A_139 = tpu.memref_squeeze %dma_start3A_138 : memref<1x25x80xi32, #tpu.memory_space<hbm>> -> memref<25x80xi32, #tpu.memory_space<hbm>>
      %dma_start3A_140 = arith.constant 0 : i32
      %dma_start3A_141 = arith.constant 0 : i32
      %dma_start3A_142 = tpu.memref_slice %arg3[%add3A, %dma_start3A_140, %dma_start3A_141] : memref<32x25x80xi32, #tpu.memory_space<hbm>> -> memref<1x25x80xi32, #tpu.memory_space<hbm>>
      %dma_start3A_143 = tpu.memref_squeeze %dma_start3A_142 : memref<1x25x80xi32, #tpu.memory_space<hbm>> -> memref<25x80xi32, #tpu.memory_space<hbm>>
      tpu.enqueue_dma source(%dma_start3A_143 : memref<25x80xi32, #tpu.memory_space<hbm>>) target(%arg6 : memref<25x80xi32, #tpu.memory_space<vmem>>) target_semaphore(%run_scoped3A : memref<!tpu.dma_semaphore, #tpu.memory_space<semaphore_mem>>)
      %dma_wait3A_144 = arith.constant 0 : i32
      %dma_wait3A_145 = arith.constant 0 : i32
      %dma_wait3A_146 = tpu.memref_slice %arg3[%add3A, %dma_wait3A_144, %dma_wait3A_145] : memref<32x25x80xi32, #tpu.memory_space<hbm>> -> memref<1x25x80xi32, #tpu.memory_space<hbm>>
      %dma_wait3A_147 = tpu.memref_squeeze %dma_wait3A_146 : memref<1x25x80xi32, #tpu.memory_space<hbm>> -> memref<25x80xi32, #tpu.memory_space<hbm>>
      %dma_wait3A_148 = arith.constant 0 : i32
      %dma_wait3A_149 = arith.constant 0 : i32
      %dma_wait3A_150 = tpu.memref_slice %arg3[%add3A, %dma_wait3A_148, %dma_wait3A_149] : memref<32x25x80xi32, #tpu.memory_space<hbm>> -> memref<1x25x80xi32, #tpu.memory_space<hbm>>
      %dma_wait3A_151 = tpu.memref_squeeze %dma_wait3A_150 : memref<1x25x80xi32, #tpu.memory_space<hbm>> -> memref<25x80xi32, #tpu.memory_space<hbm>>
      tpu.wait_dma2 semaphore(%run_scoped3A : memref<!tpu.dma_semaphore, #tpu.memory_space<semaphore_mem>>) src(%dma_wait3A_151 : memref<25x80xi32, #tpu.memory_space<hbm>>) dst(%arg6 : memref<25x80xi32, #tpu.memory_space<vmem>>)
      tpu.yield
    }) : () -> ()
    %mul3A_97 = arith.constant 2000 : i32
    %mul3A_98 = arith.muli %add3A, %mul3A_97 : i32
    %dma_start3A_99 = arith.constant 0 : i32
    %dma_start3A_100 = arith.constant 0 : i32
    %dma_start3A_101 = tpu.memref_slice %arg6[%dma_start3A_99, %dma_start3A_100] : memref<25x80xi32, #tpu.memory_space<vmem>> -> memref<1x80xi32, #tpu.memory_space<vmem>>
    %dma_start3A_102 = tpu.memref_squeeze %dma_start3A_101 : memref<1x80xi32, #tpu.memory_space<vmem>> -> memref<80xi32, #tpu.memory_space<vmem>>
    %dma_start3A_103 = arith.constant 0 : i32
    %dma_start3A_104 = arith.constant 0 : i32
    %dma_start3A_105 = tpu.memref_slice %arg5[%dma_start3A_103, %dma_start3A_104] : memref<10240x128xf32, #tpu.memory_space<vmem_shared>> -> memref<10240x128xf32, #tpu.memory_space<vmem_shared>>
    tpu.enqueue_indirect_dma source(%dma_start3A_105 : memref<10240x128xf32, #tpu.memory_space<vmem_shared>>) target(%arg7 : memref<80x128xf32, #tpu.memory_space<vmem>>) offsets(%dma_start3A_102 : memref<80xi32, #tpu.memory_space<vmem>>) semaphore(%arg9 : memref<!tpu.dma_semaphore, #tpu.memory_space<semaphore_mem>>)
    %scan3A = arith.constant 0 : i32
    %scan3A_106 = arith.constant 0 : i32
    %scan3A_107 = arith.constant 12 : i32
    %scan3A_108 = arith.addi %scan3A_106, %scan3A_107 : i32
    %scan3A_109 = arith.constant 1 : i32
    scf.for %scan3A_136 = %scan3A_106 to %scan3A_108 step %scan3A_109  : i32 {
      %mul3A_137 = arith.constant 2 : i32
      %mul3A_138 = arith.muli %mul3A_137, %scan3A_136 : i32
      %gt3A = arith.constant 0 : i32
      %gt3A_139 = arith.cmpi sgt, %scan3A_136, %gt3A : i32
      %convert_element_type3A = arith.extui %gt3A_139 : i1 to i32
      %cond3A = arith.constant 0 : i32
      %cond3A_140 = arith.cmpi ne, %convert_element_type3A, %cond3A : i32
      scf.if %cond3A_140 {
        %sub3A = arith.constant 1 : i32
        %sub3A_192 = arith.subi %mul3A_138, %sub3A : i32
        %mul3A_193 = arith.constant 80 : i32
        %mul3A_194 = arith.muli %sub3A_192, %mul3A_193 : i32
        %add3A_195 = arith.addi %mul3A_98, %mul3A_194 : i32
        %dma_wait3A_196 = arith.constant 0 : i32
        %dma_wait3A_197 = tpu.memref_slice %arg4[%add3A_195, %dma_wait3A_196] : memref<64000x128xf32, #tpu.memory_space<hbm>> -> memref<80x128xf32, #tpu.memory_space<hbm>>
        %dma_wait3A_198 = arith.constant 0 : i32
        %dma_wait3A_199 = tpu.memref_slice %arg4[%add3A_195, %dma_wait3A_198] : memref<64000x128xf32, #tpu.memory_space<hbm>> -> memref<80x128xf32, #tpu.memory_space<hbm>>
        tpu.wait_dma2 semaphore(%arg12 : memref<!tpu.dma_semaphore, #tpu.memory_space<semaphore_mem>>) src(%arg8 : memref<80x128xf32, #tpu.memory_space<vmem>>) dst(%dma_wait3A_199 : memref<80x128xf32, #tpu.memory_space<hbm>>)
      } else {
      }
      %add3A_141 = arith.constant 1 : i32
      %add3A_142 = arith.addi %mul3A_138, %add3A_141 : i32
      %dma_start3A_143 = arith.constant 0 : i32
      %dma_start3A_144 = tpu.memref_slice %arg6[%add3A_142, %dma_start3A_143] : memref<25x80xi32, #tpu.memory_space<vmem>> -> memref<1x80xi32, #tpu.memory_space<vmem>>
      %dma_start3A_145 = tpu.memref_squeeze %dma_start3A_144 : memref<1x80xi32, #tpu.memory_space<vmem>> -> memref<80xi32, #tpu.memory_space<vmem>>
      %dma_start3A_146 = arith.constant 0 : i32
      %dma_start3A_147 = arith.constant 0 : i32
      %dma_start3A_148 = tpu.memref_slice %arg5[%dma_start3A_146, %dma_start3A_147] : memref<10240x128xf32, #tpu.memory_space<vmem_shared>> -> memref<10240x128xf32, #tpu.memory_space<vmem_shared>>
      tpu.enqueue_indirect_dma source(%dma_start3A_148 : memref<10240x128xf32, #tpu.memory_space<vmem_shared>>) target(%arg8 : memref<80x128xf32, #tpu.memory_space<vmem>>) offsets(%dma_start3A_145 : memref<80xi32, #tpu.memory_space<vmem>>) semaphore(%arg10 : memref<!tpu.dma_semaphore, #tpu.memory_space<semaphore_mem>>)
      %dma_wait3A_149 = arith.constant 0 : i32
      %dma_wait3A_150 = tpu.memref_slice %arg6[%mul3A_138, %dma_wait3A_149] : memref<25x80xi32, #tpu.memory_space<vmem>> -> memref<1x80xi32, #tpu.memory_space<vmem>>
      %dma_wait3A_151 = tpu.memref_squeeze %dma_wait3A_150 : memref<1x80xi32, #tpu.memory_space<vmem>> -> memref<80xi32, #tpu.memory_space<vmem>>
      %dma_wait3A_152 = arith.constant 0 : i32
      %dma_wait3A_153 = arith.constant 0 : i32
      %dma_wait3A_154 = tpu.memref_slice %arg5[%dma_wait3A_152, %dma_wait3A_153] : memref<10240x128xf32, #tpu.memory_space<vmem_shared>> -> memref<10240x128xf32, #tpu.memory_space<vmem_shared>>
      tpu.wait_indirect_dma semaphore(%arg9 : memref<!tpu.dma_semaphore, #tpu.memory_space<semaphore_mem>>) src(%dma_wait3A_154 : memref<10240x128xf32, #tpu.memory_space<vmem_shared>>) dst(%arg7 : memref<80x128xf32, #tpu.memory_space<vmem>>)
      %mul3A_155 = arith.constant 80 : i32
      %mul3A_156 = arith.muli %mul3A_138, %mul3A_155 : i32
      %add3A_157 = arith.addi %mul3A_98, %mul3A_156 : i32
      %dma_start3A_158 = arith.constant 0 : i32
      %dma_start3A_159 = tpu.memref_slice %arg4[%add3A_157, %dma_start3A_158] : memref<64000x128xf32, #tpu.memory_space<hbm>> -> memref<80x128xf32, #tpu.memory_space<hbm>>
      %dma_start3A_160 = arith.constant 0 : i32
      %dma_start3A_161 = tpu.memref_slice %arg4[%add3A_157, %dma_start3A_160] : memref<64000x128xf32, #tpu.memory_space<hbm>> -> memref<80x128xf32, #tpu.memory_space<hbm>>
      tpu.enqueue_dma source(%arg7 : memref<80x128xf32, #tpu.memory_space<vmem>>) target(%dma_start3A_161 : memref<80x128xf32, #tpu.memory_space<hbm>>) target_semaphore(%arg11 : memref<!tpu.dma_semaphore, #tpu.memory_space<semaphore_mem>>)
      %mul3A_162 = arith.constant 80 : i32
      %mul3A_163 = arith.muli %mul3A_138, %mul3A_162 : i32
      %add3A_164 = arith.addi %mul3A_98, %mul3A_163 : i32
      %dma_wait3A_165 = arith.constant 0 : i32
      %dma_wait3A_166 = tpu.memref_slice %arg4[%add3A_164, %dma_wait3A_165] : memref<64000x128xf32, #tpu.memory_space<hbm>> -> memref<80x128xf32, #tpu.memory_space<hbm>>
      %dma_wait3A_167 = arith.constant 0 : i32
      %dma_wait3A_168 = tpu.memref_slice %arg4[%add3A_164, %dma_wait3A_167] : memref<64000x128xf32, #tpu.memory_space<hbm>> -> memref<80x128xf32, #tpu.memory_space<hbm>>
      tpu.wait_dma2 semaphore(%arg11 : memref<!tpu.dma_semaphore, #tpu.memory_space<semaphore_mem>>) src(%arg7 : memref<80x128xf32, #tpu.memory_space<vmem>>) dst(%dma_wait3A_168 : memref<80x128xf32, #tpu.memory_space<hbm>>)
      %add3A_169 = arith.constant 2 : i32
      %add3A_170 = arith.addi %mul3A_138, %add3A_169 : i32
      %lt3A = arith.constant 25 : i32
      %lt3A_171 = arith.cmpi slt, %add3A_170, %lt3A : i32
      %convert_element_type3A_172 = arith.extui %lt3A_171 : i1 to i32
      %cond3A_173 = arith.constant 0 : i32
      %cond3A_174 = arith.cmpi ne, %convert_element_type3A_172, %cond3A_173 : i32
      scf.if %cond3A_174 {
        %add3A_192 = arith.constant 2 : i32
        %add3A_193 = arith.addi %mul3A_138, %add3A_192 : i32
        %dma_start3A_194 = arith.constant 0 : i32
        %dma_start3A_195 = tpu.memref_slice %arg6[%add3A_193, %dma_start3A_194] : memref<25x80xi32, #tpu.memory_space<vmem>> -> memref<1x80xi32, #tpu.memory_space<vmem>>
        %dma_start3A_196 = tpu.memref_squeeze %dma_start3A_195 : memref<1x80xi32, #tpu.memory_space<vmem>> -> memref<80xi32, #tpu.memory_space<vmem>>
        %dma_start3A_197 = arith.constant 0 : i32
        %dma_start3A_198 = arith.constant 0 : i32
        %dma_start3A_199 = tpu.memref_slice %arg5[%dma_start3A_197, %dma_start3A_198] : memref<10240x128xf32, #tpu.memory_space<vmem_shared>> -> memref<10240x128xf32, #tpu.memory_space<vmem_shared>>
        tpu.enqueue_indirect_dma source(%dma_start3A_199 : memref<10240x128xf32, #tpu.memory_space<vmem_shared>>) target(%arg7 : memref<80x128xf32, #tpu.memory_space<vmem>>) offsets(%dma_start3A_196 : memref<80xi32, #tpu.memory_space<vmem>>) semaphore(%arg9 : memref<!tpu.dma_semaphore, #tpu.memory_space<semaphore_mem>>)
      } else {
      }
      %add3A_175 = arith.constant 1 : i32
      %add3A_176 = arith.addi %mul3A_138, %add3A_175 : i32
      %dma_wait3A_177 = arith.constant 0 : i32
      %dma_wait3A_178 = tpu.memref_slice %arg6[%add3A_176, %dma_wait3A_177] : memref<25x80xi32, #tpu.memory_space<vmem>> -> memref<1x80xi32, #tpu.memory_space<vmem>>
      %dma_wait3A_179 = tpu.memref_squeeze %dma_wait3A_178 : memref<1x80xi32, #tpu.memory_space<vmem>> -> memref<80xi32, #tpu.memory_space<vmem>>
      %dma_wait3A_180 = arith.constant 0 : i32
      %dma_wait3A_181 = arith.constant 0 : i32
      %dma_wait3A_182 = tpu.memref_slice %arg5[%dma_wait3A_180, %dma_wait3A_181] : memref<10240x128xf32, #tpu.memory_space<vmem_shared>> -> memref<10240x128xf32, #tpu.memory_space<vmem_shared>>
      tpu.wait_indirect_dma semaphore(%arg10 : memref<!tpu.dma_semaphore, #tpu.memory_space<semaphore_mem>>) src(%dma_wait3A_182 : memref<10240x128xf32, #tpu.memory_space<vmem_shared>>) dst(%arg8 : memref<80x128xf32, #tpu.memory_space<vmem>>)
      %add3A_183 = arith.constant 1 : i32
      %add3A_184 = arith.addi %mul3A_138, %add3A_183 : i32
      %mul3A_185 = arith.constant 80 : i32
      %mul3A_186 = arith.muli %add3A_184, %mul3A_185 : i32
      %add3A_187 = arith.addi %mul3A_98, %mul3A_186 : i32
      %dma_start3A_188 = arith.constant 0 : i32
      %dma_start3A_189 = tpu.memref_slice %arg4[%add3A_187, %dma_start3A_188] : memref<64000x128xf32, #tpu.memory_space<hbm>> -> memref<80x128xf32, #tpu.memory_space<hbm>>
      %dma_start3A_190 = arith.constant 0 : i32
      %dma_start3A_191 = tpu.memref_slice %arg4[%add3A_187, %dma_start3A_190] : memref<64000x128xf32, #tpu.memory_space<hbm>> -> memref<80x128xf32, #tpu.memory_space<hbm>>
      tpu.enqueue_dma source(%arg8 : memref<80x128xf32, #tpu.memory_space<vmem>>) target(%dma_start3A_191 : memref<80x128xf32, #tpu.memory_space<hbm>>) target_semaphore(%arg12 : memref<!tpu.dma_semaphore, #tpu.memory_space<semaphore_mem>>)
    }
    %scan3A_110 = arith.constant 12 : i32
    %add3A_111 = arith.constant 1840 : i32
    %add3A_112 = arith.addi %mul3A_98, %add3A_111 : i32
    %dma_wait3A_113 = arith.constant 0 : i32
    %dma_wait3A_114 = tpu.memref_slice %arg4[%add3A_112, %dma_wait3A_113] : memref<64000x128xf32, #tpu.memory_space<hbm>> -> memref<80x128xf32, #tpu.memory_space<hbm>>
    %dma_wait3A_115 = arith.constant 0 : i32
    %dma_wait3A_116 = tpu.memref_slice %arg4[%add3A_112, %dma_wait3A_115] : memref<64000x128xf32, #tpu.memory_space<hbm>> -> memref<80x128xf32, #tpu.memory_space<hbm>>
    tpu.wait_dma2 semaphore(%arg12 : memref<!tpu.dma_semaphore, #tpu.memory_space<semaphore_mem>>) src(%arg8 : memref<80x128xf32, #tpu.memory_space<vmem>>) dst(%dma_wait3A_116 : memref<80x128xf32, #tpu.memory_space<hbm>>)
    %dma_wait3A_117 = arith.constant 24 : i32
    %dma_wait3A_118 = arith.constant 0 : i32
    %dma_wait3A_119 = tpu.memref_slice %arg6[%dma_wait3A_117, %dma_wait3A_118] : memref<25x80xi32, #tpu.memory_space<vmem>> -> memref<1x80xi32, #tpu.memory_space<vmem>>
    %dma_wait3A_120 = tpu.memref_squeeze %dma_wait3A_119 : memref<1x80xi32, #tpu.memory_space<vmem>> -> memref<80xi32, #tpu.memory_space<vmem>>
    %dma_wait3A_121 = arith.constant 0 : i32
    %dma_wait3A_122 = arith.constant 0 : i32
    %dma_wait3A_123 = tpu.memref_slice %arg5[%dma_wait3A_121, %dma_wait3A_122] : memref<10240x128xf32, #tpu.memory_space<vmem_shared>> -> memref<10240x128xf32, #tpu.memory_space<vmem_shared>>
    tpu.wait_indirect_dma semaphore(%arg9 : memref<!tpu.dma_semaphore, #tpu.memory_space<semaphore_mem>>) src(%dma_wait3A_123 : memref<10240x128xf32, #tpu.memory_space<vmem_shared>>) dst(%arg7 : memref<80x128xf32, #tpu.memory_space<vmem>>)
    %add3A_124 = arith.constant 1920 : i32
    %add3A_125 = arith.addi %mul3A_98, %add3A_124 : i32
    %dma_start3A_126 = arith.constant 0 : i32
    %dma_start3A_127 = tpu.memref_slice %arg4[%add3A_125, %dma_start3A_126] : memref<64000x128xf32, #tpu.memory_space<hbm>> -> memref<80x128xf32, #tpu.memory_space<hbm>>
    %dma_start3A_128 = arith.constant 0 : i32
    %dma_start3A_129 = tpu.memref_slice %arg4[%add3A_125, %dma_start3A_128] : memref<64000x128xf32, #tpu.memory_space<hbm>> -> memref<80x128xf32, #tpu.memory_space<hbm>>
    tpu.enqueue_dma source(%arg7 : memref<80x128xf32, #tpu.memory_space<vmem>>) target(%dma_start3A_129 : memref<80x128xf32, #tpu.memory_space<hbm>>) target_semaphore(%arg11 : memref<!tpu.dma_semaphore, #tpu.memory_space<semaphore_mem>>)
    %add3A_130 = arith.constant 1920 : i32
    %add3A_131 = arith.addi %mul3A_98, %add3A_130 : i32
    %dma_wait3A_132 = arith.constant 0 : i32
    %dma_wait3A_133 = tpu.memref_slice %arg4[%add3A_131, %dma_wait3A_132] : memref<64000x128xf32, #tpu.memory_space<hbm>> -> memref<80x128xf32, #tpu.memory_space<hbm>>
    %dma_wait3A_134 = arith.constant 0 : i32
    %dma_wait3A_135 = tpu.memref_slice %arg4[%add3A_131, %dma_wait3A_134] : memref<64000x128xf32, #tpu.memory_space<hbm>> -> memref<80x128xf32, #tpu.memory_space<hbm>>
    tpu.wait_dma2 semaphore(%arg11 : memref<!tpu.dma_semaphore, #tpu.memory_space<semaphore_mem>>) src(%arg7 : memref<80x128xf32, #tpu.memory_space<vmem>>) dst(%dma_wait3A_135 : memref<80x128xf32, #tpu.memory_space<hbm>>)
    return
  }
}

#map = affine_map<(d0, d1) -> (0, 0)>
#map1 = affine_map<(d0, d1) -> (0, 0, 0)>
module attributes {stable_mosaic.version = 14 : i64} {
  func.func @gather(%arg0: i32, %arg1: i32, %arg2: memref<10240x128xf32, #tpu.memory_space<hbm>>, %arg3: memref<32x25x80xi32, #tpu.memory_space<hbm>>, %arg4: memref<64000x128xf32, #tpu.memory_space<hbm>>, %arg5: memref<10240x128xf32, #tpu.memory_space<vmem_shared>>, %arg6: memref<25x80xi32, #tpu.memory_space<vmem>>, %arg7: memref<80x128xf32, #tpu.memory_space<vmem>>, %arg8: memref<80x128xf32, #tpu.memory_space<vmem>>, %arg9: memref<!tpu.dma_semaphore, #tpu.memory_space<semaphore_mem>>, %arg10: memref<!tpu.dma_semaphore, #tpu.memory_space<semaphore_mem>>, %arg11: memref<!tpu.dma_semaphore, #tpu.memory_space<semaphore_mem>>, %arg12: memref<!tpu.dma_semaphore, #tpu.memory_space<semaphore_mem>>) attributes {dimension_semantics = [#tpu.dimension_semantics<core_parallel>, #tpu.dimension_semantics<subcore_parallel>], iteration_bounds = array<i64: 2, 16>, scalar_prefetch = 0 : i64, scratch_operands = 8 : i64, tpu.core_type = #tpu.core_type<sc_vector_subcore>, window_params = [{transform_indices = #map}, {transform_indices = #map1}, {transform_indices = #map}]} {
    %mul3A = arith.constant 2 : i32
    %mul3A_0 = arith.muli %arg1, %mul3A : i32
    %add3A = arith.addi %mul3A_0, %arg0 : i32
    %mul3A_1 = arith.constant 640 : i32
    %mul3A_2 = arith.muli %arg1, %mul3A_1 : i32
    %add3A_3 = arith.constant 0 : i32
    %add3A_4 = arith.addi %mul3A_2, %add3A_3 : i32
    %dma_start3A = arith.constant 0 : i32
    %dma_start3A_5 = tpu.memref_slice %arg2[%add3A_4, %dma_start3A] : memref<10240x128xf32, #tpu.memory_space<hbm>> -> memref<80x128xf32, #tpu.memory_space<hbm>>
    %dma_start3A_6 = arith.constant 0 : i32
    %dma_start3A_7 = tpu.memref_slice %arg2[%add3A_4, %dma_start3A_6] : memref<10240x128xf32, #tpu.memory_space<hbm>> -> memref<80x128xf32, #tpu.memory_space<hbm>>
    tpu.enqueue_dma source(%dma_start3A_7 : memref<80x128xf32, #tpu.memory_space<hbm>>) target(%arg7 : memref<80x128xf32, #tpu.memory_space<vmem>>) target_semaphore(%arg9 : memref<!tpu.dma_semaphore, #tpu.memory_space<semaphore_mem>>)
    %add3A_8 = arith.constant 80 : i32
    %add3A_9 = arith.addi %mul3A_2, %add3A_8 : i32
    %dma_start3A_10 = arith.constant 0 : i32
    %dma_start3A_11 = tpu.memref_slice %arg2[%add3A_9, %dma_start3A_10] : memref<10240x128xf32, #tpu.memory_space<hbm>> -> memref<80x128xf32, #tpu.memory_space<hbm>>
    %dma_start3A_12 = arith.constant 0 : i32
    %dma_start3A_13 = tpu.memref_slice %arg2[%add3A_9, %dma_start3A_12] : memref<10240x128xf32, #tpu.memory_space<hbm>> -> memref<80x128xf32, #tpu.memory_space<hbm>>
    tpu.enqueue_dma source(%dma_start3A_13 : memref<80x128xf32, #tpu.memory_space<hbm>>) target(%arg8 : memref<80x128xf32, #tpu.memory_space<vmem>>) target_semaphore(%arg10 : memref<!tpu.dma_semaphore, #tpu.memory_space<semaphore_mem>>)
    %add3A_14 = arith.constant 0 : i32
    %add3A_15 = arith.addi %mul3A_2, %add3A_14 : i32
    %dma_wait3A = arith.constant 0 : i32
    %dma_wait3A_16 = tpu.memref_slice %arg2[%add3A_15, %dma_wait3A] : memref<10240x128xf32, #tpu.memory_space<hbm>> -> memref<80x128xf32, #tpu.memory_space<hbm>>
    %dma_wait3A_17 = arith.constant 0 : i32
    %dma_wait3A_18 = tpu.memref_slice %arg2[%add3A_15, %dma_wait3A_17] : memref<10240x128xf32, #tpu.memory_space<hbm>> -> memref<80x128xf32, #tpu.memory_space<hbm>>
    tpu.wait_dma2 semaphore(%arg9 : memref<!tpu.dma_semaphore, #tpu.memory_space<semaphore_mem>>) src(%dma_wait3A_18 : memref<80x128xf32, #tpu.memory_space<hbm>>) dst(%arg7 : memref<80x128xf32, #tpu.memory_space<vmem>>)
    "tpu.region"() ({
      %run_scoped3A = tpu.sem_alloc : memref<!tpu.dma_semaphore, #tpu.memory_space<semaphore_mem>>
      %dma_start3A_136 = arith.constant 0 : i32
      %dma_start3A_137 = tpu.memref_slice %arg5[%add3A_15, %dma_start3A_136] : memref<10240x128xf32, #tpu.memory_space<vmem_shared>> -> memref<80x128xf32, #tpu.memory_space<vmem_shared>>
      %dma_start3A_138 = arith.constant 0 : i32
      %dma_start3A_139 = tpu.memref_slice %arg5[%add3A_15, %dma_start3A_138] : memref<10240x128xf32, #tpu.memory_space<vmem_shared>> -> memref<80x128xf32, #tpu.memory_space<vmem_shared>>
      tpu.enqueue_dma source(%arg7 : memref<80x128xf32, #tpu.memory_space<vmem>>) target(%dma_start3A_139 : memref<80x128xf32, #tpu.memory_space<vmem_shared>>) target_semaphore(%run_scoped3A : memref<!tpu.dma_semaphore, #tpu.memory_space<semaphore_mem>>)
      %dma_wait3A_140 = arith.constant 0 : i32
      %dma_wait3A_141 = tpu.memref_slice %arg5[%add3A_15, %dma_wait3A_140] : memref<10240x128xf32, #tpu.memory_space<vmem_shared>> -> memref<80x128xf32, #tpu.memory_space<vmem_shared>>
      %dma_wait3A_142 = arith.constant 0 : i32
      %dma_wait3A_143 = tpu.memref_slice %arg5[%add3A_15, %dma_wait3A_142] : memref<10240x128xf32, #tpu.memory_space<vmem_shared>> -> memref<80x128xf32, #tpu.memory_space<vmem_shared>>
      tpu.wait_dma2 semaphore(%run_scoped3A : memref<!tpu.dma_semaphore, #tpu.memory_space<semaphore_mem>>) src(%arg7 : memref<80x128xf32, #tpu.memory_space<vmem>>) dst(%dma_wait3A_143 : memref<80x128xf32, #tpu.memory_space<vmem_shared>>)
      tpu.yield
    }) : () -> ()
    %add3A_19 = arith.constant 160 : i32
    %add3A_20 = arith.addi %mul3A_2, %add3A_19 : i32
    %dma_start3A_21 = arith.constant 0 : i32
    %dma_start3A_22 = tpu.memref_slice %arg2[%add3A_20, %dma_start3A_21] : memref<10240x128xf32, #tpu.memory_space<hbm>> -> memref<80x128xf32, #tpu.memory_space<hbm>>
    %dma_start3A_23 = arith.constant 0 : i32
    %dma_start3A_24 = tpu.memref_slice %arg2[%add3A_20, %dma_start3A_23] : memref<10240x128xf32, #tpu.memory_space<hbm>> -> memref<80x128xf32, #tpu.memory_space<hbm>>
    tpu.enqueue_dma source(%dma_start3A_24 : memref<80x128xf32, #tpu.memory_space<hbm>>) target(%arg7 : memref<80x128xf32, #tpu.memory_space<vmem>>) target_semaphore(%arg9 : memref<!tpu.dma_semaphore, #tpu.memory_space<semaphore_mem>>)
    %add3A_25 = arith.constant 80 : i32
    %add3A_26 = arith.addi %mul3A_2, %add3A_25 : i32
    %dma_wait3A_27 = arith.constant 0 : i32
    %dma_wait3A_28 = tpu.memref_slice %arg2[%add3A_26, %dma_wait3A_27] : memref<10240x128xf32, #tpu.memory_space<hbm>> -> memref<80x128xf32, #tpu.memory_space<hbm>>
    %dma_wait3A_29 = arith.constant 0 : i32
    %dma_wait3A_30 = tpu.memref_slice %arg2[%add3A_26, %dma_wait3A_29] : memref<10240x128xf32, #tpu.memory_space<hbm>> -> memref<80x128xf32, #tpu.memory_space<hbm>>
    tpu.wait_dma2 semaphore(%arg10 : memref<!tpu.dma_semaphore, #tpu.memory_space<semaphore_mem>>) src(%dma_wait3A_30 : memref<80x128xf32, #tpu.memory_space<hbm>>) dst(%arg8 : memref<80x128xf32, #tpu.memory_space<vmem>>)
    "tpu.region"() ({
      %run_scoped3A = tpu.sem_alloc : memref<!tpu.dma_semaphore, #tpu.memory_space<semaphore_mem>>
      %dma_start3A_136 = arith.constant 0 : i32
      %dma_start3A_137 = tpu.memref_slice %arg5[%add3A_26, %dma_start3A_136] : memref<10240x128xf32, #tpu.memory_space<vmem_shared>> -> memref<80x128xf32, #tpu.memory_space<vmem_shared>>
      %dma_start3A_138 = arith.constant 0 : i32
      %dma_start3A_139 = tpu.memref_slice %arg5[%add3A_26, %dma_start3A_138] : memref<10240x128xf32, #tpu.memory_space<vmem_shared>> -> memref<80x128xf32, #tpu.memory_space<vmem_shared>>
      tpu.enqueue_dma source(%arg8 : memref<80x128xf32, #tpu.memory_space<vmem>>) target(%dma_start3A_139 : memref<80x128xf32, #tpu.memory_space<vmem_shared>>) target_semaphore(%run_scoped3A : memref<!tpu.dma_semaphore, #tpu.memory_space<semaphore_mem>>)
      %dma_wait3A_140 = arith.constant 0 : i32
      %dma_wait3A_141 = tpu.memref_slice %arg5[%add3A_26, %dma_wait3A_140] : memref<10240x128xf32, #tpu.memory_space<vmem_shared>> -> memref<80x128xf32, #tpu.memory_space<vmem_shared>>
      %dma_wait3A_142 = arith.constant 0 : i32
      %dma_wait3A_143 = tpu.memref_slice %arg5[%add3A_26, %dma_wait3A_142] : memref<10240x128xf32, #tpu.memory_space<vmem_shared>> -> memref<80x128xf32, #tpu.memory_space<vmem_shared>>
      tpu.wait_dma2 semaphore(%run_scoped3A : memref<!tpu.dma_semaphore, #tpu.memory_space<semaphore_mem>>) src(%arg8 : memref<80x128xf32, #tpu.memory_space<vmem>>) dst(%dma_wait3A_143 : memref<80x128xf32, #tpu.memory_space<vmem_shared>>)
      tpu.yield
    }) : () -> ()
    %add3A_31 = arith.constant 240 : i32
    %add3A_32 = arith.addi %mul3A_2, %add3A_31 : i32
    %dma_start3A_33 = arith.constant 0 : i32
    %dma_start3A_34 = tpu.memref_slice %arg2[%add3A_32, %dma_start3A_33] : memref<10240x128xf32, #tpu.memory_space<hbm>> -> memref<80x128xf32, #tpu.memory_space<hbm>>
    %dma_start3A_35 = arith.constant 0 : i32
    %dma_start3A_36 = tpu.memref_slice %arg2[%add3A_32, %dma_start3A_35] : memref<10240x128xf32, #tpu.memory_space<hbm>> -> memref<80x128xf32, #tpu.memory_space<hbm>>
    tpu.enqueue_dma source(%dma_start3A_36 : memref<80x128xf32, #tpu.memory_space<hbm>>) target(%arg8 : memref<80x128xf32, #tpu.memory_space<vmem>>) target_semaphore(%arg10 : memref<!tpu.dma_semaphore, #tpu.memory_space<semaphore_mem>>)
    %add3A_37 = arith.constant 160 : i32
    %add3A_38 = arith.addi %mul3A_2, %add3A_37 : i32
    %dma_wait3A_39 = arith.constant 0 : i32
    %dma_wait3A_40 = tpu.memref_slice %arg2[%add3A_38, %dma_wait3A_39] : memref<10240x128xf32, #tpu.memory_space<hbm>> -> memref<80x128xf32, #tpu.memory_space<hbm>>
    %dma_wait3A_41 = arith.constant 0 : i32
    %dma_wait3A_42 = tpu.memref_slice %arg2[%add3A_38, %dma_wait3A_41] : memref<10240x128xf32, #tpu.memory_space<hbm>> -> memref<80x128xf32, #tpu.memory_space<hbm>>
    tpu.wait_dma2 semaphore(%arg9 : memref<!tpu.dma_semaphore, #tpu.memory_space<semaphore_mem>>) src(%dma_wait3A_42 : memref<80x128xf32, #tpu.memory_space<hbm>>) dst(%arg7 : memref<80x128xf32, #tpu.memory_space<vmem>>)
    "tpu.region"() ({
      %run_scoped3A = tpu.sem_alloc : memref<!tpu.dma_semaphore, #tpu.memory_space<semaphore_mem>>
      %dma_start3A_136 = arith.constant 0 : i32
      %dma_start3A_137 = tpu.memref_slice %arg5[%add3A_38, %dma_start3A_136] : memref<10240x128xf32, #tpu.memory_space<vmem_shared>> -> memref<80x128xf32, #tpu.memory_space<vmem_shared>>
      %dma_start3A_138 = arith.constant 0 : i32
      %dma_start3A_139 = tpu.memref_slice %arg5[%add3A_38, %dma_start3A_138] : memref<10240x128xf32, #tpu.memory_space<vmem_shared>> -> memref<80x128xf32, #tpu.memory_space<vmem_shared>>
      tpu.enqueue_dma source(%arg7 : memref<80x128xf32, #tpu.memory_space<vmem>>) target(%dma_start3A_139 : memref<80x128xf32, #tpu.memory_space<vmem_shared>>) target_semaphore(%run_scoped3A : memref<!tpu.dma_semaphore, #tpu.memory_space<semaphore_mem>>)
      %dma_wait3A_140 = arith.constant 0 : i32
      %dma_wait3A_141 = tpu.memref_slice %arg5[%add3A_38, %dma_wait3A_140] : memref<10240x128xf32, #tpu.memory_space<vmem_shared>> -> memref<80x128xf32, #tpu.memory_space<vmem_shared>>
      %dma_wait3A_142 = arith.constant 0 : i32
      %dma_wait3A_143 = tpu.memref_slice %arg5[%add3A_38, %dma_wait3A_142] : memref<10240x128xf32, #tpu.memory_space<vmem_shared>> -> memref<80x128xf32, #tpu.memory_space<vmem_shared>>
      tpu.wait_dma2 semaphore(%run_scoped3A : memref<!tpu.dma_semaphore, #tpu.memory_space<semaphore_mem>>) src(%arg7 : memref<80x128xf32, #tpu.memory_space<vmem>>) dst(%dma_wait3A_143 : memref<80x128xf32, #tpu.memory_space<vmem_shared>>)
      tpu.yield
    }) : () -> ()
    %add3A_43 = arith.constant 320 : i32
    %add3A_44 = arith.addi %mul3A_2, %add3A_43 : i32
    %dma_start3A_45 = arith.constant 0 : i32
    %dma_start3A_46 = tpu.memref_slice %arg2[%add3A_44, %dma_start3A_45] : memref<10240x128xf32, #tpu.memory_space<hbm>> -> memref<80x128xf32, #tpu.memory_space<hbm>>
    %dma_start3A_47 = arith.constant 0 : i32
    %dma_start3A_48 = tpu.memref_slice %arg2[%add3A_44, %dma_start3A_47] : memref<10240x128xf32, #tpu.memory_space<hbm>> -> memref<80x128xf32, #tpu.memory_space<hbm>>
    tpu.enqueue_dma source(%dma_start3A_48 : memref<80x128xf32, #tpu.memory_space<hbm>>) target(%arg7 : memref<80x128xf32, #tpu.memory_space<vmem>>) target_semaphore(%arg9 : memref<!tpu.dma_semaphore, #tpu.memory_space<semaphore_mem>>)
    %add3A_49 = arith.constant 240 : i32
    %add3A_50 = arith.addi %mul3A_2, %add3A_49 : i32
    %dma_wait3A_51 = arith.constant 0 : i32
    %dma_wait3A_52 = tpu.memref_slice %arg2[%add3A_50, %dma_wait3A_51] : memref<10240x128xf32, #tpu.memory_space<hbm>> -> memref<80x128xf32, #tpu.memory_space<hbm>>
    %dma_wait3A_53 = arith.constant 0 : i32
    %dma_wait3A_54 = tpu.memref_slice %arg2[%add3A_50, %dma_wait3A_53] : memref<10240x128xf32, #tpu.memory_space<hbm>> -> memref<80x128xf32, #tpu.memory_space<hbm>>
    tpu.wait_dma2 semaphore(%arg10 : memref<!tpu.dma_semaphore, #tpu.memory_space<semaphore_mem>>) src(%dma_wait3A_54 : memref<80x128xf32, #tpu.memory_space<hbm>>) dst(%arg8 : memref<80x128xf32, #tpu.memory_space<vmem>>)
    "tpu.region"() ({
      %run_scoped3A = tpu.sem_alloc : memref<!tpu.dma_semaphore, #tpu.memory_space<semaphore_mem>>
      %dma_start3A_136 = arith.constant 0 : i32
      %dma_start3A_137 = tpu.memref_slice %arg5[%add3A_50, %dma_start3A_136] : memref<10240x128xf32, #tpu.memory_space<vmem_shared>> -> memref<80x128xf32, #tpu.memory_space<vmem_shared>>
      %dma_start3A_138 = arith.constant 0 : i32
      %dma_start3A_139 = tpu.memref_slice %arg5[%add3A_50, %dma_start3A_138] : memref<10240x128xf32, #tpu.memory_space<vmem_shared>> -> memref<80x128xf32, #tpu.memory_space<vmem_shared>>
      tpu.enqueue_dma source(%arg8 : memref<80x128xf32, #tpu.memory_space<vmem>>) target(%dma_start3A_139 : memref<80x128xf32, #tpu.memory_space<vmem_shared>>) target_semaphore(%run_scoped3A : memref<!tpu.dma_semaphore, #tpu.memory_space<semaphore_mem>>)
      %dma_wait3A_140 = arith.constant 0 : i32
      %dma_wait3A_141 = tpu.memref_slice %arg5[%add3A_50, %dma_wait3A_140] : memref<10240x128xf32, #tpu.memory_space<vmem_shared>> -> memref<80x128xf32, #tpu.memory_space<vmem_shared>>
      %dma_wait3A_142 = arith.constant 0 : i32
      %dma_wait3A_143 = tpu.memref_slice %arg5[%add3A_50, %dma_wait3A_142] : memref<10240x128xf32, #tpu.memory_space<vmem_shared>> -> memref<80x128xf32, #tpu.memory_space<vmem_shared>>
      tpu.wait_dma2 semaphore(%run_scoped3A : memref<!tpu.dma_semaphore, #tpu.memory_space<semaphore_mem>>) src(%arg8 : memref<80x128xf32, #tpu.memory_space<vmem>>) dst(%dma_wait3A_143 : memref<80x128xf32, #tpu.memory_space<vmem_shared>>)
      tpu.yield
    }) : () -> ()
    %add3A_55 = arith.constant 400 : i32
    %add3A_56 = arith.addi %mul3A_2, %add3A_55 : i32
    %dma_start3A_57 = arith.constant 0 : i32
    %dma_start3A_58 = tpu.memref_slice %arg2[%add3A_56, %dma_start3A_57] : memref<10240x128xf32, #tpu.memory_space<hbm>> -> memref<80x128xf32, #tpu.memory_space<hbm>>
    %dma_start3A_59 = arith.constant 0 : i32
    %dma_start3A_60 = tpu.memref_slice %arg2[%add3A_56, %dma_start3A_59] : memref<10240x128xf32, #tpu.memory_space<hbm>> -> memref<80x128xf32, #tpu.memory_space<hbm>>
    tpu.enqueue_dma source(%dma_start3A_60 : memref<80x128xf32, #tpu.memory_space<hbm>>) target(%arg8 : memref<80x128xf32, #tpu.memory_space<vmem>>) target_semaphore(%arg10 : memref<!tpu.dma_semaphore, #tpu.memory_space<semaphore_mem>>)
    %add3A_61 = arith.constant 320 : i32
    %add3A_62 = arith.addi %mul3A_2, %add3A_61 : i32
    %dma_wait3A_63 = arith.constant 0 : i32
    %dma_wait3A_64 = tpu.memref_slice %arg2[%add3A_62, %dma_wait3A_63] : memref<10240x128xf32, #tpu.memory_space<hbm>> -> memref<80x128xf32, #tpu.memory_space<hbm>>
    %dma_wait3A_65 = arith.constant 0 : i32
    %dma_wait3A_66 = tpu.memref_slice %arg2[%add3A_62, %dma_wait3A_65] : memref<10240x128xf32, #tpu.memory_space<hbm>> -> memref<80x128xf32, #tpu.memory_space<hbm>>
    tpu.wait_dma2 semaphore(%arg9 : memref<!tpu.dma_semaphore, #tpu.memory_space<semaphore_mem>>) src(%dma_wait3A_66 : memref<80x128xf32, #tpu.memory_space<hbm>>) dst(%arg7 : memref<80x128xf32, #tpu.memory_space<vmem>>)
    "tpu.region"() ({
      %run_scoped3A = tpu.sem_alloc : memref<!tpu.dma_semaphore, #tpu.memory_space<semaphore_mem>>
      %dma_start3A_136 = arith.constant 0 : i32
      %dma_start3A_137 = tpu.memref_slice %arg5[%add3A_62, %dma_start3A_136] : memref<10240x128xf32, #tpu.memory_space<vmem_shared>> -> memref<80x128xf32, #tpu.memory_space<vmem_shared>>
      %dma_start3A_138 = arith.constant 0 : i32
      %dma_start3A_139 = tpu.memref_slice %arg5[%add3A_62, %dma_start3A_138] : memref<10240x128xf32, #tpu.memory_space<vmem_shared>> -> memref<80x128xf32, #tpu.memory_space<vmem_shared>>
      tpu.enqueue_dma source(%arg7 : memref<80x128xf32, #tpu.memory_space<vmem>>) target(%dma_start3A_139 : memref<80x128xf32, #tpu.memory_space<vmem_shared>>) target_semaphore(%run_scoped3A : memref<!tpu.dma_semaphore, #tpu.memory_space<semaphore_mem>>)
      %dma_wait3A_140 = arith.constant 0 : i32
      %dma_wait3A_141 = tpu.memref_slice %arg5[%add3A_62, %dma_wait3A_140] : memref<10240x128xf32, #tpu.memory_space<vmem_shared>> -> memref<80x128xf32, #tpu.memory_space<vmem_shared>>
      %dma_wait3A_142 = arith.constant 0 : i32
      %dma_wait3A_143 = tpu.memref_slice %arg5[%add3A_62, %dma_wait3A_142] : memref<10240x128xf32, #tpu.memory_space<vmem_shared>> -> memref<80x128xf32, #tpu.memory_space<vmem_shared>>
      tpu.wait_dma2 semaphore(%run_scoped3A : memref<!tpu.dma_semaphore, #tpu.memory_space<semaphore_mem>>) src(%arg7 : memref<80x128xf32, #tpu.memory_space<vmem>>) dst(%dma_wait3A_143 : memref<80x128xf32, #tpu.memory_space<vmem_shared>>)
      tpu.yield
    }) : () -> ()
    %add3A_67 = arith.constant 480 : i32
    %add3A_68 = arith.addi %mul3A_2, %add3A_67 : i32
    %dma_start3A_69 = arith.constant 0 : i32
    %dma_start3A_70 = tpu.memref_slice %arg2[%add3A_68, %dma_start3A_69] : memref<10240x128xf32, #tpu.memory_space<hbm>> -> memref<80x128xf32, #tpu.memory_space<hbm>>
    %dma_start3A_71 = arith.constant 0 : i32
    %dma_start3A_72 = tpu.memref_slice %arg2[%add3A_68, %dma_start3A_71] : memref<10240x128xf32, #tpu.memory_space<hbm>> -> memref<80x128xf32, #tpu.memory_space<hbm>>
    tpu.enqueue_dma source(%dma_start3A_72 : memref<80x128xf32, #tpu.memory_space<hbm>>) target(%arg7 : memref<80x128xf32, #tpu.memory_space<vmem>>) target_semaphore(%arg9 : memref<!tpu.dma_semaphore, #tpu.memory_space<semaphore_mem>>)
    %add3A_73 = arith.constant 400 : i32
    %add3A_74 = arith.addi %mul3A_2, %add3A_73 : i32
    %dma_wait3A_75 = arith.constant 0 : i32
    %dma_wait3A_76 = tpu.memref_slice %arg2[%add3A_74, %dma_wait3A_75] : memref<10240x128xf32, #tpu.memory_space<hbm>> -> memref<80x128xf32, #tpu.memory_space<hbm>>
    %dma_wait3A_77 = arith.constant 0 : i32
    %dma_wait3A_78 = tpu.memref_slice %arg2[%add3A_74, %dma_wait3A_77] : memref<10240x128xf32, #tpu.memory_space<hbm>> -> memref<80x128xf32, #tpu.memory_space<hbm>>
    tpu.wait_dma2 semaphore(%arg10 : memref<!tpu.dma_semaphore, #tpu.memory_space<semaphore_mem>>) src(%dma_wait3A_78 : memref<80x128xf32, #tpu.memory_space<hbm>>) dst(%arg8 : memref<80x128xf32, #tpu.memory_space<vmem>>)
    "tpu.region"() ({
      %run_scoped3A = tpu.sem_alloc : memref<!tpu.dma_semaphore, #tpu.memory_space<semaphore_mem>>
      %dma_start3A_136 = arith.constant 0 : i32
      %dma_start3A_137 = tpu.memref_slice %arg5[%add3A_74, %dma_start3A_136] : memref<10240x128xf32, #tpu.memory_space<vmem_shared>> -> memref<80x128xf32, #tpu.memory_space<vmem_shared>>
      %dma_start3A_138 = arith.constant 0 : i32
      %dma_start3A_139 = tpu.memref_slice %arg5[%add3A_74, %dma_start3A_138] : memref<10240x128xf32, #tpu.memory_space<vmem_shared>> -> memref<80x128xf32, #tpu.memory_space<vmem_shared>>
      tpu.enqueue_dma source(%arg8 : memref<80x128xf32, #tpu.memory_space<vmem>>) target(%dma_start3A_139 : memref<80x128xf32, #tpu.memory_space<vmem_shared>>) target_semaphore(%run_scoped3A : memref<!tpu.dma_semaphore, #tpu.memory_space<semaphore_mem>>)
      %dma_wait3A_140 = arith.constant 0 : i32
      %dma_wait3A_141 = tpu.memref_slice %arg5[%add3A_74, %dma_wait3A_140] : memref<10240x128xf32, #tpu.memory_space<vmem_shared>> -> memref<80x128xf32, #tpu.memory_space<vmem_shared>>
      %dma_wait3A_142 = arith.constant 0 : i32
      %dma_wait3A_143 = tpu.memref_slice %arg5[%add3A_74, %dma_wait3A_142] : memref<10240x128xf32, #tpu.memory_space<vmem_shared>> -> memref<80x128xf32, #tpu.memory_space<vmem_shared>>
      tpu.wait_dma2 semaphore(%run_scoped3A : memref<!tpu.dma_semaphore, #tpu.memory_space<semaphore_mem>>) src(%arg8 : memref<80x128xf32, #tpu.memory_space<vmem>>) dst(%dma_wait3A_143 : memref<80x128xf32, #tpu.memory_space<vmem_shared>>)
      tpu.yield
    }) : () -> ()
    %add3A_79 = arith.constant 560 : i32
    %add3A_80 = arith.addi %mul3A_2, %add3A_79 : i32
    %dma_start3A_81 = arith.constant 0 : i32
    %dma_start3A_82 = tpu.memref_slice %arg2[%add3A_80, %dma_start3A_81] : memref<10240x128xf32, #tpu.memory_space<hbm>> -> memref<80x128xf32, #tpu.memory_space<hbm>>
    %dma_start3A_83 = arith.constant 0 : i32
    %dma_start3A_84 = tpu.memref_slice %arg2[%add3A_80, %dma_start3A_83] : memref<10240x128xf32, #tpu.memory_space<hbm>> -> memref<80x128xf32, #tpu.memory_space<hbm>>
    tpu.enqueue_dma source(%dma_start3A_84 : memref<80x128xf32, #tpu.memory_space<hbm>>) target(%arg8 : memref<80x128xf32, #tpu.memory_space<vmem>>) target_semaphore(%arg10 : memref<!tpu.dma_semaphore, #tpu.memory_space<semaphore_mem>>)
    %add3A_85 = arith.constant 480 : i32
    %add3A_86 = arith.addi %mul3A_2, %add3A_85 : i32
    %dma_wait3A_87 = arith.constant 0 : i32
    %dma_wait3A_88 = tpu.memref_slice %arg2[%add3A_86, %dma_wait3A_87] : memref<10240x128xf32, #tpu.memory_space<hbm>> -> memref<80x128xf32, #tpu.memory_space<hbm>>
    %dma_wait3A_89 = arith.constant 0 : i32
    %dma_wait3A_90 = tpu.memref_slice %arg2[%add3A_86, %dma_wait3A_89] : memref<10240x128xf32, #tpu.memory_space<hbm>> -> memref<80x128xf32, #tpu.memory_space<hbm>>
    tpu.wait_dma2 semaphore(%arg9 : memref<!tpu.dma_semaphore, #tpu.memory_space<semaphore_mem>>) src(%dma_wait3A_90 : memref<80x128xf32, #tpu.memory_space<hbm>>) dst(%arg7 : memref<80x128xf32, #tpu.memory_space<vmem>>)
    "tpu.region"() ({
      %run_scoped3A = tpu.sem_alloc : memref<!tpu.dma_semaphore, #tpu.memory_space<semaphore_mem>>
      %dma_start3A_136 = arith.constant 0 : i32
      %dma_start3A_137 = tpu.memref_slice %arg5[%add3A_86, %dma_start3A_136] : memref<10240x128xf32, #tpu.memory_space<vmem_shared>> -> memref<80x128xf32, #tpu.memory_space<vmem_shared>>
      %dma_start3A_138 = arith.constant 0 : i32
      %dma_start3A_139 = tpu.memref_slice %arg5[%add3A_86, %dma_start3A_138] : memref<10240x128xf32, #tpu.memory_space<vmem_shared>> -> memref<80x128xf32, #tpu.memory_space<vmem_shared>>
      tpu.enqueue_dma source(%arg7 : memref<80x128xf32, #tpu.memory_space<vmem>>) target(%dma_start3A_139 : memref<80x128xf32, #tpu.memory_space<vmem_shared>>) target_semaphore(%run_scoped3A : memref<!tpu.dma_semaphore, #tpu.memory_space<semaphore_mem>>)
      %dma_wait3A_140 = arith.constant 0 : i32
      %dma_wait3A_141 = tpu.memref_slice %arg5[%add3A_86, %dma_wait3A_140] : memref<10240x128xf32, #tpu.memory_space<vmem_shared>> -> memref<80x128xf32, #tpu.memory_space<vmem_shared>>
      %dma_wait3A_142 = arith.constant 0 : i32
      %dma_wait3A_143 = tpu.memref_slice %arg5[%add3A_86, %dma_wait3A_142] : memref<10240x128xf32, #tpu.memory_space<vmem_shared>> -> memref<80x128xf32, #tpu.memory_space<vmem_shared>>
      tpu.wait_dma2 semaphore(%run_scoped3A : memref<!tpu.dma_semaphore, #tpu.memory_space<semaphore_mem>>) src(%arg7 : memref<80x128xf32, #tpu.memory_space<vmem>>) dst(%dma_wait3A_143 : memref<80x128xf32, #tpu.memory_space<vmem_shared>>)
      tpu.yield
    }) : () -> ()
    %add3A_91 = arith.constant 560 : i32
    %add3A_92 = arith.addi %mul3A_2, %add3A_91 : i32
    %dma_wait3A_93 = arith.constant 0 : i32
    %dma_wait3A_94 = tpu.memref_slice %arg2[%add3A_92, %dma_wait3A_93] : memref<10240x128xf32, #tpu.memory_space<hbm>> -> memref<80x128xf32, #tpu.memory_space<hbm>>
    %dma_wait3A_95 = arith.constant 0 : i32
    %dma_wait3A_96 = tpu.memref_slice %arg2[%add3A_92, %dma_wait3A_95] : memref<10240x128xf32, #tpu.memory_space<hbm>> -> memref<80x128xf32, #tpu.memory_space<hbm>>
    tpu.wait_dma2 semaphore(%arg10 : memref<!tpu.dma_semaphore, #tpu.memory_space<semaphore_mem>>) src(%dma_wait3A_96 : memref<80x128xf32, #tpu.memory_space<hbm>>) dst(%arg8 : memref<80x128xf32, #tpu.memory_space<vmem>>)
    "tpu.region"() ({
      %run_scoped3A = tpu.sem_alloc : memref<!tpu.dma_semaphore, #tpu.memory_space<semaphore_mem>>
      %dma_start3A_136 = arith.constant 0 : i32
      %dma_start3A_137 = tpu.memref_slice %arg5[%add3A_92, %dma_start3A_136] : memref<10240x128xf32, #tpu.memory_space<vmem_shared>> -> memref<80x128xf32, #tpu.memory_space<vmem_shared>>
      %dma_start3A_138 = arith.constant 0 : i32
      %dma_start3A_139 = tpu.memref_slice %arg5[%add3A_92, %dma_start3A_138] : memref<10240x128xf32, #tpu.memory_space<vmem_shared>> -> memref<80x128xf32, #tpu.memory_space<vmem_shared>>
      tpu.enqueue_dma source(%arg8 : memref<80x128xf32, #tpu.memory_space<vmem>>) target(%dma_start3A_139 : memref<80x128xf32, #tpu.memory_space<vmem_shared>>) target_semaphore(%run_scoped3A : memref<!tpu.dma_semaphore, #tpu.memory_space<semaphore_mem>>)
      %dma_wait3A_140 = arith.constant 0 : i32
      %dma_wait3A_141 = tpu.memref_slice %arg5[%add3A_92, %dma_wait3A_140] : memref<10240x128xf32, #tpu.memory_space<vmem_shared>> -> memref<80x128xf32, #tpu.memory_space<vmem_shared>>
      %dma_wait3A_142 = arith.constant 0 : i32
      %dma_wait3A_143 = tpu.memref_slice %arg5[%add3A_92, %dma_wait3A_142] : memref<10240x128xf32, #tpu.memory_space<vmem_shared>> -> memref<80x128xf32, #tpu.memory_space<vmem_shared>>
      tpu.wait_dma2 semaphore(%run_scoped3A : memref<!tpu.dma_semaphore, #tpu.memory_space<semaphore_mem>>) src(%arg8 : memref<80x128xf32, #tpu.memory_space<vmem>>) dst(%dma_wait3A_143 : memref<80x128xf32, #tpu.memory_space<vmem_shared>>)
      tpu.yield
    }) : () -> ()
    %barrier3A = arith.constant 0 : index
    tpu.barrier barrier_id(%barrier3A)
    "tpu.region"() ({
      %run_scoped3A = tpu.sem_alloc : memref<!tpu.dma_semaphore, #tpu.memory_space<semaphore_mem>>
      %dma_start3A_136 = arith.constant 0 : i32
      %dma_start3A_137 = arith.constant 0 : i32
      %dma_start3A_138 = tpu.memref_slice %arg3[%add3A, %dma_start3A_136, %dma_start3A_137] : memref<32x25x80xi32, #tpu.memory_space<hbm>> -> memref<1x25x80xi32, #tpu.memory_space<hbm>>
      %dma_start3A_139 = tpu.memref_squeeze %dma_start3A_138 : memref<1x25x80xi32, #tpu.memory_space<hbm>> -> memref<25x80xi32, #tpu.memory_space<hbm>>
      %dma_start3A_140 = arith.constant 0 : i32
      %dma_start3A_141 = arith.constant 0 : i32
      %dma_start3A_142 = tpu.memref_slice %arg3[%add3A, %dma_start3A_140, %dma_start3A_141] : memref<32x25x80xi32, #tpu.memory_space<hbm>> -> memref<1x25x80xi32, #tpu.memory_space<hbm>>
      %dma_start3A_143 = tpu.memref_squeeze %dma_start3A_142 : memref<1x25x80xi32, #tpu.memory_space<hbm>> -> memref<25x80xi32, #tpu.memory_space<hbm>>
      tpu.enqueue_dma source(%dma_start3A_143 : memref<25x80xi32, #tpu.memory_space<hbm>>) target(%arg6 : memref<25x80xi32, #tpu.memory_space<vmem>>) target_semaphore(%run_scoped3A : memref<!tpu.dma_semaphore, #tpu.memory_space<semaphore_mem>>)
      %dma_wait3A_144 = arith.constant 0 : i32
      %dma_wait3A_145 = arith.constant 0 : i32
      %dma_wait3A_146 = tpu.memref_slice %arg3[%add3A, %dma_wait3A_144, %dma_wait3A_145] : memref<32x25x80xi32, #tpu.memory_space<hbm>> -> memref<1x25x80xi32, #tpu.memory_space<hbm>>
      %dma_wait3A_147 = tpu.memref_squeeze %dma_wait3A_146 : memref<1x25x80xi32, #tpu.memory_space<hbm>> -> memref<25x80xi32, #tpu.memory_space<hbm>>
      %dma_wait3A_148 = arith.constant 0 : i32
      %dma_wait3A_149 = arith.constant 0 : i32
      %dma_wait3A_150 = tpu.memref_slice %arg3[%add3A, %dma_wait3A_148, %dma_wait3A_149] : memref<32x25x80xi32, #tpu.memory_space<hbm>> -> memref<1x25x80xi32, #tpu.memory_space<hbm>>
      %dma_wait3A_151 = tpu.memref_squeeze %dma_wait3A_150 : memref<1x25x80xi32, #tpu.memory_space<hbm>> -> memref<25x80xi32, #tpu.memory_space<hbm>>
      tpu.wait_dma2 semaphore(%run_scoped3A : memref<!tpu.dma_semaphore, #tpu.memory_space<semaphore_mem>>) src(%dma_wait3A_151 : memref<25x80xi32, #tpu.memory_space<hbm>>) dst(%arg6 : memref<25x80xi32, #tpu.memory_space<vmem>>)
      tpu.yield
    }) : () -> ()
    %mul3A_97 = arith.constant 2000 : i32
    %mul3A_98 = arith.muli %add3A, %mul3A_97 : i32
    %dma_start3A_99 = arith.constant 0 : i32
    %dma_start3A_100 = arith.constant 0 : i32
    %dma_start3A_101 = tpu.memref_slice %arg6[%dma_start3A_99, %dma_start3A_100] : memref<25x80xi32, #tpu.memory_space<vmem>> -> memref<1x80xi32, #tpu.memory_space<vmem>>
    %dma_start3A_102 = tpu.memref_squeeze %dma_start3A_101 : memref<1x80xi32, #tpu.memory_space<vmem>> -> memref<80xi32, #tpu.memory_space<vmem>>
    %dma_start3A_103 = arith.constant 0 : i32
    %dma_start3A_104 = arith.constant 0 : i32
    %dma_start3A_105 = tpu.memref_slice %arg5[%dma_start3A_103, %dma_start3A_104] : memref<10240x128xf32, #tpu.memory_space<vmem_shared>> -> memref<10240x128xf32, #tpu.memory_space<vmem_shared>>
    tpu.enqueue_indirect_dma source(%dma_start3A_105 : memref<10240x128xf32, #tpu.memory_space<vmem_shared>>) target(%arg7 : memref<80x128xf32, #tpu.memory_space<vmem>>) offsets(%dma_start3A_102 : memref<80xi32, #tpu.memory_space<vmem>>) semaphore(%arg9 : memref<!tpu.dma_semaphore, #tpu.memory_space<semaphore_mem>>)
    %scan3A = arith.constant 0 : i32
    %scan3A_106 = arith.constant 0 : i32
    %scan3A_107 = arith.constant 12 : i32
    %scan3A_108 = arith.addi %scan3A_106, %scan3A_107 : i32
    %scan3A_109 = arith.constant 1 : i32
    scf.for %scan3A_136 = %scan3A_106 to %scan3A_108 step %scan3A_109  : i32 {
      %mul3A_137 = arith.constant 2 : i32
      %mul3A_138 = arith.muli %mul3A_137, %scan3A_136 : i32
      %gt3A = arith.constant 0 : i32
      %gt3A_139 = arith.cmpi sgt, %scan3A_136, %gt3A : i32
      %convert_element_type3A = arith.extui %gt3A_139 : i1 to i32
      %cond3A = arith.constant 0 : i32
      %cond3A_140 = arith.cmpi ne, %convert_element_type3A, %cond3A : i32
      scf.if %cond3A_140 {
        %sub3A = arith.constant 1 : i32
        %sub3A_192 = arith.subi %mul3A_138, %sub3A : i32
        %mul3A_193 = arith.constant 80 : i32
        %mul3A_194 = arith.muli %sub3A_192, %mul3A_193 : i32
        %add3A_195 = arith.addi %mul3A_98, %mul3A_194 : i32
        %dma_wait3A_196 = arith.constant 0 : i32
        %dma_wait3A_197 = tpu.memref_slice %arg4[%add3A_195, %dma_wait3A_196] : memref<64000x128xf32, #tpu.memory_space<hbm>> -> memref<80x128xf32, #tpu.memory_space<hbm>>
        %dma_wait3A_198 = arith.constant 0 : i32
        %dma_wait3A_199 = tpu.memref_slice %arg4[%add3A_195, %dma_wait3A_198] : memref<64000x128xf32, #tpu.memory_space<hbm>> -> memref<80x128xf32, #tpu.memory_space<hbm>>
        tpu.wait_dma2 semaphore(%arg12 : memref<!tpu.dma_semaphore, #tpu.memory_space<semaphore_mem>>) src(%arg8 : memref<80x128xf32, #tpu.memory_space<vmem>>) dst(%dma_wait3A_199 : memref<80x128xf32, #tpu.memory_space<hbm>>)
      } else {
      }
      %add3A_141 = arith.constant 1 : i32
      %add3A_142 = arith.addi %mul3A_138, %add3A_141 : i32
      %dma_start3A_143 = arith.constant 0 : i32
      %dma_start3A_144 = tpu.memref_slice %arg6[%add3A_142, %dma_start3A_143] : memref<25x80xi32, #tpu.memory_space<vmem>> -> memref<1x80xi32, #tpu.memory_space<vmem>>
      %dma_start3A_145 = tpu.memref_squeeze %dma_start3A_144 : memref<1x80xi32, #tpu.memory_space<vmem>> -> memref<80xi32, #tpu.memory_space<vmem>>
      %dma_start3A_146 = arith.constant 0 : i32
      %dma_start3A_147 = arith.constant 0 : i32
      %dma_start3A_148 = tpu.memref_slice %arg5[%dma_start3A_146, %dma_start3A_147] : memref<10240x128xf32, #tpu.memory_space<vmem_shared>> -> memref<10240x128xf32, #tpu.memory_space<vmem_shared>>
      tpu.enqueue_indirect_dma source(%dma_start3A_148 : memref<10240x128xf32, #tpu.memory_space<vmem_shared>>) target(%arg8 : memref<80x128xf32, #tpu.memory_space<vmem>>) offsets(%dma_start3A_145 : memref<80xi32, #tpu.memory_space<vmem>>) semaphore(%arg10 : memref<!tpu.dma_semaphore, #tpu.memory_space<semaphore_mem>>)
      %dma_wait3A_149 = arith.constant 0 : i32
      %dma_wait3A_150 = tpu.memref_slice %arg6[%mul3A_138, %dma_wait3A_149] : memref<25x80xi32, #tpu.memory_space<vmem>> -> memref<1x80xi32, #tpu.memory_space<vmem>>
      %dma_wait3A_151 = tpu.memref_squeeze %dma_wait3A_150 : memref<1x80xi32, #tpu.memory_space<vmem>> -> memref<80xi32, #tpu.memory_space<vmem>>
      %dma_wait3A_152 = arith.constant 0 : i32
      %dma_wait3A_153 = arith.constant 0 : i32
      %dma_wait3A_154 = tpu.memref_slice %arg5[%dma_wait3A_152, %dma_wait3A_153] : memref<10240x128xf32, #tpu.memory_space<vmem_shared>> -> memref<10240x128xf32, #tpu.memory_space<vmem_shared>>
      tpu.wait_indirect_dma semaphore(%arg9 : memref<!tpu.dma_semaphore, #tpu.memory_space<semaphore_mem>>) src(%dma_wait3A_154 : memref<10240x128xf32, #tpu.memory_space<vmem_shared>>) dst(%arg7 : memref<80x128xf32, #tpu.memory_space<vmem>>)
      %mul3A_155 = arith.constant 80 : i32
      %mul3A_156 = arith.muli %mul3A_138, %mul3A_155 : i32
      %add3A_157 = arith.addi %mul3A_98, %mul3A_156 : i32
      %dma_start3A_158 = arith.constant 0 : i32
      %dma_start3A_159 = tpu.memref_slice %arg4[%add3A_157, %dma_start3A_158] : memref<64000x128xf32, #tpu.memory_space<hbm>> -> memref<80x128xf32, #tpu.memory_space<hbm>>
      %dma_start3A_160 = arith.constant 0 : i32
      %dma_start3A_161 = tpu.memref_slice %arg4[%add3A_157, %dma_start3A_160] : memref<64000x128xf32, #tpu.memory_space<hbm>> -> memref<80x128xf32, #tpu.memory_space<hbm>>
      tpu.enqueue_dma source(%arg7 : memref<80x128xf32, #tpu.memory_space<vmem>>) target(%dma_start3A_161 : memref<80x128xf32, #tpu.memory_space<hbm>>) target_semaphore(%arg11 : memref<!tpu.dma_semaphore, #tpu.memory_space<semaphore_mem>>)
      %mul3A_162 = arith.constant 80 : i32
      %mul3A_163 = arith.muli %mul3A_138, %mul3A_162 : i32
      %add3A_164 = arith.addi %mul3A_98, %mul3A_163 : i32
      %dma_wait3A_165 = arith.constant 0 : i32
      %dma_wait3A_166 = tpu.memref_slice %arg4[%add3A_164, %dma_wait3A_165] : memref<64000x128xf32, #tpu.memory_space<hbm>> -> memref<80x128xf32, #tpu.memory_space<hbm>>
      %dma_wait3A_167 = arith.constant 0 : i32
      %dma_wait3A_168 = tpu.memref_slice %arg4[%add3A_164, %dma_wait3A_167] : memref<64000x128xf32, #tpu.memory_space<hbm>> -> memref<80x128xf32, #tpu.memory_space<hbm>>
      tpu.wait_dma2 semaphore(%arg11 : memref<!tpu.dma_semaphore, #tpu.memory_space<semaphore_mem>>) src(%arg7 : memref<80x128xf32, #tpu.memory_space<vmem>>) dst(%dma_wait3A_168 : memref<80x128xf32, #tpu.memory_space<hbm>>)
      %add3A_169 = arith.constant 2 : i32
      %add3A_170 = arith.addi %mul3A_138, %add3A_169 : i32
      %lt3A = arith.constant 25 : i32
      %lt3A_171 = arith.cmpi slt, %add3A_170, %lt3A : i32
      %convert_element_type3A_172 = arith.extui %lt3A_171 : i1 to i32
      %cond3A_173 = arith.constant 0 : i32
      %cond3A_174 = arith.cmpi ne, %convert_element_type3A_172, %cond3A_173 : i32
      scf.if %cond3A_174 {
        %add3A_192 = arith.constant 2 : i32
        %add3A_193 = arith.addi %mul3A_138, %add3A_192 : i32
        %dma_start3A_194 = arith.constant 0 : i32
        %dma_start3A_195 = tpu.memref_slice %arg6[%add3A_193, %dma_start3A_194] : memref<25x80xi32, #tpu.memory_space<vmem>> -> memref<1x80xi32, #tpu.memory_space<vmem>>
        %dma_start3A_196 = tpu.memref_squeeze %dma_start3A_195 : memref<1x80xi32, #tpu.memory_space<vmem>> -> memref<80xi32, #tpu.memory_space<vmem>>
        %dma_start3A_197 = arith.constant 0 : i32
        %dma_start3A_198 = arith.constant 0 : i32
        %dma_start3A_199 = tpu.memref_slice %arg5[%dma_start3A_197, %dma_start3A_198] : memref<10240x128xf32, #tpu.memory_space<vmem_shared>> -> memref<10240x128xf32, #tpu.memory_space<vmem_shared>>
        tpu.enqueue_indirect_dma source(%dma_start3A_199 : memref<10240x128xf32, #tpu.memory_space<vmem_shared>>) target(%arg7 : memref<80x128xf32, #tpu.memory_space<vmem>>) offsets(%dma_start3A_196 : memref<80xi32, #tpu.memory_space<vmem>>) semaphore(%arg9 : memref<!tpu.dma_semaphore, #tpu.memory_space<semaphore_mem>>)
      } else {
      }
      %add3A_175 = arith.constant 1 : i32
      %add3A_176 = arith.addi %mul3A_138, %add3A_175 : i32
      %dma_wait3A_177 = arith.constant 0 : i32
      %dma_wait3A_178 = tpu.memref_slice %arg6[%add3A_176, %dma_wait3A_177] : memref<25x80xi32, #tpu.memory_space<vmem>> -> memref<1x80xi32, #tpu.memory_space<vmem>>
      %dma_wait3A_179 = tpu.memref_squeeze %dma_wait3A_178 : memref<1x80xi32, #tpu.memory_space<vmem>> -> memref<80xi32, #tpu.memory_space<vmem>>
      %dma_wait3A_180 = arith.constant 0 : i32
      %dma_wait3A_181 = arith.constant 0 : i32
      %dma_wait3A_182 = tpu.memref_slice %arg5[%dma_wait3A_180, %dma_wait3A_181] : memref<10240x128xf32, #tpu.memory_space<vmem_shared>> -> memref<10240x128xf32, #tpu.memory_space<vmem_shared>>
      tpu.wait_indirect_dma semaphore(%arg10 : memref<!tpu.dma_semaphore, #tpu.memory_space<semaphore_mem>>) src(%dma_wait3A_182 : memref<10240x128xf32, #tpu.memory_space<vmem_shared>>) dst(%arg8 : memref<80x128xf32, #tpu.memory_space<vmem>>)
      %add3A_183 = arith.constant 1 : i32
      %add3A_184 = arith.addi %mul3A_138, %add3A_183 : i32
      %mul3A_185 = arith.constant 80 : i32
      %mul3A_186 = arith.muli %add3A_184, %mul3A_185 : i32
      %add3A_187 = arith.addi %mul3A_98, %mul3A_186 : i32
      %dma_start3A_188 = arith.constant 0 : i32
      %dma_start3A_189 = tpu.memref_slice %arg4[%add3A_187, %dma_start3A_188] : memref<64000x128xf32, #tpu.memory_space<hbm>> -> memref<80x128xf32, #tpu.memory_space<hbm>>
      %dma_start3A_190 = arith.constant 0 : i32
      %dma_start3A_191 = tpu.memref_slice %arg4[%add3A_187, %dma_start3A_190] : memref<64000x128xf32, #tpu.memory_space<hbm>> -> memref<80x128xf32, #tpu.memory_space<hbm>>
      tpu.enqueue_dma source(%arg8 : memref<80x128xf32, #tpu.memory_space<vmem>>) target(%dma_start3A_191 : memref<80x128xf32, #tpu.memory_space<hbm>>) target_semaphore(%arg12 : memref<!tpu.dma_semaphore, #tpu.memory_space<semaphore_mem>>)
    }
    %scan3A_110 = arith.constant 12 : i32
    %add3A_111 = arith.constant 1840 : i32
    %add3A_112 = arith.addi %mul3A_98, %add3A_111 : i32
    %dma_wait3A_113 = arith.constant 0 : i32
    %dma_wait3A_114 = tpu.memref_slice %arg4[%add3A_112, %dma_wait3A_113] : memref<64000x128xf32, #tpu.memory_space<hbm>> -> memref<80x128xf32, #tpu.memory_space<hbm>>
    %dma_wait3A_115 = arith.constant 0 : i32
    %dma_wait3A_116 = tpu.memref_slice %arg4[%add3A_112, %dma_wait3A_115] : memref<64000x128xf32, #tpu.memory_space<hbm>> -> memref<80x128xf32, #tpu.memory_space<hbm>>
    tpu.wait_dma2 semaphore(%arg12 : memref<!tpu.dma_semaphore, #tpu.memory_space<semaphore_mem>>) src(%arg8 : memref<80x128xf32, #tpu.memory_space<vmem>>) dst(%dma_wait3A_116 : memref<80x128xf32, #tpu.memory_space<hbm>>)
    %dma_wait3A_117 = arith.constant 24 : i32
    %dma_wait3A_118 = arith.constant 0 : i32
    %dma_wait3A_119 = tpu.memref_slice %arg6[%dma_wait3A_117, %dma_wait3A_118] : memref<25x80xi32, #tpu.memory_space<vmem>> -> memref<1x80xi32, #tpu.memory_space<vmem>>
    %dma_wait3A_120 = tpu.memref_squeeze %dma_wait3A_119 : memref<1x80xi32, #tpu.memory_space<vmem>> -> memref<80xi32, #tpu.memory_space<vmem>>
    %dma_wait3A_121 = arith.constant 0 : i32
    %dma_wait3A_122 = arith.constant 0 : i32
    %dma_wait3A_123 = tpu.memref_slice %arg5[%dma_wait3A_121, %dma_wait3A_122] : memref<10240x128xf32, #tpu.memory_space<vmem_shared>> -> memref<10240x128xf32, #tpu.memory_space<vmem_shared>>
    tpu.wait_indirect_dma semaphore(%arg9 : memref<!tpu.dma_semaphore, #tpu.memory_space<semaphore_mem>>) src(%dma_wait3A_123 : memref<10240x128xf32, #tpu.memory_space<vmem_shared>>) dst(%arg7 : memref<80x128xf32, #tpu.memory_space<vmem>>)
    %add3A_124 = arith.constant 1920 : i32
    %add3A_125 = arith.addi %mul3A_98, %add3A_124 : i32
    %dma_start3A_126 = arith.constant 0 : i32
    %dma_start3A_127 = tpu.memref_slice %arg4[%add3A_125, %dma_start3A_126] : memref<64000x128xf32, #tpu.memory_space<hbm>> -> memref<80x128xf32, #tpu.memory_space<hbm>>
    %dma_start3A_128 = arith.constant 0 : i32
    %dma_start3A_129 = tpu.memref_slice %arg4[%add3A_125, %dma_start3A_128] : memref<64000x128xf32, #tpu.memory_space<hbm>> -> memref<80x128xf32, #tpu.memory_space<hbm>>
    tpu.enqueue_dma source(%arg7 : memref<80x128xf32, #tpu.memory_space<vmem>>) target(%dma_start3A_129 : memref<80x128xf32, #tpu.memory_space<hbm>>) target_semaphore(%arg11 : memref<!tpu.dma_semaphore, #tpu.memory_space<semaphore_mem>>)
    %add3A_130 = arith.constant 1920 : i32
    %add3A_131 = arith.addi %mul3A_98, %add3A_130 : i32
    %dma_wait3A_132 = arith.constant 0 : i32
    %dma_wait3A_133 = tpu.memref_slice %arg4[%add3A_131, %dma_wait3A_132] : memref<64000x128xf32, #tpu.memory_space<hbm>> -> memref<80x128xf32, #tpu.memory_space<hbm>>
    %dma_wait3A_134 = arith.constant 0 : i32
    %dma_wait3A_135 = tpu.memref_slice %arg4[%add3A_131, %dma_wait3A_134] : memref<64000x128xf32, #tpu.memory_space<hbm>> -> memref<80x128xf32, #tpu.memory_space<hbm>>
    tpu.wait_dma2 semaphore(%arg11 : memref<!tpu.dma_semaphore, #tpu.memory_space<semaphore_mem>>) src(%arg7 : memref<80x128xf32, #tpu.memory_space<vmem>>) dst(%dma_wait3A_135 : memref<80x128xf32, #tpu.memory_space<hbm>>)
    return
  }
}

module attributes {stable_mosaic.version = 14 : i64} {
  func.func @_node_term_body(%arg0: i32, %arg1: memref<1024x128xf32, #tpu.memory_space<vmem>>, %arg2: memref<2x1024x128xf32, #tpu.memory_space<vmem>>, %arg3: memref<128x128xf32, #tpu.memory_space<vmem>>, %arg4: memref<128x128xf32, #tpu.memory_space<vmem>>, %arg5: memref<1x128xf32, #tpu.memory_space<vmem>>, %arg6: memref<1024x128xf32, #tpu.memory_space<vmem>>) attributes {dimension_semantics = [#tpu.dimension_semantics<arbitrary>], iteration_bounds = array<i64: 10>, scalar_prefetch = 0 : i64, scratch_operands = 0 : i64, tpu.core_type = #tpu.core_type<tc>, window_params = [{transform_indices = @transform_0, window_bounds = array<i64: 1024, 128>}, {transform_indices = @transform_1, window_bounds = array<i64: 2, 1024, 128>}, {pipeline_mode = #tpu.pipeline_mode<synchronous>, transform_indices = @transform_2, window_bounds = array<i64: 128, 128>}, {pipeline_mode = #tpu.pipeline_mode<synchronous>, transform_indices = @transform_3, window_bounds = array<i64: 128, 128>}, {pipeline_mode = #tpu.pipeline_mode<synchronous>, transform_indices = @transform_4, window_bounds = array<i64: 1, 128>}, {transform_indices = @transform_5, window_bounds = array<i64: 1024, 128>}]} {
    %get3A = arith.constant 0 : index
    %get3A_0 = arith.constant 0 : index
    %get3A_1 = arith.constant 0 : index
    %get3A_2 = vector.load %arg2[%get3A, %get3A_0, %get3A_1] : memref<2x1024x128xf32, #tpu.memory_space<vmem>>, vector<1x1024x128xf32>
    %get3A_3 = vector.shape_cast %get3A_2 : vector<1x1024x128xf32> to vector<1024x128xf32>
    %get3A_4 = arith.constant 1 : index
    %get3A_5 = arith.constant 0 : index
    %get3A_6 = arith.constant 0 : index
    %get3A_7 = vector.load %arg2[%get3A_4, %get3A_5, %get3A_6] : memref<2x1024x128xf32, #tpu.memory_space<vmem>>, vector<1x1024x128xf32>
    %get3A_8 = vector.shape_cast %get3A_7 : vector<1x1024x128xf32> to vector<1024x128xf32>
    %add3A = arith.addf %get3A_3, %get3A_8 : vector<1024x128xf32>
    %get3A_9 = arith.constant 0 : index
    %get3A_10 = arith.constant 0 : index
    %get3A_11 = vector.load %arg1[%get3A_9, %get3A_10] : memref<1024x128xf32, #tpu.memory_space<vmem>>, vector<1024x128xf32>
    %get3A_12 = arith.constant 0 : index
    %get3A_13 = arith.constant 0 : index
    %get3A_14 = vector.load %arg3[%get3A_12, %get3A_13] : memref<128x128xf32, #tpu.memory_space<vmem>>, vector<128x128xf32>
    %dot_general3A = arith.constant dense<0.000000e+00> : vector<1024x128xf32>
    %dot_general3A_15 = tpu.matmul %get3A_11, %get3A_14, %dot_general3A {dimension_numbers = #tpu.dot_dimension_numbers<[1], [0], [0], [1], [0, 0, 1, 1], [], []>, transpose_lhs_hint = false} : vector<1024x128xf32>, vector<128x128xf32>, vector<1024x128xf32> -> vector<1024x128xf32>
    %get3A_16 = arith.constant 0 : index
    %get3A_17 = arith.constant 0 : index
    %get3A_18 = vector.load %arg4[%get3A_16, %get3A_17] : memref<128x128xf32, #tpu.memory_space<vmem>>, vector<128x128xf32>
    %dot_general3A_19 = arith.constant dense<0.000000e+00> : vector<1024x128xf32>
    %dot_general3A_20 = tpu.matmul %add3A, %get3A_18, %dot_general3A_19 {dimension_numbers = #tpu.dot_dimension_numbers<[1], [0], [0], [1], [0, 0, 1, 1], [], []>, transpose_lhs_hint = false} : vector<1024x128xf32>, vector<128x128xf32>, vector<1024x128xf32> -> vector<1024x128xf32>
    %add3A_21 = arith.addf %dot_general3A_15, %dot_general3A_20 : vector<1024x128xf32>
    %get3A_22 = arith.constant 0 : index
    %get3A_23 = arith.constant 0 : index
    %get3A_24 = vector.load %arg5[%get3A_22, %get3A_23] : memref<1x128xf32, #tpu.memory_space<vmem>>, vector<1x128xf32>
    %add3A_25 = vector.broadcast %get3A_24 : vector<1x128xf32> to vector<1024x128xf32>
    %add3A_26 = arith.addf %add3A_21, %add3A_25 : vector<1024x128xf32>
    %swap3A = arith.constant 0 : index
    %swap3A_27 = arith.constant 0 : index
    %swap3A_28 = vector.load %arg6[%swap3A, %swap3A_27] : memref<1024x128xf32, #tpu.memory_space<vmem>>, vector<1024x128xf32>
    tpu.vector_store %arg6[%swap3A, %swap3A_27], %add3A_26 {strides = array<i32>} : memref<1024x128xf32, #tpu.memory_space<vmem>>, vector<1024x128xf32>,
    return
  }
  func.func @transform_0(%arg0: i32) -> (i32, i32) {
    %c0_i32 = arith.constant 0 : i32
    %c0_i32_0 = arith.constant 0 : i32
    return %arg0, %c0_i32 : i32, i32
  }
  func.func @transform_1(%arg0: i32) -> (i32, i32, i32) {
    %c0_i32 = arith.constant 0 : i32
    %c0_i32_0 = arith.constant 0 : i32
    %c0_i32_1 = arith.constant 0 : i32
    return %c0_i32, %arg0, %c0_i32_0 : i32, i32, i32
  }
  func.func @transform_2(%arg0: i32) -> (i32, i32) {
    %c0_i32 = arith.constant 0 : i32
    %c0_i32_0 = arith.constant 0 : i32
    %c0_i32_1 = arith.constant 0 : i32
    return %c0_i32, %c0_i32_0 : i32, i32
  }
  func.func @transform_3(%arg0: i32) -> (i32, i32) {
    %c0_i32 = arith.constant 0 : i32
    %c0_i32_0 = arith.constant 0 : i32
    %c0_i32_1 = arith.constant 0 : i32
    return %c0_i32, %c0_i32_0 : i32, i32
  }
  func.func @transform_4(%arg0: i32) -> (i32, i32) {
    %c0_i32 = arith.constant 0 : i32
    %c0_i32_0 = arith.constant 0 : i32
    %c0_i32_1 = arith.constant 0 : i32
    return %c0_i32, %c0_i32_0 : i32, i32
  }
  func.func @transform_5(%arg0: i32) -> (i32, i32) {
    %c0_i32 = arith.constant 0 : i32
    %c0_i32_0 = arith.constant 0 : i32
    return %arg0, %c0_i32 : i32, i32
  }
}

module attributes {stable_mosaic.version = 14 : i64} {
  func.func @_edge_body(%arg0: i32, %arg1: memref<2560x128xf32, #tpu.memory_space<vmem>>, %arg2: memref<2560x128xf32, #tpu.memory_space<vmem>>, %arg3: memref<16x2560xf32, #tpu.memory_space<vmem>>, %arg4: memref<16x128xf32, #tpu.memory_space<vmem>>, %arg5: memref<1x128xf32, #tpu.memory_space<vmem>>, %arg6: memref<1x128xf32, #tpu.memory_space<vmem>>, %arg7: memref<2560x128xf32, #tpu.memory_space<vmem>>) attributes {dimension_semantics = [#tpu.dimension_semantics<arbitrary>], iteration_bounds = array<i64: 25>, scalar_prefetch = 0 : i64, scratch_operands = 0 : i64, tpu.core_type = #tpu.core_type<tc>, window_params = [{transform_indices = @transform_0, window_bounds = array<i64: 2560, 128>}, {transform_indices = @transform_1, window_bounds = array<i64: 2560, 128>}, {transform_indices = @transform_2, window_bounds = array<i64: 16, 2560>}, {pipeline_mode = #tpu.pipeline_mode<synchronous>, transform_indices = @transform_3, window_bounds = array<i64: 16, 128>}, {pipeline_mode = #tpu.pipeline_mode<synchronous>, transform_indices = @transform_4, window_bounds = array<i64: 1, 128>}, {pipeline_mode = #tpu.pipeline_mode<synchronous>, transform_indices = @transform_5, window_bounds = array<i64: 1, 128>}, {transform_indices = @transform_6, window_bounds = array<i64: 2560, 128>}]} {
    %get3A = arith.constant 0 : index
    %get3A_0 = arith.constant 0 : index
    %get3A_1 = vector.load %arg3[%get3A, %get3A_0] : memref<16x2560xf32, #tpu.memory_space<vmem>>, vector<16x2560xf32>
    %get3A_2 = arith.constant 0 : index
    %get3A_3 = arith.constant 0 : index
    %get3A_4 = vector.load %arg4[%get3A_2, %get3A_3] : memref<16x128xf32, #tpu.memory_space<vmem>>, vector<16x128xf32>
    %dot_general3A = arith.constant dense<0.000000e+00> : vector<2560x128xf32>
    %dot_general3A_5 = tpu.matmul %get3A_1, %get3A_4, %dot_general3A {dimension_numbers = #tpu.dot_dimension_numbers<[0], [0], [1], [1], [0, 1, 1, 1], [], []>, transpose_lhs_hint = false} : vector<16x2560xf32>, vector<16x128xf32>, vector<2560x128xf32> -> vector<2560x128xf32>
    %get3A_6 = arith.constant 0 : index
    %get3A_7 = arith.constant 0 : index
    %get3A_8 = vector.load %arg2[%get3A_6, %get3A_7] : memref<2560x128xf32, #tpu.memory_space<vmem>>, vector<2560x128xf32>
    %add3A = arith.addf %get3A_8, %dot_general3A_5 : vector<2560x128xf32>
    %get3A_9 = arith.constant 0 : index
    %get3A_10 = arith.constant 0 : index
    %get3A_11 = vector.load %arg1[%get3A_9, %get3A_10] : memref<2560x128xf32, #tpu.memory_space<vmem>>, vector<2560x128xf32>
    %max3A = arith.constant 0.000000e+00 : f32
    %max3A_12 = vector.broadcast %max3A : f32 to vector<2560x128xf32>
    %max3A_13 = arith.maximumf %add3A, %max3A_12 : vector<2560x128xf32>
    %add3A_14 = arith.addf %get3A_11, %max3A_13 : vector<2560x128xf32>
    %reduce_sum3A = arith.constant dense<0.000000e+00> : vector<2560xf32>
    %reduce_sum3A_15 = vector.multi_reduction <add>, %add3A_14, %reduce_sum3A [1] : vector<2560x128xf32> to vector<2560xf32>
    %broadcast_in_dim3A = vector.shape_cast %reduce_sum3A_15 : vector<2560xf32> to vector<2560x1xf32>
    %div3A = arith.constant 1.280000e+02 : f32
    %div3A_16 = vector.broadcast %div3A : f32 to vector<2560x1xf32>
    %div3A_17 = arith.divf %broadcast_in_dim3A, %div3A_16 : vector<2560x1xf32>
    %sub3A = vector.broadcast %div3A_17 : vector<2560x1xf32> to vector<2560x128xf32>
    %sub3A_18 = arith.subf %add3A_14, %sub3A : vector<2560x128xf32>
    %mul3A = arith.mulf %sub3A_18, %sub3A_18 : vector<2560x128xf32>
    %reduce_sum3A_19 = arith.constant dense<0.000000e+00> : vector<2560xf32>
    %reduce_sum3A_20 = vector.multi_reduction <add>, %mul3A, %reduce_sum3A_19 [1] : vector<2560x128xf32> to vector<2560xf32>
    %broadcast_in_dim3A_21 = vector.shape_cast %reduce_sum3A_20 : vector<2560xf32> to vector<2560x1xf32>
    %div3A_22 = arith.constant 1.280000e+02 : f32
    %div3A_23 = vector.broadcast %div3A_22 : f32 to vector<2560x1xf32>
    %div3A_24 = arith.divf %broadcast_in_dim3A_21, %div3A_23 : vector<2560x1xf32>
    %add3A_25 = arith.constant 9.99999974E-6 : f32
    %add3A_26 = vector.broadcast %add3A_25 : f32 to vector<2560x1xf32>
    %add3A_27 = arith.addf %div3A_24, %add3A_26 : vector<2560x1xf32>
    %rsqrt3A = math.rsqrt %add3A_27 : vector<2560x1xf32>
    %mul3A_28 = vector.broadcast %rsqrt3A : vector<2560x1xf32> to vector<2560x128xf32>
    %mul3A_29 = arith.mulf %sub3A_18, %mul3A_28 : vector<2560x128xf32>
    %get3A_30 = arith.constant 0 : index
    %get3A_31 = arith.constant 0 : index
    %get3A_32 = vector.load %arg5[%get3A_30, %get3A_31] : memref<1x128xf32, #tpu.memory_space<vmem>>, vector<1x128xf32>
    %mul3A_33 = vector.broadcast %get3A_32 : vector<1x128xf32> to vector<2560x128xf32>
    %mul3A_34 = arith.mulf %mul3A_29, %mul3A_33 : vector<2560x128xf32>
    %get3A_35 = arith.constant 0 : index
    %get3A_36 = arith.constant 0 : index
    %get3A_37 = vector.load %arg6[%get3A_35, %get3A_36] : memref<1x128xf32, #tpu.memory_space<vmem>>, vector<1x128xf32>
    %add3A_38 = vector.broadcast %get3A_37 : vector<1x128xf32> to vector<2560x128xf32>
    %add3A_39 = arith.addf %mul3A_34, %add3A_38 : vector<2560x128xf32>
    %swap3A = arith.constant 0 : index
    %swap3A_40 = arith.constant 0 : index
    %swap3A_41 = vector.load %arg7[%swap3A, %swap3A_40] : memref<2560x128xf32, #tpu.memory_space<vmem>>, vector<2560x128xf32>
    tpu.vector_store %arg7[%swap3A, %swap3A_40], %add3A_39 {strides = array<i32>} : memref<2560x128xf32, #tpu.memory_space<vmem>>, vector<2560x128xf32>,
    return
  }
  func.func @transform_0(%arg0: i32) -> (i32, i32) {
    %add3A = arith.constant 0 : i32
    %add3A_0 = arith.addi %add3A, %arg0 : i32
    %c0_i32 = arith.constant 0 : i32
    %c0_i32_1 = arith.constant 0 : i32
    return %add3A_0, %c0_i32 : i32, i32
  }
  func.func @transform_1(%arg0: i32) -> (i32, i32) {
    %c0_i32 = arith.constant 0 : i32
    %c0_i32_0 = arith.constant 0 : i32
    return %arg0, %c0_i32 : i32, i32
  }
  func.func @transform_2(%arg0: i32) -> (i32, i32) {
    %add3A = arith.constant 0 : i32
    %add3A_0 = arith.addi %add3A, %arg0 : i32
    %c0_i32 = arith.constant 0 : i32
    %c0_i32_1 = arith.constant 0 : i32
    return %c0_i32, %add3A_0 : i32, i32
  }
  func.func @transform_3(%arg0: i32) -> (i32, i32) {
    %c0_i32 = arith.constant 0 : i32
    %c0_i32_0 = arith.constant 0 : i32
    %c0_i32_1 = arith.constant 0 : i32
    return %c0_i32, %c0_i32_0 : i32, i32
  }
  func.func @transform_4(%arg0: i32) -> (i32, i32) {
    %c0_i32 = arith.constant 0 : i32
    %c0_i32_0 = arith.constant 0 : i32
    %c0_i32_1 = arith.constant 0 : i32
    return %c0_i32, %c0_i32_0 : i32, i32
  }
  func.func @transform_5(%arg0: i32) -> (i32, i32) {
    %c0_i32 = arith.constant 0 : i32
    %c0_i32_0 = arith.constant 0 : i32
    %c0_i32_1 = arith.constant 0 : i32
    return %c0_i32, %c0_i32_0 : i32, i32
  }
  func.func @transform_6(%arg0: i32) -> (i32, i32) {
    %add3A = arith.constant 0 : i32
    %add3A_0 = arith.addi %add3A, %arg0 : i32
    %c0_i32 = arith.constant 0 : i32
    %c0_i32_1 = arith.constant 0 : i32
    return %add3A_0, %c0_i32 : i32, i32
  }
}

module attributes {stable_mosaic.version = 14 : i64} {
  func.func @_edge_body_aliased(%arg0: i32, %arg1: memref<320000x128xf32, #tpu.memory_space<any>>, %arg2: memref<2560x128xf32, #tpu.memory_space<vmem>>, %arg3: memref<2560x128xf32, #tpu.memory_space<vmem>>, %arg4: memref<16x2560xf32, #tpu.memory_space<vmem>>, %arg5: memref<16x128xf32, #tpu.memory_space<vmem>>, %arg6: memref<1x128xf32, #tpu.memory_space<vmem>>, %arg7: memref<1x128xf32, #tpu.memory_space<vmem>>, %arg8: memref<2560x128xf32, #tpu.memory_space<vmem>>) attributes {dimension_semantics = [#tpu.dimension_semantics<arbitrary>], iteration_bounds = array<i64: 25>, scalar_prefetch = 0 : i64, scratch_operands = 0 : i64, tpu.core_type = #tpu.core_type<tc>, window_params = [{}, {transform_indices = @transform_1, window_bounds = array<i64: 2560, 128>}, {transform_indices = @transform_2, window_bounds = array<i64: 2560, 128>}, {transform_indices = @transform_3, window_bounds = array<i64: 16, 2560>}, {pipeline_mode = #tpu.pipeline_mode<synchronous>, transform_indices = @transform_4, window_bounds = array<i64: 16, 128>}, {pipeline_mode = #tpu.pipeline_mode<synchronous>, transform_indices = @transform_5, window_bounds = array<i64: 1, 128>}, {pipeline_mode = #tpu.pipeline_mode<synchronous>, transform_indices = @transform_6, window_bounds = array<i64: 1, 128>}, {transform_indices = @transform_7, window_bounds = array<i64: 2560, 128>}]} {
    %get3A = arith.constant 0 : index
    %get3A_0 = arith.constant 0 : index
    %get3A_1 = vector.load %arg4[%get3A, %get3A_0] : memref<16x2560xf32, #tpu.memory_space<vmem>>, vector<16x2560xf32>
    %get3A_2 = arith.constant 0 : index
    %get3A_3 = arith.constant 0 : index
    %get3A_4 = vector.load %arg5[%get3A_2, %get3A_3] : memref<16x128xf32, #tpu.memory_space<vmem>>, vector<16x128xf32>
    %dot_general3A = arith.constant dense<0.000000e+00> : vector<2560x128xf32>
    %dot_general3A_5 = tpu.matmul %get3A_1, %get3A_4, %dot_general3A {dimension_numbers = #tpu.dot_dimension_numbers<[0], [0], [1], [1], [0, 1, 1, 1], [], []>, transpose_lhs_hint = false} : vector<16x2560xf32>, vector<16x128xf32>, vector<2560x128xf32> -> vector<2560x128xf32>
    %get3A_6 = arith.constant 0 : index
    %get3A_7 = arith.constant 0 : index
    %get3A_8 = vector.load %arg3[%get3A_6, %get3A_7] : memref<2560x128xf32, #tpu.memory_space<vmem>>, vector<2560x128xf32>
    %add3A = arith.addf %get3A_8, %dot_general3A_5 : vector<2560x128xf32>
    %get3A_9 = arith.constant 0 : index
    %get3A_10 = arith.constant 0 : index
    %get3A_11 = vector.load %arg2[%get3A_9, %get3A_10] : memref<2560x128xf32, #tpu.memory_space<vmem>>, vector<2560x128xf32>
    %max3A = arith.constant 0.000000e+00 : f32
    %max3A_12 = vector.broadcast %max3A : f32 to vector<2560x128xf32>
    %max3A_13 = arith.maximumf %add3A, %max3A_12 : vector<2560x128xf32>
    %add3A_14 = arith.addf %get3A_11, %max3A_13 : vector<2560x128xf32>
    %reduce_sum3A = arith.constant dense<0.000000e+00> : vector<2560xf32>
    %reduce_sum3A_15 = vector.multi_reduction <add>, %add3A_14, %reduce_sum3A [1] : vector<2560x128xf32> to vector<2560xf32>
    %broadcast_in_dim3A = vector.shape_cast %reduce_sum3A_15 : vector<2560xf32> to vector<2560x1xf32>
    %div3A = arith.constant 1.280000e+02 : f32
    %div3A_16 = vector.broadcast %div3A : f32 to vector<2560x1xf32>
    %div3A_17 = arith.divf %broadcast_in_dim3A, %div3A_16 : vector<2560x1xf32>
    %sub3A = vector.broadcast %div3A_17 : vector<2560x1xf32> to vector<2560x128xf32>
    %sub3A_18 = arith.subf %add3A_14, %sub3A : vector<2560x128xf32>
    %mul3A = arith.mulf %sub3A_18, %sub3A_18 : vector<2560x128xf32>
    %reduce_sum3A_19 = arith.constant dense<0.000000e+00> : vector<2560xf32>
    %reduce_sum3A_20 = vector.multi_reduction <add>, %mul3A, %reduce_sum3A_19 [1] : vector<2560x128xf32> to vector<2560xf32>
    %broadcast_in_dim3A_21 = vector.shape_cast %reduce_sum3A_20 : vector<2560xf32> to vector<2560x1xf32>
    %div3A_22 = arith.constant 1.280000e+02 : f32
    %div3A_23 = vector.broadcast %div3A_22 : f32 to vector<2560x1xf32>
    %div3A_24 = arith.divf %broadcast_in_dim3A_21, %div3A_23 : vector<2560x1xf32>
    %add3A_25 = arith.constant 9.99999974E-6 : f32
    %add3A_26 = vector.broadcast %add3A_25 : f32 to vector<2560x1xf32>
    %add3A_27 = arith.addf %div3A_24, %add3A_26 : vector<2560x1xf32>
    %rsqrt3A = math.rsqrt %add3A_27 : vector<2560x1xf32>
    %mul3A_28 = vector.broadcast %rsqrt3A : vector<2560x1xf32> to vector<2560x128xf32>
    %mul3A_29 = arith.mulf %sub3A_18, %mul3A_28 : vector<2560x128xf32>
    %get3A_30 = arith.constant 0 : index
    %get3A_31 = arith.constant 0 : index
    %get3A_32 = vector.load %arg6[%get3A_30, %get3A_31] : memref<1x128xf32, #tpu.memory_space<vmem>>, vector<1x128xf32>
    %mul3A_33 = vector.broadcast %get3A_32 : vector<1x128xf32> to vector<2560x128xf32>
    %mul3A_34 = arith.mulf %mul3A_29, %mul3A_33 : vector<2560x128xf32>
    %get3A_35 = arith.constant 0 : index
    %get3A_36 = arith.constant 0 : index
    %get3A_37 = vector.load %arg7[%get3A_35, %get3A_36] : memref<1x128xf32, #tpu.memory_space<vmem>>, vector<1x128xf32>
    %add3A_38 = vector.broadcast %get3A_37 : vector<1x128xf32> to vector<2560x128xf32>
    %add3A_39 = arith.addf %mul3A_34, %add3A_38 : vector<2560x128xf32>
    %swap3A = arith.constant 0 : index
    %swap3A_40 = arith.constant 0 : index
    %swap3A_41 = vector.load %arg8[%swap3A, %swap3A_40] : memref<2560x128xf32, #tpu.memory_space<vmem>>, vector<2560x128xf32>
    tpu.vector_store %arg8[%swap3A, %swap3A_40], %add3A_39 {strides = array<i32>} : memref<2560x128xf32, #tpu.memory_space<vmem>>, vector<2560x128xf32>,
    return
  }
  func.func @transform_1(%arg0: i32) -> (i32, i32) {
    %add3A = arith.constant 25 : i32
    %add3A_0 = arith.addi %add3A, %arg0 : i32
    %c0_i32 = arith.constant 0 : i32
    %c0_i32_1 = arith.constant 0 : i32
    return %add3A_0, %c0_i32 : i32, i32
  }
  func.func @transform_2(%arg0: i32) -> (i32, i32) {
    %c0_i32 = arith.constant 0 : i32
    %c0_i32_0 = arith.constant 0 : i32
    return %arg0, %c0_i32 : i32, i32
  }
  func.func @transform_3(%arg0: i32) -> (i32, i32) {
    %add3A = arith.constant 25 : i32
    %add3A_0 = arith.addi %add3A, %arg0 : i32
    %c0_i32 = arith.constant 0 : i32
    %c0_i32_1 = arith.constant 0 : i32
    return %c0_i32, %add3A_0 : i32, i32
  }
  func.func @transform_4(%arg0: i32) -> (i32, i32) {
    %c0_i32 = arith.constant 0 : i32
    %c0_i32_0 = arith.constant 0 : i32
    %c0_i32_1 = arith.constant 0 : i32
    return %c0_i32, %c0_i32_0 : i32, i32
  }
  func.func @transform_5(%arg0: i32) -> (i32, i32) {
    %c0_i32 = arith.constant 0 : i32
    %c0_i32_0 = arith.constant 0 : i32
    %c0_i32_1 = arith.constant 0 : i32
    return %c0_i32, %c0_i32_0 : i32, i32
  }
  func.func @transform_6(%arg0: i32) -> (i32, i32) {
    %c0_i32 = arith.constant 0 : i32
    %c0_i32_0 = arith.constant 0 : i32
    %c0_i32_1 = arith.constant 0 : i32
    return %c0_i32, %c0_i32_0 : i32, i32
  }
  func.func @transform_7(%arg0: i32) -> (i32, i32) {
    %add3A = arith.constant 25 : i32
    %add3A_0 = arith.addi %add3A, %arg0 : i32
    %c0_i32 = arith.constant 0 : i32
    %c0_i32_1 = arith.constant 0 : i32
    return %add3A_0, %c0_i32 : i32, i32
  }
}

module attributes {stable_mosaic.version = 14 : i64} {
  func.func @_edge_body_aliased(%arg0: i32, %arg1: memref<320000x128xf32, #tpu.memory_space<any>>, %arg2: memref<2560x128xf32, #tpu.memory_space<vmem>>, %arg3: memref<2560x128xf32, #tpu.memory_space<vmem>>, %arg4: memref<16x2560xf32, #tpu.memory_space<vmem>>, %arg5: memref<16x128xf32, #tpu.memory_space<vmem>>, %arg6: memref<1x128xf32, #tpu.memory_space<vmem>>, %arg7: memref<1x128xf32, #tpu.memory_space<vmem>>, %arg8: memref<2560x128xf32, #tpu.memory_space<vmem>>) attributes {dimension_semantics = [#tpu.dimension_semantics<arbitrary>], iteration_bounds = array<i64: 25>, scalar_prefetch = 0 : i64, scratch_operands = 0 : i64, tpu.core_type = #tpu.core_type<tc>, window_params = [{}, {transform_indices = @transform_1, window_bounds = array<i64: 2560, 128>}, {transform_indices = @transform_2, window_bounds = array<i64: 2560, 128>}, {transform_indices = @transform_3, window_bounds = array<i64: 16, 2560>}, {pipeline_mode = #tpu.pipeline_mode<synchronous>, transform_indices = @transform_4, window_bounds = array<i64: 16, 128>}, {pipeline_mode = #tpu.pipeline_mode<synchronous>, transform_indices = @transform_5, window_bounds = array<i64: 1, 128>}, {pipeline_mode = #tpu.pipeline_mode<synchronous>, transform_indices = @transform_6, window_bounds = array<i64: 1, 128>}, {transform_indices = @transform_7, window_bounds = array<i64: 2560, 128>}]} {
    %get3A = arith.constant 0 : index
    %get3A_0 = arith.constant 0 : index
    %get3A_1 = vector.load %arg4[%get3A, %get3A_0] : memref<16x2560xf32, #tpu.memory_space<vmem>>, vector<16x2560xf32>
    %get3A_2 = arith.constant 0 : index
    %get3A_3 = arith.constant 0 : index
    %get3A_4 = vector.load %arg5[%get3A_2, %get3A_3] : memref<16x128xf32, #tpu.memory_space<vmem>>, vector<16x128xf32>
    %dot_general3A = arith.constant dense<0.000000e+00> : vector<2560x128xf32>
    %dot_general3A_5 = tpu.matmul %get3A_1, %get3A_4, %dot_general3A {dimension_numbers = #tpu.dot_dimension_numbers<[0], [0], [1], [1], [0, 1, 1, 1], [], []>, transpose_lhs_hint = false} : vector<16x2560xf32>, vector<16x128xf32>, vector<2560x128xf32> -> vector<2560x128xf32>
    %get3A_6 = arith.constant 0 : index
    %get3A_7 = arith.constant 0 : index
    %get3A_8 = vector.load %arg3[%get3A_6, %get3A_7] : memref<2560x128xf32, #tpu.memory_space<vmem>>, vector<2560x128xf32>
    %add3A = arith.addf %get3A_8, %dot_general3A_5 : vector<2560x128xf32>
    %get3A_9 = arith.constant 0 : index
    %get3A_10 = arith.constant 0 : index
    %get3A_11 = vector.load %arg2[%get3A_9, %get3A_10] : memref<2560x128xf32, #tpu.memory_space<vmem>>, vector<2560x128xf32>
    %max3A = arith.constant 0.000000e+00 : f32
    %max3A_12 = vector.broadcast %max3A : f32 to vector<2560x128xf32>
    %max3A_13 = arith.maximumf %add3A, %max3A_12 : vector<2560x128xf32>
    %add3A_14 = arith.addf %get3A_11, %max3A_13 : vector<2560x128xf32>
    %reduce_sum3A = arith.constant dense<0.000000e+00> : vector<2560xf32>
    %reduce_sum3A_15 = vector.multi_reduction <add>, %add3A_14, %reduce_sum3A [1] : vector<2560x128xf32> to vector<2560xf32>
    %broadcast_in_dim3A = vector.shape_cast %reduce_sum3A_15 : vector<2560xf32> to vector<2560x1xf32>
    %div3A = arith.constant 1.280000e+02 : f32
    %div3A_16 = vector.broadcast %div3A : f32 to vector<2560x1xf32>
    %div3A_17 = arith.divf %broadcast_in_dim3A, %div3A_16 : vector<2560x1xf32>
    %sub3A = vector.broadcast %div3A_17 : vector<2560x1xf32> to vector<2560x128xf32>
    %sub3A_18 = arith.subf %add3A_14, %sub3A : vector<2560x128xf32>
    %mul3A = arith.mulf %sub3A_18, %sub3A_18 : vector<2560x128xf32>
    %reduce_sum3A_19 = arith.constant dense<0.000000e+00> : vector<2560xf32>
    %reduce_sum3A_20 = vector.multi_reduction <add>, %mul3A, %reduce_sum3A_19 [1] : vector<2560x128xf32> to vector<2560xf32>
    %broadcast_in_dim3A_21 = vector.shape_cast %reduce_sum3A_20 : vector<2560xf32> to vector<2560x1xf32>
    %div3A_22 = arith.constant 1.280000e+02 : f32
    %div3A_23 = vector.broadcast %div3A_22 : f32 to vector<2560x1xf32>
    %div3A_24 = arith.divf %broadcast_in_dim3A_21, %div3A_23 : vector<2560x1xf32>
    %add3A_25 = arith.constant 9.99999974E-6 : f32
    %add3A_26 = vector.broadcast %add3A_25 : f32 to vector<2560x1xf32>
    %add3A_27 = arith.addf %div3A_24, %add3A_26 : vector<2560x1xf32>
    %rsqrt3A = math.rsqrt %add3A_27 : vector<2560x1xf32>
    %mul3A_28 = vector.broadcast %rsqrt3A : vector<2560x1xf32> to vector<2560x128xf32>
    %mul3A_29 = arith.mulf %sub3A_18, %mul3A_28 : vector<2560x128xf32>
    %get3A_30 = arith.constant 0 : index
    %get3A_31 = arith.constant 0 : index
    %get3A_32 = vector.load %arg6[%get3A_30, %get3A_31] : memref<1x128xf32, #tpu.memory_space<vmem>>, vector<1x128xf32>
    %mul3A_33 = vector.broadcast %get3A_32 : vector<1x128xf32> to vector<2560x128xf32>
    %mul3A_34 = arith.mulf %mul3A_29, %mul3A_33 : vector<2560x128xf32>
    %get3A_35 = arith.constant 0 : index
    %get3A_36 = arith.constant 0 : index
    %get3A_37 = vector.load %arg7[%get3A_35, %get3A_36] : memref<1x128xf32, #tpu.memory_space<vmem>>, vector<1x128xf32>
    %add3A_38 = vector.broadcast %get3A_37 : vector<1x128xf32> to vector<2560x128xf32>
    %add3A_39 = arith.addf %mul3A_34, %add3A_38 : vector<2560x128xf32>
    %swap3A = arith.constant 0 : index
    %swap3A_40 = arith.constant 0 : index
    %swap3A_41 = vector.load %arg8[%swap3A, %swap3A_40] : memref<2560x128xf32, #tpu.memory_space<vmem>>, vector<2560x128xf32>
    tpu.vector_store %arg8[%swap3A, %swap3A_40], %add3A_39 {strides = array<i32>} : memref<2560x128xf32, #tpu.memory_space<vmem>>, vector<2560x128xf32>,
    return
  }
  func.func @transform_1(%arg0: i32) -> (i32, i32) {
    %add3A = arith.constant 50 : i32
    %add3A_0 = arith.addi %add3A, %arg0 : i32
    %c0_i32 = arith.constant 0 : i32
    %c0_i32_1 = arith.constant 0 : i32
    return %add3A_0, %c0_i32 : i32, i32
  }
  func.func @transform_2(%arg0: i32) -> (i32, i32) {
    %c0_i32 = arith.constant 0 : i32
    %c0_i32_0 = arith.constant 0 : i32
    return %arg0, %c0_i32 : i32, i32
  }
  func.func @transform_3(%arg0: i32) -> (i32, i32) {
    %add3A = arith.constant 50 : i32
    %add3A_0 = arith.addi %add3A, %arg0 : i32
    %c0_i32 = arith.constant 0 : i32
    %c0_i32_1 = arith.constant 0 : i32
    return %c0_i32, %add3A_0 : i32, i32
  }
  func.func @transform_4(%arg0: i32) -> (i32, i32) {
    %c0_i32 = arith.constant 0 : i32
    %c0_i32_0 = arith.constant 0 : i32
    %c0_i32_1 = arith.constant 0 : i32
    return %c0_i32, %c0_i32_0 : i32, i32
  }
  func.func @transform_5(%arg0: i32) -> (i32, i32) {
    %c0_i32 = arith.constant 0 : i32
    %c0_i32_0 = arith.constant 0 : i32
    %c0_i32_1 = arith.constant 0 : i32
    return %c0_i32, %c0_i32_0 : i32, i32
  }
  func.func @transform_6(%arg0: i32) -> (i32, i32) {
    %c0_i32 = arith.constant 0 : i32
    %c0_i32_0 = arith.constant 0 : i32
    %c0_i32_1 = arith.constant 0 : i32
    return %c0_i32, %c0_i32_0 : i32, i32
  }
  func.func @transform_7(%arg0: i32) -> (i32, i32) {
    %add3A = arith.constant 50 : i32
    %add3A_0 = arith.addi %add3A, %arg0 : i32
    %c0_i32 = arith.constant 0 : i32
    %c0_i32_1 = arith.constant 0 : i32
    return %add3A_0, %c0_i32 : i32, i32
  }
}

module attributes {stable_mosaic.version = 14 : i64} {
  func.func @_edge_body_aliased(%arg0: i32, %arg1: memref<320000x128xf32, #tpu.memory_space<any>>, %arg2: memref<2560x128xf32, #tpu.memory_space<vmem>>, %arg3: memref<2560x128xf32, #tpu.memory_space<vmem>>, %arg4: memref<16x2560xf32, #tpu.memory_space<vmem>>, %arg5: memref<16x128xf32, #tpu.memory_space<vmem>>, %arg6: memref<1x128xf32, #tpu.memory_space<vmem>>, %arg7: memref<1x128xf32, #tpu.memory_space<vmem>>, %arg8: memref<2560x128xf32, #tpu.memory_space<vmem>>) attributes {dimension_semantics = [#tpu.dimension_semantics<arbitrary>], iteration_bounds = array<i64: 25>, scalar_prefetch = 0 : i64, scratch_operands = 0 : i64, tpu.core_type = #tpu.core_type<tc>, window_params = [{}, {transform_indices = @transform_1, window_bounds = array<i64: 2560, 128>}, {transform_indices = @transform_2, window_bounds = array<i64: 2560, 128>}, {transform_indices = @transform_3, window_bounds = array<i64: 16, 2560>}, {pipeline_mode = #tpu.pipeline_mode<synchronous>, transform_indices = @transform_4, window_bounds = array<i64: 16, 128>}, {pipeline_mode = #tpu.pipeline_mode<synchronous>, transform_indices = @transform_5, window_bounds = array<i64: 1, 128>}, {pipeline_mode = #tpu.pipeline_mode<synchronous>, transform_indices = @transform_6, window_bounds = array<i64: 1, 128>}, {transform_indices = @transform_7, window_bounds = array<i64: 2560, 128>}]} {
    %get3A = arith.constant 0 : index
    %get3A_0 = arith.constant 0 : index
    %get3A_1 = vector.load %arg4[%get3A, %get3A_0] : memref<16x2560xf32, #tpu.memory_space<vmem>>, vector<16x2560xf32>
    %get3A_2 = arith.constant 0 : index
    %get3A_3 = arith.constant 0 : index
    %get3A_4 = vector.load %arg5[%get3A_2, %get3A_3] : memref<16x128xf32, #tpu.memory_space<vmem>>, vector<16x128xf32>
    %dot_general3A = arith.constant dense<0.000000e+00> : vector<2560x128xf32>
    %dot_general3A_5 = tpu.matmul %get3A_1, %get3A_4, %dot_general3A {dimension_numbers = #tpu.dot_dimension_numbers<[0], [0], [1], [1], [0, 1, 1, 1], [], []>, transpose_lhs_hint = false} : vector<16x2560xf32>, vector<16x128xf32>, vector<2560x128xf32> -> vector<2560x128xf32>
    %get3A_6 = arith.constant 0 : index
    %get3A_7 = arith.constant 0 : index
    %get3A_8 = vector.load %arg3[%get3A_6, %get3A_7] : memref<2560x128xf32, #tpu.memory_space<vmem>>, vector<2560x128xf32>
    %add3A = arith.addf %get3A_8, %dot_general3A_5 : vector<2560x128xf32>
    %get3A_9 = arith.constant 0 : index
    %get3A_10 = arith.constant 0 : index
    %get3A_11 = vector.load %arg2[%get3A_9, %get3A_10] : memref<2560x128xf32, #tpu.memory_space<vmem>>, vector<2560x128xf32>
    %max3A = arith.constant 0.000000e+00 : f32
    %max3A_12 = vector.broadcast %max3A : f32 to vector<2560x128xf32>
    %max3A_13 = arith.maximumf %add3A, %max3A_12 : vector<2560x128xf32>
    %add3A_14 = arith.addf %get3A_11, %max3A_13 : vector<2560x128xf32>
    %reduce_sum3A = arith.constant dense<0.000000e+00> : vector<2560xf32>
    %reduce_sum3A_15 = vector.multi_reduction <add>, %add3A_14, %reduce_sum3A [1] : vector<2560x128xf32> to vector<2560xf32>
    %broadcast_in_dim3A = vector.shape_cast %reduce_sum3A_15 : vector<2560xf32> to vector<2560x1xf32>
    %div3A = arith.constant 1.280000e+02 : f32
    %div3A_16 = vector.broadcast %div3A : f32 to vector<2560x1xf32>
    %div3A_17 = arith.divf %broadcast_in_dim3A, %div3A_16 : vector<2560x1xf32>
    %sub3A = vector.broadcast %div3A_17 : vector<2560x1xf32> to vector<2560x128xf32>
    %sub3A_18 = arith.subf %add3A_14, %sub3A : vector<2560x128xf32>
    %mul3A = arith.mulf %sub3A_18, %sub3A_18 : vector<2560x128xf32>
    %reduce_sum3A_19 = arith.constant dense<0.000000e+00> : vector<2560xf32>
    %reduce_sum3A_20 = vector.multi_reduction <add>, %mul3A, %reduce_sum3A_19 [1] : vector<2560x128xf32> to vector<2560xf32>
    %broadcast_in_dim3A_21 = vector.shape_cast %reduce_sum3A_20 : vector<2560xf32> to vector<2560x1xf32>
    %div3A_22 = arith.constant 1.280000e+02 : f32
    %div3A_23 = vector.broadcast %div3A_22 : f32 to vector<2560x1xf32>
    %div3A_24 = arith.divf %broadcast_in_dim3A_21, %div3A_23 : vector<2560x1xf32>
    %add3A_25 = arith.constant 9.99999974E-6 : f32
    %add3A_26 = vector.broadcast %add3A_25 : f32 to vector<2560x1xf32>
    %add3A_27 = arith.addf %div3A_24, %add3A_26 : vector<2560x1xf32>
    %rsqrt3A = math.rsqrt %add3A_27 : vector<2560x1xf32>
    %mul3A_28 = vector.broadcast %rsqrt3A : vector<2560x1xf32> to vector<2560x128xf32>
    %mul3A_29 = arith.mulf %sub3A_18, %mul3A_28 : vector<2560x128xf32>
    %get3A_30 = arith.constant 0 : index
    %get3A_31 = arith.constant 0 : index
    %get3A_32 = vector.load %arg6[%get3A_30, %get3A_31] : memref<1x128xf32, #tpu.memory_space<vmem>>, vector<1x128xf32>
    %mul3A_33 = vector.broadcast %get3A_32 : vector<1x128xf32> to vector<2560x128xf32>
    %mul3A_34 = arith.mulf %mul3A_29, %mul3A_33 : vector<2560x128xf32>
    %get3A_35 = arith.constant 0 : index
    %get3A_36 = arith.constant 0 : index
    %get3A_37 = vector.load %arg7[%get3A_35, %get3A_36] : memref<1x128xf32, #tpu.memory_space<vmem>>, vector<1x128xf32>
    %add3A_38 = vector.broadcast %get3A_37 : vector<1x128xf32> to vector<2560x128xf32>
    %add3A_39 = arith.addf %mul3A_34, %add3A_38 : vector<2560x128xf32>
    %swap3A = arith.constant 0 : index
    %swap3A_40 = arith.constant 0 : index
    %swap3A_41 = vector.load %arg8[%swap3A, %swap3A_40] : memref<2560x128xf32, #tpu.memory_space<vmem>>, vector<2560x128xf32>
    tpu.vector_store %arg8[%swap3A, %swap3A_40], %add3A_39 {strides = array<i32>} : memref<2560x128xf32, #tpu.memory_space<vmem>>, vector<2560x128xf32>,
    return
  }
  func.func @transform_1(%arg0: i32) -> (i32, i32) {
    %add3A = arith.constant 75 : i32
    %add3A_0 = arith.addi %add3A, %arg0 : i32
    %c0_i32 = arith.constant 0 : i32
    %c0_i32_1 = arith.constant 0 : i32
    return %add3A_0, %c0_i32 : i32, i32
  }
  func.func @transform_2(%arg0: i32) -> (i32, i32) {
    %c0_i32 = arith.constant 0 : i32
    %c0_i32_0 = arith.constant 0 : i32
    return %arg0, %c0_i32 : i32, i32
  }
  func.func @transform_3(%arg0: i32) -> (i32, i32) {
    %add3A = arith.constant 75 : i32
    %add3A_0 = arith.addi %add3A, %arg0 : i32
    %c0_i32 = arith.constant 0 : i32
    %c0_i32_1 = arith.constant 0 : i32
    return %c0_i32, %add3A_0 : i32, i32
  }
  func.func @transform_4(%arg0: i32) -> (i32, i32) {
    %c0_i32 = arith.constant 0 : i32
    %c0_i32_0 = arith.constant 0 : i32
    %c0_i32_1 = arith.constant 0 : i32
    return %c0_i32, %c0_i32_0 : i32, i32
  }
  func.func @transform_5(%arg0: i32) -> (i32, i32) {
    %c0_i32 = arith.constant 0 : i32
    %c0_i32_0 = arith.constant 0 : i32
    %c0_i32_1 = arith.constant 0 : i32
    return %c0_i32, %c0_i32_0 : i32, i32
  }
  func.func @transform_6(%arg0: i32) -> (i32, i32) {
    %c0_i32 = arith.constant 0 : i32
    %c0_i32_0 = arith.constant 0 : i32
    %c0_i32_1 = arith.constant 0 : i32
    return %c0_i32, %c0_i32_0 : i32, i32
  }
  func.func @transform_7(%arg0: i32) -> (i32, i32) {
    %add3A = arith.constant 75 : i32
    %add3A_0 = arith.addi %add3A, %arg0 : i32
    %c0_i32 = arith.constant 0 : i32
    %c0_i32_1 = arith.constant 0 : i32
    return %add3A_0, %c0_i32 : i32, i32
  }
}

module attributes {stable_mosaic.version = 14 : i64} {
  func.func @_edge_body_aliased(%arg0: i32, %arg1: memref<320000x128xf32, #tpu.memory_space<any>>, %arg2: memref<2560x128xf32, #tpu.memory_space<vmem>>, %arg3: memref<2560x128xf32, #tpu.memory_space<vmem>>, %arg4: memref<16x2560xf32, #tpu.memory_space<vmem>>, %arg5: memref<16x128xf32, #tpu.memory_space<vmem>>, %arg6: memref<1x128xf32, #tpu.memory_space<vmem>>, %arg7: memref<1x128xf32, #tpu.memory_space<vmem>>, %arg8: memref<2560x128xf32, #tpu.memory_space<vmem>>) attributes {dimension_semantics = [#tpu.dimension_semantics<arbitrary>], iteration_bounds = array<i64: 25>, scalar_prefetch = 0 : i64, scratch_operands = 0 : i64, tpu.core_type = #tpu.core_type<tc>, window_params = [{}, {transform_indices = @transform_1, window_bounds = array<i64: 2560, 128>}, {transform_indices = @transform_2, window_bounds = array<i64: 2560, 128>}, {transform_indices = @transform_3, window_bounds = array<i64: 16, 2560>}, {pipeline_mode = #tpu.pipeline_mode<synchronous>, transform_indices = @transform_4, window_bounds = array<i64: 16, 128>}, {pipeline_mode = #tpu.pipeline_mode<synchronous>, transform_indices = @transform_5, window_bounds = array<i64: 1, 128>}, {pipeline_mode = #tpu.pipeline_mode<synchronous>, transform_indices = @transform_6, window_bounds = array<i64: 1, 128>}, {transform_indices = @transform_7, window_bounds = array<i64: 2560, 128>}]} {
    %get3A = arith.constant 0 : index
    %get3A_0 = arith.constant 0 : index
    %get3A_1 = vector.load %arg4[%get3A, %get3A_0] : memref<16x2560xf32, #tpu.memory_space<vmem>>, vector<16x2560xf32>
    %get3A_2 = arith.constant 0 : index
    %get3A_3 = arith.constant 0 : index
    %get3A_4 = vector.load %arg5[%get3A_2, %get3A_3] : memref<16x128xf32, #tpu.memory_space<vmem>>, vector<16x128xf32>
    %dot_general3A = arith.constant dense<0.000000e+00> : vector<2560x128xf32>
    %dot_general3A_5 = tpu.matmul %get3A_1, %get3A_4, %dot_general3A {dimension_numbers = #tpu.dot_dimension_numbers<[0], [0], [1], [1], [0, 1, 1, 1], [], []>, transpose_lhs_hint = false} : vector<16x2560xf32>, vector<16x128xf32>, vector<2560x128xf32> -> vector<2560x128xf32>
    %get3A_6 = arith.constant 0 : index
    %get3A_7 = arith.constant 0 : index
    %get3A_8 = vector.load %arg3[%get3A_6, %get3A_7] : memref<2560x128xf32, #tpu.memory_space<vmem>>, vector<2560x128xf32>
    %add3A = arith.addf %get3A_8, %dot_general3A_5 : vector<2560x128xf32>
    %get3A_9 = arith.constant 0 : index
    %get3A_10 = arith.constant 0 : index
    %get3A_11 = vector.load %arg2[%get3A_9, %get3A_10] : memref<2560x128xf32, #tpu.memory_space<vmem>>, vector<2560x128xf32>
    %max3A = arith.constant 0.000000e+00 : f32
    %max3A_12 = vector.broadcast %max3A : f32 to vector<2560x128xf32>
    %max3A_13 = arith.maximumf %add3A, %max3A_12 : vector<2560x128xf32>
    %add3A_14 = arith.addf %get3A_11, %max3A_13 : vector<2560x128xf32>
    %reduce_sum3A = arith.constant dense<0.000000e+00> : vector<2560xf32>
    %reduce_sum3A_15 = vector.multi_reduction <add>, %add3A_14, %reduce_sum3A [1] : vector<2560x128xf32> to vector<2560xf32>
    %broadcast_in_dim3A = vector.shape_cast %reduce_sum3A_15 : vector<2560xf32> to vector<2560x1xf32>
    %div3A = arith.constant 1.280000e+02 : f32
    %div3A_16 = vector.broadcast %div3A : f32 to vector<2560x1xf32>
    %div3A_17 = arith.divf %broadcast_in_dim3A, %div3A_16 : vector<2560x1xf32>
    %sub3A = vector.broadcast %div3A_17 : vector<2560x1xf32> to vector<2560x128xf32>
    %sub3A_18 = arith.subf %add3A_14, %sub3A : vector<2560x128xf32>
    %mul3A = arith.mulf %sub3A_18, %sub3A_18 : vector<2560x128xf32>
    %reduce_sum3A_19 = arith.constant dense<0.000000e+00> : vector<2560xf32>
    %reduce_sum3A_20 = vector.multi_reduction <add>, %mul3A, %reduce_sum3A_19 [1] : vector<2560x128xf32> to vector<2560xf32>
    %broadcast_in_dim3A_21 = vector.shape_cast %reduce_sum3A_20 : vector<2560xf32> to vector<2560x1xf32>
    %div3A_22 = arith.constant 1.280000e+02 : f32
    %div3A_23 = vector.broadcast %div3A_22 : f32 to vector<2560x1xf32>
    %div3A_24 = arith.divf %broadcast_in_dim3A_21, %div3A_23 : vector<2560x1xf32>
    %add3A_25 = arith.constant 9.99999974E-6 : f32
    %add3A_26 = vector.broadcast %add3A_25 : f32 to vector<2560x1xf32>
    %add3A_27 = arith.addf %div3A_24, %add3A_26 : vector<2560x1xf32>
    %rsqrt3A = math.rsqrt %add3A_27 : vector<2560x1xf32>
    %mul3A_28 = vector.broadcast %rsqrt3A : vector<2560x1xf32> to vector<2560x128xf32>
    %mul3A_29 = arith.mulf %sub3A_18, %mul3A_28 : vector<2560x128xf32>
    %get3A_30 = arith.constant 0 : index
    %get3A_31 = arith.constant 0 : index
    %get3A_32 = vector.load %arg6[%get3A_30, %get3A_31] : memref<1x128xf32, #tpu.memory_space<vmem>>, vector<1x128xf32>
    %mul3A_33 = vector.broadcast %get3A_32 : vector<1x128xf32> to vector<2560x128xf32>
    %mul3A_34 = arith.mulf %mul3A_29, %mul3A_33 : vector<2560x128xf32>
    %get3A_35 = arith.constant 0 : index
    %get3A_36 = arith.constant 0 : index
    %get3A_37 = vector.load %arg7[%get3A_35, %get3A_36] : memref<1x128xf32, #tpu.memory_space<vmem>>, vector<1x128xf32>
    %add3A_38 = vector.broadcast %get3A_37 : vector<1x128xf32> to vector<2560x128xf32>
    %add3A_39 = arith.addf %mul3A_34, %add3A_38 : vector<2560x128xf32>
    %swap3A = arith.constant 0 : index
    %swap3A_40 = arith.constant 0 : index
    %swap3A_41 = vector.load %arg8[%swap3A, %swap3A_40] : memref<2560x128xf32, #tpu.memory_space<vmem>>, vector<2560x128xf32>
    tpu.vector_store %arg8[%swap3A, %swap3A_40], %add3A_39 {strides = array<i32>} : memref<2560x128xf32, #tpu.memory_space<vmem>>, vector<2560x128xf32>,
    return
  }
  func.func @transform_1(%arg0: i32) -> (i32, i32) {
    %add3A = arith.constant 100 : i32
    %add3A_0 = arith.addi %add3A, %arg0 : i32
    %c0_i32 = arith.constant 0 : i32
    %c0_i32_1 = arith.constant 0 : i32
    return %add3A_0, %c0_i32 : i32, i32
  }
  func.func @transform_2(%arg0: i32) -> (i32, i32) {
    %c0_i32 = arith.constant 0 : i32
    %c0_i32_0 = arith.constant 0 : i32
    return %arg0, %c0_i32 : i32, i32
  }
  func.func @transform_3(%arg0: i32) -> (i32, i32) {
    %add3A = arith.constant 100 : i32
    %add3A_0 = arith.addi %add3A, %arg0 : i32
    %c0_i32 = arith.constant 0 : i32
    %c0_i32_1 = arith.constant 0 : i32
    return %c0_i32, %add3A_0 : i32, i32
  }
  func.func @transform_4(%arg0: i32) -> (i32, i32) {
    %c0_i32 = arith.constant 0 : i32
    %c0_i32_0 = arith.constant 0 : i32
    %c0_i32_1 = arith.constant 0 : i32
    return %c0_i32, %c0_i32_0 : i32, i32
  }
  func.func @transform_5(%arg0: i32) -> (i32, i32) {
    %c0_i32 = arith.constant 0 : i32
    %c0_i32_0 = arith.constant 0 : i32
    %c0_i32_1 = arith.constant 0 : i32
    return %c0_i32, %c0_i32_0 : i32, i32
  }
  func.func @transform_6(%arg0: i32) -> (i32, i32) {
    %c0_i32 = arith.constant 0 : i32
    %c0_i32_0 = arith.constant 0 : i32
    %c0_i32_1 = arith.constant 0 : i32
    return %c0_i32, %c0_i32_0 : i32, i32
  }
  func.func @transform_7(%arg0: i32) -> (i32, i32) {
    %add3A = arith.constant 100 : i32
    %add3A_0 = arith.addi %add3A, %arg0 : i32
    %c0_i32 = arith.constant 0 : i32
    %c0_i32_1 = arith.constant 0 : i32
    return %add3A_0, %c0_i32 : i32, i32
  }
}

</mosaic_0001>

<sc_bundles>
// kernel: kernel.14.cloned.1.call-start
scs
__scs_entry_jumppad:
0x0: {  	(pc) =	sbr.rel $0x88, $3  }
0x1: {  	(tag) =	ssettag $0x0;
	lr =	simm.s32 $0x1  }
0x2: {  	[smem:$0x3F98] =	sst lr;
	_ =	strace $0xD0000000  }
0x3: {  	_ = 	snop  }
0x4: {  	_ = 	snop  }
0x5: {  	_ = 	snop  }
0x6: {  	_ = 	snop  }
0x7: {  	_ = 	snop  }
__scs_overlays_trampoline_lowered:
0x8: {  	[smem:$0x3FA7] =	sst s0  }
0x9: {  	[smem:$0x3FA8] =	sst s1  }
0xa: {  	[smem:$0x3FA9] =	sst s2  }
0xb: {  	[smem:$0x3FAA] =	sst s3  }
0xc: {  	[smem:$0x3FAB] =	sst s4  }
0xd: {  	[smem:$0x3FAC] =	sst s5  }
0xe: {  	[smem:$0x3FAD] =	sst s6  }
0xf: {  	[smem:$0x3FAE] =	sst s7  }
0x10: {  	[smem:$0x3FAF] =	sst s8  }
0x11: {  	[smem:$0x3FB0] =	sst s9;
	s0 =	simm.s32 @!p0 $0x0  }
0x12: {  	s1 =	sld [smem:$0x3F96];
	s0 =	simm.s32 @p0 $0x1  }
0x13: {  	[smem:$0x3FB1] =	sst s0;
	s0 =	simm.s32 @!p1 $0x0  }
0x14: {  	s2 =	sld [smem:$0x3F95];
	s0 =	simm.s32 @p1 $0x1  }
0x15: {  	[smem:$0x3FB2] =	sst s0;
	s0 =	simm.s32 @!p2 $0x0  }
0x16: {  	s3 =	sld [smem:$0x3FDB];
	s0 =	simm.s32 @p2 $0x1  }
0x17: {  	s4 =	simm.s32 $0x1BF5;
	[smem:$0x3FB4] =	sst s0  }
0x18: {  	s0 =	sld [smem:$0x3F97];
	_ =	swait.ge [sflag:s4], $0x0  }
0x19: {  	s7 =	sld [smem:$0x3F98]  }
0x1a: {  	s8 =	sadd.s32 $0xFFFFE003, lr  }
0x1b: {  	s9 =	sadd.s32 $0xFFFFFEF7, lr;
	s5 =	simm.s32 $0xFFFFFFFF;
	p2 =	slt.u32 s8, $0xFFFFF086  }
0x1c: {  	p1 =	slt.u32 s9, $0xF7A;
	s5 =	simm.s32 @!p2 $0x0  }
0x1d: {  	s5 =	simm.s32 @p1 $0x1;
	p0 =	seq.s32 s7, s2  }
0x1e: {  	s7 =	smul.u32 @!p0 $0xF7A, s2;
	p2 =	seq.s32 @!p0 s5, $0x0  }
0x1f: {  	s9 =	smul.u32 $0xF7A, s1;
	s8 =	simm.s32 @!p0 $0x1BF5;
	p2 =	por !p2, p0  }
0x20: {  	[sflag:s8] =	ssyncset.s32 @!p0 $0xFFFFF086;
	s6 =	sadd.s32 @!p0 s3, s7;
	s7 =	simm.s32 @!p0 $0x108  }
0x21: {  	s3 =	sadd.s32 s3, s9;
	s6 =	sadd.s32 @!p0 $0x88, s6;
	s7 =	simm.s32 @p2 $0x1082  }
0x22: {  	[simem:s7], [sflag:s8] =	dma.local @!p0 [hbm:s6], $0xF7A  }
0x23: {  	s9 =	sor.u32 $0xD0000000, s2;
	s6 =	simm.s32 $0x108;
	_ =	swait.ge @!p0 [sflag:s8], $0x0  }
0x24: {  	s3 =	sadd.s32 $0x88, s3;
	s6 =	simm.s32 @!p1 $0x1082;
	[sflag:s4] =	ssyncset.s32 $0xFFFFF086  }
0x25: {  	[simem:s6], [sflag:s4] =	dma.local [hbm:s3], $0xF7A  }
0x26: {  	[smem:$0x3F98] =	sst s1;
	(tag) =	ssettag s2;
	_ =	strace s9  }
0x27: {  	s1 =	sld [smem:$0x3FA8]  }
0x28: {  	s2 =	sld [smem:$0x3FA9]  }
0x29: {  	s4 =	sld [smem:$0x3FAB]  }
0x2a: {  	p0 =	seq.s32 s5, $0x0;
	s5 =	sld [smem:$0x3FAC]  }
0x2b: {  	s6 =	sld [smem:$0x3FAD]  }
0x2c: {  	s7 =	sld [smem:$0x3FAE]  }
0x2d: {  	s3 =	simm.s32 $0x108;
	s8 =	sld [smem:$0x3FAF]  }
0x2e: {  	s3 =	simm.s32 @!p0 $0x1082;
	s9 =	sld [smem:$0x3FB0]  }
0x2f: {  	lr =	sadd.s32 s0, s3;
	s0 =	sld [smem:$0x3FA7]  }
0x30: {  	s3 =	sld [smem:$0x3FAA]  }
0x31: {  	[smem:$0x3FB3] =	sst s10  }
0x32: {  	s10 =	sld [smem:$0x3FB1];
	_ =	sdelay $0x3  }
0x33: {  	p0 =	seq.s32 s10, $0x1;
	s10 =	sld [smem:$0x3FB3];
	_ =	sdelay $0x3  }
0x34: {  	[smem:$0x3FB3] =	sst s10  }
0x35: {  	s10 =	sld [smem:$0x3FB2];
	_ =	sdelay $0x3  }
0x36: {  	p1 =	seq.s32 s10, $0x1;
	s10 =	sld [smem:$0x3FB3];
	_ =	sdelay $0x3  }
0x37: {  	[smem:$0x3FB3] =	sst s10  }
0x38: {  	s10 =	sld [smem:$0x3FB4]  }
0x39: {  	_ = 	snop;
	(pc) =	sbr.ind lr, $3  }
0x3a: {  	_ = 	snop  }
0x3b: {  	_ = 	snop  }
0x3c: {  	p2 =	seq.s32 s10, $0x1;
	s10 =	sld [smem:$0x3FB3]  }
0x3d: {  	_ =	shalt  }
0x3e: {  	_ =	shalt  }
0x3f: {  	_ =	shalt  }
0x40: {  	_ =	shalt  }
0x41: {  	_ =	shalt  }
0x42: {  	_ =	shalt  }
0x43: {  	_ =	shalt  }
0x44: {  	_ =	shalt  }
0x45: {  	_ =	shalt  }
0x46: {  	_ =	shalt  }
0x47: {  	_ =	shalt  }
0x48: {  	_ =	shalt  }
0x49: {  	_ =	shalt  }
0x4a: {  	_ =	shalt  }
0x4b: {  	_ =	shalt  }
0x4c: {  	_ =	shalt  }
0x4d: {  	_ =	shalt  }
0x4e: {  	_ =	shalt  }
0x4f: {  	_ =	shalt  }
0x50: {  	_ =	shalt  }
0x51: {  	_ =	shalt  }
0x52: {  	_ =	shalt  }
0x53: {  	_ =	shalt  }
0x54: {  	_ =	shalt  }
0x55: {  	_ =	shalt  }
0x56: {  	_ =	shalt  }
0x57: {  	_ =	shalt  }
0x58: {  	_ =	shalt  }
0x59: {  	_ =	shalt  }
0x5a: {  	_ =	shalt  }
0x5b: {  	_ =	shalt  }
0x5c: {  	_ =	shalt  }
0x5d: {  	_ =	shalt  }
0x5e: {  	_ =	shalt  }
0x5f: {  	_ =	shalt  }
0x60: {  	_ =	shalt  }
0x61: {  	_ =	shalt  }
0x62: {  	_ =	shalt  }
0x63: {  	_ =	shalt  }
0x64: {  	_ =	shalt  }
0x65: {  	_ =	shalt  }
0x66: {  	_ =	shalt  }
0x67: {  	_ =	shalt  }
0x68: {  	_ =	shalt  }
0x69: {  	_ =	shalt  }
0x6a: {  	_ =	shalt  }
0x6b: {  	_ =	shalt  }
0x6c: {  	_ =	shalt  }
0x6d: {  	_ =	shalt  }
0x6e: {  	_ =	shalt  }
0x6f: {  	_ =	shalt  }
0x70: {  	_ =	shalt  }
0x71: {  	_ =	shalt  }
0x72: {  	_ =	shalt  }
0x73: {  	_ =	shalt  }
0x74: {  	_ =	shalt  }
0x75: {  	_ =	shalt  }
0x76: {  	_ =	shalt  }
0x77: {  	_ =	shalt  }
0x78: {  	_ =	shalt  }
0x79: {  	_ =	shalt  }
0x7a: {  	_ =	shalt  }
0x7b: {  	_ =	shalt  }
0x7c: {  	_ =	shalt  }
0x7d: {  	_ =	shalt  }
0x7e: {  	_ =	shalt  }
0x7f: {  	_ =	shalt  }
0x80: {  	_ =	shalt  }
0x81: {  	_ =	shalt  }
0x82: {  	_ =	shalt  }
0x83: {  	_ =	shalt  }
0x84: {  	_ =	shalt  }
0x85: {  	_ =	shalt  }
0x86: {  	_ =	shalt  }
0x87: {  	_ =	shalt  }
.Lfunc_end0:
.L_simem_size_0:
called_computation_lowered:
.L_overlay_start_0:
0x88: {  	s2 =	sld [smem:$0x3FD9]  }
0x89: {  	s3 =	sld [smem:$0x3FFE];
	_ =	sdelay $0x1  }
0x8a: {  	s1 =	srdreg.scid  }
0x8b: {  	s0 =	sand.u32 $0x1, s1  }
0x8c: {  	s17 =	sshll.u32 s0, $0xA;
	s2 =	sadd.s32 s3, s2  }
0x8d: {  	s2 =	sadd.s32 s2, s17  }
0x8e: {  	[smem:$0x3FBF] =	sst s2  }
0x8f: {  	_ = 	snop  }
0x90: {  	s2 =	sld [smem:$0x3FC9]  }
0x91: {  	s18 =	sld [smem:$0x3FD0];
	(tm) =	ssettm $0x1  }
0x92: {  	s4 =	sld [smem:$0x3FFB];
	_ =	sdelay $0x3  }
0x93: {  	_ =	strace s4  }
0x94: {  	s4 =	sld [smem:$0x3FFC];
	_ =	sdelay $0x3  }
0x95: {  	_ =	strace s4  }
0x96: {  	s4 =	sld [smem:$0x3FFD];
	_ =	sdelay $0x3  }
0x97: {  	_ =	strace s4  }
0x98: {  	_ =	strace $0x8FFFFFFF  }
0x99: {  	s19 =	sld [smem:$0x3FDB];
	_ =	sdelay $0x1  }
0x9a: {  	s5 =	simm.s32 $_scs_section_size  }
0x9b: {  	s6 =	simm.s32 $_size__tile_overlayer_lowered;
	s7 =	simm.s32 $_tile_overlayer_lowered  }
0x9c: {  	s22 =	simm.s32 $0x1BFF;
	s21 =	sshll.u32 s7, $0x1;
	s4 =	sadd.s32 s5, s19  }
0x9d: {  	s8 =	simm.s32 $0x0;
	s20 =	sshll.u32 s6, $0x1;
	s6 =	sadd.s32 s21, s4  }
0x9e: {  	[timem:s8], [sflag:s22] =	dma.local [hbm:s6], s20  }
0x9f: {  	_ =	swait.ge [sflag:s22], s20  }
0xa0: {  	s5 =	ssub.s32 $0x0, s20;
	[sflag:s22] =	ssyncset.done $0x0  }
0xa1: {  	[sflag:s22] =	ssyncadd.s32 s5;
	_ =	sdelay $0x1  }
0xa2: {  	s23 =	simm.s32 $0x1B8B  }
0xa3: {  	_ =	swait.ge [sflag:s23], $0x1  }
0xa4: {  	[sflag:s23] =	ssyncset.done $0x0  }
0xa5: {  	s25 =	simm.s32 $0x1B8E;
	s24 =	sld [smem:$0x3FFE];
	[sflag:s23] =	ssyncadd.s32 $0xFFFFFFFF  }
0xa6: {  	s26 =	simm.s32 $execute0_lowered;
	[smem:$0x3FD2] =	sst s25  }
0xa7: {  	s6 =	sshll.u32 s26, $0x1;
	_ =	strace $0x80000046;
	[dreg:$0x1] =	wrdreg $0xFFFFFFFF  }
0xa8: {  	s28 =	simm.s32 $_size_execute0_lowered;
	s4 =	sadd.s32 s4, s6;
	[dreg:$0x0] =	wrdreg $0x0  }
0xa9: {  	s6 =	sshll.u32 s28, $0x1;
	[dreg:$0x2] =	wrdreg s4  }
0xaa: {  	[dreg:$0x3] =	wrdreg s6  }
0xab: {  	[dreg:$0x4] =	wrdreg $0xC0  }
0xac: {  	_ =	task [dreg:s8], $0x5FFFF  }
0xad: {  	[dreg:$0x1] =	wrdreg $0xFFFFFFFF  }
0xae: {  	[dreg:$0x0] =	wrdreg $0x60  }
0xaf: {  	[dreg:$0x2] =	wrdreg s2  }
0xb0: {  	[dreg:$0x3] =	wrdreg s24  }
0xb1: {  	[dreg:$0x4] =	wrdreg s18  }
0xb2: {  	[dreg:$0x5] =	wrdreg $0x0  }
0xb3: {  	[dreg:$0x6] =	wrdreg $0x9  }
0xb4: {  	_ =	task.clear_ibuf [dreg:s8], $0x7FFFF;
	_ =	strace $0x90000046  }
0xb5: {  	s29 =	simm.s32 $0x9;
	_ =	strace $0x80000048  }
0xb6: {  	_ =	swait.ge [sflag:s29], $0x1  }
0xb7: {  	[sflag:s29] =	ssyncadd.s32 $0xFFFFFFFF  }
0xb8: {  	_ =	strace $0x90000048  }
0xb9: {  	_ =	sfence  }
0xba: {  	s30 =	sld [smem:$0x0];
	_ =	sdelay $0x2  }
0xbb: {  	s31 =	sshll.u32 s1, $0xD;
	s1 =	sshrl.u32 s1, $0x2  }
0xbc: {  	s3 =	sand.u32 $0x4000, s31;
	s1 =	sadd.s32 s1, s30  }
0xbd: {  	s0 =	sor.u32 s3, s0;
	s1 =	sshll.u32 s1, $0x11  }
0xbe: {  	s0 =	sor.u32 s1, s0  }
0xbf: {  	s0 =	sadd.s32 $0x8F2B, s0  }
0xc0: {  	[sflag:s0] =	ssyncadd.remote.s32 $0x1  }
0xc1: {  	_ =	sfence.sel $0xFFFF  }
0xc2: {  	[dreg:$0x0] =	wrdreg $0xFFFFFFFF;
	(pc) =	sbr.abs _section_cstart, $3  }
0xc3: {  	[dreg:$0x1] =	wrdreg $0xFFFFFFFF  }
0xc4: {  	_ =	task.clear_ibuf [dreg:s8], $0x2FFFF;
	_ =	strace $0x9FFFFFFF  }
0xc5: {  	(tm) =	ssettm $0x7FFFFFFF  }
tec
execute0_lowered:
.L_overlay_start_1:
0x0: {  	(tag) =	ssettag $0x1  }
0x1: {  	s0 =	rddreg [dreg:$0x0]  }
0x2: {  	s1 =	rddreg [dreg:$0x1];
	s2 =	srdreg.scid  }
0x3: {  	s3 =	rddreg [dreg:$0x2];
	s14 =	stileid.u32  }
0x4: {  	s28 =	simm.s32 $0x18000;
	s29 =	simm.s32 $0x5;
	s30 =	simm.s32 $0x1  }
0x5: {  	s31 =	simm.s32 $0x14000;
	s4 =	sand.u32 $0x1, s2;
	s2 =	rddreg [dreg:$0x3]  }
0x6: {  	s6 =	smul.u32 $0x14000, s14;
	s7 =	sshll.u32 s14, $0x1;
	s5 =	ssub.s32 $0x2, s4  }
0x7: {  	s7 =	sor.u32 s4, s7;
	s10 =	smul.u32 $0x140000, s4;
	s8 =	sshrl.u32 s5, $0x1  }
0x8: {  	s9 =	sadd.s32 $0x5000, s6;
	s17 =	sadd.s32 $0x7800, s6;
	s18 =	sadd.s32 $0xA000, s6  }
0x9: {  	s19 =	sadd.s32 $0xC800, s6;
	s20 =	sadd.s32 $0xF000, s6;
	s21 =	sadd.s32 $0x11800, s6  }
0xa: {  	s12 =	smul.u32 $0x27100, s7;
	s5 =	ssub.s32 s5, s8;
	s8 =	sor.u32 $0x2800, s6  }
0xb: {  	s6 =	sadd.s32 s6, s10;
	s23 =	sadd.s32 s10, s9;
	s24 =	sadd.s32 s10, s17  }
0xc: {  	s13 =	sadd.s32 s10, s18;
	s15 =	sadd.s32 s10, s19;
	s16 =	sadd.s32 s10, s20  }
0xd: {  	s17 =	sadd.s32 s17, s2;
	s18 =	sadd.s32 s18, s2;
	s19 =	sadd.s32 s19, s2  }
0xe: {  	s20 =	sadd.s32 s20, s2;
	s11 =	sadd.s32 s10, s8;
	s6 =	sshrl.u32 s6, $0x3  }
0xf: {  	s25 =	sshrl.u32 s24, $0x3;
	s26 =	sshrl.u32 s13, $0x3;
	s10 =	sadd.s32 s10, s21  }
0x10: {  	s12 =	sadd.s32 s0, s12;
	s24 =	smul.u32 $0x50000, s14;
	s21 =	sadd.s32 s21, s2  }
0x11: {  	s11 =	sshrl.u32 s11, $0x3;
	s6 =	sadd.s32 s3, s6;
	s13 =	sadd.s32 s3, s26  }
0x12: {  	s10 =	sshrl.u32 s10, $0x3;
	s26 =	smul.u32 $0x27100, s4;
	[dreg:$0x5] =	wrdreg s6  }
0x13: {  	s4 =	simm.s32 $0x2;
	s22 =	sadd.s32 s3, s11;
	[dreg:$0x9] =	wrdreg s13  }
0x14: {  	s6 =	sshrl.u32 s23, $0x3;
	s11 =	simm.s32 $0x0;
	[dreg:$0x6] =	wrdreg s22  }
0x15: {  	s23 =	smul.u32 $0x4E200, s14;
	s6 =	sadd.s32 s3, s6;
	[smem:$0x7FF] =	sst s11  }
0x16: {  	s13 =	sadd.s32 $0x14200, s1;
	[dreg:$0x7] =	wrdreg s6;
	s6 =	sadd.s32 s3, s25  }
0x17: {  	s22 =	sshrl.u32 s16, $0x3;
	[dreg:$0x8] =	wrdreg s6;
	s6 =	sshrl.u32 s15, $0x3  }
0x18: {  	s16 =	sadd.s32 s9, s2;
	s0 =	sadd.s32 s23, s0;
	s6 =	sadd.s32 s3, s6  }
0x19: {  	s25 =	sshll.u32 s7, $0xB;
	[dreg:$0xa] =	wrdreg s6;
	s6 =	sadd.s32 s3, s22  }
0x1a: {  	s23 =	smax.u32 s5, $0x1;
	s3 =	sadd.s32 s3, s10;
	[dreg:$0xb] =	wrdreg s6  }
0x1b: {  	s5 =	simm.s32 $0x4;
	s15 =	sadd.s32 s8, s2;
	[dreg:$0xc] =	wrdreg s3  }
0x1c: {  	s3 =	sadd.s32 s25, s1;
	s6 =	sshrl.u32 s24, $0x2;
	s24 =	sadd.s32 s26, s0  }
0x1d: {  	s25 =	sadd.s32 $0x500, s12;
	s26 =	sadd.s32 $0xA00, s12;
	s1 =	simm.s32 $0x1A800  }
0x1e: {  	s0 =	simm.s32 $0x50;
	_ =	strace $0x80000047;
	s14 =	sadd.s32 s6, s2  }
0x1f: {  	s22 =	sadd.s32 $0x4200, s3;
	s3 =	simm.s32 $0x3;
	s6 =	simm.s32 $0x0  }
.LBB2_1:
0x20: {  	[tilespmem:s28], [sflag:$0x5] =	stream.linear.gather [hbm4b:s13+s11], $0x2800, $0x38;
	[tilespmem:$0x1D000] =	vst v63  }
0x21: {  	_ =	swait.ge [sflag:s29], $0x2800  }
0x22: {  	[sflag:s29] =	ssyncset.done $0x0  }
0x23: {  	[sflag:s29] =	ssyncadd.s32 $0xFFFFD800  }
0x24: {  	[spmem:s14] =	stream.linear.scatter [tilespmem:s28], [sflag:$0x1], $0x2800, $0x38;
	[tilespmem:$0x1D000] =	vst v63  }
0x25: {  	_ = 	snop  }
0x26: {  	[spmem:s15] =	stream.linear.scatter [tilespmem:s28], [sflag:$0x1], $0x2800, $0x38;
	[tilespmem:$0x1D000] =	vst v63  }
0x27: {  	_ = 	snop  }
0x28: {  	[spmem:s16] =	stream.linear.scatter [tilespmem:s28], [sflag:$0x1], $0x2800, $0x38;
	[tilespmem:$0x1D000] =	vst v63  }
0x29: {  	_ = 	snop  }
0x2a: {  	[spmem:s17] =	stream.linear.scatter [tilespmem:s28], [sflag:$0x1], $0x2800, $0x38;
	[tilespmem:$0x1D000] =	vst v63  }
0x2b: {  	_ = 	snop  }
0x2c: {  	[spmem:s18] =	stream.linear.scatter [tilespmem:s28], [sflag:$0x1], $0x2800, $0x38;
	[tilespmem:$0x1D000] =	vst v63  }
0x2d: {  	_ = 	snop  }
0x2e: {  	[spmem:s19] =	stream.linear.scatter [tilespmem:s28], [sflag:$0x1], $0x2800, $0x38;
	[tilespmem:$0x1D000] =	vst v63  }
0x2f: {  	_ = 	snop  }
0x30: {  	[spmem:s20] =	stream.linear.scatter [tilespmem:s28], [sflag:$0x1], $0x2800, $0x38;
	[tilespmem:$0x1D000] =	vst v63  }
0x31: {  	_ = 	snop  }
0x32: {  	[spmem:s21] =	stream.linear.scatter [tilespmem:s28], [sflag:$0x1], $0x2800, $0x38;
	[tilespmem:$0x1D000] =	vst v63  }
0x33: {  	_ =	swait.ge [sflag:s30], $0x2800  }
0x34: {  	[sflag:s30] =	ssyncset.done $0x0  }
0x35: {  	[sflag:s30] =	ssyncadd.s32 $0xFFFFD800  }
0x36: {  	_ =	swait.ge [sflag:s30], $0x2800  }
0x37: {  	[sflag:s30] =	ssyncset.done $0x0  }
0x38: {  	[sflag:s30] =	ssyncadd.s32 $0xFFFFD800  }
0x39: {  	_ =	swait.ge [sflag:s30], $0x2800  }
0x3a: {  	[sflag:s30] =	ssyncset.done $0x0  }
0x3b: {  	[sflag:s30] =	ssyncadd.s32 $0xFFFFD800  }
0x3c: {  	_ =	swait.ge [sflag:s30], $0x2800  }
0x3d: {  	[sflag:s30] =	ssyncset.done $0x0  }
0x3e: {  	[sflag:s30] =	ssyncadd.s32 $0xFFFFD800  }
0x3f: {  	_ =	swait.ge [sflag:s30], $0x2800  }
0x40: {  	[sflag:s30] =	ssyncset.done $0x0  }
0x41: {  	[sflag:s30] =	ssyncadd.s32 $0xFFFFD800  }
0x42: {  	_ =	swait.ge [sflag:s30], $0x2800  }
0x43: {  	[sflag:s30] =	ssyncset.done $0x0  }
0x44: {  	[sflag:s30] =	ssyncadd.s32 $0xFFFFD800  }
0x45: {  	_ =	swait.ge [sflag:s30], $0x2800  }
0x46: {  	[sflag:s30] =	ssyncset.done $0x0  }
0x47: {  	[sflag:s30] =	ssyncadd.s32 $0xFFFFD800  }
0x48: {  	_ =	swait.ge [sflag:s30], $0x2800  }
0x49: {  	[sflag:s30] =	ssyncset.done $0x0  }
0x4a: {  	[sflag:s30] =	ssyncadd.s32 $0xFFFFD800  }
0x4b: {  	[bflag:$0x0] =	sbarrier.arrive $0xFFFF  }
0x4c: {  	[tilespmem:s31], [sflag:$0x5] =	stream.linear.gather [hbm4b:s22+s11], $0x3E80, $0x38;
	[tilespmem:$0x1D000] =	vst v63  }
0x4d: {  	_ =	swait.ge [sflag:s29], $0x3E80  }
0x4e: {  	[sflag:s29] =	ssyncset.done $0x0  }
0x4f: {  	[sflag:s29] =	ssyncadd.s32 $0xFFFFC180  }
0x50: {  	[tilespmem:s28], [sflag:$0x1] =	stream.linear.gather [hbm4b:s12+s11], $0x2800, $0x38;
	[tilespmem:$0x1D000] =	vst v63  }
0x51: {  	_ = 	snop  }
0x52: {  	[tilespmem:s1], [sflag:$0x2] =	stream.linear.gather [hbm4b:s25+s11], $0x2800, $0x38;
	[tilespmem:$0x1D000] =	vst v63  }
0x53: {  	_ =	swait.ge [sflag:s30], $0x2800  }
0x54: {  	[sflag:s30] =	ssyncset.done $0x0  }
0x55: {  	[sflag:s30] =	ssyncadd.s32 $0xFFFFD800  }
0x56: {  	[spmem:s2] =	stream.indirect.scatter.add.f32 [tilespmem:s28], [sflag:$0x3], $0x80, s31, s0, $0xb8;
	[tilespmem:$0x1D000] =	vst v63  }
0x57: {  	_ =	swait.ge [sflag:s3], $0x2800  }
0x58: {  	[sflag:s3] =	ssyncset.done $0x0  }
0x59: {  	[sflag:s3] =	ssyncadd.s32 $0xFFFFD800  }
0x5a: {  	[tilespmem:s28], [sflag:$0x1] =	stream.linear.gather [hbm4b:s26+s11], $0x2800, $0x38;
	[tilespmem:$0x1D000] =	vst v63  }
0x5b: {  	_ =	swait.ge [sflag:s4], $0x2800  }
0x5c: {  	[sflag:s4] =	ssyncset.done $0x0  }
0x5d: {  	s7 =	simm.s32 $0x14080;
	[sflag:s4] =	ssyncadd.s32 $0xFFFFD800  }
0x5e: {  	[spmem:s2] =	stream.indirect.scatter.add.f32 [tilespmem:s1], [sflag:$0x4], $0x80, s7, s0, $0xb8;
	[tilespmem:$0x1D000] =	vst v63  }
0x5f: {  	_ =	swait.ge [sflag:s5], $0x2800  }
0x60: {  	s9 =	sadd.s32 $0x0, s24;
	[sflag:s5] =	ssyncset.done $0x0  }
0x61: {  	s8 =	sadd.s32 $0xF00, s9;
	[sflag:s5] =	ssyncadd.s32 $0xFFFFD800  }
0x62: {  	[tilespmem:s1], [sflag:$0x2] =	stream.linear.gather [hbm4b:s8+s11], $0x2800, $0x38;
	[tilespmem:$0x1D000] =	vst v63  }
0x63: {  	_ =	swait.ge [sflag:s30], $0x2800  }
0x64: {  	[sflag:s30] =	ssyncset.done $0x0  }
0x65: {  	s10 =	simm.s32 $0x14100;
	[sflag:s30] =	ssyncadd.s32 $0xFFFFD800  }
0x66: {  	[spmem:s2] =	stream.indirect.scatter.add.f32 [tilespmem:s28], [sflag:$0x3], $0x80, s10, s0, $0xb8;
	[tilespmem:$0x1D000] =	vst v63  }
0x67: {  	_ =	swait.ge [sflag:s3], $0x2800  }
0x68: {  	[sflag:s3] =	ssyncset.done $0x0  }
0x69: {  	s7 =	sadd.s32 $0x1400, s9;
	[sflag:s3] =	ssyncadd.s32 $0xFFFFD800  }
0x6a: {  	[tilespmem:s28], [sflag:$0x1] =	stream.linear.gather [hbm4b:s7+s11], $0x2800, $0x38;
	[tilespmem:$0x1D000] =	vst v63  }
0x6b: {  	_ =	swait.ge [sflag:s4], $0x2800  }
0x6c: {  	s9 =	simm.s32 $0x14180;
	[sflag:s4] =	ssyncset.done $0x0  }
0x6d: {  	s8 =	simm.s32 $0x14200;
	s7 =	simm.s32 $0xA00;
	[sflag:s4] =	ssyncadd.s32 $0xFFFFD800  }
.LBB2_2:
0x6e: {  	[spmem:s2] =	stream.indirect.scatter.add.f32 [tilespmem:s1], [sflag:$0x4], $0x80, s9, s0, $0xb8;
	[tilespmem:$0x1D000] =	vst v63  }
0x6f: {  	s9 =	smov.u32 s7  }
0x70: {  	p0 =	sne.s32 s7, $0x25800;
	s7 =	sadd.s32 $0xA00, s7;
	_ =	swait.ge [sflag:s5], $0x2800  }
0x71: {  	s9 =	sadd.s32 s9, s24;
	[sflag:s5] =	ssyncset.done $0x0  }
0x72: {  	s10 =	sadd.s32 $0xF00, s9;
	[sflag:s5] =	ssyncadd.s32 $0xFFFFD800  }
0x73: {  	[tilespmem:s1], [sflag:$0x2] =	stream.linear.gather [hbm4b:s10+s11], $0x2800, $0x38;
	[tilespmem:$0x1D000] =	vst v63  }
0x74: {  	_ =	swait.ge [sflag:s30], $0x2800  }
0x75: {  	[sflag:s30] =	ssyncset.done $0x0  }
0x76: {  	[sflag:s30] =	ssyncadd.s32 $0xFFFFD800  }
0x77: {  	[spmem:s2] =	stream.indirect.scatter.add.f32 [tilespmem:s28], [sflag:$0x3], $0x80, s8, s0, $0xb8;
	[tilespmem:$0x1D000] =	vst v63  }
0x78: {  	_ =	swait.ge [sflag:s3], $0x2800  }
0x79: {  	[sflag:s3] =	ssyncset.done $0x0  }
.Ltmp0:
0x7a: {  	s9 =	sadd.s32 $0x1400, s9;
	[sflag:s3] =	ssyncadd.s32 $0xFFFFD800;
	(pc) =	sbr.rel @p0 .LBB2_2-.Ltmp0, $4  }
0x7b: {  	[tilespmem:s28], [sflag:$0x1] =	stream.linear.gather [hbm4b:s9+s11], $0x2800, $0x38;
	[tilespmem:$0x1D000] =	vst v63  }
0x7c: {  	_ =	swait.ge [sflag:s4], $0x2800  }
0x7d: {  	[sflag:s4] =	ssyncset.done $0x0  }
0x7e: {  	s9 =	sadd.s32 $0x80, s8;
	s8 =	sadd.s32 $0x100, s8;
	[sflag:s4] =	ssyncadd.s32 $0xFFFFD800  }
0x7f: {  	[spmem:s2] =	stream.indirect.scatter.add.f32 [tilespmem:s1], [sflag:$0x4], $0x80, s9, s0, $0xb8;
	[tilespmem:$0x1D000] =	vst v63  }
0x80: {  	_ =	swait.ge [sflag:s5], $0x2800  }
0x81: {  	[sflag:s5] =	ssyncset.done $0x0  }
0x82: {  	[sflag:s5] =	ssyncadd.s32 $0xFFFFD800  }
0x83: {  	_ =	swait.ge [sflag:s30], $0x2800  }
0x84: {  	[sflag:s30] =	ssyncset.done $0x0  }
0x85: {  	s7 =	simm.s32 $0x17E00;
	[sflag:s30] =	ssyncadd.s32 $0xFFFFD800  }
0x86: {  	[spmem:s2] =	stream.indirect.scatter.add.f32 [tilespmem:s28], [sflag:$0x3], $0x80, s7, s0, $0xb8;
	[tilespmem:$0x1D000] =	vst v63  }
0x87: {  	_ =	swait.ge [sflag:s3], $0x2800  }
0x88: {  	[sflag:s3] =	ssyncset.done $0x0  }
0x89: {  	[sflag:s3] =	ssyncadd.s32 $0xFFFFD800  }
0x8a: {  	[bflag:$0x0] =	sbarrier.arrive $0xFFFF  }
0x8b: {  	[tilespmem:s28], [sflag:$0x5] =	stream.linear.gather [spmem:s14], $0x2800, $0x38;
	[tilespmem:$0x1D000] =	vst v63  }
0x8c: {  	_ =	swait.ge [sflag:s29], $0x2800  }
0x8d: {  	[sflag:s29] =	ssyncset.done $0x0  }
0x8e: {  	s9 =	rddreg [dreg:$0x5];
	[sflag:s29] =	ssyncadd.s32 $0xFFFFD800  }
0x8f: {  	[hbm4b:s9+s11] =	stream.linear.scatter [tilespmem:s28], [sflag:$0x1], $0x2800, $0x38;
	[tilespmem:$0x1D000] =	vst v63  }
0x90: {  	_ = 	snop  }
0x91: {  	[tilespmem:s1], [sflag:$0x5] =	stream.linear.gather [spmem:s15], $0x2800, $0x38;
	[tilespmem:$0x1D000] =	vst v63  }
0x92: {  	_ =	swait.ge [sflag:s29], $0x2800  }
0x93: {  	[sflag:s29] =	ssyncset.done $0x0  }
0x94: {  	s10 =	rddreg [dreg:$0x6];
	[sflag:s29] =	ssyncadd.s32 $0xFFFFD800  }
0x95: {  	[hbm4b:s10+s11] =	stream.linear.scatter [tilespmem:s1], [sflag:$0x2], $0x2800, $0x38;
	[tilespmem:$0x1D000] =	vst v63  }
0x96: {  	_ =	swait.ge [sflag:s30], $0x2800  }
0x97: {  	[sflag:s30] =	ssyncset.done $0x0  }
0x98: {  	[sflag:s30] =	ssyncadd.s32 $0xFFFFD800  }
0x99: {  	[tilespmem:s28], [sflag:$0x5] =	stream.linear.gather [spmem:s16], $0x2800, $0x38;
	[tilespmem:$0x1D000] =	vst v63  }
0x9a: {  	_ =	swait.ge [sflag:s29], $0x2800  }
0x9b: {  	[sflag:s29] =	ssyncset.done $0x0  }
0x9c: {  	s8 =	rddreg [dreg:$0x7];
	[sflag:s29] =	ssyncadd.s32 $0xFFFFD800  }
0x9d: {  	[hbm4b:s8+s11] =	stream.linear.scatter [tilespmem:s28], [sflag:$0x1], $0x2800, $0x38;
	[tilespmem:$0x1D000] =	vst v63  }
0x9e: {  	_ =	swait.ge [sflag:s4], $0x2800  }
0x9f: {  	[sflag:s4] =	ssyncset.done $0x0  }
0xa0: {  	[sflag:s4] =	ssyncadd.s32 $0xFFFFD800  }
0xa1: {  	[tilespmem:s1], [sflag:$0x5] =	stream.linear.gather [spmem:s17], $0x2800, $0x38;
	[tilespmem:$0x1D000] =	vst v63  }
0xa2: {  	_ =	swait.ge [sflag:s29], $0x2800  }
0xa3: {  	[sflag:s29] =	ssyncset.done $0x0  }
0xa4: {  	s9 =	rddreg [dreg:$0x8];
	[sflag:s29] =	ssyncadd.s32 $0xFFFFD800  }
0xa5: {  	[hbm4b:s9+s11] =	stream.linear.scatter [tilespmem:s1], [sflag:$0x2], $0x2800, $0x38;
	[tilespmem:$0x1D000] =	vst v63  }
0xa6: {  	_ =	swait.ge [sflag:s30], $0x2800  }
0xa7: {  	[sflag:s30] =	ssyncset.done $0x0  }
0xa8: {  	[sflag:s30] =	ssyncadd.s32 $0xFFFFD800  }
0xa9: {  	[tilespmem:s28], [sflag:$0x5] =	stream.linear.gather [spmem:s18], $0x2800, $0x38;
	[tilespmem:$0x1D000] =	vst v63  }
0xaa: {  	_ =	swait.ge [sflag:s29], $0x2800  }
0xab: {  	[sflag:s29] =	ssyncset.done $0x0  }
0xac: {  	s10 =	rddreg [dreg:$0x9];
	[sflag:s29] =	ssyncadd.s32 $0xFFFFD800  }
0xad: {  	[hbm4b:s10+s11] =	stream.linear.scatter [tilespmem:s28], [sflag:$0x1], $0x2800, $0x38;
	[tilespmem:$0x1D000] =	vst v63  }
0xae: {  	_ =	swait.ge [sflag:s4], $0x2800  }
0xaf: {  	[sflag:s4] =	ssyncset.done $0x0  }
0xb0: {  	[sflag:s4] =	ssyncadd.s32 $0xFFFFD800  }
0xb1: {  	[tilespmem:s1], [sflag:$0x5] =	stream.linear.gather [spmem:s19], $0x2800, $0x38;
	[tilespmem:$0x1D000] =	vst v63  }
0xb2: {  	_ =	swait.ge [sflag:s29], $0x2800  }
0xb3: {  	[sflag:s29] =	ssyncset.done $0x0  }
0xb4: {  	s8 =	rddreg [dreg:$0xa];
	[sflag:s29] =	ssyncadd.s32 $0xFFFFD800  }
0xb5: {  	[hbm4b:s8+s11] =	stream.linear.scatter [tilespmem:s1], [sflag:$0x2], $0x2800, $0x38;
	[tilespmem:$0x1D000] =	vst v63  }
0xb6: {  	_ =	swait.ge [sflag:s30], $0x2800  }
0xb7: {  	[sflag:s30] =	ssyncset.done $0x0  }
0xb8: {  	[sflag:s30] =	ssyncadd.s32 $0xFFFFD800  }
0xb9: {  	[tilespmem:s28], [sflag:$0x5] =	stream.linear.gather [spmem:s20], $0x2800, $0x38;
	[tilespmem:$0x1D000] =	vst v63  }
0xba: {  	_ =	swait.ge [sflag:s29], $0x2800  }
0xbb: {  	[sflag:s29] =	ssyncset.done $0x0  }
0xbc: {  	s9 =	rddreg [dreg:$0xb];
	[sflag:s29] =	ssyncadd.s32 $0xFFFFD800  }
0xbd: {  	[hbm4b:s9+s11] =	stream.linear.scatter [tilespmem:s28], [sflag:$0x1], $0x2800, $0x38;
	[tilespmem:$0x1D000] =	vst v63  }
0xbe: {  	_ =	swait.ge [sflag:s4], $0x2800  }
0xbf: {  	[sflag:s4] =	ssyncset.done $0x0  }
0xc0: {  	[sflag:s4] =	ssyncadd.s32 $0xFFFFD800  }
0xc1: {  	[tilespmem:s1], [sflag:$0x5] =	stream.linear.gather [spmem:s21], $0x2800, $0x38;
	[tilespmem:$0x1D000] =	vst v63  }
0xc2: {  	_ =	swait.ge [sflag:s29], $0x2800  }
0xc3: {  	[sflag:s29] =	ssyncset.done $0x0  }
0xc4: {  	s6 =	sadd.s32 $0x1, s6;
	s10 =	rddreg [dreg:$0xc];
	[sflag:s29] =	ssyncadd.s32 $0xFFFFD800  }
0xc5: {  	[hbm4b:s10+s11] =	stream.linear.scatter [tilespmem:s1], [sflag:$0x2], $0x2800, $0x38;
	[tilespmem:$0x1D000] =	vst v63  }
0xc6: {  	p0 =	sne.s32 s6, s23;
	_ =	swait.ge [sflag:s30], $0x2800  }
.Ltmp1:
0xc7: {  	[sflag:s30] =	ssyncset.done $0x0;
	(pc) =	sbr.rel @p0 .LBB2_1-.Ltmp1, $4  }
0xc8: {  	[sflag:s30] =	ssyncadd.s32 $0xFFFFD800  }
0xc9: {  	_ =	swait.ge [sflag:s4], $0x2800  }
0xca: {  	[sflag:s4] =	ssyncset.done $0x0  }
0xcb: {  	[sflag:s4] =	ssyncadd.s32 $0xFFFFD800  }
0xcc: {  	_ =	sfence.sel $0x180000  }
0xcd: {  	[bflag:$0x0] =	sbarrier.arrive $0xFFFF  }
0xce: {  	_ =	strace $0x90000047  }
0xcf: {  	s0 =	stileid.u32;
	[bflag:$0x2] =	sbarrier.arrive $0xFFFF  }
0xd0: {  	p0 =	sne.s32 s0, $0x0;
	s0 =	rddreg [dreg:$0x4]  }
0xd1: {  	s0 =	sadd.s32 @!p0 $0x100000, s0  }
0xd2: {  	[sflag:s0] =	ssyncadd.tile.s32 @!p0 $0x1;
	_ =	shalt  }
.Lfunc_end2:
_tile_overlayer_lowered:
.L_overlay_start_2:
0xd3: {  	(tag) =	ssettag $0x2  }
0xd4: {  	s0 =	rddreg [dreg:$0x0];
	s2 =	stileid.u32  }
0xd5: {  	s1 =	rddreg [dreg:$0x1];
	p0 =	sne.s32 s2, $0x0  }
0xd6: {  	s3 =	rddreg [dreg:$0x2];
	[bflag:$0x3] =	sbarrier.arrive $0xFFFF;
	s2 =	simm.s32 @!p0 $0x1C05  }
0xd7: {  	[timem:s3], [sflag:s2] =	dma.local @!p0 [hbm:s0], s1  }
0xd8: {  	s0 =	simm.s32 @!p0 $0x5  }
0xd9: {  	_ =	swait.ge @!p0 [sflag:s0], s1  }
0xda: {  	s1 =	ssub.s32 @!p0 $0x0, s1;
	[sflag:s0] =	ssyncset.done @!p0 $0x0  }
0xdb: {  	[sflag:s0] =	ssyncadd.s32 @!p0 s1  }
0xdc: {  	[bflag:$0x3] =	sbarrier.arrive $0xFFFF  }
0xdd: {  	_ =	shalt  }

// kernel: kernel.17.cloned.1.call-start
scs
__scs_entry_jumppad:
0x0: {  	(pc) =	sbr.rel $0x88, $3  }
0x1: {  	(tag) =	ssettag $0x0;
	lr =	simm.s32 $0x1  }
0x2: {  	[smem:$0x3F98] =	sst lr;
	_ =	strace $0xD0000000  }
0x3: {  	_ = 	snop  }
0x4: {  	_ = 	snop  }
0x5: {  	_ = 	snop  }
0x6: {  	_ = 	snop  }
0x7: {  	_ = 	snop  }
__scs_overlays_trampoline_lowered:
0x8: {  	[smem:$0x3FA7] =	sst s0  }
0x9: {  	[smem:$0x3FA8] =	sst s1  }
0xa: {  	[smem:$0x3FA9] =	sst s2  }
0xb: {  	[smem:$0x3FAA] =	sst s3  }
0xc: {  	[smem:$0x3FAB] =	sst s4  }
0xd: {  	[smem:$0x3FAC] =	sst s5  }
0xe: {  	[smem:$0x3FAD] =	sst s6  }
0xf: {  	[smem:$0x3FAE] =	sst s7  }
0x10: {  	[smem:$0x3FAF] =	sst s8  }
0x11: {  	[smem:$0x3FB0] =	sst s9;
	s0 =	simm.s32 @!p0 $0x0  }
0x12: {  	s1 =	sld [smem:$0x3F96];
	s0 =	simm.s32 @p0 $0x1  }
0x13: {  	[smem:$0x3FB1] =	sst s0;
	s0 =	simm.s32 @!p1 $0x0  }
0x14: {  	s2 =	sld [smem:$0x3F95];
	s0 =	simm.s32 @p1 $0x1  }
0x15: {  	[smem:$0x3FB2] =	sst s0;
	s0 =	simm.s32 @!p2 $0x0  }
0x16: {  	s3 =	sld [smem:$0x3FDB];
	s0 =	simm.s32 @p2 $0x1  }
0x17: {  	s4 =	simm.s32 $0x1BF5;
	[smem:$0x3FB4] =	sst s0  }
0x18: {  	s0 =	sld [smem:$0x3F97];
	_ =	swait.ge [sflag:s4], $0x0  }
0x19: {  	s7 =	sld [smem:$0x3F98]  }
0x1a: {  	s8 =	sadd.s32 $0xFFFFE003, lr  }
0x1b: {  	s9 =	sadd.s32 $0xFFFFFEF7, lr;
	s5 =	simm.s32 $0xFFFFFFFF;
	p2 =	slt.u32 s8, $0xFFFFF086  }
0x1c: {  	p1 =	slt.u32 s9, $0xF7A;
	s5 =	simm.s32 @!p2 $0x0  }
0x1d: {  	s5 =	simm.s32 @p1 $0x1;
	p0 =	seq.s32 s7, s2  }
0x1e: {  	s7 =	smul.u32 @!p0 $0xF7A, s2;
	p2 =	seq.s32 @!p0 s5, $0x0  }
0x1f: {  	s9 =	smul.u32 $0xF7A, s1;
	s8 =	simm.s32 @!p0 $0x1BF5;
	p2 =	por !p2, p0  }
0x20: {  	[sflag:s8] =	ssyncset.s32 @!p0 $0xFFFFF086;
	s6 =	sadd.s32 @!p0 s3, s7;
	s7 =	simm.s32 @!p0 $0x108  }
0x21: {  	s3 =	sadd.s32 s3, s9;
	s6 =	sadd.s32 @!p0 $0x88, s6;
	s7 =	simm.s32 @p2 $0x1082  }
0x22: {  	[simem:s7], [sflag:s8] =	dma.local @!p0 [hbm:s6], $0xF7A  }
0x23: {  	s9 =	sor.u32 $0xD0000000, s2;
	s6 =	simm.s32 $0x108;
	_ =	swait.ge @!p0 [sflag:s8], $0x0  }
0x24: {  	s3 =	sadd.s32 $0x88, s3;
	s6 =	simm.s32 @!p1 $0x1082;
	[sflag:s4] =	ssyncset.s32 $0xFFFFF086  }
0x25: {  	[simem:s6], [sflag:s4] =	dma.local [hbm:s3], $0xF7A  }
0x26: {  	[smem:$0x3F98] =	sst s1;
	(tag) =	ssettag s2;
	_ =	strace s9  }
0x27: {  	s1 =	sld [smem:$0x3FA8]  }
0x28: {  	s2 =	sld [smem:$0x3FA9]  }
0x29: {  	s4 =	sld [smem:$0x3FAB]  }
0x2a: {  	p0 =	seq.s32 s5, $0x0;
	s5 =	sld [smem:$0x3FAC]  }
0x2b: {  	s6 =	sld [smem:$0x3FAD]  }
0x2c: {  	s7 =	sld [smem:$0x3FAE]  }
0x2d: {  	s3 =	simm.s32 $0x108;
	s8 =	sld [smem:$0x3FAF]  }
0x2e: {  	s3 =	simm.s32 @!p0 $0x1082;
	s9 =	sld [smem:$0x3FB0]  }
0x2f: {  	lr =	sadd.s32 s0, s3;
	s0 =	sld [smem:$0x3FA7]  }
0x30: {  	s3 =	sld [smem:$0x3FAA]  }
0x31: {  	[smem:$0x3FB3] =	sst s10  }
0x32: {  	s10 =	sld [smem:$0x3FB1];
	_ =	sdelay $0x3  }
0x33: {  	p0 =	seq.s32 s10, $0x1;
	s10 =	sld [smem:$0x3FB3];
	_ =	sdelay $0x3  }
0x34: {  	[smem:$0x3FB3] =	sst s10  }
0x35: {  	s10 =	sld [smem:$0x3FB2];
	_ =	sdelay $0x3  }
0x36: {  	p1 =	seq.s32 s10, $0x1;
	s10 =	sld [smem:$0x3FB3];
	_ =	sdelay $0x3  }
0x37: {  	[smem:$0x3FB3] =	sst s10  }
0x38: {  	s10 =	sld [smem:$0x3FB4]  }
0x39: {  	_ = 	snop;
	(pc) =	sbr.ind lr, $3  }
0x3a: {  	_ = 	snop  }
0x3b: {  	_ = 	snop  }
0x3c: {  	p2 =	seq.s32 s10, $0x1;
	s10 =	sld [smem:$0x3FB3]  }
0x3d: {  	_ =	shalt  }
0x3e: {  	_ =	shalt  }
0x3f: {  	_ =	shalt  }
0x40: {  	_ =	shalt  }
0x41: {  	_ =	shalt  }
0x42: {  	_ =	shalt  }
0x43: {  	_ =	shalt  }
0x44: {  	_ =	shalt  }
0x45: {  	_ =	shalt  }
0x46: {  	_ =	shalt  }
0x47: {  	_ =	shalt  }
0x48: {  	_ =	shalt  }
0x49: {  	_ =	shalt  }
0x4a: {  	_ =	shalt  }
0x4b: {  	_ =	shalt  }
0x4c: {  	_ =	shalt  }
0x4d: {  	_ =	shalt  }
0x4e: {  	_ =	shalt  }
0x4f: {  	_ =	shalt  }
0x50: {  	_ =	shalt  }
0x51: {  	_ =	shalt  }
0x52: {  	_ =	shalt  }
0x53: {  	_ =	shalt  }
0x54: {  	_ =	shalt  }
0x55: {  	_ =	shalt  }
0x56: {  	_ =	shalt  }
0x57: {  	_ =	shalt  }
0x58: {  	_ =	shalt  }
0x59: {  	_ =	shalt  }
0x5a: {  	_ =	shalt  }
0x5b: {  	_ =	shalt  }
0x5c: {  	_ =	shalt  }
0x5d: {  	_ =	shalt  }
0x5e: {  	_ =	shalt  }
0x5f: {  	_ =	shalt  }
0x60: {  	_ =	shalt  }
0x61: {  	_ =	shalt  }
0x62: {  	_ =	shalt  }
0x63: {  	_ =	shalt  }
0x64: {  	_ =	shalt  }
0x65: {  	_ =	shalt  }
0x66: {  	_ =	shalt  }
0x67: {  	_ =	shalt  }
0x68: {  	_ =	shalt  }
0x69: {  	_ =	shalt  }
0x6a: {  	_ =	shalt  }
0x6b: {  	_ =	shalt  }
0x6c: {  	_ =	shalt  }
0x6d: {  	_ =	shalt  }
0x6e: {  	_ =	shalt  }
0x6f: {  	_ =	shalt  }
0x70: {  	_ =	shalt  }
0x71: {  	_ =	shalt  }
0x72: {  	_ =	shalt  }
0x73: {  	_ =	shalt  }
0x74: {  	_ =	shalt  }
0x75: {  	_ =	shalt  }
0x76: {  	_ =	shalt  }
0x77: {  	_ =	shalt  }
0x78: {  	_ =	shalt  }
0x79: {  	_ =	shalt  }
0x7a: {  	_ =	shalt  }
0x7b: {  	_ =	shalt  }
0x7c: {  	_ =	shalt  }
0x7d: {  	_ =	shalt  }
0x7e: {  	_ =	shalt  }
0x7f: {  	_ =	shalt  }
0x80: {  	_ =	shalt  }
0x81: {  	_ =	shalt  }
0x82: {  	_ =	shalt  }
0x83: {  	_ =	shalt  }
0x84: {  	_ =	shalt  }
0x85: {  	_ =	shalt  }
0x86: {  	_ =	shalt  }
0x87: {  	_ =	shalt  }
.Lfunc_end0:
.L_simem_size_0:
called_computation.1_lowered:
.L_overlay_start_0:
0x88: {  	s2 =	sld [smem:$0x3FD9]  }
0x89: {  	s3 =	sld [smem:$0x3FFE];
	_ =	sdelay $0x1  }
0x8a: {  	s1 =	srdreg.scid  }
0x8b: {  	s0 =	sand.u32 $0x1, s1  }
0x8c: {  	s16 =	sshll.u32 s0, $0xA;
	s2 =	sadd.s32 s3, s2  }
0x8d: {  	s2 =	sadd.s32 s2, s16  }
0x8e: {  	[smem:$0x3FBF] =	sst s2  }
0x8f: {  	_ = 	snop  }
0x90: {  	(tm) =	ssettm $0x1  }
0x91: {  	s17 =	sld [smem:$0x3FFB];
	_ =	sdelay $0x3  }
0x92: {  	_ =	strace s17  }
0x93: {  	s2 =	sld [smem:$0x3FFC];
	_ =	sdelay $0x3  }
0x94: {  	_ =	strace s2  }
0x95: {  	s2 =	sld [smem:$0x3FFD];
	_ =	sdelay $0x3  }
0x96: {  	_ =	strace s2  }
0x97: {  	_ =	strace $0x8FFFFFFF  }
0x98: {  	s18 =	sld [smem:$0x3FDB];
	_ =	sdelay $0x1  }
0x99: {  	s19 =	simm.s32 $_scs_section_size  }
0x9a: {  	s4 =	simm.s32 $_size__tile_overlayer_lowered;
	s5 =	simm.s32 $_tile_overlayer_lowered  }
0x9b: {  	s22 =	simm.s32 $0x1BFF;
	s21 =	sshll.u32 s5, $0x1;
	s2 =	sadd.s32 s19, s18  }
0x9c: {  	s6 =	simm.s32 $0x0;
	s20 =	sshll.u32 s4, $0x1;
	s4 =	sadd.s32 s21, s2  }
0x9d: {  	[timem:s6], [sflag:s22] =	dma.local [hbm:s4], s20  }
0x9e: {  	_ =	swait.ge [sflag:s22], s20  }
0x9f: {  	s3 =	ssub.s32 $0x0, s20;
	[sflag:s22] =	ssyncset.done $0x0  }
0xa0: {  	[sflag:s22] =	ssyncadd.s32 s3;
	_ =	sdelay $0x1  }
0xa1: {  	s23 =	simm.s32 $0x1B8B  }
0xa2: {  	_ =	swait.ge [sflag:s23], $0x1  }
0xa3: {  	[sflag:s23] =	ssyncset.done $0x0  }
0xa4: {  	s25 =	simm.s32 $0x1B8E;
	s24 =	sld [smem:$0x3FFE];
	[sflag:s23] =	ssyncadd.s32 $0xFFFFFFFF  }
0xa5: {  	s26 =	simm.s32 $execute0_lowered;
	[smem:$0x3FD2] =	sst s25  }
0xa6: {  	s4 =	sshll.u32 s26, $0x1;
	_ =	strace $0x80000049;
	[dreg:$0x1] =	wrdreg $0xFFFFFFFF  }
0xa7: {  	s28 =	simm.s32 $_size_execute0_lowered;
	s2 =	sadd.s32 s2, s4;
	[dreg:$0x0] =	wrdreg $0x0  }
0xa8: {  	s4 =	sshll.u32 s28, $0x1;
	[dreg:$0x2] =	wrdreg s2  }
0xa9: {  	[dreg:$0x3] =	wrdreg s4  }
0xaa: {  	[dreg:$0x4] =	wrdreg $0xC0  }
0xab: {  	_ =	task [dreg:s6], $0x5FFFF  }
0xac: {  	[dreg:$0x1] =	wrdreg $0xFFFFFFFF  }
0xad: {  	[dreg:$0x0] =	wrdreg $0x60  }
0xae: {  	[dreg:$0x2] =	wrdreg s24  }
0xaf: {  	[dreg:$0x3] =	wrdreg $0x0  }
0xb0: {  	[dreg:$0x4] =	wrdreg $0x9  }
0xb1: {  	_ =	task.clear_ibuf [dreg:s6], $0x5FFFF;
	_ =	strace $0x90000049  }
0xb2: {  	s29 =	simm.s32 $0x9;
	_ =	strace $0x8000004B  }
0xb3: {  	_ =	swait.ge [sflag:s29], $0x1  }
0xb4: {  	[sflag:s29] =	ssyncadd.s32 $0xFFFFFFFF  }
0xb5: {  	_ =	strace $0x9000004B  }
0xb6: {  	_ =	sfence  }
0xb7: {  	s30 =	sld [smem:$0x0];
	_ =	sdelay $0x2  }
0xb8: {  	s31 =	sshll.u32 s1, $0xD;
	s1 =	sshrl.u32 s1, $0x2  }
0xb9: {  	s3 =	sand.u32 $0x4000, s31;
	s1 =	sadd.s32 s1, s30  }
0xba: {  	s0 =	sor.u32 s3, s0;
	s1 =	sshll.u32 s1, $0x11  }
0xbb: {  	s0 =	sor.u32 s1, s0  }
0xbc: {  	s0 =	sadd.s32 $0x8F2B, s0  }
0xbd: {  	[sflag:s0] =	ssyncadd.remote.s32 $0x1  }
0xbe: {  	_ =	sfence.sel $0xFFFF  }
0xbf: {  	[dreg:$0x0] =	wrdreg $0xFFFFFFFF;
	(pc) =	sbr.abs _section_cstart, $3  }
0xc0: {  	[dreg:$0x1] =	wrdreg $0xFFFFFFFF  }
0xc1: {  	_ =	task.clear_ibuf [dreg:s6], $0x2FFFF;
	_ =	strace $0x9FFFFFFF  }
0xc2: {  	(tm) =	ssettm $0x7FFFFFFF  }
0xc3: {  	_ =	shalt  }
tec
execute0_lowered:
.L_overlay_start_1:
0x0: {  	(tag) =	ssettag $0x1  }
0x1: {  	s0 =	rddreg [dreg:$0x0]  }
0x2: {  	s1 =	rddreg [dreg:$0x1]  }
0x3: {  	s3 =	srdreg.scid;
	s13 =	stileid.u32  }
0x4: {  	s2 =	simm.s32 $0x0;
	s28 =	simm.s32 $0x17800;
	s29 =	simm.s32 $0x1  }
0x5: {  	s30 =	simm.s32 $0x5;
	s31 =	simm.s32 $0x2;
	s7 =	smul.u32 $0x280, s13  }
0x6: {  	s3 =	sand.u32 $0x1, s3;
	s4 =	sshll.u32 s13, $0x1;
	s10 =	smul.u32 $0x2800, s13  }
0x7: {  	[smem:$0x7FF] =	sst s2;
	s5 =	sadd.s32 $0x1A800, s0;
	s22 =	smul.u32 $0x50000, s13  }
0x8: {  	s13 =	smul.u32 $0xFA00, s13;
	s4 =	sor.u32 s3, s4;
	s8 =	ssub.s32 $0x2, s3  }
0x9: {  	s3 =	smul.u32 $0x7D00, s3;
	s6 =	sshll.u32 s4, $0x9;
	s9 =	sshrl.u32 s8, $0x1  }
0xa: {  	s14 =	sor.u32 $0x50, s7;
	s15 =	sadd.s32 $0xA0, s7;
	s10 =	sadd.s32 s5, s10  }
0xb: {  	s16 =	sadd.s32 $0xF0, s7;
	s17 =	sadd.s32 $0x140, s7;
	s18 =	sadd.s32 $0x190, s7  }
0xc: {  	s19 =	sadd.s32 $0x1E0, s7;
	s7 =	sadd.s32 $0x230, s7;
	s12 =	smul.u32 $0x3E800, s4  }
0xd: {  	s4 =	smul.u32 $0x7D00, s4;
	s6 =	sadd.s32 s6, s0;
	s0 =	sadd.s32 $0x42800, s0  }
0xe: {  	s8 =	ssub.s32 s8, s9;
	s20 =	sshll.u32 s14, $0x4;
	[dreg:$0x3] =	wrdreg s10  }
0xf: {  	s21 =	sshll.u32 s15, $0x4;
	s23 =	sshll.u32 s16, $0x4;
	s24 =	sshll.u32 s17, $0x4  }
0x10: {  	s11 =	sshll.u32 s18, $0x4;
	s26 =	sshll.u32 s19, $0x4;
	s10 =	simm.s32 $0x14000  }
0x11: {  	s9 =	sadd.s32 s5, s20;
	s25 =	sadd.s32 s5, s11;
	s12 =	sshrl.u32 s12, $0x3  }
0x12: {  	s20 =	sshll.u32 s14, $0x7;
	[dreg:$0x4] =	wrdreg s9;
	s9 =	sadd.s32 s5, s21  }
0x13: {  	[dreg:$0x8] =	wrdreg s25;
	s21 =	sshll.u32 s15, $0x7;
	s14 =	sadd.s32 s20, s1  }
0x14: {  	s25 =	sshll.u32 s19, $0x7;
	[dreg:$0x5] =	wrdreg s9;
	s9 =	sadd.s32 s5, s23  }
0x15: {  	s15 =	sadd.s32 s21, s1;
	s23 =	sshll.u32 s17, $0x7;
	s19 =	sadd.s32 s25, s1  }
0x16: {  	s21 =	sadd.s32 $0x16800, s6;
	[dreg:$0x6] =	wrdreg s9;
	s9 =	sadd.s32 s5, s24  }
0x17: {  	s24 =	sshll.u32 s18, $0x7;
	s17 =	sadd.s32 s23, s1;
	s23 =	smax.u32 s8, $0x1  }
0x18: {  	[dreg:$0x7] =	wrdreg s9;
	s9 =	sadd.s32 s5, s26;
	s18 =	sadd.s32 s24, s1  }
0x19: {  	s26 =	sshll.u32 s7, $0x7;
	[dreg:$0x9] =	wrdreg s9;
	s9 =	sshll.u32 s7, $0x4  }
0x1a: {  	s20 =	sadd.s32 s26, s1;
	s26 =	simm.s32 $0x15000;
	s11 =	sadd.s32 s5, s9  }
0x1b: {  	s5 =	sadd.s32 s0, s12;
	s12 =	sadd.s32 s0, s4;
	s0 =	sadd.s32 s13, s0  }
0x1c: {  	_ =	strace $0x8000004A;
	s13 =	sshrl.u32 s22, $0x2;
	s22 =	sshll.u32 s16, $0x7  }
0x1d: {  	s4 =	simm.s32 $0x4;
	s13 =	sadd.s32 s13, s1;
	s16 =	sadd.s32 s22, s1  }
0x1e: {  	s22 =	sadd.s32 $0x7800, s5;
	s24 =	sadd.s32 s3, s0;
	s25 =	sadd.s32 $0x500, s12  }
0x1f: {  	s0 =	simm.s32 $0x50;
	s3 =	simm.s32 $0x3;
	s5 =	simm.s32 $0x0  }
.LBB2_1:
0x20: {  	s6 =	rddreg [dreg:$0x3]  }
0x21: {  	[tilespmem:s26], [sflag:$0x1] =	stream.linear.gather [hbm4b:s6+s2], $0x2800, $0x38;
	[tilespmem:$0x1A000] =	vst v63  }
0x22: {  	s8 =	rddreg [dreg:$0x4]  }
0x23: {  	[tilespmem:s28], [sflag:$0x2] =	stream.linear.gather [hbm4b:s8+s2], $0x2800, $0x38;
	[tilespmem:$0x1A000] =	vst v63  }
0x24: {  	_ =	swait.ge [sflag:s29], $0x2800  }
0x25: {  	[sflag:s29] =	ssyncset.done $0x0  }
0x26: {  	[sflag:s29] =	ssyncadd.s32 $0xFFFFD800  }
0x27: {  	[spmem:s13] =	stream.linear.scatter [tilespmem:s26], [sflag:$0x5], $0x2800, $0x38;
	[tilespmem:$0x1A000] =	vst v63  }
0x28: {  	_ =	swait.ge [sflag:s30], $0x2800  }
0x29: {  	[sflag:s30] =	ssyncset.done $0x0  }
0x2a: {  	s9 =	rddreg [dreg:$0x5];
	[sflag:s30] =	ssyncadd.s32 $0xFFFFD800  }
0x2b: {  	[tilespmem:s26], [sflag:$0x1] =	stream.linear.gather [hbm4b:s9+s2], $0x2800, $0x38;
	[tilespmem:$0x1A000] =	vst v63  }
0x2c: {  	_ =	swait.ge [sflag:s31], $0x2800  }
0x2d: {  	[sflag:s31] =	ssyncset.done $0x0  }
0x2e: {  	[sflag:s31] =	ssyncadd.s32 $0xFFFFD800  }
0x2f: {  	[spmem:s14] =	stream.linear.scatter [tilespmem:s28], [sflag:$0x5], $0x2800, $0x38;
	[tilespmem:$0x1A000] =	vst v63  }
0x30: {  	_ =	swait.ge [sflag:s30], $0x2800  }
0x31: {  	[sflag:s30] =	ssyncset.done $0x0  }
0x32: {  	s7 =	rddreg [dreg:$0x6];
	[sflag:s30] =	ssyncadd.s32 $0xFFFFD800  }
0x33: {  	[tilespmem:s28], [sflag:$0x2] =	stream.linear.gather [hbm4b:s7+s2], $0x2800, $0x38;
	[tilespmem:$0x1A000] =	vst v63  }
0x34: {  	_ =	swait.ge [sflag:s29], $0x2800  }
0x35: {  	[sflag:s29] =	ssyncset.done $0x0  }
0x36: {  	[sflag:s29] =	ssyncadd.s32 $0xFFFFD800  }
0x37: {  	[spmem:s15] =	stream.linear.scatter [tilespmem:s26], [sflag:$0x5], $0x2800, $0x38;
	[tilespmem:$0x1A000] =	vst v63  }
0x38: {  	_ =	swait.ge [sflag:s30], $0x2800  }
0x39: {  	[sflag:s30] =	ssyncset.done $0x0  }
0x3a: {  	s8 =	rddreg [dreg:$0x7];
	[sflag:s30] =	ssyncadd.s32 $0xFFFFD800  }
0x3b: {  	[tilespmem:s26], [sflag:$0x1] =	stream.linear.gather [hbm4b:s8+s2], $0x2800, $0x38;
	[tilespmem:$0x1A000] =	vst v63  }
0x3c: {  	_ =	swait.ge [sflag:s31], $0x2800  }
0x3d: {  	[sflag:s31] =	ssyncset.done $0x0  }
0x3e: {  	[sflag:s31] =	ssyncadd.s32 $0xFFFFD800  }
0x3f: {  	[spmem:s16] =	stream.linear.scatter [tilespmem:s28], [sflag:$0x5], $0x2800, $0x38;
	[tilespmem:$0x1A000] =	vst v63  }
0x40: {  	_ =	swait.ge [sflag:s30], $0x2800  }
0x41: {  	[sflag:s30] =	ssyncset.done $0x0  }
0x42: {  	s9 =	rddreg [dreg:$0x8];
	[sflag:s30] =	ssyncadd.s32 $0xFFFFD800  }
0x43: {  	[tilespmem:s28], [sflag:$0x2] =	stream.linear.gather [hbm4b:s9+s2], $0x2800, $0x38;
	[tilespmem:$0x1A000] =	vst v63  }
0x44: {  	_ =	swait.ge [sflag:s29], $0x2800  }
0x45: {  	[sflag:s29] =	ssyncset.done $0x0  }
0x46: {  	[sflag:s29] =	ssyncadd.s32 $0xFFFFD800  }
0x47: {  	[spmem:s17] =	stream.linear.scatter [tilespmem:s26], [sflag:$0x5], $0x2800, $0x38;
	[tilespmem:$0x1A000] =	vst v63  }
0x48: {  	_ =	swait.ge [sflag:s30], $0x2800  }
0x49: {  	[sflag:s30] =	ssyncset.done $0x0  }
0x4a: {  	s7 =	rddreg [dreg:$0x9];
	[sflag:s30] =	ssyncadd.s32 $0xFFFFD800  }
0x4b: {  	[tilespmem:s26], [sflag:$0x1] =	stream.linear.gather [hbm4b:s7+s2], $0x2800, $0x38;
	[tilespmem:$0x1A000] =	vst v63  }
0x4c: {  	_ =	swait.ge [sflag:s31], $0x2800  }
0x4d: {  	[sflag:s31] =	ssyncset.done $0x0  }
0x4e: {  	[sflag:s31] =	ssyncadd.s32 $0xFFFFD800  }
0x4f: {  	[spmem:s18] =	stream.linear.scatter [tilespmem:s28], [sflag:$0x5], $0x2800, $0x38;
	[tilespmem:$0x1A000] =	vst v63  }
0x50: {  	_ =	swait.ge [sflag:s30], $0x2800  }
0x51: {  	[sflag:s30] =	ssyncset.done $0x0  }
0x52: {  	[sflag:s30] =	ssyncadd.s32 $0xFFFFD800  }
0x53: {  	[tilespmem:s28], [sflag:$0x2] =	stream.linear.gather [hbm4b:s11+s2], $0x2800, $0x38;
	[tilespmem:$0x1A000] =	vst v63  }
0x54: {  	_ =	swait.ge [sflag:s29], $0x2800  }
0x55: {  	[sflag:s29] =	ssyncset.done $0x0  }
0x56: {  	[sflag:s29] =	ssyncadd.s32 $0xFFFFD800  }
0x57: {  	[spmem:s19] =	stream.linear.scatter [tilespmem:s26], [sflag:$0x5], $0x2800, $0x38;
	[tilespmem:$0x1A000] =	vst v63  }
0x58: {  	_ =	swait.ge [sflag:s30], $0x2800  }
0x59: {  	[sflag:s30] =	ssyncset.done $0x0  }
0x5a: {  	[sflag:s30] =	ssyncadd.s32 $0xFFFFD800  }
0x5b: {  	_ =	swait.ge [sflag:s31], $0x2800  }
0x5c: {  	[sflag:s31] =	ssyncset.done $0x0  }
0x5d: {  	[sflag:s31] =	ssyncadd.s32 $0xFFFFD800  }
0x5e: {  	[spmem:s20] =	stream.linear.scatter [tilespmem:s28], [sflag:$0x5], $0x2800, $0x38;
	[tilespmem:$0x1A000] =	vst v63  }
0x5f: {  	_ =	swait.ge [sflag:s30], $0x2800  }
0x60: {  	[sflag:s30] =	ssyncset.done $0x0  }
0x61: {  	[sflag:s30] =	ssyncadd.s32 $0xFFFFD800  }
0x62: {  	[bflag:$0x0] =	sbarrier.arrive $0xFFFF  }
0x63: {  	[tilespmem:s10], [sflag:$0x5] =	stream.linear.gather [hbm4b:s21+s2], $0xC80, $0x38;
	[tilespmem:$0x1A000] =	vst v63  }
0x64: {  	_ =	swait.ge [sflag:s30], $0xC80  }
0x65: {  	[sflag:s30] =	ssyncset.done $0x0  }
0x66: {  	[sflag:s30] =	ssyncadd.s32 $0xFFFFF380  }
0x67: {  	[tilespmem:s26], [sflag:$0x1] =	stream.indirect.gather [spmem:s1], $0x80, s10, s0, $0xb8;
	[tilespmem:$0x1A000] =	vst v63  }
0x68: {  	s8 =	simm.s32 $0x14080  }
0x69: {  	[tilespmem:s28], [sflag:$0x2] =	stream.indirect.gather [spmem:s1], $0x80, s8, s0, $0xb8;
	[tilespmem:$0x1A000] =	vst v63  }
0x6a: {  	_ =	swait.ge [sflag:s29], $0x2800  }
0x6b: {  	[sflag:s29] =	ssyncset.done $0x0  }
0x6c: {  	[sflag:s29] =	ssyncadd.s32 $0xFFFFD800  }
0x6d: {  	[hbm4b:s12+s2] =	stream.linear.scatter [tilespmem:s26], [sflag:$0x3], $0x2800, $0x38;
	[tilespmem:$0x1A000] =	vst v63  }
0x6e: {  	_ =	swait.ge [sflag:s3], $0x2800  }
0x6f: {  	[sflag:s3] =	ssyncset.done $0x0  }
0x70: {  	s9 =	simm.s32 $0x14100;
	[sflag:s3] =	ssyncadd.s32 $0xFFFFD800  }
0x71: {  	[tilespmem:s26], [sflag:$0x1] =	stream.indirect.gather [spmem:s1], $0x80, s9, s0, $0xb8;
	[tilespmem:$0x1A000] =	vst v63  }
0x72: {  	_ =	swait.ge [sflag:s31], $0x2800  }
0x73: {  	[sflag:s31] =	ssyncset.done $0x0  }
0x74: {  	[sflag:s31] =	ssyncadd.s32 $0xFFFFD800  }
0x75: {  	[hbm4b:s25+s2] =	stream.linear.scatter [tilespmem:s28], [sflag:$0x4], $0x2800, $0x38;
	[tilespmem:$0x1A000] =	vst v63  }
0x76: {  	_ =	swait.ge [sflag:s4], $0x2800  }
0x77: {  	[sflag:s4] =	ssyncset.done $0x0  }
0x78: {  	s7 =	simm.s32 $0x14180;
	[sflag:s4] =	ssyncadd.s32 $0xFFFFD800  }
0x79: {  	[tilespmem:s28], [sflag:$0x2] =	stream.indirect.gather [spmem:s1], $0x80, s7, s0, $0xb8;
	[tilespmem:$0x1A000] =	vst v63  }
0x7a: {  	_ =	swait.ge [sflag:s29], $0x2800  }
0x7b: {  	s7 =	sadd.s32 $0x0, s24;
	[sflag:s29] =	ssyncset.done $0x0  }
0x7c: {  	s8 =	sadd.s32 $0xA00, s7;
	[sflag:s29] =	ssyncadd.s32 $0xFFFFD800  }
0x7d: {  	[hbm4b:s8+s2] =	stream.linear.scatter [tilespmem:s26], [sflag:$0x3], $0x2800, $0x38;
	[tilespmem:$0x1A000] =	vst v63  }
0x7e: {  	_ =	swait.ge [sflag:s3], $0x2800  }
0x7f: {  	[sflag:s3] =	ssyncset.done $0x0  }
0x80: {  	s9 =	simm.s32 $0x14200;
	[sflag:s3] =	ssyncadd.s32 $0xFFFFD800  }
0x81: {  	[tilespmem:s26], [sflag:$0x1] =	stream.indirect.gather [spmem:s1], $0x80, s9, s0, $0xb8;
	[tilespmem:$0x1A000] =	vst v63  }
0x82: {  	_ =	swait.ge [sflag:s31], $0x2800  }
0x83: {  	s6 =	simm.s32 $0xA00;
	[sflag:s31] =	ssyncset.done $0x0  }
0x84: {  	s8 =	sadd.s32 $0xF00, s7;
	s7 =	simm.s32 $0x14280;
	[sflag:s31] =	ssyncadd.s32 $0xFFFFD800  }
.LBB2_2:
0x85: {  	[hbm4b:s8+s2] =	stream.linear.scatter [tilespmem:s28], [sflag:$0x4], $0x2800, $0x38;
	[tilespmem:$0x1A000] =	vst v63  }
0x86: {  	s8 =	smov.u32 s6  }
0x87: {  	p0 =	sne.s32 s6, $0x6400;
	s6 =	sadd.s32 $0xA00, s6;
	_ =	swait.ge [sflag:s4], $0x2800  }
0x88: {  	[sflag:s4] =	ssyncset.done $0x0  }
0x89: {  	[sflag:s4] =	ssyncadd.s32 $0xFFFFD800  }
0x8a: {  	[tilespmem:s28], [sflag:$0x2] =	stream.indirect.gather [spmem:s1], $0x80, s7, s0, $0xb8;
	[tilespmem:$0x1A000] =	vst v63  }
0x8b: {  	_ =	swait.ge [sflag:s29], $0x2800  }
0x8c: {  	s8 =	sadd.s32 s8, s24;
	[sflag:s29] =	ssyncset.done $0x0  }
0x8d: {  	s9 =	sadd.s32 $0xA00, s8;
	[sflag:s29] =	ssyncadd.s32 $0xFFFFD800  }
0x8e: {  	[hbm4b:s9+s2] =	stream.linear.scatter [tilespmem:s26], [sflag:$0x3], $0x2800, $0x38;
	[tilespmem:$0x1A000] =	vst v63  }
0x8f: {  	_ =	swait.ge [sflag:s3], $0x2800  }
0x90: {  	[sflag:s3] =	ssyncset.done $0x0  }
.Ltmp0:
0x91: {  	s9 =	sadd.s32 $0x80, s7;
	[sflag:s3] =	ssyncadd.s32 $0xFFFFD800;
	(pc) =	sbr.rel @p0 .LBB2_2-.Ltmp0, $4  }
0x92: {  	[tilespmem:s26], [sflag:$0x1] =	stream.indirect.gather [spmem:s1], $0x80, s9, s0, $0xb8;
	[tilespmem:$0x1A000] =	vst v63  }
0x93: {  	_ =	swait.ge [sflag:s31], $0x2800  }
0x94: {  	[sflag:s31] =	ssyncset.done $0x0  }
0x95: {  	s8 =	sadd.s32 $0xF00, s8;
	s7 =	sadd.s32 $0x100, s7;
	[sflag:s31] =	ssyncadd.s32 $0xFFFFD800  }
0x96: {  	[hbm4b:s8+s2] =	stream.linear.scatter [tilespmem:s28], [sflag:$0x4], $0x2800, $0x38;
	[tilespmem:$0x1A000] =	vst v63  }
0x97: {  	_ =	swait.ge [sflag:s4], $0x2800  }
0x98: {  	[sflag:s4] =	ssyncset.done $0x0  }
0x99: {  	[sflag:s4] =	ssyncadd.s32 $0xFFFFD800  }
0x9a: {  	s5 =	sadd.s32 $0x1, s5;
	_ =	swait.ge [sflag:s29], $0x2800  }
0x9b: {  	p0 =	sne.s32 s5, s23;
	[sflag:s29] =	ssyncset.done $0x0  }
.Ltmp1:
0x9c: {  	[sflag:s29] =	ssyncadd.s32 $0xFFFFD800;
	(pc) =	sbr.rel @p0 .LBB2_1-.Ltmp1, $4  }
0x9d: {  	[hbm4b:s22+s2] =	stream.linear.scatter [tilespmem:s26], [sflag:$0x3], $0x2800, $0x38;
	[tilespmem:$0x1A000] =	vst v63  }
0x9e: {  	_ =	swait.ge [sflag:s3], $0x2800  }
0x9f: {  	[sflag:s3] =	ssyncset.done $0x0  }
0xa0: {  	[sflag:s3] =	ssyncadd.s32 $0xFFFFD800  }
0xa1: {  	_ =	sfence.sel $0x180000  }
0xa2: {  	[bflag:$0x0] =	sbarrier.arrive $0xFFFF  }
0xa3: {  	_ =	strace $0x9000004A  }
0xa4: {  	s0 =	stileid.u32;
	[bflag:$0x2] =	sbarrier.arrive $0xFFFF  }
0xa5: {  	p0 =	sne.s32 s0, $0x0;
	s0 =	rddreg [dreg:$0x2]  }
0xa6: {  	s0 =	sadd.s32 @!p0 $0x100000, s0  }
0xa7: {  	[sflag:s0] =	ssyncadd.tile.s32 @!p0 $0x1;
	_ =	shalt  }
.Lfunc_end2:
_tile_overlayer_lowered:
.L_overlay_start_2:
0xa8: {  	(tag) =	ssettag $0x2  }
0xa9: {  	s0 =	rddreg [dreg:$0x0];
	s2 =	stileid.u32  }
0xaa: {  	s1 =	rddreg [dreg:$0x1];
	p0 =	sne.s32 s2, $0x0  }
0xab: {  	s3 =	rddreg [dreg:$0x2];
	[bflag:$0x3] =	sbarrier.arrive $0xFFFF;
	s2 =	simm.s32 @!p0 $0x1C05  }
0xac: {  	[timem:s3], [sflag:s2] =	dma.local @!p0 [hbm:s0], s1  }
0xad: {  	s0 =	simm.s32 @!p0 $0x5  }
0xae: {  	_ =	swait.ge @!p0 [sflag:s0], s1  }
0xaf: {  	s1 =	ssub.s32 @!p0 $0x0, s1;
	[sflag:s0] =	ssyncset.done @!p0 $0x0  }
0xb0: {  	[sflag:s0] =	ssyncadd.s32 @!p0 s1  }
0xb1: {  	[bflag:$0x3] =	sbarrier.arrive $0xFFFF  }
0xb2: {  	_ =	shalt  }

// kernel: kernel.20.cloned.1.call-start
scs
__scs_entry_jumppad:
0x0: {  	(pc) =	sbr.rel $0x88, $3  }
0x1: {  	(tag) =	ssettag $0x0;
	lr =	simm.s32 $0x1  }
0x2: {  	[smem:$0x3F98] =	sst lr;
	_ =	strace $0xD0000000  }
0x3: {  	_ = 	snop  }
0x4: {  	_ = 	snop  }
0x5: {  	_ = 	snop  }
0x6: {  	_ = 	snop  }
0x7: {  	_ = 	snop  }
__scs_overlays_trampoline_lowered:
0x8: {  	[smem:$0x3FA7] =	sst s0  }
0x9: {  	[smem:$0x3FA8] =	sst s1  }
0xa: {  	[smem:$0x3FA9] =	sst s2  }
0xb: {  	[smem:$0x3FAA] =	sst s3  }
0xc: {  	[smem:$0x3FAB] =	sst s4  }
0xd: {  	[smem:$0x3FAC] =	sst s5  }
0xe: {  	[smem:$0x3FAD] =	sst s6  }
0xf: {  	[smem:$0x3FAE] =	sst s7  }
0x10: {  	[smem:$0x3FAF] =	sst s8  }
0x11: {  	[smem:$0x3FB0] =	sst s9;
	s0 =	simm.s32 @!p0 $0x0  }
0x12: {  	s1 =	sld [smem:$0x3F96];
	s0 =	simm.s32 @p0 $0x1  }
0x13: {  	[smem:$0x3FB1] =	sst s0;
	s0 =	simm.s32 @!p1 $0x0  }
0x14: {  	s2 =	sld [smem:$0x3F95];
	s0 =	simm.s32 @p1 $0x1  }
0x15: {  	[smem:$0x3FB2] =	sst s0;
	s0 =	simm.s32 @!p2 $0x0  }
0x16: {  	s3 =	sld [smem:$0x3FDB];
	s0 =	simm.s32 @p2 $0x1  }
0x17: {  	s4 =	simm.s32 $0x1BF5;
	[smem:$0x3FB4] =	sst s0  }
0x18: {  	s0 =	sld [smem:$0x3F97];
	_ =	swait.ge [sflag:s4], $0x0  }
0x19: {  	s7 =	sld [smem:$0x3F98]  }
0x1a: {  	s8 =	sadd.s32 $0xFFFFE003, lr  }
0x1b: {  	s9 =	sadd.s32 $0xFFFFFEF7, lr;
	s5 =	simm.s32 $0xFFFFFFFF;
	p2 =	slt.u32 s8, $0xFFFFF086  }
0x1c: {  	p1 =	slt.u32 s9, $0xF7A;
	s5 =	simm.s32 @!p2 $0x0  }
0x1d: {  	s5 =	simm.s32 @p1 $0x1;
	p0 =	seq.s32 s7, s2  }
0x1e: {  	s7 =	smul.u32 @!p0 $0xF7A, s2;
	p2 =	seq.s32 @!p0 s5, $0x0  }
0x1f: {  	s9 =	smul.u32 $0xF7A, s1;
	s8 =	simm.s32 @!p0 $0x1BF5;
	p2 =	por !p2, p0  }
0x20: {  	[sflag:s8] =	ssyncset.s32 @!p0 $0xFFFFF086;
	s6 =	sadd.s32 @!p0 s3, s7;
	s7 =	simm.s32 @!p0 $0x108  }
0x21: {  	s3 =	sadd.s32 s3, s9;
	s6 =	sadd.s32 @!p0 $0x88, s6;
	s7 =	simm.s32 @p2 $0x1082  }
0x22: {  	[simem:s7], [sflag:s8] =	dma.local @!p0 [hbm:s6], $0xF7A  }
0x23: {  	s9 =	sor.u32 $0xD0000000, s2;
	s6 =	simm.s32 $0x108;
	_ =	swait.ge @!p0 [sflag:s8], $0x0  }
0x24: {  	s3 =	sadd.s32 $0x88, s3;
	s6 =	simm.s32 @!p1 $0x1082;
	[sflag:s4] =	ssyncset.s32 $0xFFFFF086  }
0x25: {  	[simem:s6], [sflag:s4] =	dma.local [hbm:s3], $0xF7A  }
0x26: {  	[smem:$0x3F98] =	sst s1;
	(tag) =	ssettag s2;
	_ =	strace s9  }
0x27: {  	s1 =	sld [smem:$0x3FA8]  }
0x28: {  	s2 =	sld [smem:$0x3FA9]  }
0x29: {  	s4 =	sld [smem:$0x3FAB]  }
0x2a: {  	p0 =	seq.s32 s5, $0x0;
	s5 =	sld [smem:$0x3FAC]  }
0x2b: {  	s6 =	sld [smem:$0x3FAD]  }
0x2c: {  	s7 =	sld [smem:$0x3FAE]  }
0x2d: {  	s3 =	simm.s32 $0x108;
	s8 =	sld [smem:$0x3FAF]  }
0x2e: {  	s3 =	simm.s32 @!p0 $0x1082;
	s9 =	sld [smem:$0x3FB0]  }
0x2f: {  	lr =	sadd.s32 s0, s3;
	s0 =	sld [smem:$0x3FA7]  }
0x30: {  	s3 =	sld [smem:$0x3FAA]  }
0x31: {  	[smem:$0x3FB3] =	sst s10  }
0x32: {  	s10 =	sld [smem:$0x3FB1];
	_ =	sdelay $0x3  }
0x33: {  	p0 =	seq.s32 s10, $0x1;
	s10 =	sld [smem:$0x3FB3];
	_ =	sdelay $0x3  }
0x34: {  	[smem:$0x3FB3] =	sst s10  }
0x35: {  	s10 =	sld [smem:$0x3FB2];
	_ =	sdelay $0x3  }
0x36: {  	p1 =	seq.s32 s10, $0x1;
	s10 =	sld [smem:$0x3FB3];
	_ =	sdelay $0x3  }
0x37: {  	[smem:$0x3FB3] =	sst s10  }
0x38: {  	s10 =	sld [smem:$0x3FB4]  }
0x39: {  	_ = 	snop;
	(pc) =	sbr.ind lr, $3  }
0x3a: {  	_ = 	snop  }
0x3b: {  	_ = 	snop  }
0x3c: {  	p2 =	seq.s32 s10, $0x1;
	s10 =	sld [smem:$0x3FB3]  }
0x3d: {  	_ =	shalt  }
0x3e: {  	_ =	shalt  }
0x3f: {  	_ =	shalt  }
0x40: {  	_ =	shalt  }
0x41: {  	_ =	shalt  }
0x42: {  	_ =	shalt  }
0x43: {  	_ =	shalt  }
0x44: {  	_ =	shalt  }
0x45: {  	_ =	shalt  }
0x46: {  	_ =	shalt  }
0x47: {  	_ =	shalt  }
0x48: {  	_ =	shalt  }
0x49: {  	_ =	shalt  }
0x4a: {  	_ =	shalt  }
0x4b: {  	_ =	shalt  }
0x4c: {  	_ =	shalt  }
0x4d: {  	_ =	shalt  }
0x4e: {  	_ =	shalt  }
0x4f: {  	_ =	shalt  }
0x50: {  	_ =	shalt  }
0x51: {  	_ =	shalt  }
0x52: {  	_ =	shalt  }
0x53: {  	_ =	shalt  }
0x54: {  	_ =	shalt  }
0x55: {  	_ =	shalt  }
0x56: {  	_ =	shalt  }
0x57: {  	_ =	shalt  }
0x58: {  	_ =	shalt  }
0x59: {  	_ =	shalt  }
0x5a: {  	_ =	shalt  }
0x5b: {  	_ =	shalt  }
0x5c: {  	_ =	shalt  }
0x5d: {  	_ =	shalt  }
0x5e: {  	_ =	shalt  }
0x5f: {  	_ =	shalt  }
0x60: {  	_ =	shalt  }
0x61: {  	_ =	shalt  }
0x62: {  	_ =	shalt  }
0x63: {  	_ =	shalt  }
0x64: {  	_ =	shalt  }
0x65: {  	_ =	shalt  }
0x66: {  	_ =	shalt  }
0x67: {  	_ =	shalt  }
0x68: {  	_ =	shalt  }
0x69: {  	_ =	shalt  }
0x6a: {  	_ =	shalt  }
0x6b: {  	_ =	shalt  }
0x6c: {  	_ =	shalt  }
0x6d: {  	_ =	shalt  }
0x6e: {  	_ =	shalt  }
0x6f: {  	_ =	shalt  }
0x70: {  	_ =	shalt  }
0x71: {  	_ =	shalt  }
0x72: {  	_ =	shalt  }
0x73: {  	_ =	shalt  }
0x74: {  	_ =	shalt  }
0x75: {  	_ =	shalt  }
0x76: {  	_ =	shalt  }
0x77: {  	_ =	shalt  }
0x78: {  	_ =	shalt  }
0x79: {  	_ =	shalt  }
0x7a: {  	_ =	shalt  }
0x7b: {  	_ =	shalt  }
0x7c: {  	_ =	shalt  }
0x7d: {  	_ =	shalt  }
0x7e: {  	_ =	shalt  }
0x7f: {  	_ =	shalt  }
0x80: {  	_ =	shalt  }
0x81: {  	_ =	shalt  }
0x82: {  	_ =	shalt  }
0x83: {  	_ =	shalt  }
0x84: {  	_ =	shalt  }
0x85: {  	_ =	shalt  }
0x86: {  	_ =	shalt  }
0x87: {  	_ =	shalt  }
.Lfunc_end0:
.L_simem_size_0:
called_computation.2_lowered:
.L_overlay_start_0:
0x88: {  	s2 =	sld [smem:$0x3FD9]  }
0x89: {  	s3 =	sld [smem:$0x3FFE];
	_ =	sdelay $0x1  }
0x8a: {  	s1 =	srdreg.scid  }
0x8b: {  	s0 =	sand.u32 $0x1, s1  }
0x8c: {  	s17 =	sshll.u32 s0, $0xA;
	s2 =	sadd.s32 s3, s2  }
0x8d: {  	s2 =	sadd.s32 s2, s17  }
0x8e: {  	[smem:$0x3FBF] =	sst s2  }
0x8f: {  	_ = 	snop  }
0x90: {  	(tm) =	ssettm $0x1  }
0x91: {  	s18 =	sld [smem:$0x3FFB];
	_ =	sdelay $0x3  }
0x92: {  	_ =	strace s18  }
0x93: {  	s2 =	sld [smem:$0x3FFC];
	_ =	sdelay $0x3  }
0x94: {  	_ =	strace s2  }
0x95: {  	s2 =	sld [smem:$0x3FFD];
	_ =	sdelay $0x3  }
0x96: {  	_ =	strace s2  }
0x97: {  	_ =	strace $0x8FFFFFFF  }
0x98: {  	s19 =	sld [smem:$0x3FDB];
	_ =	sdelay $0x1  }
0x99: {  	s20 =	simm.s32 $_scs_section_size  }
0x9a: {  	s4 =	simm.s32 $_size__tile_overlayer_lowered;
	s5 =	simm.s32 $_tile_overlayer_lowered  }
0x9b: {  	s6 =	simm.s32 $0x1BFF;
	s21 =	sshll.u32 s5, $0x1;
	s3 =	sadd.s32 s20, s19  }
0x9c: {  	s22 =	simm.s32 $0x0;
	s4 =	sshll.u32 s4, $0x1;
	s5 =	sadd.s32 s21, s3  }
0x9d: {  	[timem:s22], [sflag:s6] =	dma.local [hbm:s5], s4  }
0x9e: {  	_ =	swait.ge [sflag:s6], s4  }
0x9f: {  	s4 =	ssub.s32 $0x0, s4;
	[sflag:s6] =	ssyncset.done $0x0  }
0xa0: {  	[sflag:s6] =	ssyncadd.s32 s4;
	_ =	sdelay $0x1  }
0xa1: {  	s23 =	simm.s32 $0x1B8B  }
0xa2: {  	_ =	swait.ge [sflag:s23], $0x1  }
0xa3: {  	[sflag:s23] =	ssyncset.done $0x0  }
0xa4: {  	[sflag:s23] =	ssyncadd.s32 $0xFFFFFFFF  }
0xa5: {  	s4 =	sld [smem:$0x0]  }
0xa6: {  	s5 =	sand.u32 $0xFFFFFFFE, s1  }
0xa7: {  	p0 =	sne.s32 s1, s5  }
0xa8: {  	s5 =	sshll.u32 @p0 s5, $0xE  }
0xa9: {  	s5 =	sadd.s32 @p0 $0x11B8D, s5;
	s6 =	sshll.u32 @p0 s4, $0x11  }
0xaa: {  	s5 =	sor.u32 @p0 s6, s5  }
0xab: {  	[sflag:s5] =	ssyncadd.remote.s32 @p0 $0x1;
	_ =	sdelay $0x1  }
0xac: {  	s5 =	simm.s32 @p0 $0x1B8D  }
0xad: {  	_ =	swait.eq @p0 [sflag:s5], $0x1  }
0xae: {  	[sflag:s5] =	ssyncadd.s32 @p0 $0xFFFFFFFF  }
0xaf: {  	s6 =	sshll.u32 @!p0 s1, $0xE  }
0xb0: {  	s6 =	sor.u32 @!p0 $0x4000, s6;
	s5 =	simm.s32 @!p0 $0x1B8D  }
0xb1: {  	s4 =	sshll.u32 @!p0 s4, $0x11;
	s6 =	sadd.s32 @!p0 $0x11B8D, s6;
	_ =	swait.eq @!p0 [sflag:s5], $0x1  }
0xb2: {  	s4 =	sor.u32 @!p0 s4, s6;
	[sflag:s5] =	ssyncadd.s32 @!p0 $0xFFFFFFFF  }
0xb3: {  	s25 =	simm.s32 $0x1B8E;
	s24 =	sld [smem:$0x3FFE];
	[sflag:s4] =	ssyncadd.remote.s32 @!p0 $0x1  }
0xb4: {  	s26 =	simm.s32 $execute0_lowered;
	[smem:$0x3FD2] =	sst s25  }
0xb5: {  	s5 =	sshll.u32 s26, $0x1;
	_ =	strace $0x8000004C;
	[dreg:$0x1] =	wrdreg $0xFFFFFFFF  }
0xb6: {  	s28 =	simm.s32 $_size_execute0_lowered;
	s3 =	sadd.s32 s3, s5;
	[dreg:$0x0] =	wrdreg $0x0  }
0xb7: {  	s5 =	sshll.u32 s28, $0x1;
	[dreg:$0x2] =	wrdreg s3  }
0xb8: {  	[dreg:$0x3] =	wrdreg s5  }
0xb9: {  	[dreg:$0x4] =	wrdreg $0xC0  }
0xba: {  	_ =	task [dreg:s22], $0x5FFFF  }
0xbb: {  	[dreg:$0x1] =	wrdreg $0xFFFFFFFF  }
0xbc: {  	[dreg:$0x0] =	wrdreg $0x60  }
0xbd: {  	[dreg:$0x2] =	wrdreg s24  }
0xbe: {  	[dreg:$0x3] =	wrdreg $0x0  }
0xbf: {  	[dreg:$0x4] =	wrdreg $0xA  }
0xc0: {  	_ =	task.clear_ibuf [dreg:s22], $0x5FFFF;
	_ =	strace $0x9000004C  }
0xc1: {  	s29 =	simm.s32 $0xA;
	_ =	strace $0x8000004E  }
0xc2: {  	_ =	swait.ge [sflag:s29], $0x1  }
0xc3: {  	[sflag:s29] =	ssyncadd.s32 $0xFFFFFFFF  }
0xc4: {  	_ =	strace $0x9000004E  }
0xc5: {  	_ =	sfence  }
0xc6: {  	s30 =	sld [smem:$0x0];
	_ =	sdelay $0x2  }
0xc7: {  	s31 =	sshll.u32 s1, $0xD;
	s1 =	sshrl.u32 s1, $0x2  }
0xc8: {  	s4 =	sand.u32 $0x4000, s31;
	s1 =	sadd.s32 s1, s30  }
0xc9: {  	s0 =	sor.u32 s4, s0;
	s1 =	sshll.u32 s1, $0x11  }
0xca: {  	s0 =	sor.u32 s1, s0  }
0xcb: {  	s0 =	sadd.s32 $0x8F2B, s0  }
0xcc: {  	[sflag:s0] =	ssyncadd.remote.s32 $0x1  }
0xcd: {  	_ =	sfence.sel $0xFFFF  }
0xce: {  	[dreg:$0x0] =	wrdreg $0xFFFFFFFF;
	(pc) =	sbr.abs _section_cstart, $3  }
0xcf: {  	[dreg:$0x1] =	wrdreg $0xFFFFFFFF  }
0xd0: {  	_ =	task.clear_ibuf [dreg:s22], $0x2FFFF;
	_ =	strace $0x9FFFFFFF  }
0xd1: {  	(tm) =	ssettm $0x7FFFFFFF  }
tec
execute0_lowered:
.L_overlay_start_1:
0x0: {  	(tag) =	ssettag $0x1  }
0x1: {  	s0 =	rddreg [dreg:$0x0]  }
0x2: {  	s1 =	rddreg [dreg:$0x1]  }
0x3: {  	s3 =	srdreg.scid;
	s13 =	stileid.u32  }
0x4: {  	s2 =	simm.s32 $0x0;
	s28 =	simm.s32 $0x17800;
	s29 =	simm.s32 $0x1  }
0x5: {  	s30 =	simm.s32 $0x5;
	s31 =	simm.s32 $0x2;
	s7 =	smul.u32 $0x280, s13  }
0x6: {  	s3 =	sand.u32 $0x1, s3;
	s4 =	sshll.u32 s13, $0x1;
	s10 =	smul.u32 $0x2800, s13  }
0x7: {  	[smem:$0x7FF] =	sst s2;
	s5 =	sadd.s32 $0x1A800, s0;
	s22 =	smul.u32 $0x50000, s13  }
0x8: {  	s13 =	smul.u32 $0xFA00, s13;
	s4 =	sor.u32 s3, s4;
	s8 =	ssub.s32 $0x2, s3  }
0x9: {  	s3 =	smul.u32 $0x7D00, s3;
	s6 =	sshll.u32 s4, $0x9;
	s9 =	sshrl.u32 s8, $0x1  }
0xa: {  	s14 =	sor.u32 $0x50, s7;
	s15 =	sadd.s32 $0xA0, s7;
	s10 =	sadd.s32 s5, s10  }
0xb: {  	s16 =	sadd.s32 $0xF0, s7;
	s17 =	sadd.s32 $0x140, s7;
	s18 =	sadd.s32 $0x190, s7  }
0xc: {  	s19 =	sadd.s32 $0x1E0, s7;
	s7 =	sadd.s32 $0x230, s7;
	s12 =	smul.u32 $0x3E800, s4  }
0xd: {  	s4 =	smul.u32 $0x7D00, s4;
	s6 =	sadd.s32 s6, s0;
	s0 =	sadd.s32 $0x13C800, s0  }
0xe: {  	s8 =	ssub.s32 s8, s9;
	s20 =	sshll.u32 s14, $0x4;
	[dreg:$0x3] =	wrdreg s10  }
0xf: {  	s21 =	sshll.u32 s15, $0x4;
	s23 =	sshll.u32 s16, $0x4;
	s24 =	sshll.u32 s17, $0x4  }
0x10: {  	s11 =	sshll.u32 s18, $0x4;
	s26 =	sshll.u32 s19, $0x4;
	s10 =	simm.s32 $0x14000  }
0x11: {  	s9 =	sadd.s32 s5, s20;
	s25 =	sadd.s32 s5, s11;
	s12 =	sshrl.u32 s12, $0x3  }
0x12: {  	s20 =	sshll.u32 s14, $0x7;
	[dreg:$0x4] =	wrdreg s9;
	s9 =	sadd.s32 s5, s21  }
0x13: {  	[dreg:$0x8] =	wrdreg s25;
	s21 =	sshll.u32 s15, $0x7;
	s14 =	sadd.s32 s20, s1  }
0x14: {  	s25 =	sshll.u32 s19, $0x7;
	[dreg:$0x5] =	wrdreg s9;
	s9 =	sadd.s32 s5, s23  }
0x15: {  	s15 =	sadd.s32 s21, s1;
	s23 =	sshll.u32 s17, $0x7;
	s19 =	sadd.s32 s25, s1  }
0x16: {  	s21 =	sadd.s32 $0x4200, s6;
	[dreg:$0x6] =	wrdreg s9;
	s9 =	sadd.s32 s5, s24  }
0x17: {  	s24 =	sshll.u32 s18, $0x7;
	s17 =	sadd.s32 s23, s1;
	s23 =	smax.u32 s8, $0x1  }
0x18: {  	[dreg:$0x7] =	wrdreg s9;
	s9 =	sadd.s32 s5, s26;
	s18 =	sadd.s32 s24, s1  }
0x19: {  	s26 =	sshll.u32 s7, $0x7;
	[dreg:$0x9] =	wrdreg s9;
	s9 =	sshll.u32 s7, $0x4  }
0x1a: {  	s20 =	sadd.s32 s26, s1;
	s26 =	simm.s32 $0x15000;
	s11 =	sadd.s32 s5, s9  }
0x1b: {  	s5 =	sadd.s32 s0, s12;
	s12 =	sadd.s32 s0, s4;
	s0 =	sadd.s32 s13, s0  }
0x1c: {  	_ =	strace $0x8000004D;
	s13 =	sshrl.u32 s22, $0x2;
	s22 =	sshll.u32 s16, $0x7  }
0x1d: {  	s4 =	simm.s32 $0x4;
	s13 =	sadd.s32 s13, s1;
	s16 =	sadd.s32 s22, s1  }
0x1e: {  	s22 =	sadd.s32 $0x7800, s5;
	s24 =	sadd.s32 s3, s0;
	s25 =	sadd.s32 $0x500, s12  }
0x1f: {  	s0 =	simm.s32 $0x50;
	s3 =	simm.s32 $0x3;
	s5 =	simm.s32 $0x0  }
.LBB2_1:
0x20: {  	s6 =	rddreg [dreg:$0x3]  }
0x21: {  	[tilespmem:s26], [sflag:$0x1] =	stream.linear.gather [hbm4b:s6+s2], $0x2800, $0x38;
	[tilespmem:$0x1A000] =	vst v63  }
0x22: {  	s8 =	rddreg [dreg:$0x4]  }
0x23: {  	[tilespmem:s28], [sflag:$0x2] =	stream.linear.gather [hbm4b:s8+s2], $0x2800, $0x38;
	[tilespmem:$0x1A000] =	vst v63  }
0x24: {  	_ =	swait.ge [sflag:s29], $0x2800  }
0x25: {  	[sflag:s29] =	ssyncset.done $0x0  }
0x26: {  	[sflag:s29] =	ssyncadd.s32 $0xFFFFD800  }
0x27: {  	[spmem:s13] =	stream.linear.scatter [tilespmem:s26], [sflag:$0x5], $0x2800, $0x38;
	[tilespmem:$0x1A000] =	vst v63  }
0x28: {  	_ =	swait.ge [sflag:s30], $0x2800  }
0x29: {  	[sflag:s30] =	ssyncset.done $0x0  }
0x2a: {  	s9 =	rddreg [dreg:$0x5];
	[sflag:s30] =	ssyncadd.s32 $0xFFFFD800  }
0x2b: {  	[tilespmem:s26], [sflag:$0x1] =	stream.linear.gather [hbm4b:s9+s2], $0x2800, $0x38;
	[tilespmem:$0x1A000] =	vst v63  }
0x2c: {  	_ =	swait.ge [sflag:s31], $0x2800  }
0x2d: {  	[sflag:s31] =	ssyncset.done $0x0  }
0x2e: {  	[sflag:s31] =	ssyncadd.s32 $0xFFFFD800  }
0x2f: {  	[spmem:s14] =	stream.linear.scatter [tilespmem:s28], [sflag:$0x5], $0x2800, $0x38;
	[tilespmem:$0x1A000] =	vst v63  }
0x30: {  	_ =	swait.ge [sflag:s30], $0x2800  }
0x31: {  	[sflag:s30] =	ssyncset.done $0x0  }
0x32: {  	s7 =	rddreg [dreg:$0x6];
	[sflag:s30] =	ssyncadd.s32 $0xFFFFD800  }
0x33: {  	[tilespmem:s28], [sflag:$0x2] =	stream.linear.gather [hbm4b:s7+s2], $0x2800, $0x38;
	[tilespmem:$0x1A000] =	vst v63  }
0x34: {  	_ =	swait.ge [sflag:s29], $0x2800  }
0x35: {  	[sflag:s29] =	ssyncset.done $0x0  }
0x36: {  	[sflag:s29] =	ssyncadd.s32 $0xFFFFD800  }
0x37: {  	[spmem:s15] =	stream.linear.scatter [tilespmem:s26], [sflag:$0x5], $0x2800, $0x38;
	[tilespmem:$0x1A000] =	vst v63  }
0x38: {  	_ =	swait.ge [sflag:s30], $0x2800  }
0x39: {  	[sflag:s30] =	ssyncset.done $0x0  }
0x3a: {  	s8 =	rddreg [dreg:$0x7];
	[sflag:s30] =	ssyncadd.s32 $0xFFFFD800  }
0x3b: {  	[tilespmem:s26], [sflag:$0x1] =	stream.linear.gather [hbm4b:s8+s2], $0x2800, $0x38;
	[tilespmem:$0x1A000] =	vst v63  }
0x3c: {  	_ =	swait.ge [sflag:s31], $0x2800  }
0x3d: {  	[sflag:s31] =	ssyncset.done $0x0  }
0x3e: {  	[sflag:s31] =	ssyncadd.s32 $0xFFFFD800  }
0x3f: {  	[spmem:s16] =	stream.linear.scatter [tilespmem:s28], [sflag:$0x5], $0x2800, $0x38;
	[tilespmem:$0x1A000] =	vst v63  }
0x40: {  	_ =	swait.ge [sflag:s30], $0x2800  }
0x41: {  	[sflag:s30] =	ssyncset.done $0x0  }
0x42: {  	s9 =	rddreg [dreg:$0x8];
	[sflag:s30] =	ssyncadd.s32 $0xFFFFD800  }
0x43: {  	[tilespmem:s28], [sflag:$0x2] =	stream.linear.gather [hbm4b:s9+s2], $0x2800, $0x38;
	[tilespmem:$0x1A000] =	vst v63  }
0x44: {  	_ =	swait.ge [sflag:s29], $0x2800  }
0x45: {  	[sflag:s29] =	ssyncset.done $0x0  }
0x46: {  	[sflag:s29] =	ssyncadd.s32 $0xFFFFD800  }
0x47: {  	[spmem:s17] =	stream.linear.scatter [tilespmem:s26], [sflag:$0x5], $0x2800, $0x38;
	[tilespmem:$0x1A000] =	vst v63  }
0x48: {  	_ =	swait.ge [sflag:s30], $0x2800  }
0x49: {  	[sflag:s30] =	ssyncset.done $0x0  }
0x4a: {  	s7 =	rddreg [dreg:$0x9];
	[sflag:s30] =	ssyncadd.s32 $0xFFFFD800  }
0x4b: {  	[tilespmem:s26], [sflag:$0x1] =	stream.linear.gather [hbm4b:s7+s2], $0x2800, $0x38;
	[tilespmem:$0x1A000] =	vst v63  }
0x4c: {  	_ =	swait.ge [sflag:s31], $0x2800  }
0x4d: {  	[sflag:s31] =	ssyncset.done $0x0  }
0x4e: {  	[sflag:s31] =	ssyncadd.s32 $0xFFFFD800  }
0x4f: {  	[spmem:s18] =	stream.linear.scatter [tilespmem:s28], [sflag:$0x5], $0x2800, $0x38;
	[tilespmem:$0x1A000] =	vst v63  }
0x50: {  	_ =	swait.ge [sflag:s30], $0x2800  }
0x51: {  	[sflag:s30] =	ssyncset.done $0x0  }
0x52: {  	[sflag:s30] =	ssyncadd.s32 $0xFFFFD800  }
0x53: {  	[tilespmem:s28], [sflag:$0x2] =	stream.linear.gather [hbm4b:s11+s2], $0x2800, $0x38;
	[tilespmem:$0x1A000] =	vst v63  }
0x54: {  	_ =	swait.ge [sflag:s29], $0x2800  }
0x55: {  	[sflag:s29] =	ssyncset.done $0x0  }
0x56: {  	[sflag:s29] =	ssyncadd.s32 $0xFFFFD800  }
0x57: {  	[spmem:s19] =	stream.linear.scatter [tilespmem:s26], [sflag:$0x5], $0x2800, $0x38;
	[tilespmem:$0x1A000] =	vst v63  }
0x58: {  	_ =	swait.ge [sflag:s30], $0x2800  }
0x59: {  	[sflag:s30] =	ssyncset.done $0x0  }
0x5a: {  	[sflag:s30] =	ssyncadd.s32 $0xFFFFD800  }
0x5b: {  	_ =	swait.ge [sflag:s31], $0x2800  }
0x5c: {  	[sflag:s31] =	ssyncset.done $0x0  }
0x5d: {  	[sflag:s31] =	ssyncadd.s32 $0xFFFFD800  }
0x5e: {  	[spmem:s20] =	stream.linear.scatter [tilespmem:s28], [sflag:$0x5], $0x2800, $0x38;
	[tilespmem:$0x1A000] =	vst v63  }
0x5f: {  	_ =	swait.ge [sflag:s30], $0x2800  }
0x60: {  	[sflag:s30] =	ssyncset.done $0x0  }
0x61: {  	[sflag:s30] =	ssyncadd.s32 $0xFFFFD800  }
0x62: {  	[bflag:$0x0] =	sbarrier.arrive $0xFFFF  }
0x63: {  	[tilespmem:s10], [sflag:$0x5] =	stream.linear.gather [hbm4b:s21+s2], $0xC80, $0x38;
	[tilespmem:$0x1A000] =	vst v63  }
0x64: {  	_ =	swait.ge [sflag:s30], $0xC80  }
0x65: {  	[sflag:s30] =	ssyncset.done $0x0  }
0x66: {  	[sflag:s30] =	ssyncadd.s32 $0xFFFFF380  }
0x67: {  	[tilespmem:s26], [sflag:$0x1] =	stream.indirect.gather [spmem:s1], $0x80, s10, s0, $0xb8;
	[tilespmem:$0x1A000] =	vst v63  }
0x68: {  	s8 =	simm.s32 $0x14080  }
0x69: {  	[tilespmem:s28], [sflag:$0x2] =	stream.indirect.gather [spmem:s1], $0x80, s8, s0, $0xb8;
	[tilespmem:$0x1A000] =	vst v63  }
0x6a: {  	_ =	swait.ge [sflag:s29], $0x2800  }
0x6b: {  	[sflag:s29] =	ssyncset.done $0x0  }
0x6c: {  	[sflag:s29] =	ssyncadd.s32 $0xFFFFD800  }
0x6d: {  	[hbm4b:s12+s2] =	stream.linear.scatter [tilespmem:s26], [sflag:$0x3], $0x2800, $0x38;
	[tilespmem:$0x1A000] =	vst v63  }
0x6e: {  	_ =	swait.ge [sflag:s3], $0x2800  }
0x6f: {  	[sflag:s3] =	ssyncset.done $0x0  }
0x70: {  	s9 =	simm.s32 $0x14100;
	[sflag:s3] =	ssyncadd.s32 $0xFFFFD800  }
0x71: {  	[tilespmem:s26], [sflag:$0x1] =	stream.indirect.gather [spmem:s1], $0x80, s9, s0, $0xb8;
	[tilespmem:$0x1A000] =	vst v63  }
0x72: {  	_ =	swait.ge [sflag:s31], $0x2800  }
0x73: {  	[sflag:s31] =	ssyncset.done $0x0  }
0x74: {  	[sflag:s31] =	ssyncadd.s32 $0xFFFFD800  }
0x75: {  	[hbm4b:s25+s2] =	stream.linear.scatter [tilespmem:s28], [sflag:$0x4], $0x2800, $0x38;
	[tilespmem:$0x1A000] =	vst v63  }
0x76: {  	_ =	swait.ge [sflag:s4], $0x2800  }
0x77: {  	[sflag:s4] =	ssyncset.done $0x0  }
0x78: {  	s7 =	simm.s32 $0x14180;
	[sflag:s4] =	ssyncadd.s32 $0xFFFFD800  }
0x79: {  	[tilespmem:s28], [sflag:$0x2] =	stream.indirect.gather [spmem:s1], $0x80, s7, s0, $0xb8;
	[tilespmem:$0x1A000] =	vst v63  }
0x7a: {  	_ =	swait.ge [sflag:s29], $0x2800  }
0x7b: {  	s7 =	sadd.s32 $0x0, s24;
	[sflag:s29] =	ssyncset.done $0x0  }
0x7c: {  	s8 =	sadd.s32 $0xA00, s7;
	[sflag:s29] =	ssyncadd.s32 $0xFFFFD800  }
0x7d: {  	[hbm4b:s8+s2] =	stream.linear.scatter [tilespmem:s26], [sflag:$0x3], $0x2800, $0x38;
	[tilespmem:$0x1A000] =	vst v63  }
0x7e: {  	_ =	swait.ge [sflag:s3], $0x2800  }
0x7f: {  	[sflag:s3] =	ssyncset.done $0x0  }
0x80: {  	s9 =	simm.s32 $0x14200;
	[sflag:s3] =	ssyncadd.s32 $0xFFFFD800  }
0x81: {  	[tilespmem:s26], [sflag:$0x1] =	stream.indirect.gather [spmem:s1], $0x80, s9, s0, $0xb8;
	[tilespmem:$0x1A000] =	vst v63  }
0x82: {  	_ =	swait.ge [sflag:s31], $0x2800  }
0x83: {  	s6 =	simm.s32 $0xA00;
	[sflag:s31] =	ssyncset.done $0x0  }
0x84: {  	s8 =	sadd.s32 $0xF00, s7;
	s7 =	simm.s32 $0x14280;
	[sflag:s31] =	ssyncadd.s32 $0xFFFFD800  }
.LBB2_2:
0x85: {  	[hbm4b:s8+s2] =	stream.linear.scatter [tilespmem:s28], [sflag:$0x4], $0x2800, $0x38;
	[tilespmem:$0x1A000] =	vst v63  }
0x86: {  	s8 =	smov.u32 s6  }
0x87: {  	p0 =	sne.s32 s6, $0x6400;
	s6 =	sadd.s32 $0xA00, s6;
	_ =	swait.ge [sflag:s4], $0x2800  }
0x88: {  	[sflag:s4] =	ssyncset.done $0x0  }
0x89: {  	[sflag:s4] =	ssyncadd.s32 $0xFFFFD800  }
0x8a: {  	[tilespmem:s28], [sflag:$0x2] =	stream.indirect.gather [spmem:s1], $0x80, s7, s0, $0xb8;
	[tilespmem:$0x1A000] =	vst v63  }
0x8b: {  	_ =	swait.ge [sflag:s29], $0x2800  }
0x8c: {  	s8 =	sadd.s32 s8, s24;
	[sflag:s29] =	ssyncset.done $0x0  }
0x8d: {  	s9 =	sadd.s32 $0xA00, s8;
	[sflag:s29] =	ssyncadd.s32 $0xFFFFD800  }
0x8e: {  	[hbm4b:s9+s2] =	stream.linear.scatter [tilespmem:s26], [sflag:$0x3], $0x2800, $0x38;
	[tilespmem:$0x1A000] =	vst v63  }
0x8f: {  	_ =	swait.ge [sflag:s3], $0x2800  }
0x90: {  	[sflag:s3] =	ssyncset.done $0x0  }
.Ltmp0:
0x91: {  	s9 =	sadd.s32 $0x80, s7;
	[sflag:s3] =	ssyncadd.s32 $0xFFFFD800;
	(pc) =	sbr.rel @p0 .LBB2_2-.Ltmp0, $4  }
0x92: {  	[tilespmem:s26], [sflag:$0x1] =	stream.indirect.gather [spmem:s1], $0x80, s9, s0, $0xb8;
	[tilespmem:$0x1A000] =	vst v63  }
0x93: {  	_ =	swait.ge [sflag:s31], $0x2800  }
0x94: {  	[sflag:s31] =	ssyncset.done $0x0  }
0x95: {  	s8 =	sadd.s32 $0xF00, s8;
	s7 =	sadd.s32 $0x100, s7;
	[sflag:s31] =	ssyncadd.s32 $0xFFFFD800  }
0x96: {  	[hbm4b:s8+s2] =	stream.linear.scatter [tilespmem:s28], [sflag:$0x4], $0x2800, $0x38;
	[tilespmem:$0x1A000] =	vst v63  }
0x97: {  	_ =	swait.ge [sflag:s4], $0x2800  }
0x98: {  	[sflag:s4] =	ssyncset.done $0x0  }
0x99: {  	[sflag:s4] =	ssyncadd.s32 $0xFFFFD800  }
0x9a: {  	s5 =	sadd.s32 $0x1, s5;
	_ =	swait.ge [sflag:s29], $0x2800  }
0x9b: {  	p0 =	sne.s32 s5, s23;
	[sflag:s29] =	ssyncset.done $0x0  }
.Ltmp1:
0x9c: {  	[sflag:s29] =	ssyncadd.s32 $0xFFFFD800;
	(pc) =	sbr.rel @p0 .LBB2_1-.Ltmp1, $4  }
0x9d: {  	[hbm4b:s22+s2] =	stream.linear.scatter [tilespmem:s26], [sflag:$0x3], $0x2800, $0x38;
	[tilespmem:$0x1A000] =	vst v63  }
0x9e: {  	_ =	swait.ge [sflag:s3], $0x2800  }
0x9f: {  	[sflag:s3] =	ssyncset.done $0x0  }
0xa0: {  	[sflag:s3] =	ssyncadd.s32 $0xFFFFD800  }
0xa1: {  	_ =	sfence.sel $0x180000  }
0xa2: {  	[bflag:$0x0] =	sbarrier.arrive $0xFFFF  }
0xa3: {  	_ =	strace $0x9000004D  }
0xa4: {  	s0 =	stileid.u32;
	[bflag:$0x2] =	sbarrier.arrive $0xFFFF  }
0xa5: {  	p0 =	sne.s32 s0, $0x0;
	s0 =	rddreg [dreg:$0x2]  }
0xa6: {  	s0 =	sadd.s32 @!p0 $0x100000, s0  }
0xa7: {  	[sflag:s0] =	ssyncadd.tile.s32 @!p0 $0x1;
	_ =	shalt  }
.Lfunc_end2:
_tile_overlayer_lowered:
.L_overlay_start_2:
0xa8: {  	(tag) =	ssettag $0x2  }
0xa9: {  	s0 =	rddreg [dreg:$0x0];
	s2 =	stileid.u32  }
0xaa: {  	s1 =	rddreg [dreg:$0x1];
	p0 =	sne.s32 s2, $0x0  }
0xab: {  	s3 =	rddreg [dreg:$0x2];
	[bflag:$0x3] =	sbarrier.arrive $0xFFFF;
	s2 =	simm.s32 @!p0 $0x1C05  }
0xac: {  	[timem:s3], [sflag:s2] =	dma.local @!p0 [hbm:s0], s1  }
0xad: {  	s0 =	simm.s32 @!p0 $0x5  }
0xae: {  	_ =	swait.ge @!p0 [sflag:s0], s1  }
0xaf: {  	s1 =	ssub.s32 @!p0 $0x0, s1;
	[sflag:s0] =	ssyncset.done @!p0 $0x0  }
0xb0: {  	[sflag:s0] =	ssyncadd.s32 @!p0 s1  }
0xb1: {  	[bflag:$0x3] =	sbarrier.arrive $0xFFFF  }
0xb2: {  	_ =	shalt  }

// kernel: kernel.23.cloned.1.call-start
scs
__scs_entry_jumppad:
0x0: {  	(pc) =	sbr.rel $0x88, $3  }
0x1: {  	(tag) =	ssettag $0x0;
	lr =	simm.s32 $0x1  }
0x2: {  	[smem:$0x3F98] =	sst lr;
	_ =	strace $0xD0000000  }
0x3: {  	_ = 	snop  }
0x4: {  	_ = 	snop  }
0x5: {  	_ = 	snop  }
0x6: {  	_ = 	snop  }
0x7: {  	_ = 	snop  }
__scs_overlays_trampoline_lowered:
0x8: {  	[smem:$0x3FA7] =	sst s0  }
0x9: {  	[smem:$0x3FA8] =	sst s1  }
0xa: {  	[smem:$0x3FA9] =	sst s2  }
0xb: {  	[smem:$0x3FAA] =	sst s3  }
0xc: {  	[smem:$0x3FAB] =	sst s4  }
0xd: {  	[smem:$0x3FAC] =	sst s5  }
0xe: {  	[smem:$0x3FAD] =	sst s6  }
0xf: {  	[smem:$0x3FAE] =	sst s7  }
0x10: {  	[smem:$0x3FAF] =	sst s8  }
0x11: {  	[smem:$0x3FB0] =	sst s9;
	s0 =	simm.s32 @!p0 $0x0  }
0x12: {  	s1 =	sld [smem:$0x3F96];
	s0 =	simm.s32 @p0 $0x1  }
0x13: {  	[smem:$0x3FB1] =	sst s0;
	s0 =	simm.s32 @!p1 $0x0  }
0x14: {  	s2 =	sld [smem:$0x3F95];
	s0 =	simm.s32 @p1 $0x1  }
0x15: {  	[smem:$0x3FB2] =	sst s0;
	s0 =	simm.s32 @!p2 $0x0  }
0x16: {  	s3 =	sld [smem:$0x3FDB];
	s0 =	simm.s32 @p2 $0x1  }
0x17: {  	s4 =	simm.s32 $0x1BF5;
	[smem:$0x3FB4] =	sst s0  }
0x18: {  	s0 =	sld [smem:$0x3F97];
	_ =	swait.ge [sflag:s4], $0x0  }
0x19: {  	s7 =	sld [smem:$0x3F98]  }
0x1a: {  	s8 =	sadd.s32 $0xFFFFE003, lr  }
0x1b: {  	s9 =	sadd.s32 $0xFFFFFEF7, lr;
	s5 =	simm.s32 $0xFFFFFFFF;
	p2 =	slt.u32 s8, $0xFFFFF086  }
0x1c: {  	p1 =	slt.u32 s9, $0xF7A;
	s5 =	simm.s32 @!p2 $0x0  }
0x1d: {  	s5 =	simm.s32 @p1 $0x1;
	p0 =	seq.s32 s7, s2  }
0x1e: {  	s7 =	smul.u32 @!p0 $0xF7A, s2;
	p2 =	seq.s32 @!p0 s5, $0x0  }
0x1f: {  	s9 =	smul.u32 $0xF7A, s1;
	s8 =	simm.s32 @!p0 $0x1BF5;
	p2 =	por !p2, p0  }
0x20: {  	[sflag:s8] =	ssyncset.s32 @!p0 $0xFFFFF086;
	s6 =	sadd.s32 @!p0 s3, s7;
	s7 =	simm.s32 @!p0 $0x108  }
0x21: {  	s3 =	sadd.s32 s3, s9;
	s6 =	sadd.s32 @!p0 $0x88, s6;
	s7 =	simm.s32 @p2 $0x1082  }
0x22: {  	[simem:s7], [sflag:s8] =	dma.local @!p0 [hbm:s6], $0xF7A  }
0x23: {  	s9 =	sor.u32 $0xD0000000, s2;
	s6 =	simm.s32 $0x108;
	_ =	swait.ge @!p0 [sflag:s8], $0x0  }
0x24: {  	s3 =	sadd.s32 $0x88, s3;
	s6 =	simm.s32 @!p1 $0x1082;
	[sflag:s4] =	ssyncset.s32 $0xFFFFF086  }
0x25: {  	[simem:s6], [sflag:s4] =	dma.local [hbm:s3], $0xF7A  }
0x26: {  	[smem:$0x3F98] =	sst s1;
	(tag) =	ssettag s2;
	_ =	strace s9  }
0x27: {  	s1 =	sld [smem:$0x3FA8]  }
0x28: {  	s2 =	sld [smem:$0x3FA9]  }
0x29: {  	s4 =	sld [smem:$0x3FAB]  }
0x2a: {  	p0 =	seq.s32 s5, $0x0;
	s5 =	sld [smem:$0x3FAC]  }
0x2b: {  	s6 =	sld [smem:$0x3FAD]  }
0x2c: {  	s7 =	sld [smem:$0x3FAE]  }
0x2d: {  	s3 =	simm.s32 $0x108;
	s8 =	sld [smem:$0x3FAF]  }
0x2e: {  	s3 =	simm.s32 @!p0 $0x1082;
	s9 =	sld [smem:$0x3FB0]  }
0x2f: {  	lr =	sadd.s32 s0, s3;
	s0 =	sld [smem:$0x3FA7]  }
0x30: {  	s3 =	sld [smem:$0x3FAA]  }
0x31: {  	[smem:$0x3FB3] =	sst s10  }
0x32: {  	s10 =	sld [smem:$0x3FB1];
	_ =	sdelay $0x3  }
0x33: {  	p0 =	seq.s32 s10, $0x1;
	s10 =	sld [smem:$0x3FB3];
	_ =	sdelay $0x3  }
0x34: {  	[smem:$0x3FB3] =	sst s10  }
0x35: {  	s10 =	sld [smem:$0x3FB2];
	_ =	sdelay $0x3  }
0x36: {  	p1 =	seq.s32 s10, $0x1;
	s10 =	sld [smem:$0x3FB3];
	_ =	sdelay $0x3  }
0x37: {  	[smem:$0x3FB3] =	sst s10  }
0x38: {  	s10 =	sld [smem:$0x3FB4]  }
0x39: {  	_ = 	snop;
	(pc) =	sbr.ind lr, $3  }
0x3a: {  	_ = 	snop  }
0x3b: {  	_ = 	snop  }
0x3c: {  	p2 =	seq.s32 s10, $0x1;
	s10 =	sld [smem:$0x3FB3]  }
0x3d: {  	_ =	shalt  }
0x3e: {  	_ =	shalt  }
0x3f: {  	_ =	shalt  }
0x40: {  	_ =	shalt  }
0x41: {  	_ =	shalt  }
0x42: {  	_ =	shalt  }
0x43: {  	_ =	shalt  }
0x44: {  	_ =	shalt  }
0x45: {  	_ =	shalt  }
0x46: {  	_ =	shalt  }
0x47: {  	_ =	shalt  }
0x48: {  	_ =	shalt  }
0x49: {  	_ =	shalt  }
0x4a: {  	_ =	shalt  }
0x4b: {  	_ =	shalt  }
0x4c: {  	_ =	shalt  }
0x4d: {  	_ =	shalt  }
0x4e: {  	_ =	shalt  }
0x4f: {  	_ =	shalt  }
0x50: {  	_ =	shalt  }
0x51: {  	_ =	shalt  }
0x52: {  	_ =	shalt  }
0x53: {  	_ =	shalt  }
0x54: {  	_ =	shalt  }
0x55: {  	_ =	shalt  }
0x56: {  	_ =	shalt  }
0x57: {  	_ =	shalt  }
0x58: {  	_ =	shalt  }
0x59: {  	_ =	shalt  }
0x5a: {  	_ =	shalt  }
0x5b: {  	_ =	shalt  }
0x5c: {  	_ =	shalt  }
0x5d: {  	_ =	shalt  }
0x5e: {  	_ =	shalt  }
0x5f: {  	_ =	shalt  }
0x60: {  	_ =	shalt  }
0x61: {  	_ =	shalt  }
0x62: {  	_ =	shalt  }
0x63: {  	_ =	shalt  }
0x64: {  	_ =	shalt  }
0x65: {  	_ =	shalt  }
0x66: {  	_ =	shalt  }
0x67: {  	_ =	shalt  }
0x68: {  	_ =	shalt  }
0x69: {  	_ =	shalt  }
0x6a: {  	_ =	shalt  }
0x6b: {  	_ =	shalt  }
0x6c: {  	_ =	shalt  }
0x6d: {  	_ =	shalt  }
0x6e: {  	_ =	shalt  }
0x6f: {  	_ =	shalt  }
0x70: {  	_ =	shalt  }
0x71: {  	_ =	shalt  }
0x72: {  	_ =	shalt  }
0x73: {  	_ =	shalt  }
0x74: {  	_ =	shalt  }
0x75: {  	_ =	shalt  }
0x76: {  	_ =	shalt  }
0x77: {  	_ =	shalt  }
0x78: {  	_ =	shalt  }
0x79: {  	_ =	shalt  }
0x7a: {  	_ =	shalt  }
0x7b: {  	_ =	shalt  }
0x7c: {  	_ =	shalt  }
0x7d: {  	_ =	shalt  }
0x7e: {  	_ =	shalt  }
0x7f: {  	_ =	shalt  }
0x80: {  	_ =	shalt  }
0x81: {  	_ =	shalt  }
0x82: {  	_ =	shalt  }
0x83: {  	_ =	shalt  }
0x84: {  	_ =	shalt  }
0x85: {  	_ =	shalt  }
0x86: {  	_ =	shalt  }
0x87: {  	_ =	shalt  }
.Lfunc_end0:
.L_simem_size_0:
called_computation.3_lowered:
.L_overlay_start_0:
0x88: {  	s2 =	sld [smem:$0x3FD9]  }
0x89: {  	s3 =	sld [smem:$0x3FFE];
	_ =	sdelay $0x1  }
0x8a: {  	s1 =	srdreg.scid  }
0x8b: {  	s0 =	sand.u32 $0x1, s1  }
0x8c: {  	s17 =	sshll.u32 s0, $0xA;
	s2 =	sadd.s32 s3, s2  }
0x8d: {  	s2 =	sadd.s32 s2, s17  }
0x8e: {  	[smem:$0x3FBF] =	sst s2  }
0x8f: {  	_ = 	snop  }
0x90: {  	(tm) =	ssettm $0x1  }
0x91: {  	s18 =	sld [smem:$0x3FFB];
	_ =	sdelay $0x3  }
0x92: {  	_ =	strace s18  }
0x93: {  	s2 =	sld [smem:$0x3FFC];
	_ =	sdelay $0x3  }
0x94: {  	_ =	strace s2  }
0x95: {  	s2 =	sld [smem:$0x3FFD];
	_ =	sdelay $0x3  }
0x96: {  	_ =	strace s2  }
0x97: {  	_ =	strace $0x8FFFFFFF  }
0x98: {  	s19 =	sld [smem:$0x3FDB];
	_ =	sdelay $0x1  }
0x99: {  	s20 =	simm.s32 $_scs_section_size  }
0x9a: {  	s4 =	simm.s32 $_size__tile_overlayer_lowered;
	s5 =	simm.s32 $_tile_overlayer_lowered  }
0x9b: {  	s6 =	simm.s32 $0x1BFF;
	s21 =	sshll.u32 s5, $0x1;
	s3 =	sadd.s32 s20, s19  }
0x9c: {  	s22 =	simm.s32 $0x0;
	s4 =	sshll.u32 s4, $0x1;
	s5 =	sadd.s32 s21, s3  }
0x9d: {  	[timem:s22], [sflag:s6] =	dma.local [hbm:s5], s4  }
0x9e: {  	_ =	swait.ge [sflag:s6], s4  }
0x9f: {  	s4 =	ssub.s32 $0x0, s4;
	[sflag:s6] =	ssyncset.done $0x0  }
0xa0: {  	[sflag:s6] =	ssyncadd.s32 s4;
	_ =	sdelay $0x1  }
0xa1: {  	s23 =	simm.s32 $0x1B8B  }
0xa2: {  	_ =	swait.ge [sflag:s23], $0x1  }
0xa3: {  	[sflag:s23] =	ssyncset.done $0x0  }
0xa4: {  	[sflag:s23] =	ssyncadd.s32 $0xFFFFFFFF  }
0xa5: {  	s4 =	sld [smem:$0x0]  }
0xa6: {  	s5 =	sand.u32 $0xFFFFFFFE, s1  }
0xa7: {  	p0 =	sne.s32 s1, s5  }
0xa8: {  	s5 =	sshll.u32 @p0 s5, $0xE  }
0xa9: {  	s5 =	sadd.s32 @p0 $0x11B8D, s5;
	s6 =	sshll.u32 @p0 s4, $0x11  }
0xaa: {  	s5 =	sor.u32 @p0 s6, s5  }
0xab: {  	[sflag:s5] =	ssyncadd.remote.s32 @p0 $0x1;
	_ =	sdelay $0x1  }
0xac: {  	s5 =	simm.s32 @p0 $0x1B8D  }
0xad: {  	_ =	swait.eq @p0 [sflag:s5], $0x1  }
0xae: {  	[sflag:s5] =	ssyncadd.s32 @p0 $0xFFFFFFFF  }
0xaf: {  	s6 =	sshll.u32 @!p0 s1, $0xE  }
0xb0: {  	s6 =	sor.u32 @!p0 $0x4000, s6;
	s5 =	simm.s32 @!p0 $0x1B8D  }
0xb1: {  	s4 =	sshll.u32 @!p0 s4, $0x11;
	s6 =	sadd.s32 @!p0 $0x11B8D, s6;
	_ =	swait.eq @!p0 [sflag:s5], $0x1  }
0xb2: {  	s4 =	sor.u32 @!p0 s4, s6;
	[sflag:s5] =	ssyncadd.s32 @!p0 $0xFFFFFFFF  }
0xb3: {  	s25 =	simm.s32 $0x1B8E;
	s24 =	sld [smem:$0x3FFE];
	[sflag:s4] =	ssyncadd.remote.s32 @!p0 $0x1  }
0xb4: {  	s26 =	simm.s32 $execute0_lowered;
	[smem:$0x3FD2] =	sst s25  }
0xb5: {  	s5 =	sshll.u32 s26, $0x1;
	_ =	strace $0x8000004F;
	[dreg:$0x1] =	wrdreg $0xFFFFFFFF  }
0xb6: {  	s28 =	simm.s32 $_size_execute0_lowered;
	s3 =	sadd.s32 s3, s5;
	[dreg:$0x0] =	wrdreg $0x0  }
0xb7: {  	s5 =	sshll.u32 s28, $0x1;
	[dreg:$0x2] =	wrdreg s3  }
0xb8: {  	[dreg:$0x3] =	wrdreg s5  }
0xb9: {  	[dreg:$0x4] =	wrdreg $0xC0  }
0xba: {  	_ =	task [dreg:s22], $0x5FFFF  }
0xbb: {  	[dreg:$0x1] =	wrdreg $0xFFFFFFFF  }
0xbc: {  	[dreg:$0x0] =	wrdreg $0x60  }
0xbd: {  	[dreg:$0x2] =	wrdreg s24  }
0xbe: {  	[dreg:$0x3] =	wrdreg $0x0  }
0xbf: {  	[dreg:$0x4] =	wrdreg $0xB  }
0xc0: {  	_ =	task.clear_ibuf [dreg:s22], $0x5FFFF;
	_ =	strace $0x9000004F  }
0xc1: {  	s29 =	simm.s32 $0xB;
	_ =	strace $0x80000051  }
0xc2: {  	_ =	swait.ge [sflag:s29], $0x1  }
0xc3: {  	[sflag:s29] =	ssyncadd.s32 $0xFFFFFFFF  }
0xc4: {  	_ =	strace $0x90000051  }
0xc5: {  	_ =	sfence  }
0xc6: {  	s30 =	sld [smem:$0x0];
	_ =	sdelay $0x2  }
0xc7: {  	s31 =	sshll.u32 s1, $0xD;
	s1 =	sshrl.u32 s1, $0x2  }
0xc8: {  	s4 =	sand.u32 $0x4000, s31;
	s1 =	sadd.s32 s1, s30  }
0xc9: {  	s0 =	sor.u32 s4, s0;
	s1 =	sshll.u32 s1, $0x11  }
0xca: {  	s0 =	sor.u32 s1, s0  }
0xcb: {  	s0 =	sadd.s32 $0x8F2B, s0  }
0xcc: {  	[sflag:s0] =	ssyncadd.remote.s32 $0x1  }
0xcd: {  	_ =	sfence.sel $0xFFFF  }
0xce: {  	[dreg:$0x0] =	wrdreg $0xFFFFFFFF;
	(pc) =	sbr.abs _section_cstart, $3  }
0xcf: {  	[dreg:$0x1] =	wrdreg $0xFFFFFFFF  }
0xd0: {  	_ =	task.clear_ibuf [dreg:s22], $0x2FFFF;
	_ =	strace $0x9FFFFFFF  }
0xd1: {  	(tm) =	ssettm $0x7FFFFFFF  }
tec
execute0_lowered:
.L_overlay_start_1:
0x0: {  	(tag) =	ssettag $0x1  }
0x1: {  	s0 =	rddreg [dreg:$0x0]  }
0x2: {  	s1 =	rddreg [dreg:$0x1]  }
0x3: {  	s3 =	srdreg.scid;
	s13 =	stileid.u32  }
0x4: {  	s2 =	simm.s32 $0x0;
	s28 =	simm.s32 $0x17800;
	s29 =	simm.s32 $0x1  }
0x5: {  	s30 =	simm.s32 $0x5;
	s31 =	simm.s32 $0x2;
	s7 =	smul.u32 $0x280, s13  }
0x6: {  	s3 =	sand.u32 $0x1, s3;
	s4 =	sshll.u32 s13, $0x1;
	s10 =	smul.u32 $0x2800, s13  }
0x7: {  	[smem:$0x7FF] =	sst s2;
	s5 =	sadd.s32 $0x1A800, s0;
	s22 =	smul.u32 $0x50000, s13  }
0x8: {  	s13 =	smul.u32 $0xFA00, s13;
	s4 =	sor.u32 s3, s4;
	s8 =	ssub.s32 $0x2, s3  }
0x9: {  	s3 =	smul.u32 $0x7D00, s3;
	s6 =	sshll.u32 s4, $0x9;
	s9 =	sshrl.u32 s8, $0x1  }
0xa: {  	s14 =	sor.u32 $0x50, s7;
	s15 =	sadd.s32 $0xA0, s7;
	s10 =	sadd.s32 s5, s10  }
0xb: {  	s16 =	sadd.s32 $0xF0, s7;
	s17 =	sadd.s32 $0x140, s7;
	s18 =	sadd.s32 $0x190, s7  }
0xc: {  	s19 =	sadd.s32 $0x1E0, s7;
	s7 =	sadd.s32 $0x230, s7;
	s12 =	smul.u32 $0x3E800, s4  }
0xd: {  	s4 =	smul.u32 $0x7D00, s4;
	s6 =	sadd.s32 s6, s0;
	s0 =	sadd.s32 $0x236800, s0  }
0xe: {  	s8 =	ssub.s32 s8, s9;
	s20 =	sshll.u32 s14, $0x4;
	[dreg:$0x3] =	wrdreg s10  }
0xf: {  	s21 =	sshll.u32 s15, $0x4;
	s23 =	sshll.u32 s16, $0x4;
	s24 =	sshll.u32 s17, $0x4  }
0x10: {  	s11 =	sshll.u32 s18, $0x4;
	s26 =	sshll.u32 s19, $0x4;
	s10 =	simm.s32 $0x14000  }
0x11: {  	s9 =	sadd.s32 s5, s20;
	s25 =	sadd.s32 s5, s11;
	s12 =	sshrl.u32 s12, $0x3  }
0x12: {  	s20 =	sshll.u32 s14, $0x7;
	[dreg:$0x4] =	wrdreg s9;
	s9 =	sadd.s32 s5, s21  }
0x13: {  	[dreg:$0x8] =	wrdreg s25;
	s21 =	sshll.u32 s15, $0x7;
	s14 =	sadd.s32 s20, s1  }
0x14: {  	s25 =	sshll.u32 s19, $0x7;
	[dreg:$0x5] =	wrdreg s9;
	s9 =	sadd.s32 s5, s23  }
0x15: {  	s15 =	sadd.s32 s21, s1;
	s23 =	sshll.u32 s17, $0x7;
	s19 =	sadd.s32 s25, s1  }
0x16: {  	s21 =	sadd.s32 $0x8200, s6;
	[dreg:$0x6] =	wrdreg s9;
	s9 =	sadd.s32 s5, s24  }
0x17: {  	s24 =	sshll.u32 s18, $0x7;
	s17 =	sadd.s32 s23, s1;
	s23 =	smax.u32 s8, $0x1  }
0x18: {  	[dreg:$0x7] =	wrdreg s9;
	s9 =	sadd.s32 s5, s26;
	s18 =	sadd.s32 s24, s1  }
0x19: {  	s26 =	sshll.u32 s7, $0x7;
	[dreg:$0x9] =	wrdreg s9;
	s9 =	sshll.u32 s7, $0x4  }
0x1a: {  	s20 =	sadd.s32 s26, s1;
	s26 =	simm.s32 $0x15000;
	s11 =	sadd.s32 s5, s9  }
0x1b: {  	s5 =	sadd.s32 s0, s12;
	s12 =	sadd.s32 s0, s4;
	s0 =	sadd.s32 s13, s0  }
0x1c: {  	_ =	strace $0x80000050;
	s13 =	sshrl.u32 s22, $0x2;
	s22 =	sshll.u32 s16, $0x7  }
0x1d: {  	s4 =	simm.s32 $0x4;
	s13 =	sadd.s32 s13, s1;
	s16 =	sadd.s32 s22, s1  }
0x1e: {  	s22 =	sadd.s32 $0x7800, s5;
	s24 =	sadd.s32 s3, s0;
	s25 =	sadd.s32 $0x500, s12  }
0x1f: {  	s0 =	simm.s32 $0x50;
	s3 =	simm.s32 $0x3;
	s5 =	simm.s32 $0x0  }
.LBB2_1:
0x20: {  	s6 =	rddreg [dreg:$0x3]  }
0x21: {  	[tilespmem:s26], [sflag:$0x1] =	stream.linear.gather [hbm4b:s6+s2], $0x2800, $0x38;
	[tilespmem:$0x1A000] =	vst v63  }
0x22: {  	s8 =	rddreg [dreg:$0x4]  }
0x23: {  	[tilespmem:s28], [sflag:$0x2] =	stream.linear.gather [hbm4b:s8+s2], $0x2800, $0x38;
	[tilespmem:$0x1A000] =	vst v63  }
0x24: {  	_ =	swait.ge [sflag:s29], $0x2800  }
0x25: {  	[sflag:s29] =	ssyncset.done $0x0  }
0x26: {  	[sflag:s29] =	ssyncadd.s32 $0xFFFFD800  }
0x27: {  	[spmem:s13] =	stream.linear.scatter [tilespmem:s26], [sflag:$0x5], $0x2800, $0x38;
	[tilespmem:$0x1A000] =	vst v63  }
0x28: {  	_ =	swait.ge [sflag:s30], $0x2800  }
0x29: {  	[sflag:s30] =	ssyncset.done $0x0  }
0x2a: {  	s9 =	rddreg [dreg:$0x5];
	[sflag:s30] =	ssyncadd.s32 $0xFFFFD800  }
0x2b: {  	[tilespmem:s26], [sflag:$0x1] =	stream.linear.gather [hbm4b:s9+s2], $0x2800, $0x38;
	[tilespmem:$0x1A000] =	vst v63  }
0x2c: {  	_ =	swait.ge [sflag:s31], $0x2800  }
0x2d: {  	[sflag:s31] =	ssyncset.done $0x0  }
0x2e: {  	[sflag:s31] =	ssyncadd.s32 $0xFFFFD800  }
0x2f: {  	[spmem:s14] =	stream.linear.scatter [tilespmem:s28], [sflag:$0x5], $0x2800, $0x38;
	[tilespmem:$0x1A000] =	vst v63  }
0x30: {  	_ =	swait.ge [sflag:s30], $0x2800  }
0x31: {  	[sflag:s30] =	ssyncset.done $0x0  }
0x32: {  	s7 =	rddreg [dreg:$0x6];
	[sflag:s30] =	ssyncadd.s32 $0xFFFFD800  }
0x33: {  	[tilespmem:s28], [sflag:$0x2] =	stream.linear.gather [hbm4b:s7+s2], $0x2800, $0x38;
	[tilespmem:$0x1A000] =	vst v63  }
0x34: {  	_ =	swait.ge [sflag:s29], $0x2800  }
0x35: {  	[sflag:s29] =	ssyncset.done $0x0  }
0x36: {  	[sflag:s29] =	ssyncadd.s32 $0xFFFFD800  }
0x37: {  	[spmem:s15] =	stream.linear.scatter [tilespmem:s26], [sflag:$0x5], $0x2800, $0x38;
	[tilespmem:$0x1A000] =	vst v63  }
0x38: {  	_ =	swait.ge [sflag:s30], $0x2800  }
0x39: {  	[sflag:s30] =	ssyncset.done $0x0  }
0x3a: {  	s8 =	rddreg [dreg:$0x7];
	[sflag:s30] =	ssyncadd.s32 $0xFFFFD800  }
0x3b: {  	[tilespmem:s26], [sflag:$0x1] =	stream.linear.gather [hbm4b:s8+s2], $0x2800, $0x38;
	[tilespmem:$0x1A000] =	vst v63  }
0x3c: {  	_ =	swait.ge [sflag:s31], $0x2800  }
0x3d: {  	[sflag:s31] =	ssyncset.done $0x0  }
0x3e: {  	[sflag:s31] =	ssyncadd.s32 $0xFFFFD800  }
0x3f: {  	[spmem:s16] =	stream.linear.scatter [tilespmem:s28], [sflag:$0x5], $0x2800, $0x38;
	[tilespmem:$0x1A000] =	vst v63  }
0x40: {  	_ =	swait.ge [sflag:s30], $0x2800  }
0x41: {  	[sflag:s30] =	ssyncset.done $0x0  }
0x42: {  	s9 =	rddreg [dreg:$0x8];
	[sflag:s30] =	ssyncadd.s32 $0xFFFFD800  }
0x43: {  	[tilespmem:s28], [sflag:$0x2] =	stream.linear.gather [hbm4b:s9+s2], $0x2800, $0x38;
	[tilespmem:$0x1A000] =	vst v63  }
0x44: {  	_ =	swait.ge [sflag:s29], $0x2800  }
0x45: {  	[sflag:s29] =	ssyncset.done $0x0  }
0x46: {  	[sflag:s29] =	ssyncadd.s32 $0xFFFFD800  }
0x47: {  	[spmem:s17] =	stream.linear.scatter [tilespmem:s26], [sflag:$0x5], $0x2800, $0x38;
	[tilespmem:$0x1A000] =	vst v63  }
0x48: {  	_ =	swait.ge [sflag:s30], $0x2800  }
0x49: {  	[sflag:s30] =	ssyncset.done $0x0  }
0x4a: {  	s7 =	rddreg [dreg:$0x9];
	[sflag:s30] =	ssyncadd.s32 $0xFFFFD800  }
0x4b: {  	[tilespmem:s26], [sflag:$0x1] =	stream.linear.gather [hbm4b:s7+s2], $0x2800, $0x38;
	[tilespmem:$0x1A000] =	vst v63  }
0x4c: {  	_ =	swait.ge [sflag:s31], $0x2800  }
0x4d: {  	[sflag:s31] =	ssyncset.done $0x0  }
0x4e: {  	[sflag:s31] =	ssyncadd.s32 $0xFFFFD800  }
0x4f: {  	[spmem:s18] =	stream.linear.scatter [tilespmem:s28], [sflag:$0x5], $0x2800, $0x38;
	[tilespmem:$0x1A000] =	vst v63  }
0x50: {  	_ =	swait.ge [sflag:s30], $0x2800  }
0x51: {  	[sflag:s30] =	ssyncset.done $0x0  }
0x52: {  	[sflag:s30] =	ssyncadd.s32 $0xFFFFD800  }
0x53: {  	[tilespmem:s28], [sflag:$0x2] =	stream.linear.gather [hbm4b:s11+s2], $0x2800, $0x38;
	[tilespmem:$0x1A000] =	vst v63  }
0x54: {  	_ =	swait.ge [sflag:s29], $0x2800  }
0x55: {  	[sflag:s29] =	ssyncset.done $0x0  }
0x56: {  	[sflag:s29] =	ssyncadd.s32 $0xFFFFD800  }
0x57: {  	[spmem:s19] =	stream.linear.scatter [tilespmem:s26], [sflag:$0x5], $0x2800, $0x38;
	[tilespmem:$0x1A000] =	vst v63  }
0x58: {  	_ =	swait.ge [sflag:s30], $0x2800  }
0x59: {  	[sflag:s30] =	ssyncset.done $0x0  }
0x5a: {  	[sflag:s30] =	ssyncadd.s32 $0xFFFFD800  }
0x5b: {  	_ =	swait.ge [sflag:s31], $0x2800  }
0x5c: {  	[sflag:s31] =	ssyncset.done $0x0  }
0x5d: {  	[sflag:s31] =	ssyncadd.s32 $0xFFFFD800  }
0x5e: {  	[spmem:s20] =	stream.linear.scatter [tilespmem:s28], [sflag:$0x5], $0x2800, $0x38;
	[tilespmem:$0x1A000] =	vst v63  }
0x5f: {  	_ =	swait.ge [sflag:s30], $0x2800  }
0x60: {  	[sflag:s30] =	ssyncset.done $0x0  }
0x61: {  	[sflag:s30] =	ssyncadd.s32 $0xFFFFD800  }
0x62: {  	[bflag:$0x0] =	sbarrier.arrive $0xFFFF  }
0x63: {  	[tilespmem:s10], [sflag:$0x5] =	stream.linear.gather [hbm4b:s21+s2], $0xC80, $0x38;
	[tilespmem:$0x1A000] =	vst v63  }
0x64: {  	_ =	swait.ge [sflag:s30], $0xC80  }
0x65: {  	[sflag:s30] =	ssyncset.done $0x0  }
0x66: {  	[sflag:s30] =	ssyncadd.s32 $0xFFFFF380  }
0x67: {  	[tilespmem:s26], [sflag:$0x1] =	stream.indirect.gather [spmem:s1], $0x80, s10, s0, $0xb8;
	[tilespmem:$0x1A000] =	vst v63  }
0x68: {  	s8 =	simm.s32 $0x14080  }
0x69: {  	[tilespmem:s28], [sflag:$0x2] =	stream.indirect.gather [spmem:s1], $0x80, s8, s0, $0xb8;
	[tilespmem:$0x1A000] =	vst v63  }
0x6a: {  	_ =	swait.ge [sflag:s29], $0x2800  }
0x6b: {  	[sflag:s29] =	ssyncset.done $0x0  }
0x6c: {  	[sflag:s29] =	ssyncadd.s32 $0xFFFFD800  }
0x6d: {  	[hbm4b:s12+s2] =	stream.linear.scatter [tilespmem:s26], [sflag:$0x3], $0x2800, $0x38;
	[tilespmem:$0x1A000] =	vst v63  }
0x6e: {  	_ =	swait.ge [sflag:s3], $0x2800  }
0x6f: {  	[sflag:s3] =	ssyncset.done $0x0  }
0x70: {  	s9 =	simm.s32 $0x14100;
	[sflag:s3] =	ssyncadd.s32 $0xFFFFD800  }
0x71: {  	[tilespmem:s26], [sflag:$0x1] =	stream.indirect.gather [spmem:s1], $0x80, s9, s0, $0xb8;
	[tilespmem:$0x1A000] =	vst v63  }
0x72: {  	_ =	swait.ge [sflag:s31], $0x2800  }
0x73: {  	[sflag:s31] =	ssyncset.done $0x0  }
0x74: {  	[sflag:s31] =	ssyncadd.s32 $0xFFFFD800  }
0x75: {  	[hbm4b:s25+s2] =	stream.linear.scatter [tilespmem:s28], [sflag:$0x4], $0x2800, $0x38;
	[tilespmem:$0x1A000] =	vst v63  }
0x76: {  	_ =	swait.ge [sflag:s4], $0x2800  }
0x77: {  	[sflag:s4] =	ssyncset.done $0x0  }
0x78: {  	s7 =	simm.s32 $0x14180;
	[sflag:s4] =	ssyncadd.s32 $0xFFFFD800  }
0x79: {  	[tilespmem:s28], [sflag:$0x2] =	stream.indirect.gather [spmem:s1], $0x80, s7, s0, $0xb8;
	[tilespmem:$0x1A000] =	vst v63  }
0x7a: {  	_ =	swait.ge [sflag:s29], $0x2800  }
0x7b: {  	s7 =	sadd.s32 $0x0, s24;
	[sflag:s29] =	ssyncset.done $0x0  }
0x7c: {  	s8 =	sadd.s32 $0xA00, s7;
	[sflag:s29] =	ssyncadd.s32 $0xFFFFD800  }
0x7d: {  	[hbm4b:s8+s2] =	stream.linear.scatter [tilespmem:s26], [sflag:$0x3], $0x2800, $0x38;
	[tilespmem:$0x1A000] =	vst v63  }
0x7e: {  	_ =	swait.ge [sflag:s3], $0x2800  }
0x7f: {  	[sflag:s3] =	ssyncset.done $0x0  }
0x80: {  	s9 =	simm.s32 $0x14200;
	[sflag:s3] =	ssyncadd.s32 $0xFFFFD800  }
0x81: {  	[tilespmem:s26], [sflag:$0x1] =	stream.indirect.gather [spmem:s1], $0x80, s9, s0, $0xb8;
	[tilespmem:$0x1A000] =	vst v63  }
0x82: {  	_ =	swait.ge [sflag:s31], $0x2800  }
0x83: {  	s6 =	simm.s32 $0xA00;
	[sflag:s31] =	ssyncset.done $0x0  }
0x84: {  	s8 =	sadd.s32 $0xF00, s7;
	s7 =	simm.s32 $0x14280;
	[sflag:s31] =	ssyncadd.s32 $0xFFFFD800  }
.LBB2_2:
0x85: {  	[hbm4b:s8+s2] =	stream.linear.scatter [tilespmem:s28], [sflag:$0x4], $0x2800, $0x38;
	[tilespmem:$0x1A000] =	vst v63  }
0x86: {  	s8 =	smov.u32 s6  }
0x87: {  	p0 =	sne.s32 s6, $0x6400;
	s6 =	sadd.s32 $0xA00, s6;
	_ =	swait.ge [sflag:s4], $0x2800  }
0x88: {  	[sflag:s4] =	ssyncset.done $0x0  }
0x89: {  	[sflag:s4] =	ssyncadd.s32 $0xFFFFD800  }
0x8a: {  	[tilespmem:s28], [sflag:$0x2] =	stream.indirect.gather [spmem:s1], $0x80, s7, s0, $0xb8;
	[tilespmem:$0x1A000] =	vst v63  }
0x8b: {  	_ =	swait.ge [sflag:s29], $0x2800  }
0x8c: {  	s8 =	sadd.s32 s8, s24;
	[sflag:s29] =	ssyncset.done $0x0  }
0x8d: {  	s9 =	sadd.s32 $0xA00, s8;
	[sflag:s29] =	ssyncadd.s32 $0xFFFFD800  }
0x8e: {  	[hbm4b:s9+s2] =	stream.linear.scatter [tilespmem:s26], [sflag:$0x3], $0x2800, $0x38;
	[tilespmem:$0x1A000] =	vst v63  }
0x8f: {  	_ =	swait.ge [sflag:s3], $0x2800  }
0x90: {  	[sflag:s3] =	ssyncset.done $0x0  }
.Ltmp0:
0x91: {  	s9 =	sadd.s32 $0x80, s7;
	[sflag:s3] =	ssyncadd.s32 $0xFFFFD800;
	(pc) =	sbr.rel @p0 .LBB2_2-.Ltmp0, $4  }
0x92: {  	[tilespmem:s26], [sflag:$0x1] =	stream.indirect.gather [spmem:s1], $0x80, s9, s0, $0xb8;
	[tilespmem:$0x1A000] =	vst v63  }
0x93: {  	_ =	swait.ge [sflag:s31], $0x2800  }
0x94: {  	[sflag:s31] =	ssyncset.done $0x0  }
0x95: {  	s8 =	sadd.s32 $0xF00, s8;
	s7 =	sadd.s32 $0x100, s7;
	[sflag:s31] =	ssyncadd.s32 $0xFFFFD800  }
0x96: {  	[hbm4b:s8+s2] =	stream.linear.scatter [tilespmem:s28], [sflag:$0x4], $0x2800, $0x38;
	[tilespmem:$0x1A000] =	vst v63  }
0x97: {  	_ =	swait.ge [sflag:s4], $0x2800  }
0x98: {  	[sflag:s4] =	ssyncset.done $0x0  }
0x99: {  	[sflag:s4] =	ssyncadd.s32 $0xFFFFD800  }
0x9a: {  	s5 =	sadd.s32 $0x1, s5;
	_ =	swait.ge [sflag:s29], $0x2800  }
0x9b: {  	p0 =	sne.s32 s5, s23;
	[sflag:s29] =	ssyncset.done $0x0  }
.Ltmp1:
0x9c: {  	[sflag:s29] =	ssyncadd.s32 $0xFFFFD800;
	(pc) =	sbr.rel @p0 .LBB2_1-.Ltmp1, $4  }
0x9d: {  	[hbm4b:s22+s2] =	stream.linear.scatter [tilespmem:s26], [sflag:$0x3], $0x2800, $0x38;
	[tilespmem:$0x1A000] =	vst v63  }
0x9e: {  	_ =	swait.ge [sflag:s3], $0x2800  }
0x9f: {  	[sflag:s3] =	ssyncset.done $0x0  }
0xa0: {  	[sflag:s3] =	ssyncadd.s32 $0xFFFFD800  }
0xa1: {  	_ =	sfence.sel $0x180000  }
0xa2: {  	[bflag:$0x0] =	sbarrier.arrive $0xFFFF  }
0xa3: {  	_ =	strace $0x90000050  }
0xa4: {  	s0 =	stileid.u32;
	[bflag:$0x2] =	sbarrier.arrive $0xFFFF  }
0xa5: {  	p0 =	sne.s32 s0, $0x0;
	s0 =	rddreg [dreg:$0x2]  }
0xa6: {  	s0 =	sadd.s32 @!p0 $0x100000, s0  }
0xa7: {  	[sflag:s0] =	ssyncadd.tile.s32 @!p0 $0x1;
	_ =	shalt  }
.Lfunc_end2:
_tile_overlayer_lowered:
.L_overlay_start_2:
0xa8: {  	(tag) =	ssettag $0x2  }
0xa9: {  	s0 =	rddreg [dreg:$0x0];
	s2 =	stileid.u32  }
0xaa: {  	s1 =	rddreg [dreg:$0x1];
	p0 =	sne.s32 s2, $0x0  }
0xab: {  	s3 =	rddreg [dreg:$0x2];
	[bflag:$0x3] =	sbarrier.arrive $0xFFFF;
	s2 =	simm.s32 @!p0 $0x1C05  }
0xac: {  	[timem:s3], [sflag:s2] =	dma.local @!p0 [hbm:s0], s1  }
0xad: {  	s0 =	simm.s32 @!p0 $0x5  }
0xae: {  	_ =	swait.ge @!p0 [sflag:s0], s1  }
0xaf: {  	s1 =	ssub.s32 @!p0 $0x0, s1;
	[sflag:s0] =	ssyncset.done @!p0 $0x0  }
0xb0: {  	[sflag:s0] =	ssyncadd.s32 @!p0 s1  }
0xb1: {  	[bflag:$0x3] =	sbarrier.arrive $0xFFFF  }
0xb2: {  	_ =	shalt  }

// kernel: kernel.26.cloned.1.call-start
scs
__scs_entry_jumppad:
0x0: {  	(pc) =	sbr.rel $0x88, $3  }
0x1: {  	(tag) =	ssettag $0x0;
	lr =	simm.s32 $0x1  }
0x2: {  	[smem:$0x3F98] =	sst lr;
	_ =	strace $0xD0000000  }
0x3: {  	_ = 	snop  }
0x4: {  	_ = 	snop  }
0x5: {  	_ = 	snop  }
0x6: {  	_ = 	snop  }
0x7: {  	_ = 	snop  }
__scs_overlays_trampoline_lowered:
0x8: {  	[smem:$0x3FA7] =	sst s0  }
0x9: {  	[smem:$0x3FA8] =	sst s1  }
0xa: {  	[smem:$0x3FA9] =	sst s2  }
0xb: {  	[smem:$0x3FAA] =	sst s3  }
0xc: {  	[smem:$0x3FAB] =	sst s4  }
0xd: {  	[smem:$0x3FAC] =	sst s5  }
0xe: {  	[smem:$0x3FAD] =	sst s6  }
0xf: {  	[smem:$0x3FAE] =	sst s7  }
0x10: {  	[smem:$0x3FAF] =	sst s8  }
0x11: {  	[smem:$0x3FB0] =	sst s9;
	s0 =	simm.s32 @!p0 $0x0  }
0x12: {  	s1 =	sld [smem:$0x3F96];
	s0 =	simm.s32 @p0 $0x1  }
0x13: {  	[smem:$0x3FB1] =	sst s0;
	s0 =	simm.s32 @!p1 $0x0  }
0x14: {  	s2 =	sld [smem:$0x3F95];
	s0 =	simm.s32 @p1 $0x1  }
0x15: {  	[smem:$0x3FB2] =	sst s0;
	s0 =	simm.s32 @!p2 $0x0  }
0x16: {  	s3 =	sld [smem:$0x3FDB];
	s0 =	simm.s32 @p2 $0x1  }
0x17: {  	s4 =	simm.s32 $0x1BF5;
	[smem:$0x3FB4] =	sst s0  }
0x18: {  	s0 =	sld [smem:$0x3F97];
	_ =	swait.ge [sflag:s4], $0x0  }
0x19: {  	s7 =	sld [smem:$0x3F98]  }
0x1a: {  	s8 =	sadd.s32 $0xFFFFE003, lr  }
0x1b: {  	s9 =	sadd.s32 $0xFFFFFEF7, lr;
	s5 =	simm.s32 $0xFFFFFFFF;
	p2 =	slt.u32 s8, $0xFFFFF086  }
0x1c: {  	p1 =	slt.u32 s9, $0xF7A;
	s5 =	simm.s32 @!p2 $0x0  }
0x1d: {  	s5 =	simm.s32 @p1 $0x1;
	p0 =	seq.s32 s7, s2  }
0x1e: {  	s7 =	smul.u32 @!p0 $0xF7A, s2;
	p2 =	seq.s32 @!p0 s5, $0x0  }
0x1f: {  	s9 =	smul.u32 $0xF7A, s1;
	s8 =	simm.s32 @!p0 $0x1BF5;
	p2 =	por !p2, p0  }
0x20: {  	[sflag:s8] =	ssyncset.s32 @!p0 $0xFFFFF086;
	s6 =	sadd.s32 @!p0 s3, s7;
	s7 =	simm.s32 @!p0 $0x108  }
0x21: {  	s3 =	sadd.s32 s3, s9;
	s6 =	sadd.s32 @!p0 $0x88, s6;
	s7 =	simm.s32 @p2 $0x1082  }
0x22: {  	[simem:s7], [sflag:s8] =	dma.local @!p0 [hbm:s6], $0xF7A  }
0x23: {  	s9 =	sor.u32 $0xD0000000, s2;
	s6 =	simm.s32 $0x108;
	_ =	swait.ge @!p0 [sflag:s8], $0x0  }
0x24: {  	s3 =	sadd.s32 $0x88, s3;
	s6 =	simm.s32 @!p1 $0x1082;
	[sflag:s4] =	ssyncset.s32 $0xFFFFF086  }
0x25: {  	[simem:s6], [sflag:s4] =	dma.local [hbm:s3], $0xF7A  }
0x26: {  	[smem:$0x3F98] =	sst s1;
	(tag) =	ssettag s2;
	_ =	strace s9  }
0x27: {  	s1 =	sld [smem:$0x3FA8]  }
0x28: {  	s2 =	sld [smem:$0x3FA9]  }
0x29: {  	s4 =	sld [smem:$0x3FAB]  }
0x2a: {  	p0 =	seq.s32 s5, $0x0;
	s5 =	sld [smem:$0x3FAC]  }
0x2b: {  	s6 =	sld [smem:$0x3FAD]  }
0x2c: {  	s7 =	sld [smem:$0x3FAE]  }
0x2d: {  	s3 =	simm.s32 $0x108;
	s8 =	sld [smem:$0x3FAF]  }
0x2e: {  	s3 =	simm.s32 @!p0 $0x1082;
	s9 =	sld [smem:$0x3FB0]  }
0x2f: {  	lr =	sadd.s32 s0, s3;
	s0 =	sld [smem:$0x3FA7]  }
0x30: {  	s3 =	sld [smem:$0x3FAA]  }
0x31: {  	[smem:$0x3FB3] =	sst s10  }
0x32: {  	s10 =	sld [smem:$0x3FB1];
	_ =	sdelay $0x3  }
0x33: {  	p0 =	seq.s32 s10, $0x1;
	s10 =	sld [smem:$0x3FB3];
	_ =	sdelay $0x3  }
0x34: {  	[smem:$0x3FB3] =	sst s10  }
0x35: {  	s10 =	sld [smem:$0x3FB2];
	_ =	sdelay $0x3  }
0x36: {  	p1 =	seq.s32 s10, $0x1;
	s10 =	sld [smem:$0x3FB3];
	_ =	sdelay $0x3  }
0x37: {  	[smem:$0x3FB3] =	sst s10  }
0x38: {  	s10 =	sld [smem:$0x3FB4]  }
0x39: {  	_ = 	snop;
	(pc) =	sbr.ind lr, $3  }
0x3a: {  	_ = 	snop  }
0x3b: {  	_ = 	snop  }
0x3c: {  	p2 =	seq.s32 s10, $0x1;
	s10 =	sld [smem:$0x3FB3]  }
0x3d: {  	_ =	shalt  }
0x3e: {  	_ =	shalt  }
0x3f: {  	_ =	shalt  }
0x40: {  	_ =	shalt  }
0x41: {  	_ =	shalt  }
0x42: {  	_ =	shalt  }
0x43: {  	_ =	shalt  }
0x44: {  	_ =	shalt  }
0x45: {  	_ =	shalt  }
0x46: {  	_ =	shalt  }
0x47: {  	_ =	shalt  }
0x48: {  	_ =	shalt  }
0x49: {  	_ =	shalt  }
0x4a: {  	_ =	shalt  }
0x4b: {  	_ =	shalt  }
0x4c: {  	_ =	shalt  }
0x4d: {  	_ =	shalt  }
0x4e: {  	_ =	shalt  }
0x4f: {  	_ =	shalt  }
0x50: {  	_ =	shalt  }
0x51: {  	_ =	shalt  }
0x52: {  	_ =	shalt  }
0x53: {  	_ =	shalt  }
0x54: {  	_ =	shalt  }
0x55: {  	_ =	shalt  }
0x56: {  	_ =	shalt  }
0x57: {  	_ =	shalt  }
0x58: {  	_ =	shalt  }
0x59: {  	_ =	shalt  }
0x5a: {  	_ =	shalt  }
0x5b: {  	_ =	shalt  }
0x5c: {  	_ =	shalt  }
0x5d: {  	_ =	shalt  }
0x5e: {  	_ =	shalt  }
0x5f: {  	_ =	shalt  }
0x60: {  	_ =	shalt  }
0x61: {  	_ =	shalt  }
0x62: {  	_ =	shalt  }
0x63: {  	_ =	shalt  }
0x64: {  	_ =	shalt  }
0x65: {  	_ =	shalt  }
0x66: {  	_ =	shalt  }
0x67: {  	_ =	shalt  }
0x68: {  	_ =	shalt  }
0x69: {  	_ =	shalt  }
0x6a: {  	_ =	shalt  }
0x6b: {  	_ =	shalt  }
0x6c: {  	_ =	shalt  }
0x6d: {  	_ =	shalt  }
0x6e: {  	_ =	shalt  }
0x6f: {  	_ =	shalt  }
0x70: {  	_ =	shalt  }
0x71: {  	_ =	shalt  }
0x72: {  	_ =	shalt  }
0x73: {  	_ =	shalt  }
0x74: {  	_ =	shalt  }
0x75: {  	_ =	shalt  }
0x76: {  	_ =	shalt  }
0x77: {  	_ =	shalt  }
0x78: {  	_ =	shalt  }
0x79: {  	_ =	shalt  }
0x7a: {  	_ =	shalt  }
0x7b: {  	_ =	shalt  }
0x7c: {  	_ =	shalt  }
0x7d: {  	_ =	shalt  }
0x7e: {  	_ =	shalt  }
0x7f: {  	_ =	shalt  }
0x80: {  	_ =	shalt  }
0x81: {  	_ =	shalt  }
0x82: {  	_ =	shalt  }
0x83: {  	_ =	shalt  }
0x84: {  	_ =	shalt  }
0x85: {  	_ =	shalt  }
0x86: {  	_ =	shalt  }
0x87: {  	_ =	shalt  }
.Lfunc_end0:
.L_simem_size_0:
called_computation.4_lowered:
.L_overlay_start_0:
0x88: {  	s2 =	sld [smem:$0x3FD9]  }
0x89: {  	s3 =	sld [smem:$0x3FFE];
	_ =	sdelay $0x1  }
0x8a: {  	s1 =	srdreg.scid  }
0x8b: {  	s0 =	sand.u32 $0x1, s1  }
0x8c: {  	s17 =	sshll.u32 s0, $0xA;
	s2 =	sadd.s32 s3, s2  }
0x8d: {  	s2 =	sadd.s32 s2, s17  }
0x8e: {  	[smem:$0x3FBF] =	sst s2  }
0x8f: {  	_ = 	snop  }
0x90: {  	(tm) =	ssettm $0x1  }
0x91: {  	s18 =	sld [smem:$0x3FFB];
	_ =	sdelay $0x3  }
0x92: {  	_ =	strace s18  }
0x93: {  	s2 =	sld [smem:$0x3FFC];
	_ =	sdelay $0x3  }
0x94: {  	_ =	strace s2  }
0x95: {  	s2 =	sld [smem:$0x3FFD];
	_ =	sdelay $0x3  }
0x96: {  	_ =	strace s2  }
0x97: {  	_ =	strace $0x8FFFFFFF  }
0x98: {  	s19 =	sld [smem:$0x3FDB];
	_ =	sdelay $0x1  }
0x99: {  	s20 =	simm.s32 $_scs_section_size  }
0x9a: {  	s4 =	simm.s32 $_size__tile_overlayer_lowered;
	s5 =	simm.s32 $_tile_overlayer_lowered  }
0x9b: {  	s6 =	simm.s32 $0x1BFF;
	s21 =	sshll.u32 s5, $0x1;
	s3 =	sadd.s32 s20, s19  }
0x9c: {  	s22 =	simm.s32 $0x0;
	s4 =	sshll.u32 s4, $0x1;
	s5 =	sadd.s32 s21, s3  }
0x9d: {  	[timem:s22], [sflag:s6] =	dma.local [hbm:s5], s4  }
0x9e: {  	_ =	swait.ge [sflag:s6], s4  }
0x9f: {  	s4 =	ssub.s32 $0x0, s4;
	[sflag:s6] =	ssyncset.done $0x0  }
0xa0: {  	[sflag:s6] =	ssyncadd.s32 s4;
	_ =	sdelay $0x1  }
0xa1: {  	s23 =	simm.s32 $0x1B8B  }
0xa2: {  	_ =	swait.ge [sflag:s23], $0x1  }
0xa3: {  	[sflag:s23] =	ssyncset.done $0x0  }
0xa4: {  	[sflag:s23] =	ssyncadd.s32 $0xFFFFFFFF  }
0xa5: {  	s4 =	sld [smem:$0x0]  }
0xa6: {  	s5 =	sand.u32 $0xFFFFFFFE, s1  }
0xa7: {  	p0 =	sne.s32 s1, s5  }
0xa8: {  	s5 =	sshll.u32 @p0 s5, $0xE  }
0xa9: {  	s5 =	sadd.s32 @p0 $0x11B8D, s5;
	s6 =	sshll.u32 @p0 s4, $0x11  }
0xaa: {  	s5 =	sor.u32 @p0 s6, s5  }
0xab: {  	[sflag:s5] =	ssyncadd.remote.s32 @p0 $0x1;
	_ =	sdelay $0x1  }
0xac: {  	s5 =	simm.s32 @p0 $0x1B8D  }
0xad: {  	_ =	swait.eq @p0 [sflag:s5], $0x1  }
0xae: {  	[sflag:s5] =	ssyncadd.s32 @p0 $0xFFFFFFFF  }
0xaf: {  	s6 =	sshll.u32 @!p0 s1, $0xE  }
0xb0: {  	s6 =	sor.u32 @!p0 $0x4000, s6;
	s5 =	simm.s32 @!p0 $0x1B8D  }
0xb1: {  	s4 =	sshll.u32 @!p0 s4, $0x11;
	s6 =	sadd.s32 @!p0 $0x11B8D, s6;
	_ =	swait.eq @!p0 [sflag:s5], $0x1  }
0xb2: {  	s4 =	sor.u32 @!p0 s4, s6;
	[sflag:s5] =	ssyncadd.s32 @!p0 $0xFFFFFFFF  }
0xb3: {  	s25 =	simm.s32 $0x1B8E;
	s24 =	sld [smem:$0x3FFE];
	[sflag:s4] =	ssyncadd.remote.s32 @!p0 $0x1  }
0xb4: {  	s26 =	simm.s32 $execute0_lowered;
	[smem:$0x3FD2] =	sst s25  }
0xb5: {  	s5 =	sshll.u32 s26, $0x1;
	_ =	strace $0x80000052;
	[dreg:$0x1] =	wrdreg $0xFFFFFFFF  }
0xb6: {  	s28 =	simm.s32 $_size_execute0_lowered;
	s3 =	sadd.s32 s3, s5;
	[dreg:$0x0] =	wrdreg $0x0  }
0xb7: {  	s5 =	sshll.u32 s28, $0x1;
	[dreg:$0x2] =	wrdreg s3  }
0xb8: {  	[dreg:$0x3] =	wrdreg s5  }
0xb9: {  	[dreg:$0x4] =	wrdreg $0xC0  }
0xba: {  	_ =	task [dreg:s22], $0x5FFFF  }
0xbb: {  	[dreg:$0x1] =	wrdreg $0xFFFFFFFF  }
0xbc: {  	[dreg:$0x0] =	wrdreg $0x60  }
0xbd: {  	[dreg:$0x2] =	wrdreg s24  }
0xbe: {  	[dreg:$0x3] =	wrdreg $0x0  }
0xbf: {  	[dreg:$0x4] =	wrdreg $0xC  }
0xc0: {  	_ =	task.clear_ibuf [dreg:s22], $0x5FFFF;
	_ =	strace $0x90000052  }
0xc1: {  	s29 =	simm.s32 $0xC;
	_ =	strace $0x80000054  }
0xc2: {  	_ =	swait.ge [sflag:s29], $0x1  }
0xc3: {  	[sflag:s29] =	ssyncadd.s32 $0xFFFFFFFF  }
0xc4: {  	_ =	strace $0x90000054  }
0xc5: {  	_ =	sfence  }
0xc6: {  	s30 =	sld [smem:$0x0];
	_ =	sdelay $0x2  }
0xc7: {  	s31 =	sshll.u32 s1, $0xD;
	s1 =	sshrl.u32 s1, $0x2  }
0xc8: {  	s4 =	sand.u32 $0x4000, s31;
	s1 =	sadd.s32 s1, s30  }
0xc9: {  	s0 =	sor.u32 s4, s0;
	s1 =	sshll.u32 s1, $0x11  }
0xca: {  	s0 =	sor.u32 s1, s0  }
0xcb: {  	s0 =	sadd.s32 $0x8F2B, s0  }
0xcc: {  	[sflag:s0] =	ssyncadd.remote.s32 $0x1  }
0xcd: {  	_ =	sfence.sel $0xFFFF  }
0xce: {  	[dreg:$0x0] =	wrdreg $0xFFFFFFFF;
	(pc) =	sbr.abs _section_cstart, $3  }
0xcf: {  	[dreg:$0x1] =	wrdreg $0xFFFFFFFF  }
0xd0: {  	_ =	task.clear_ibuf [dreg:s22], $0x2FFFF;
	_ =	strace $0x9FFFFFFF  }
0xd1: {  	(tm) =	ssettm $0x7FFFFFFF  }
tec
execute0_lowered:
.L_overlay_start_1:
0x0: {  	(tag) =	ssettag $0x1  }
0x1: {  	s0 =	rddreg [dreg:$0x0]  }
0x2: {  	s1 =	rddreg [dreg:$0x1]  }
0x3: {  	s3 =	srdreg.scid;
	s13 =	stileid.u32  }
0x4: {  	s2 =	simm.s32 $0x0;
	s28 =	simm.s32 $0x17800;
	s29 =	simm.s32 $0x1  }
0x5: {  	s30 =	simm.s32 $0x5;
	s31 =	simm.s32 $0x2;
	s7 =	smul.u32 $0x280, s13  }
0x6: {  	s3 =	sand.u32 $0x1, s3;
	s4 =	sshll.u32 s13, $0x1;
	s10 =	smul.u32 $0x2800, s13  }
0x7: {  	[smem:$0x7FF] =	sst s2;
	s5 =	sadd.s32 $0x1A800, s0;
	s22 =	smul.u32 $0x50000, s13  }
0x8: {  	s13 =	smul.u32 $0xFA00, s13;
	s4 =	sor.u32 s3, s4;
	s8 =	ssub.s32 $0x2, s3  }
0x9: {  	s3 =	smul.u32 $0x7D00, s3;
	s6 =	sshll.u32 s4, $0x9;
	s9 =	sshrl.u32 s8, $0x1  }
0xa: {  	s14 =	sor.u32 $0x50, s7;
	s15 =	sadd.s32 $0xA0, s7;
	s10 =	sadd.s32 s5, s10  }
0xb: {  	s16 =	sadd.s32 $0xF0, s7;
	s17 =	sadd.s32 $0x140, s7;
	s18 =	sadd.s32 $0x190, s7  }
0xc: {  	s19 =	sadd.s32 $0x1E0, s7;
	s7 =	sadd.s32 $0x230, s7;
	s12 =	smul.u32 $0x3E800, s4  }
0xd: {  	s4 =	smul.u32 $0x7D00, s4;
	s6 =	sadd.s32 s6, s0;
	s0 =	sadd.s32 $0x330800, s0  }
0xe: {  	s8 =	ssub.s32 s8, s9;
	s20 =	sshll.u32 s14, $0x4;
	[dreg:$0x3] =	wrdreg s10  }
0xf: {  	s21 =	sshll.u32 s15, $0x4;
	s23 =	sshll.u32 s16, $0x4;
	s24 =	sshll.u32 s17, $0x4  }
0x10: {  	s11 =	sshll.u32 s18, $0x4;
	s26 =	sshll.u32 s19, $0x4;
	s10 =	simm.s32 $0x14000  }
0x11: {  	s9 =	sadd.s32 s5, s20;
	s25 =	sadd.s32 s5, s11;
	s12 =	sshrl.u32 s12, $0x3  }
0x12: {  	s20 =	sshll.u32 s14, $0x7;
	[dreg:$0x4] =	wrdreg s9;
	s9 =	sadd.s32 s5, s21  }
0x13: {  	[dreg:$0x8] =	wrdreg s25;
	s21 =	sshll.u32 s15, $0x7;
	s14 =	sadd.s32 s20, s1  }
0x14: {  	s25 =	sshll.u32 s19, $0x7;
	[dreg:$0x5] =	wrdreg s9;
	s9 =	sadd.s32 s5, s23  }
0x15: {  	s15 =	sadd.s32 s21, s1;
	s23 =	sshll.u32 s17, $0x7;
	s19 =	sadd.s32 s25, s1  }
0x16: {  	s21 =	sadd.s32 $0xC200, s6;
	[dreg:$0x6] =	wrdreg s9;
	s9 =	sadd.s32 s5, s24  }
0x17: {  	s24 =	sshll.u32 s18, $0x7;
	s17 =	sadd.s32 s23, s1;
	s23 =	smax.u32 s8, $0x1  }
0x18: {  	[dreg:$0x7] =	wrdreg s9;
	s9 =	sadd.s32 s5, s26;
	s18 =	sadd.s32 s24, s1  }
0x19: {  	s26 =	sshll.u32 s7, $0x7;
	[dreg:$0x9] =	wrdreg s9;
	s9 =	sshll.u32 s7, $0x4  }
0x1a: {  	s20 =	sadd.s32 s26, s1;
	s26 =	simm.s32 $0x15000;
	s11 =	sadd.s32 s5, s9  }
0x1b: {  	s5 =	sadd.s32 s0, s12;
	s12 =	sadd.s32 s0, s4;
	s0 =	sadd.s32 s13, s0  }
0x1c: {  	_ =	strace $0x80000053;
	s13 =	sshrl.u32 s22, $0x2;
	s22 =	sshll.u32 s16, $0x7  }
0x1d: {  	s4 =	simm.s32 $0x4;
	s13 =	sadd.s32 s13, s1;
	s16 =	sadd.s32 s22, s1  }
0x1e: {  	s22 =	sadd.s32 $0x7800, s5;
	s24 =	sadd.s32 s3, s0;
	s25 =	sadd.s32 $0x500, s12  }
0x1f: {  	s0 =	simm.s32 $0x50;
	s3 =	simm.s32 $0x3;
	s5 =	simm.s32 $0x0  }
.LBB2_1:
0x20: {  	s6 =	rddreg [dreg:$0x3]  }
0x21: {  	[tilespmem:s26], [sflag:$0x1] =	stream.linear.gather [hbm4b:s6+s2], $0x2800, $0x38;
	[tilespmem:$0x1A000] =	vst v63  }
0x22: {  	s8 =	rddreg [dreg:$0x4]  }
0x23: {  	[tilespmem:s28], [sflag:$0x2] =	stream.linear.gather [hbm4b:s8+s2], $0x2800, $0x38;
	[tilespmem:$0x1A000] =	vst v63  }
0x24: {  	_ =	swait.ge [sflag:s29], $0x2800  }
0x25: {  	[sflag:s29] =	ssyncset.done $0x0  }
0x26: {  	[sflag:s29] =	ssyncadd.s32 $0xFFFFD800  }
0x27: {  	[spmem:s13] =	stream.linear.scatter [tilespmem:s26], [sflag:$0x5], $0x2800, $0x38;
	[tilespmem:$0x1A000] =	vst v63  }
0x28: {  	_ =	swait.ge [sflag:s30], $0x2800  }
0x29: {  	[sflag:s30] =	ssyncset.done $0x0  }
0x2a: {  	s9 =	rddreg [dreg:$0x5];
	[sflag:s30] =	ssyncadd.s32 $0xFFFFD800  }
0x2b: {  	[tilespmem:s26], [sflag:$0x1] =	stream.linear.gather [hbm4b:s9+s2], $0x2800, $0x38;
	[tilespmem:$0x1A000] =	vst v63  }
0x2c: {  	_ =	swait.ge [sflag:s31], $0x2800  }
0x2d: {  	[sflag:s31] =	ssyncset.done $0x0  }
0x2e: {  	[sflag:s31] =	ssyncadd.s32 $0xFFFFD800  }
0x2f: {  	[spmem:s14] =	stream.linear.scatter [tilespmem:s28], [sflag:$0x5], $0x2800, $0x38;
	[tilespmem:$0x1A000] =	vst v63  }
0x30: {  	_ =	swait.ge [sflag:s30], $0x2800  }
0x31: {  	[sflag:s30] =	ssyncset.done $0x0  }
0x32: {  	s7 =	rddreg [dreg:$0x6];
	[sflag:s30] =	ssyncadd.s32 $0xFFFFD800  }
0x33: {  	[tilespmem:s28], [sflag:$0x2] =	stream.linear.gather [hbm4b:s7+s2], $0x2800, $0x38;
	[tilespmem:$0x1A000] =	vst v63  }
0x34: {  	_ =	swait.ge [sflag:s29], $0x2800  }
0x35: {  	[sflag:s29] =	ssyncset.done $0x0  }
0x36: {  	[sflag:s29] =	ssyncadd.s32 $0xFFFFD800  }
0x37: {  	[spmem:s15] =	stream.linear.scatter [tilespmem:s26], [sflag:$0x5], $0x2800, $0x38;
	[tilespmem:$0x1A000] =	vst v63  }
0x38: {  	_ =	swait.ge [sflag:s30], $0x2800  }
0x39: {  	[sflag:s30] =	ssyncset.done $0x0  }
0x3a: {  	s8 =	rddreg [dreg:$0x7];
	[sflag:s30] =	ssyncadd.s32 $0xFFFFD800  }
0x3b: {  	[tilespmem:s26], [sflag:$0x1] =	stream.linear.gather [hbm4b:s8+s2], $0x2800, $0x38;
	[tilespmem:$0x1A000] =	vst v63  }
0x3c: {  	_ =	swait.ge [sflag:s31], $0x2800  }
0x3d: {  	[sflag:s31] =	ssyncset.done $0x0  }
0x3e: {  	[sflag:s31] =	ssyncadd.s32 $0xFFFFD800  }
0x3f: {  	[spmem:s16] =	stream.linear.scatter [tilespmem:s28], [sflag:$0x5], $0x2800, $0x38;
	[tilespmem:$0x1A000] =	vst v63  }
0x40: {  	_ =	swait.ge [sflag:s30], $0x2800  }
0x41: {  	[sflag:s30] =	ssyncset.done $0x0  }
0x42: {  	s9 =	rddreg [dreg:$0x8];
	[sflag:s30] =	ssyncadd.s32 $0xFFFFD800  }
0x43: {  	[tilespmem:s28], [sflag:$0x2] =	stream.linear.gather [hbm4b:s9+s2], $0x2800, $0x38;
	[tilespmem:$0x1A000] =	vst v63  }
0x44: {  	_ =	swait.ge [sflag:s29], $0x2800  }
0x45: {  	[sflag:s29] =	ssyncset.done $0x0  }
0x46: {  	[sflag:s29] =	ssyncadd.s32 $0xFFFFD800  }
0x47: {  	[spmem:s17] =	stream.linear.scatter [tilespmem:s26], [sflag:$0x5], $0x2800, $0x38;
	[tilespmem:$0x1A000] =	vst v63  }
0x48: {  	_ =	swait.ge [sflag:s30], $0x2800  }
0x49: {  	[sflag:s30] =	ssyncset.done $0x0  }
0x4a: {  	s7 =	rddreg [dreg:$0x9];
	[sflag:s30] =	ssyncadd.s32 $0xFFFFD800  }
0x4b: {  	[tilespmem:s26], [sflag:$0x1] =	stream.linear.gather [hbm4b:s7+s2], $0x2800, $0x38;
	[tilespmem:$0x1A000] =	vst v63  }
0x4c: {  	_ =	swait.ge [sflag:s31], $0x2800  }
0x4d: {  	[sflag:s31] =	ssyncset.done $0x0  }
0x4e: {  	[sflag:s31] =	ssyncadd.s32 $0xFFFFD800  }
0x4f: {  	[spmem:s18] =	stream.linear.scatter [tilespmem:s28], [sflag:$0x5], $0x2800, $0x38;
	[tilespmem:$0x1A000] =	vst v63  }
0x50: {  	_ =	swait.ge [sflag:s30], $0x2800  }
0x51: {  	[sflag:s30] =	ssyncset.done $0x0  }
0x52: {  	[sflag:s30] =	ssyncadd.s32 $0xFFFFD800  }
0x53: {  	[tilespmem:s28], [sflag:$0x2] =	stream.linear.gather [hbm4b:s11+s2], $0x2800, $0x38;
	[tilespmem:$0x1A000] =	vst v63  }
0x54: {  	_ =	swait.ge [sflag:s29], $0x2800  }
0x55: {  	[sflag:s29] =	ssyncset.done $0x0  }
0x56: {  	[sflag:s29] =	ssyncadd.s32 $0xFFFFD800  }
0x57: {  	[spmem:s19] =	stream.linear.scatter [tilespmem:s26], [sflag:$0x5], $0x2800, $0x38;
	[tilespmem:$0x1A000] =	vst v63  }
0x58: {  	_ =	swait.ge [sflag:s30], $0x2800  }
0x59: {  	[sflag:s30] =	ssyncset.done $0x0  }
0x5a: {  	[sflag:s30] =	ssyncadd.s32 $0xFFFFD800  }
0x5b: {  	_ =	swait.ge [sflag:s31], $0x2800  }
0x5c: {  	[sflag:s31] =	ssyncset.done $0x0  }
0x5d: {  	[sflag:s31] =	ssyncadd.s32 $0xFFFFD800  }
0x5e: {  	[spmem:s20] =	stream.linear.scatter [tilespmem:s28], [sflag:$0x5], $0x2800, $0x38;
	[tilespmem:$0x1A000] =	vst v63  }
0x5f: {  	_ =	swait.ge [sflag:s30], $0x2800  }
0x60: {  	[sflag:s30] =	ssyncset.done $0x0  }
0x61: {  	[sflag:s30] =	ssyncadd.s32 $0xFFFFD800  }
0x62: {  	[bflag:$0x0] =	sbarrier.arrive $0xFFFF  }
0x63: {  	[tilespmem:s10], [sflag:$0x5] =	stream.linear.gather [hbm4b:s21+s2], $0xC80, $0x38;
	[tilespmem:$0x1A000] =	vst v63  }
0x64: {  	_ =	swait.ge [sflag:s30], $0xC80  }
0x65: {  	[sflag:s30] =	ssyncset.done $0x0  }
0x66: {  	[sflag:s30] =	ssyncadd.s32 $0xFFFFF380  }
0x67: {  	[tilespmem:s26], [sflag:$0x1] =	stream.indirect.gather [spmem:s1], $0x80, s10, s0, $0xb8;
	[tilespmem:$0x1A000] =	vst v63  }
0x68: {  	s8 =	simm.s32 $0x14080  }
0x69: {  	[tilespmem:s28], [sflag:$0x2] =	stream.indirect.gather [spmem:s1], $0x80, s8, s0, $0xb8;
	[tilespmem:$0x1A000] =	vst v63  }
0x6a: {  	_ =	swait.ge [sflag:s29], $0x2800  }
0x6b: {  	[sflag:s29] =	ssyncset.done $0x0  }
0x6c: {  	[sflag:s29] =	ssyncadd.s32 $0xFFFFD800  }
0x6d: {  	[hbm4b:s12+s2] =	stream.linear.scatter [tilespmem:s26], [sflag:$0x3], $0x2800, $0x38;
	[tilespmem:$0x1A000] =	vst v63  }
0x6e: {  	_ =	swait.ge [sflag:s3], $0x2800  }
0x6f: {  	[sflag:s3] =	ssyncset.done $0x0  }
0x70: {  	s9 =	simm.s32 $0x14100;
	[sflag:s3] =	ssyncadd.s32 $0xFFFFD800  }
0x71: {  	[tilespmem:s26], [sflag:$0x1] =	stream.indirect.gather [spmem:s1], $0x80, s9, s0, $0xb8;
	[tilespmem:$0x1A000] =	vst v63  }
0x72: {  	_ =	swait.ge [sflag:s31], $0x2800  }
0x73: {  	[sflag:s31] =	ssyncset.done $0x0  }
0x74: {  	[sflag:s31] =	ssyncadd.s32 $0xFFFFD800  }
0x75: {  	[hbm4b:s25+s2] =	stream.linear.scatter [tilespmem:s28], [sflag:$0x4], $0x2800, $0x38;
	[tilespmem:$0x1A000] =	vst v63  }
0x76: {  	_ =	swait.ge [sflag:s4], $0x2800  }
0x77: {  	[sflag:s4] =	ssyncset.done $0x0  }
0x78: {  	s7 =	simm.s32 $0x14180;
	[sflag:s4] =	ssyncadd.s32 $0xFFFFD800  }
0x79: {  	[tilespmem:s28], [sflag:$0x2] =	stream.indirect.gather [spmem:s1], $0x80, s7, s0, $0xb8;
	[tilespmem:$0x1A000] =	vst v63  }
0x7a: {  	_ =	swait.ge [sflag:s29], $0x2800  }
0x7b: {  	s7 =	sadd.s32 $0x0, s24;
	[sflag:s29] =	ssyncset.done $0x0  }
0x7c: {  	s8 =	sadd.s32 $0xA00, s7;
	[sflag:s29] =	ssyncadd.s32 $0xFFFFD800  }
0x7d: {  	[hbm4b:s8+s2] =	stream.linear.scatter [tilespmem:s26], [sflag:$0x3], $0x2800, $0x38;
	[tilespmem:$0x1A000] =	vst v63  }
0x7e: {  	_ =	swait.ge [sflag:s3], $0x2800  }
0x7f: {  	[sflag:s3] =	ssyncset.done $0x0  }
0x80: {  	s9 =	simm.s32 $0x14200;
	[sflag:s3] =	ssyncadd.s32 $0xFFFFD800  }
0x81: {  	[tilespmem:s26], [sflag:$0x1] =	stream.indirect.gather [spmem:s1], $0x80, s9, s0, $0xb8;
	[tilespmem:$0x1A000] =	vst v63  }
0x82: {  	_ =	swait.ge [sflag:s31], $0x2800  }
0x83: {  	s6 =	simm.s32 $0xA00;
	[sflag:s31] =	ssyncset.done $0x0  }
0x84: {  	s8 =	sadd.s32 $0xF00, s7;
	s7 =	simm.s32 $0x14280;
	[sflag:s31] =	ssyncadd.s32 $0xFFFFD800  }
.LBB2_2:
0x85: {  	[hbm4b:s8+s2] =	stream.linear.scatter [tilespmem:s28], [sflag:$0x4], $0x2800, $0x38;
	[tilespmem:$0x1A000] =	vst v63  }
0x86: {  	s8 =	smov.u32 s6  }
0x87: {  	p0 =	sne.s32 s6, $0x6400;
	s6 =	sadd.s32 $0xA00, s6;
	_ =	swait.ge [sflag:s4], $0x2800  }
0x88: {  	[sflag:s4] =	ssyncset.done $0x0  }
0x89: {  	[sflag:s4] =	ssyncadd.s32 $0xFFFFD800  }
0x8a: {  	[tilespmem:s28], [sflag:$0x2] =	stream.indirect.gather [spmem:s1], $0x80, s7, s0, $0xb8;
	[tilespmem:$0x1A000] =	vst v63  }
0x8b: {  	_ =	swait.ge [sflag:s29], $0x2800  }
0x8c: {  	s8 =	sadd.s32 s8, s24;
	[sflag:s29] =	ssyncset.done $0x0  }
0x8d: {  	s9 =	sadd.s32 $0xA00, s8;
	[sflag:s29] =	ssyncadd.s32 $0xFFFFD800  }
0x8e: {  	[hbm4b:s9+s2] =	stream.linear.scatter [tilespmem:s26], [sflag:$0x3], $0x2800, $0x38;
	[tilespmem:$0x1A000] =	vst v63  }
0x8f: {  	_ =	swait.ge [sflag:s3], $0x2800  }
0x90: {  	[sflag:s3] =	ssyncset.done $0x0  }
.Ltmp0:
0x91: {  	s9 =	sadd.s32 $0x80, s7;
	[sflag:s3] =	ssyncadd.s32 $0xFFFFD800;
	(pc) =	sbr.rel @p0 .LBB2_2-.Ltmp0, $4  }
0x92: {  	[tilespmem:s26], [sflag:$0x1] =	stream.indirect.gather [spmem:s1], $0x80, s9, s0, $0xb8;
	[tilespmem:$0x1A000] =	vst v63  }
0x93: {  	_ =	swait.ge [sflag:s31], $0x2800  }
0x94: {  	[sflag:s31] =	ssyncset.done $0x0  }
0x95: {  	s8 =	sadd.s32 $0xF00, s8;
	s7 =	sadd.s32 $0x100, s7;
	[sflag:s31] =	ssyncadd.s32 $0xFFFFD800  }
0x96: {  	[hbm4b:s8+s2] =	stream.linear.scatter [tilespmem:s28], [sflag:$0x4], $0x2800, $0x38;
	[tilespmem:$0x1A000] =	vst v63  }
0x97: {  	_ =	swait.ge [sflag:s4], $0x2800  }
0x98: {  	[sflag:s4] =	ssyncset.done $0x0  }
0x99: {  	[sflag:s4] =	ssyncadd.s32 $0xFFFFD800  }
0x9a: {  	s5 =	sadd.s32 $0x1, s5;
	_ =	swait.ge [sflag:s29], $0x2800  }
0x9b: {  	p0 =	sne.s32 s5, s23;
	[sflag:s29] =	ssyncset.done $0x0  }
.Ltmp1:
0x9c: {  	[sflag:s29] =	ssyncadd.s32 $0xFFFFD800;
	(pc) =	sbr.rel @p0 .LBB2_1-.Ltmp1, $4  }
0x9d: {  	[hbm4b:s22+s2] =	stream.linear.scatter [tilespmem:s26], [sflag:$0x3], $0x2800, $0x38;
	[tilespmem:$0x1A000] =	vst v63  }
0x9e: {  	_ =	swait.ge [sflag:s3], $0x2800  }
0x9f: {  	[sflag:s3] =	ssyncset.done $0x0  }
0xa0: {  	[sflag:s3] =	ssyncadd.s32 $0xFFFFD800  }
0xa1: {  	_ =	sfence.sel $0x180000  }
0xa2: {  	[bflag:$0x0] =	sbarrier.arrive $0xFFFF  }
0xa3: {  	_ =	strace $0x90000053  }
0xa4: {  	s0 =	stileid.u32;
	[bflag:$0x2] =	sbarrier.arrive $0xFFFF  }
0xa5: {  	p0 =	sne.s32 s0, $0x0;
	s0 =	rddreg [dreg:$0x2]  }
0xa6: {  	s0 =	sadd.s32 @!p0 $0x100000, s0  }
0xa7: {  	[sflag:s0] =	ssyncadd.tile.s32 @!p0 $0x1;
	_ =	shalt  }
.Lfunc_end2:
_tile_overlayer_lowered:
.L_overlay_start_2:
0xa8: {  	(tag) =	ssettag $0x2  }
0xa9: {  	s0 =	rddreg [dreg:$0x0];
	s2 =	stileid.u32  }
0xaa: {  	s1 =	rddreg [dreg:$0x1];
	p0 =	sne.s32 s2, $0x0  }
0xab: {  	s3 =	rddreg [dreg:$0x2];
	[bflag:$0x3] =	sbarrier.arrive $0xFFFF;
	s2 =	simm.s32 @!p0 $0x1C05  }
0xac: {  	[timem:s3], [sflag:s2] =	dma.local @!p0 [hbm:s0], s1  }
0xad: {  	s0 =	simm.s32 @!p0 $0x5  }
0xae: {  	_ =	swait.ge @!p0 [sflag:s0], s1  }
0xaf: {  	s1 =	ssub.s32 @!p0 $0x0, s1;
	[sflag:s0] =	ssyncset.done @!p0 $0x0  }
0xb0: {  	[sflag:s0] =	ssyncadd.s32 @!p0 s1  }
0xb1: {  	[bflag:$0x3] =	sbarrier.arrive $0xFFFF  }
0xb2: {  	_ =	shalt  }

// kernel: kernel.29.cloned.1.call-start
scs
__scs_entry_jumppad:
0x0: {  	(pc) =	sbr.rel $0x88, $3  }
0x1: {  	(tag) =	ssettag $0x0;
	lr =	simm.s32 $0x1  }
0x2: {  	[smem:$0x3F98] =	sst lr;
	_ =	strace $0xD0000000  }
0x3: {  	_ = 	snop  }
0x4: {  	_ = 	snop  }
0x5: {  	_ = 	snop  }
0x6: {  	_ = 	snop  }
0x7: {  	_ = 	snop  }
__scs_overlays_trampoline_lowered:
0x8: {  	[smem:$0x3FA7] =	sst s0  }
0x9: {  	[smem:$0x3FA8] =	sst s1  }
0xa: {  	[smem:$0x3FA9] =	sst s2  }
0xb: {  	[smem:$0x3FAA] =	sst s3  }
0xc: {  	[smem:$0x3FAB] =	sst s4  }
0xd: {  	[smem:$0x3FAC] =	sst s5  }
0xe: {  	[smem:$0x3FAD] =	sst s6  }
0xf: {  	[smem:$0x3FAE] =	sst s7  }
0x10: {  	[smem:$0x3FAF] =	sst s8  }
0x11: {  	[smem:$0x3FB0] =	sst s9;
	s0 =	simm.s32 @!p0 $0x0  }
0x12: {  	s1 =	sld [smem:$0x3F96];
	s0 =	simm.s32 @p0 $0x1  }
0x13: {  	[smem:$0x3FB1] =	sst s0;
	s0 =	simm.s32 @!p1 $0x0  }
0x14: {  	s2 =	sld [smem:$0x3F95];
	s0 =	simm.s32 @p1 $0x1  }
0x15: {  	[smem:$0x3FB2] =	sst s0;
	s0 =	simm.s32 @!p2 $0x0  }
0x16: {  	s3 =	sld [smem:$0x3FDB];
	s0 =	simm.s32 @p2 $0x1  }
0x17: {  	s4 =	simm.s32 $0x1BF5;
	[smem:$0x3FB4] =	sst s0  }
0x18: {  	s0 =	sld [smem:$0x3F97];
	_ =	swait.ge [sflag:s4], $0x0  }
0x19: {  	s7 =	sld [smem:$0x3F98]  }
0x1a: {  	s8 =	sadd.s32 $0xFFFFE003, lr  }
0x1b: {  	s9 =	sadd.s32 $0xFFFFFEF7, lr;
	s5 =	simm.s32 $0xFFFFFFFF;
	p2 =	slt.u32 s8, $0xFFFFF086  }
0x1c: {  	p1 =	slt.u32 s9, $0xF7A;
	s5 =	simm.s32 @!p2 $0x0  }
0x1d: {  	s5 =	simm.s32 @p1 $0x1;
	p0 =	seq.s32 s7, s2  }
0x1e: {  	s7 =	smul.u32 @!p0 $0xF7A, s2;
	p2 =	seq.s32 @!p0 s5, $0x0  }
0x1f: {  	s9 =	smul.u32 $0xF7A, s1;
	s8 =	simm.s32 @!p0 $0x1BF5;
	p2 =	por !p2, p0  }
0x20: {  	[sflag:s8] =	ssyncset.s32 @!p0 $0xFFFFF086;
	s6 =	sadd.s32 @!p0 s3, s7;
	s7 =	simm.s32 @!p0 $0x108  }
0x21: {  	s3 =	sadd.s32 s3, s9;
	s6 =	sadd.s32 @!p0 $0x88, s6;
	s7 =	simm.s32 @p2 $0x1082  }
0x22: {  	[simem:s7], [sflag:s8] =	dma.local @!p0 [hbm:s6], $0xF7A  }
0x23: {  	s9 =	sor.u32 $0xD0000000, s2;
	s6 =	simm.s32 $0x108;
	_ =	swait.ge @!p0 [sflag:s8], $0x0  }
0x24: {  	s3 =	sadd.s32 $0x88, s3;
	s6 =	simm.s32 @!p1 $0x1082;
	[sflag:s4] =	ssyncset.s32 $0xFFFFF086  }
0x25: {  	[simem:s6], [sflag:s4] =	dma.local [hbm:s3], $0xF7A  }
0x26: {  	[smem:$0x3F98] =	sst s1;
	(tag) =	ssettag s2;
	_ =	strace s9  }
0x27: {  	s1 =	sld [smem:$0x3FA8]  }
0x28: {  	s2 =	sld [smem:$0x3FA9]  }
0x29: {  	s4 =	sld [smem:$0x3FAB]  }
0x2a: {  	p0 =	seq.s32 s5, $0x0;
	s5 =	sld [smem:$0x3FAC]  }
0x2b: {  	s6 =	sld [smem:$0x3FAD]  }
0x2c: {  	s7 =	sld [smem:$0x3FAE]  }
0x2d: {  	s3 =	simm.s32 $0x108;
	s8 =	sld [smem:$0x3FAF]  }
0x2e: {  	s3 =	simm.s32 @!p0 $0x1082;
	s9 =	sld [smem:$0x3FB0]  }
0x2f: {  	lr =	sadd.s32 s0, s3;
	s0 =	sld [smem:$0x3FA7]  }
0x30: {  	s3 =	sld [smem:$0x3FAA]  }
0x31: {  	[smem:$0x3FB3] =	sst s10  }
0x32: {  	s10 =	sld [smem:$0x3FB1];
	_ =	sdelay $0x3  }
0x33: {  	p0 =	seq.s32 s10, $0x1;
	s10 =	sld [smem:$0x3FB3];
	_ =	sdelay $0x3  }
0x34: {  	[smem:$0x3FB3] =	sst s10  }
0x35: {  	s10 =	sld [smem:$0x3FB2];
	_ =	sdelay $0x3  }
0x36: {  	p1 =	seq.s32 s10, $0x1;
	s10 =	sld [smem:$0x3FB3];
	_ =	sdelay $0x3  }
0x37: {  	[smem:$0x3FB3] =	sst s10  }
0x38: {  	s10 =	sld [smem:$0x3FB4]  }
0x39: {  	_ = 	snop;
	(pc) =	sbr.ind lr, $3  }
0x3a: {  	_ = 	snop  }
0x3b: {  	_ = 	snop  }
0x3c: {  	p2 =	seq.s32 s10, $0x1;
	s10 =	sld [smem:$0x3FB3]  }
0x3d: {  	_ =	shalt  }
0x3e: {  	_ =	shalt  }
0x3f: {  	_ =	shalt  }
0x40: {  	_ =	shalt  }
0x41: {  	_ =	shalt  }
0x42: {  	_ =	shalt  }
0x43: {  	_ =	shalt  }
0x44: {  	_ =	shalt  }
0x45: {  	_ =	shalt  }
0x46: {  	_ =	shalt  }
0x47: {  	_ =	shalt  }
0x48: {  	_ =	shalt  }
0x49: {  	_ =	shalt  }
0x4a: {  	_ =	shalt  }
0x4b: {  	_ =	shalt  }
0x4c: {  	_ =	shalt  }
0x4d: {  	_ =	shalt  }
0x4e: {  	_ =	shalt  }
0x4f: {  	_ =	shalt  }
0x50: {  	_ =	shalt  }
0x51: {  	_ =	shalt  }
0x52: {  	_ =	shalt  }
0x53: {  	_ =	shalt  }
0x54: {  	_ =	shalt  }
0x55: {  	_ =	shalt  }
0x56: {  	_ =	shalt  }
0x57: {  	_ =	shalt  }
0x58: {  	_ =	shalt  }
0x59: {  	_ =	shalt  }
0x5a: {  	_ =	shalt  }
0x5b: {  	_ =	shalt  }
0x5c: {  	_ =	shalt  }
0x5d: {  	_ =	shalt  }
0x5e: {  	_ =	shalt  }
0x5f: {  	_ =	shalt  }
0x60: {  	_ =	shalt  }
0x61: {  	_ =	shalt  }
0x62: {  	_ =	shalt  }
0x63: {  	_ =	shalt  }
0x64: {  	_ =	shalt  }
0x65: {  	_ =	shalt  }
0x66: {  	_ =	shalt  }
0x67: {  	_ =	shalt  }
0x68: {  	_ =	shalt  }
0x69: {  	_ =	shalt  }
0x6a: {  	_ =	shalt  }
0x6b: {  	_ =	shalt  }
0x6c: {  	_ =	shalt  }
0x6d: {  	_ =	shalt  }
0x6e: {  	_ =	shalt  }
0x6f: {  	_ =	shalt  }
0x70: {  	_ =	shalt  }
0x71: {  	_ =	shalt  }
0x72: {  	_ =	shalt  }
0x73: {  	_ =	shalt  }
0x74: {  	_ =	shalt  }
0x75: {  	_ =	shalt  }
0x76: {  	_ =	shalt  }
0x77: {  	_ =	shalt  }
0x78: {  	_ =	shalt  }
0x79: {  	_ =	shalt  }
0x7a: {  	_ =	shalt  }
0x7b: {  	_ =	shalt  }
0x7c: {  	_ =	shalt  }
0x7d: {  	_ =	shalt  }
0x7e: {  	_ =	shalt  }
0x7f: {  	_ =	shalt  }
0x80: {  	_ =	shalt  }
0x81: {  	_ =	shalt  }
0x82: {  	_ =	shalt  }
0x83: {  	_ =	shalt  }
0x84: {  	_ =	shalt  }
0x85: {  	_ =	shalt  }
0x86: {  	_ =	shalt  }
0x87: {  	_ =	shalt  }
.Lfunc_end0:
.L_simem_size_0:
called_computation.5_lowered:
.L_overlay_start_0:
0x88: {  	s2 =	sld [smem:$0x3FD9]  }
0x89: {  	s3 =	sld [smem:$0x3FFE];
	_ =	sdelay $0x1  }
0x8a: {  	s1 =	srdreg.scid  }
0x8b: {  	s0 =	sand.u32 $0x1, s1  }
0x8c: {  	s17 =	sshll.u32 s0, $0xA;
	s2 =	sadd.s32 s3, s2  }
0x8d: {  	s2 =	sadd.s32 s2, s17  }
0x8e: {  	[smem:$0x3FBF] =	sst s2  }
0x8f: {  	_ = 	snop  }
0x90: {  	(tm) =	ssettm $0x1  }
0x91: {  	s18 =	sld [smem:$0x3FFB];
	_ =	sdelay $0x3  }
0x92: {  	_ =	strace s18  }
0x93: {  	s2 =	sld [smem:$0x3FFC];
	_ =	sdelay $0x3  }
0x94: {  	_ =	strace s2  }
0x95: {  	s2 =	sld [smem:$0x3FFD];
	_ =	sdelay $0x3  }
0x96: {  	_ =	strace s2  }
0x97: {  	_ =	strace $0x8FFFFFFF  }
0x98: {  	s19 =	sld [smem:$0x3FDB];
	_ =	sdelay $0x1  }
0x99: {  	s20 =	simm.s32 $_scs_section_size  }
0x9a: {  	s4 =	simm.s32 $_size__tile_overlayer_lowered;
	s5 =	simm.s32 $_tile_overlayer_lowered  }
0x9b: {  	s6 =	simm.s32 $0x1BFF;
	s21 =	sshll.u32 s5, $0x1;
	s3 =	sadd.s32 s20, s19  }
0x9c: {  	s22 =	simm.s32 $0x0;
	s4 =	sshll.u32 s4, $0x1;
	s5 =	sadd.s32 s21, s3  }
0x9d: {  	[timem:s22], [sflag:s6] =	dma.local [hbm:s5], s4  }
0x9e: {  	_ =	swait.ge [sflag:s6], s4  }
0x9f: {  	s4 =	ssub.s32 $0x0, s4;
	[sflag:s6] =	ssyncset.done $0x0  }
0xa0: {  	[sflag:s6] =	ssyncadd.s32 s4;
	_ =	sdelay $0x1  }
0xa1: {  	s23 =	simm.s32 $0x1B8B  }
0xa2: {  	_ =	swait.ge [sflag:s23], $0x1  }
0xa3: {  	[sflag:s23] =	ssyncset.done $0x0  }
0xa4: {  	[sflag:s23] =	ssyncadd.s32 $0xFFFFFFFF  }
0xa5: {  	s4 =	sld [smem:$0x0]  }
0xa6: {  	s5 =	sand.u32 $0xFFFFFFFE, s1  }
0xa7: {  	p0 =	sne.s32 s1, s5  }
0xa8: {  	s5 =	sshll.u32 @p0 s5, $0xE  }
0xa9: {  	s5 =	sadd.s32 @p0 $0x11B8D, s5;
	s6 =	sshll.u32 @p0 s4, $0x11  }
0xaa: {  	s5 =	sor.u32 @p0 s6, s5  }
0xab: {  	[sflag:s5] =	ssyncadd.remote.s32 @p0 $0x1;
	_ =	sdelay $0x1  }
0xac: {  	s5 =	simm.s32 @p0 $0x1B8D  }
0xad: {  	_ =	swait.eq @p0 [sflag:s5], $0x1  }
0xae: {  	[sflag:s5] =	ssyncadd.s32 @p0 $0xFFFFFFFF  }
0xaf: {  	s6 =	sshll.u32 @!p0 s1, $0xE  }
0xb0: {  	s6 =	sor.u32 @!p0 $0x4000, s6;
	s5 =	simm.s32 @!p0 $0x1B8D  }
0xb1: {  	s4 =	sshll.u32 @!p0 s4, $0x11;
	s6 =	sadd.s32 @!p0 $0x11B8D, s6;
	_ =	swait.eq @!p0 [sflag:s5], $0x1  }
0xb2: {  	s4 =	sor.u32 @!p0 s4, s6;
	[sflag:s5] =	ssyncadd.s32 @!p0 $0xFFFFFFFF  }
0xb3: {  	s25 =	simm.s32 $0x1B8E;
	s24 =	sld [smem:$0x3FFE];
	[sflag:s4] =	ssyncadd.remote.s32 @!p0 $0x1  }
0xb4: {  	s26 =	simm.s32 $execute0_lowered;
	[smem:$0x3FD2] =	sst s25  }
0xb5: {  	s5 =	sshll.u32 s26, $0x1;
	_ =	strace $0x80000055;
	[dreg:$0x1] =	wrdreg $0xFFFFFFFF  }
0xb6: {  	s28 =	simm.s32 $_size_execute0_lowered;
	s3 =	sadd.s32 s3, s5;
	[dreg:$0x0] =	wrdreg $0x0  }
0xb7: {  	s5 =	sshll.u32 s28, $0x1;
	[dreg:$0x2] =	wrdreg s3  }
0xb8: {  	[dreg:$0x3] =	wrdreg s5  }
0xb9: {  	[dreg:$0x4] =	wrdreg $0xC0  }
0xba: {  	_ =	task [dreg:s22], $0x5FFFF  }
0xbb: {  	[dreg:$0x1] =	wrdreg $0xFFFFFFFF  }
0xbc: {  	[dreg:$0x0] =	wrdreg $0x60  }
0xbd: {  	[dreg:$0x2] =	wrdreg s24  }
0xbe: {  	[dreg:$0x3] =	wrdreg $0x0  }
0xbf: {  	[dreg:$0x4] =	wrdreg $0xD  }
0xc0: {  	_ =	task.clear_ibuf [dreg:s22], $0x5FFFF;
	_ =	strace $0x90000055  }
0xc1: {  	s29 =	simm.s32 $0xD;
	_ =	strace $0x80000057  }
0xc2: {  	_ =	swait.ge [sflag:s29], $0x1  }
0xc3: {  	[sflag:s29] =	ssyncadd.s32 $0xFFFFFFFF  }
0xc4: {  	_ =	strace $0x90000057  }
0xc5: {  	_ =	sfence  }
0xc6: {  	s30 =	sld [smem:$0x0];
	_ =	sdelay $0x2  }
0xc7: {  	s31 =	sshll.u32 s1, $0xD;
	s1 =	sshrl.u32 s1, $0x2  }
0xc8: {  	s4 =	sand.u32 $0x4000, s31;
	s1 =	sadd.s32 s1, s30  }
0xc9: {  	s0 =	sor.u32 s4, s0;
	s1 =	sshll.u32 s1, $0x11  }
0xca: {  	s0 =	sor.u32 s1, s0  }
0xcb: {  	s0 =	sadd.s32 $0x8F2B, s0  }
0xcc: {  	[sflag:s0] =	ssyncadd.remote.s32 $0x1  }
0xcd: {  	_ =	sfence.sel $0xFFFF  }
0xce: {  	[dreg:$0x0] =	wrdreg $0xFFFFFFFF;
	(pc) =	sbr.abs _section_cstart, $3  }
0xcf: {  	[dreg:$0x1] =	wrdreg $0xFFFFFFFF  }
0xd0: {  	_ =	task.clear_ibuf [dreg:s22], $0x2FFFF;
	_ =	strace $0x9FFFFFFF  }
0xd1: {  	(tm) =	ssettm $0x7FFFFFFF  }
tec
execute0_lowered:
.L_overlay_start_1:
0x0: {  	(tag) =	ssettag $0x1  }
0x1: {  	s0 =	rddreg [dreg:$0x0]  }
0x2: {  	s1 =	rddreg [dreg:$0x1]  }
0x3: {  	s3 =	srdreg.scid;
	s13 =	stileid.u32  }
0x4: {  	s2 =	simm.s32 $0x0;
	s28 =	simm.s32 $0x17800;
	s29 =	simm.s32 $0x1  }
0x5: {  	s30 =	simm.s32 $0x5;
	s31 =	simm.s32 $0x2;
	s7 =	smul.u32 $0x280, s13  }
0x6: {  	s3 =	sand.u32 $0x1, s3;
	s4 =	sshll.u32 s13, $0x1;
	s10 =	smul.u32 $0x2800, s13  }
0x7: {  	[smem:$0x7FF] =	sst s2;
	s5 =	sadd.s32 $0x1A800, s0;
	s22 =	smul.u32 $0x50000, s13  }
0x8: {  	s13 =	smul.u32 $0xFA00, s13;
	s4 =	sor.u32 s3, s4;
	s8 =	ssub.s32 $0x2, s3  }
0x9: {  	s3 =	smul.u32 $0x7D00, s3;
	s6 =	sshll.u32 s4, $0x9;
	s9 =	sshrl.u32 s8, $0x1  }
0xa: {  	s14 =	sor.u32 $0x50, s7;
	s15 =	sadd.s32 $0xA0, s7;
	s10 =	sadd.s32 s5, s10  }
0xb: {  	s16 =	sadd.s32 $0xF0, s7;
	s17 =	sadd.s32 $0x140, s7;
	s18 =	sadd.s32 $0x190, s7  }
0xc: {  	s19 =	sadd.s32 $0x1E0, s7;
	s7 =	sadd.s32 $0x230, s7;
	s12 =	smul.u32 $0x3E800, s4  }
0xd: {  	s4 =	smul.u32 $0x7D00, s4;
	s6 =	sadd.s32 s6, s0;
	s0 =	sadd.s32 $0x42A800, s0  }
0xe: {  	s8 =	ssub.s32 s8, s9;
	s20 =	sshll.u32 s14, $0x4;
	[dreg:$0x3] =	wrdreg s10  }
0xf: {  	s21 =	sshll.u32 s15, $0x4;
	s23 =	sshll.u32 s16, $0x4;
	s24 =	sshll.u32 s17, $0x4  }
0x10: {  	s11 =	sshll.u32 s18, $0x4;
	s26 =	sshll.u32 s19, $0x4;
	s10 =	simm.s32 $0x14000  }
0x11: {  	s9 =	sadd.s32 s5, s20;
	s25 =	sadd.s32 s5, s11;
	s12 =	sshrl.u32 s12, $0x3  }
0x12: {  	s20 =	sshll.u32 s14, $0x7;
	[dreg:$0x4] =	wrdreg s9;
	s9 =	sadd.s32 s5, s21  }
0x13: {  	[dreg:$0x8] =	wrdreg s25;
	s21 =	sshll.u32 s15, $0x7;
	s14 =	sadd.s32 s20, s1  }
0x14: {  	s25 =	sshll.u32 s19, $0x7;
	[dreg:$0x5] =	wrdreg s9;
	s9 =	sadd.s32 s5, s23  }
0x15: {  	s15 =	sadd.s32 s21, s1;
	s23 =	sshll.u32 s17, $0x7;
	s19 =	sadd.s32 s25, s1  }
0x16: {  	s21 =	sadd.s32 $0x10200, s6;
	[dreg:$0x6] =	wrdreg s9;
	s9 =	sadd.s32 s5, s24  }
0x17: {  	s24 =	sshll.u32 s18, $0x7;
	s17 =	sadd.s32 s23, s1;
	s23 =	smax.u32 s8, $0x1  }
0x18: {  	[dreg:$0x7] =	wrdreg s9;
	s9 =	sadd.s32 s5, s26;
	s18 =	sadd.s32 s24, s1  }
0x19: {  	s26 =	sshll.u32 s7, $0x7;
	[dreg:$0x9] =	wrdreg s9;
	s9 =	sshll.u32 s7, $0x4  }
0x1a: {  	s20 =	sadd.s32 s26, s1;
	s26 =	simm.s32 $0x15000;
	s11 =	sadd.s32 s5, s9  }
0x1b: {  	s5 =	sadd.s32 s0, s12;
	s12 =	sadd.s32 s0, s4;
	s0 =	sadd.s32 s13, s0  }
0x1c: {  	_ =	strace $0x80000056;
	s13 =	sshrl.u32 s22, $0x2;
	s22 =	sshll.u32 s16, $0x7  }
0x1d: {  	s4 =	simm.s32 $0x4;
	s13 =	sadd.s32 s13, s1;
	s16 =	sadd.s32 s22, s1  }
0x1e: {  	s22 =	sadd.s32 $0x7800, s5;
	s24 =	sadd.s32 s3, s0;
	s25 =	sadd.s32 $0x500, s12  }
0x1f: {  	s0 =	simm.s32 $0x50;
	s3 =	simm.s32 $0x3;
	s5 =	simm.s32 $0x0  }
.LBB2_1:
0x20: {  	s6 =	rddreg [dreg:$0x3]  }
0x21: {  	[tilespmem:s26], [sflag:$0x1] =	stream.linear.gather [hbm4b:s6+s2], $0x2800, $0x38;
	[tilespmem:$0x1A000] =	vst v63  }
0x22: {  	s8 =	rddreg [dreg:$0x4]  }
0x23: {  	[tilespmem:s28], [sflag:$0x2] =	stream.linear.gather [hbm4b:s8+s2], $0x2800, $0x38;
	[tilespmem:$0x1A000] =	vst v63  }
0x24: {  	_ =	swait.ge [sflag:s29], $0x2800  }
0x25: {  	[sflag:s29] =	ssyncset.done $0x0  }
0x26: {  	[sflag:s29] =	ssyncadd.s32 $0xFFFFD800  }
0x27: {  	[spmem:s13] =	stream.linear.scatter [tilespmem:s26], [sflag:$0x5], $0x2800, $0x38;
	[tilespmem:$0x1A000] =	vst v63  }
0x28: {  	_ =	swait.ge [sflag:s30], $0x2800  }
0x29: {  	[sflag:s30] =	ssyncset.done $0x0  }
0x2a: {  	s9 =	rddreg [dreg:$0x5];
	[sflag:s30] =	ssyncadd.s32 $0xFFFFD800  }
0x2b: {  	[tilespmem:s26], [sflag:$0x1] =	stream.linear.gather [hbm4b:s9+s2], $0x2800, $0x38;
	[tilespmem:$0x1A000] =	vst v63  }
0x2c: {  	_ =	swait.ge [sflag:s31], $0x2800  }
0x2d: {  	[sflag:s31] =	ssyncset.done $0x0  }
0x2e: {  	[sflag:s31] =	ssyncadd.s32 $0xFFFFD800  }
0x2f: {  	[spmem:s14] =	stream.linear.scatter [tilespmem:s28], [sflag:$0x5], $0x2800, $0x38;
	[tilespmem:$0x1A000] =	vst v63  }
0x30: {  	_ =	swait.ge [sflag:s30], $0x2800  }
0x31: {  	[sflag:s30] =	ssyncset.done $0x0  }
0x32: {  	s7 =	rddreg [dreg:$0x6];
	[sflag:s30] =	ssyncadd.s32 $0xFFFFD800  }
0x33: {  	[tilespmem:s28], [sflag:$0x2] =	stream.linear.gather [hbm4b:s7+s2], $0x2800, $0x38;
	[tilespmem:$0x1A000] =	vst v63  }
0x34: {  	_ =	swait.ge [sflag:s29], $0x2800  }
0x35: {  	[sflag:s29] =	ssyncset.done $0x0  }
0x36: {  	[sflag:s29] =	ssyncadd.s32 $0xFFFFD800  }
0x37: {  	[spmem:s15] =	stream.linear.scatter [tilespmem:s26], [sflag:$0x5], $0x2800, $0x38;
	[tilespmem:$0x1A000] =	vst v63  }
0x38: {  	_ =	swait.ge [sflag:s30], $0x2800  }
0x39: {  	[sflag:s30] =	ssyncset.done $0x0  }
0x3a: {  	s8 =	rddreg [dreg:$0x7];
	[sflag:s30] =	ssyncadd.s32 $0xFFFFD800  }
0x3b: {  	[tilespmem:s26], [sflag:$0x1] =	stream.linear.gather [hbm4b:s8+s2], $0x2800, $0x38;
	[tilespmem:$0x1A000] =	vst v63  }
0x3c: {  	_ =	swait.ge [sflag:s31], $0x2800  }
0x3d: {  	[sflag:s31] =	ssyncset.done $0x0  }
0x3e: {  	[sflag:s31] =	ssyncadd.s32 $0xFFFFD800  }
0x3f: {  	[spmem:s16] =	stream.linear.scatter [tilespmem:s28], [sflag:$0x5], $0x2800, $0x38;
	[tilespmem:$0x1A000] =	vst v63  }
0x40: {  	_ =	swait.ge [sflag:s30], $0x2800  }
0x41: {  	[sflag:s30] =	ssyncset.done $0x0  }
0x42: {  	s9 =	rddreg [dreg:$0x8];
	[sflag:s30] =	ssyncadd.s32 $0xFFFFD800  }
0x43: {  	[tilespmem:s28], [sflag:$0x2] =	stream.linear.gather [hbm4b:s9+s2], $0x2800, $0x38;
	[tilespmem:$0x1A000] =	vst v63  }
0x44: {  	_ =	swait.ge [sflag:s29], $0x2800  }
0x45: {  	[sflag:s29] =	ssyncset.done $0x0  }
0x46: {  	[sflag:s29] =	ssyncadd.s32 $0xFFFFD800  }
0x47: {  	[spmem:s17] =	stream.linear.scatter [tilespmem:s26], [sflag:$0x5], $0x2800, $0x38;
	[tilespmem:$0x1A000] =	vst v63  }
0x48: {  	_ =	swait.ge [sflag:s30], $0x2800  }
0x49: {  	[sflag:s30] =	ssyncset.done $0x0  }
0x4a: {  	s7 =	rddreg [dreg:$0x9];
	[sflag:s30] =	ssyncadd.s32 $0xFFFFD800  }
0x4b: {  	[tilespmem:s26], [sflag:$0x1] =	stream.linear.gather [hbm4b:s7+s2], $0x2800, $0x38;
	[tilespmem:$0x1A000] =	vst v63  }
0x4c: {  	_ =	swait.ge [sflag:s31], $0x2800  }
0x4d: {  	[sflag:s31] =	ssyncset.done $0x0  }
0x4e: {  	[sflag:s31] =	ssyncadd.s32 $0xFFFFD800  }
0x4f: {  	[spmem:s18] =	stream.linear.scatter [tilespmem:s28], [sflag:$0x5], $0x2800, $0x38;
	[tilespmem:$0x1A000] =	vst v63  }
0x50: {  	_ =	swait.ge [sflag:s30], $0x2800  }
0x51: {  	[sflag:s30] =	ssyncset.done $0x0  }
0x52: {  	[sflag:s30] =	ssyncadd.s32 $0xFFFFD800  }
0x53: {  	[tilespmem:s28], [sflag:$0x2] =	stream.linear.gather [hbm4b:s11+s2], $0x2800, $0x38;
	[tilespmem:$0x1A000] =	vst v63  }
0x54: {  	_ =	swait.ge [sflag:s29], $0x2800  }
0x55: {  	[sflag:s29] =	ssyncset.done $0x0  }
0x56: {  	[sflag:s29] =	ssyncadd.s32 $0xFFFFD800  }
0x57: {  	[spmem:s19] =	stream.linear.scatter [tilespmem:s26], [sflag:$0x5], $0x2800, $0x38;
	[tilespmem:$0x1A000] =	vst v63  }
0x58: {  	_ =	swait.ge [sflag:s30], $0x2800  }
0x59: {  	[sflag:s30] =	ssyncset.done $0x0  }
0x5a: {  	[sflag:s30] =	ssyncadd.s32 $0xFFFFD800  }
0x5b: {  	_ =	swait.ge [sflag:s31], $0x2800  }
0x5c: {  	[sflag:s31] =	ssyncset.done $0x0  }
0x5d: {  	[sflag:s31] =	ssyncadd.s32 $0xFFFFD800  }
0x5e: {  	[spmem:s20] =	stream.linear.scatter [tilespmem:s28], [sflag:$0x5], $0x2800, $0x38;
	[tilespmem:$0x1A000] =	vst v63  }
0x5f: {  	_ =	swait.ge [sflag:s30], $0x2800  }
0x60: {  	[sflag:s30] =	ssyncset.done $0x0  }
0x61: {  	[sflag:s30] =	ssyncadd.s32 $0xFFFFD800  }
0x62: {  	[bflag:$0x0] =	sbarrier.arrive $0xFFFF  }
0x63: {  	[tilespmem:s10], [sflag:$0x5] =	stream.linear.gather [hbm4b:s21+s2], $0xC80, $0x38;
	[tilespmem:$0x1A000] =	vst v63  }
0x64: {  	_ =	swait.ge [sflag:s30], $0xC80  }
0x65: {  	[sflag:s30] =	ssyncset.done $0x0  }
0x66: {  	[sflag:s30] =	ssyncadd.s32 $0xFFFFF380  }
0x67: {  	[tilespmem:s26], [sflag:$0x1] =	stream.indirect.gather [spmem:s1], $0x80, s10, s0, $0xb8;
	[tilespmem:$0x1A000] =	vst v63  }
0x68: {  	s8 =	simm.s32 $0x14080  }
0x69: {  	[tilespmem:s28], [sflag:$0x2] =	stream.indirect.gather [spmem:s1], $0x80, s8, s0, $0xb8;
	[tilespmem:$0x1A000] =	vst v63  }
0x6a: {  	_ =	swait.ge [sflag:s29], $0x2800  }
0x6b: {  	[sflag:s29] =	ssyncset.done $0x0  }
0x6c: {  	[sflag:s29] =	ssyncadd.s32 $0xFFFFD800  }
0x6d: {  	[hbm4b:s12+s2] =	stream.linear.scatter [tilespmem:s26], [sflag:$0x3], $0x2800, $0x38;
	[tilespmem:$0x1A000] =	vst v63  }
0x6e: {  	_ =	swait.ge [sflag:s3], $0x2800  }
0x6f: {  	[sflag:s3] =	ssyncset.done $0x0  }
0x70: {  	s9 =	simm.s32 $0x14100;
	[sflag:s3] =	ssyncadd.s32 $0xFFFFD800  }
0x71: {  	[tilespmem:s26], [sflag:$0x1] =	stream.indirect.gather [spmem:s1], $0x80, s9, s0, $0xb8;
	[tilespmem:$0x1A000] =	vst v63  }
0x72: {  	_ =	swait.ge [sflag:s31], $0x2800  }
0x73: {  	[sflag:s31] =	ssyncset.done $0x0  }
0x74: {  	[sflag:s31] =	ssyncadd.s32 $0xFFFFD800  }
0x75: {  	[hbm4b:s25+s2] =	stream.linear.scatter [tilespmem:s28], [sflag:$0x4], $0x2800, $0x38;
	[tilespmem:$0x1A000] =	vst v63  }
0x76: {  	_ =	swait.ge [sflag:s4], $0x2800  }
0x77: {  	[sflag:s4] =	ssyncset.done $0x0  }
0x78: {  	s7 =	simm.s32 $0x14180;
	[sflag:s4] =	ssyncadd.s32 $0xFFFFD800  }
0x79: {  	[tilespmem:s28], [sflag:$0x2] =	stream.indirect.gather [spmem:s1], $0x80, s7, s0, $0xb8;
	[tilespmem:$0x1A000] =	vst v63  }
0x7a: {  	_ =	swait.ge [sflag:s29], $0x2800  }
0x7b: {  	s7 =	sadd.s32 $0x0, s24;
	[sflag:s29] =	ssyncset.done $0x0  }
0x7c: {  	s8 =	sadd.s32 $0xA00, s7;
	[sflag:s29] =	ssyncadd.s32 $0xFFFFD800  }
0x7d: {  	[hbm4b:s8+s2] =	stream.linear.scatter [tilespmem:s26], [sflag:$0x3], $0x2800, $0x38;
	[tilespmem:$0x1A000] =	vst v63  }
0x7e: {  	_ =	swait.ge [sflag:s3], $0x2800  }
0x7f: {  	[sflag:s3] =	ssyncset.done $0x0  }
0x80: {  	s9 =	simm.s32 $0x14200;
	[sflag:s3] =	ssyncadd.s32 $0xFFFFD800  }
0x81: {  	[tilespmem:s26], [sflag:$0x1] =	stream.indirect.gather [spmem:s1], $0x80, s9, s0, $0xb8;
	[tilespmem:$0x1A000] =	vst v63  }
0x82: {  	_ =	swait.ge [sflag:s31], $0x2800  }
0x83: {  	s6 =	simm.s32 $0xA00;
	[sflag:s31] =	ssyncset.done $0x0  }
0x84: {  	s8 =	sadd.s32 $0xF00, s7;
	s7 =	simm.s32 $0x14280;
	[sflag:s31] =	ssyncadd.s32 $0xFFFFD800  }
.LBB2_2:
0x85: {  	[hbm4b:s8+s2] =	stream.linear.scatter [tilespmem:s28], [sflag:$0x4], $0x2800, $0x38;
	[tilespmem:$0x1A000] =	vst v63  }
0x86: {  	s8 =	smov.u32 s6  }
0x87: {  	p0 =	sne.s32 s6, $0x6400;
	s6 =	sadd.s32 $0xA00, s6;
	_ =	swait.ge [sflag:s4], $0x2800  }
0x88: {  	[sflag:s4] =	ssyncset.done $0x0  }
0x89: {  	[sflag:s4] =	ssyncadd.s32 $0xFFFFD800  }
0x8a: {  	[tilespmem:s28], [sflag:$0x2] =	stream.indirect.gather [spmem:s1], $0x80, s7, s0, $0xb8;
	[tilespmem:$0x1A000] =	vst v63  }
0x8b: {  	_ =	swait.ge [sflag:s29], $0x2800  }
0x8c: {  	s8 =	sadd.s32 s8, s24;
	[sflag:s29] =	ssyncset.done $0x0  }
0x8d: {  	s9 =	sadd.s32 $0xA00, s8;
	[sflag:s29] =	ssyncadd.s32 $0xFFFFD800  }
0x8e: {  	[hbm4b:s9+s2] =	stream.linear.scatter [tilespmem:s26], [sflag:$0x3], $0x2800, $0x38;
	[tilespmem:$0x1A000] =	vst v63  }
0x8f: {  	_ =	swait.ge [sflag:s3], $0x2800  }
0x90: {  	[sflag:s3] =	ssyncset.done $0x0  }
.Ltmp0:
0x91: {  	s9 =	sadd.s32 $0x80, s7;
	[sflag:s3] =	ssyncadd.s32 $0xFFFFD800;
	(pc) =	sbr.rel @p0 .LBB2_2-.Ltmp0, $4  }
0x92: {  	[tilespmem:s26], [sflag:$0x1] =	stream.indirect.gather [spmem:s1], $0x80, s9, s0, $0xb8;
	[tilespmem:$0x1A000] =	vst v63  }
0x93: {  	_ =	swait.ge [sflag:s31], $0x2800  }
0x94: {  	[sflag:s31] =	ssyncset.done $0x0  }
0x95: {  	s8 =	sadd.s32 $0xF00, s8;
	s7 =	sadd.s32 $0x100, s7;
	[sflag:s31] =	ssyncadd.s32 $0xFFFFD800  }
0x96: {  	[hbm4b:s8+s2] =	stream.linear.scatter [tilespmem:s28], [sflag:$0x4], $0x2800, $0x38;
	[tilespmem:$0x1A000] =	vst v63  }
0x97: {  	_ =	swait.ge [sflag:s4], $0x2800  }
0x98: {  	[sflag:s4] =	ssyncset.done $0x0  }
0x99: {  	[sflag:s4] =	ssyncadd.s32 $0xFFFFD800  }
0x9a: {  	s5 =	sadd.s32 $0x1, s5;
	_ =	swait.ge [sflag:s29], $0x2800  }
0x9b: {  	p0 =	sne.s32 s5, s23;
	[sflag:s29] =	ssyncset.done $0x0  }
.Ltmp1:
0x9c: {  	[sflag:s29] =	ssyncadd.s32 $0xFFFFD800;
	(pc) =	sbr.rel @p0 .LBB2_1-.Ltmp1, $4  }
0x9d: {  	[hbm4b:s22+s2] =	stream.linear.scatter [tilespmem:s26], [sflag:$0x3], $0x2800, $0x38;
	[tilespmem:$0x1A000] =	vst v63  }
0x9e: {  	_ =	swait.ge [sflag:s3], $0x2800  }
0x9f: {  	[sflag:s3] =	ssyncset.done $0x0  }
0xa0: {  	[sflag:s3] =	ssyncadd.s32 $0xFFFFD800  }
0xa1: {  	_ =	sfence.sel $0x180000  }
0xa2: {  	[bflag:$0x0] =	sbarrier.arrive $0xFFFF  }
0xa3: {  	_ =	strace $0x90000056  }
0xa4: {  	s0 =	stileid.u32;
	[bflag:$0x2] =	sbarrier.arrive $0xFFFF  }
0xa5: {  	p0 =	sne.s32 s0, $0x0;
	s0 =	rddreg [dreg:$0x2]  }
0xa6: {  	s0 =	sadd.s32 @!p0 $0x100000, s0  }
0xa7: {  	[sflag:s0] =	ssyncadd.tile.s32 @!p0 $0x1;
	_ =	shalt  }
.Lfunc_end2:
_tile_overlayer_lowered:
.L_overlay_start_2:
0xa8: {  	(tag) =	ssettag $0x2  }
0xa9: {  	s0 =	rddreg [dreg:$0x0];
	s2 =	stileid.u32  }
0xaa: {  	s1 =	rddreg [dreg:$0x1];
	p0 =	sne.s32 s2, $0x0  }
0xab: {  	s3 =	rddreg [dreg:$0x2];
	[bflag:$0x3] =	sbarrier.arrive $0xFFFF;
	s2 =	simm.s32 @!p0 $0x1C05  }
0xac: {  	[timem:s3], [sflag:s2] =	dma.local @!p0 [hbm:s0], s1  }
0xad: {  	s0 =	simm.s32 @!p0 $0x5  }
0xae: {  	_ =	swait.ge @!p0 [sflag:s0], s1  }
0xaf: {  	s1 =	ssub.s32 @!p0 $0x0, s1;
	[sflag:s0] =	ssyncset.done @!p0 $0x0  }
0xb0: {  	[sflag:s0] =	ssyncadd.s32 @!p0 s1  }
0xb1: {  	[bflag:$0x3] =	sbarrier.arrive $0xFFFF  }
0xb2: {  	_ =	shalt  }

</sc_bundles>
